<compile_context>
chip_gen: v7x
topology: tpu7x:2x2x1
jax: 0.10.2.dev20260603
libtpu: 0.0.44.dev20260713+nightly
codegen_flags: <defaults>
</compile_context>

<pallas_src>
import functools

import jax
import jax.numpy as jnp
from jax import lax
from jax.experimental import pallas as pl
from jax.experimental.pallas import tpu as pltpu
from jax.experimental.pallas import tpu_sc as plsc

N = 10000
NP = 10240
E = 320000
DIN = 128
HID = 16
NCLS = 47
NC, NS = 2, 16
NW = NC * NS
SS = 2048
NQ = 5
EPW = NQ * SS
EPAD = NW * EPW
STRIPE = NP // NS
RB = 256




def _make_agg_body(spmem_tab):
    def body(tab_hbm, src_hbm, dst_hbm, zeros_hbm, out_hbm, *scratch):
        if spmem_tab:
            (acc_sh, tab_sh, srcv, dstv, gbuf, obuf, gsem, ssem) = scratch
        else:
            (acc_sh, srcv, dstv, gbuf, obuf, gsem, ssem) = scratch
        cid = lax.axis_index("c")
        sid = lax.axis_index("s")
        wid = cid * NS + sid
        pltpu.sync_copy(zeros_hbm, obuf)
        pltpu.sync_copy(obuf, acc_sh.at[pl.ds(sid * STRIPE, STRIPE)])
        if spmem_tab:
            pltpu.sync_copy(tab_hbm.at[pl.ds(sid * STRIPE, STRIPE)], obuf)
            pltpu.sync_copy(obuf, tab_sh.at[pl.ds(sid * STRIPE, STRIPE)])
            tab = tab_sh
        else:
            tab = tab_hbm
        pltpu.sync_copy(src_hbm.at[wid], srcv)
        pltpu.sync_copy(dst_hbm.at[wid], dstv)
        plsc.subcore_barrier()

        def fire_g(q, h):
            pltpu.async_copy(tab.at[srcv.at[q]], gbuf.at[h], gsem)

        def fire_s(q, h):
            pltpu.async_copy(gbuf.at[h], acc_sh.at[dstv.at[q]],
                             ssem, add=True)

        def drain_g(q, h):
            pltpu.make_async_copy(tab_hbm.at[srcv.at[0]],
                                  gbuf.at[h], gsem).wait()

        def drain_s(q, h):
            pltpu.make_async_copy(gbuf.at[h],
                                  acc_sh.at[dstv.at[0]], ssem).wait()

        fire_g(0, 0)
        for q in range(NQ):
            h = q % 2
            drain_g(q, h)
            if q >= 1:
                drain_s(q - 1, 1 - h)
            fire_s(q, h)
            if q + 1 < NQ:
                fire_g(q + 1, 1 - h)
        drain_s(NQ - 1, (NQ - 1) % 2)
        plsc.subcore_barrier()
        pltpu.sync_copy(acc_sh.at[pl.ds(sid * STRIPE, STRIPE)], obuf)
        pltpu.sync_copy(obuf, out_hbm.at[cid, pl.ds(sid * STRIPE, STRIPE)])

    return body


@functools.cache
def _sc_agg(spmem_tab):
    shared = [pltpu.VMEM_SHARED((NP, HID), jnp.float32)]
    if spmem_tab:
        shared.append(pltpu.VMEM_SHARED((NP, HID), jnp.float32))
    return pl.kernel(
        _make_agg_body(spmem_tab),
        out_type=jax.ShapeDtypeStruct((NC, NP, HID), jnp.float32),
        mesh=plsc.VectorSubcoreMesh(core_axis_name="c", subcore_axis_name="s"),
        scratch_types=shared + [
            pltpu.VMEM((NQ, SS), jnp.int32),
            pltpu.VMEM((NQ, SS), jnp.int32),
            pltpu.VMEM((2, SS, HID), jnp.float32),
            pltpu.VMEM((STRIPE, HID), jnp.float32),
            pltpu.SemaphoreType.DMA,
            pltpu.SemaphoreType.DMA,
        ],
        compiler_params=pltpu.CompilerParams(use_tc_tiling_on_sc=False),
    )


def _sc_deg_body(ones_hbm, dst_hbm, zeros_hbm, out_hbm,
                 acc_sh, dstv, ones_v, obuf, ssem):
    cid = lax.axis_index("c")
    sid = lax.axis_index("s")
    wid = cid * NS + sid
    pltpu.sync_copy(zeros_hbm.at[pl.ds(sid * STRIPE, STRIPE)], obuf)
    pltpu.sync_copy(obuf, acc_sh.at[pl.ds(sid * STRIPE, STRIPE)])
    pltpu.sync_copy(dst_hbm.at[wid], dstv)
    pltpu.sync_copy(ones_hbm, ones_v)
    plsc.subcore_barrier()

    for q in range(NQ):
        pltpu.async_copy(ones_v, acc_sh.at[dstv.at[q]], ssem, add=True)
    for q in range(NQ):
        pltpu.make_async_copy(ones_v, acc_sh.at[dstv.at[0]], ssem).wait()
    plsc.subcore_barrier()
    pltpu.sync_copy(acc_sh.at[pl.ds(sid * STRIPE, STRIPE)], obuf)
    pltpu.sync_copy(obuf, out_hbm.at[cid, pl.ds(sid * STRIPE, STRIPE)])


@functools.cache
def _sc_deg():
    return pl.kernel(
        _sc_deg_body,
        out_type=jax.ShapeDtypeStruct((NC, NP, HID), jnp.float32),
        mesh=plsc.VectorSubcoreMesh(core_axis_name="c", subcore_axis_name="s"),
        scratch_types=[
            pltpu.VMEM_SHARED((NP, HID), jnp.float32),
            pltpu.VMEM((NQ, SS), jnp.int32),
            pltpu.VMEM((SS, HID), jnp.float32),
            pltpu.VMEM((STRIPE, HID), jnp.float32),
            pltpu.SemaphoreType.DMA,
        ],
        compiler_params=pltpu.CompilerParams(use_tc_tiling_on_sc=False),
    )


def _tc_g0_body(x_ref, w_ref, degp_ref, dis_ref, g0_ref):
    deg = degp_ref[0] + degp_ref[1]
    dis = lax.rsqrt(deg + 1.0)
    dis_ref[...] = dis
    h = jnp.dot(x_ref[...], w_ref[...], preferred_element_type=jnp.float32)
    g0_ref[...] = h * dis


def _tc_mid_body(accp_ref, g_ref, dis_ref, jk_ref, w_ref, b_ref,
                 gout_ref, jkout_ref):
    acc = accp_ref[0] + accp_ref[1]
    dis = dis_ref[...]
    h = jnp.maximum(dis * (acc + g_ref[...]) + b_ref[...], 0.0)
    jk = jnp.maximum(jk_ref[...], h)
    jkout_ref[...] = jk
    gout_ref[...] = jnp.dot(h, w_ref[...],
                            preferred_element_type=jnp.float32) * dis


def _tc_fin_body(accp_ref, g_ref, dis_ref, jk_ref, b_ref, fcw_ref, fcb_ref,
                 out_ref):
    acc = accp_ref[0] + accp_ref[1]
    dis = dis_ref[...]
    h = jnp.maximum(dis * (acc + g_ref[...]) + b_ref[...], 0.0)
    jk = jnp.maximum(jk_ref[...], h)
    logits = jnp.dot(jk, fcw_ref[...],
                     preferred_element_type=jnp.float32) + fcb_ref[...]
    m = jnp.max(logits, axis=1, keepdims=True)
    lse = jnp.log(jnp.sum(jnp.exp(logits - m), axis=1, keepdims=True))
    out_ref[...] = logits - m - lse


_GRID = (NP // RB,)
_row = lambda i: (i, 0)
_whole = lambda i: (0, 0)
_part = lambda i: (0, i, 0)

_tc_g0 = pl.pallas_call(
    _tc_g0_body,
    grid=_GRID,
    in_specs=[
        pl.BlockSpec((RB, DIN), _row),
        pl.BlockSpec((DIN, HID), _whole),
        pl.BlockSpec((NC, RB, HID), _part),
    ],
    out_specs=[pl.BlockSpec((RB, HID), _row)] * 2,
    out_shape=[jax.ShapeDtypeStruct((NP, HID), jnp.float32)] * 2,
)

_tc_mid = pl.pallas_call(
    _tc_mid_body,
    grid=_GRID,
    in_specs=[
        pl.BlockSpec((NC, RB, HID), _part),
        pl.BlockSpec((RB, HID), _row),
        pl.BlockSpec((RB, HID), _row),
        pl.BlockSpec((RB, HID), _row),
        pl.BlockSpec((HID, HID), _whole),
        pl.BlockSpec((1, HID), _whole),
    ],
    out_specs=[pl.BlockSpec((RB, HID), _row)] * 2,
    out_shape=[jax.ShapeDtypeStruct((NP, HID), jnp.float32)] * 2,
)

_tc_fin = pl.pallas_call(
    _tc_fin_body,
    grid=_GRID,
    in_specs=[
        pl.BlockSpec((NC, RB, HID), _part),
        pl.BlockSpec((RB, HID), _row),
        pl.BlockSpec((RB, HID), _row),
        pl.BlockSpec((RB, HID), _row),
        pl.BlockSpec((1, HID), _whole),
        pl.BlockSpec((HID, NCLS), _whole),
        pl.BlockSpec((1, NCLS), _whole),
    ],
    out_specs=pl.BlockSpec((RB, NCLS), _row),
    out_shape=jax.ShapeDtypeStruct((NP, NCLS), jnp.float32),
)


def kernel(x, edge_index, W0, b0, W1, b1, W2, b2, W3, b3, W4, b4, W5, b5,
           fcW, fcb):
    xp = jnp.pad(x, ((0, NP - N), (0, 0)))
    pad_rows = (N + (jnp.arange(EPAD - E, dtype=jnp.int32) % (NP - N)))
    src_a = jnp.concatenate([edge_index[0], pad_rows]).reshape(NW, NQ, SS)
    dst_a = jnp.concatenate([edge_index[1], pad_rows]).reshape(NW, NQ, SS)
    zeros = jnp.zeros((NP, HID), jnp.float32)
    zstripe = jnp.zeros((STRIPE, HID), jnp.float32)
    ones = jnp.ones((SS, HID), jnp.float32)

    degp = _sc_deg()(ones, dst_a, zeros)
    dis, g = _tc_g0(xp, W0, degp)
    jk = zeros
    Ws = [W1, W2, W3, W4, W5]
    bs = [b0, b1, b2, b3, b4]
    for i in range(5):
        accp = _sc_agg(True)(g, src_a, dst_a, zstripe)
        g, jk = _tc_mid(accp, g, dis, jk, Ws[i], bs[i].reshape(1, HID))
    accp = _sc_agg(True)(g, src_a, dst_a, zstripe)
    out = _tc_fin(accp, g, dis, jk, b5.reshape(1, HID), fcW,
                  fcb.reshape(1, NCLS))
    return out[:N]

# --- scband reference (transcript-rebuilt; emitter-appended) ---
"""Pipeline reference for scband-jknet-24498493456721 (READ-ONLY COPY).

The authoritative reference and input builder live on the scoring server;
editing this copy changes nothing except your own understanding.
"""

import jax, jax.numpy as jnp
import numpy as np

N = 10000
E = 320000
D_IN = 128
HID = 16
NUM_CLASSES = 47
NUM_LAYERS = 6


def setup_inputs(seed: int = 0):
    key = jax.random.key(seed)
    inp = {}
    inp["x"] = jax.random.normal(jax.random.fold_in(key, 0), (N, D_IN), dtype=jnp.float32)
    inp["edge_index"] = jax.random.randint(jax.random.fold_in(key, 1), (2, E), 0, N, dtype=jnp.int32)
    dims = [D_IN] + [HID] * NUM_LAYERS
    for i in range(NUM_LAYERS):
        inp["W%d" % i] = jax.random.normal(jax.random.fold_in(key, 100 + i), (dims[i], HID), dtype=jnp.float32) * (1.0 / np.sqrt(dims[i]))
        inp["b%d" % i] = jnp.zeros((HID,), dtype=jnp.float32)
    inp["fcW"] = jax.random.normal(jax.random.fold_in(key, 200), (HID, NUM_CLASSES), dtype=jnp.float32) * (1.0 / np.sqrt(HID))
    inp["fcb"] = jnp.zeros((NUM_CLASSES,), dtype=jnp.float32)
    return inp


def _gcn_conv(x, src, dst, W, b):
    # PyG GCNConv: linear transform, then symmetric-normalized sum aggregation
    h = x @ W
    deg = jnp.zeros((N,), jnp.float32).at[dst].add(1.0)
    dis = jnp.where(deg > 0, jax.lax.rsqrt(deg), 0.0)
    norm = dis[src] * dis[dst]
    msg = h[src] * norm[:, None]
    out = jnp.zeros((N, h.shape[1]), h.dtype).at[dst].add(msg)
    return out + b


def reference(x, edge_index, W0, b0, W1, b1, W2, b2, W3, b3, W4, b4, W5, b5, fcW, fcb):
    # add self-loops once (shared by every layer)
    loop = jnp.arange(N, dtype=edge_index.dtype)
    src = jnp.concatenate([edge_index[0], loop])
    dst = jnp.concatenate([edge_index[1], loop])
    Ws = [W0, W1, W2, W3, W4, W5]
    bs = [b0, b1, b2, b3, b4, b5]
    layer_out = []
    h = x
    for i in range(NUM_LAYERS):
        h = jax.nn.relu(_gcn_conv(h, src, dst, Ws[i], bs[i]))
        # dropout is identity in eval mode
        layer_out.append(h)
    # JumpingKnowledge mode='max': elementwise max over layer outputs
    hjk = jnp.max(jnp.stack(layer_out, axis=0), axis=0)
    logits = hjk @ fcW + fcb
    return jax.nn.log_softmax(logits, axis=1)

if __name__ == "__main__":
    import jax
    _d = setup_inputs()
    print(jax.jit(kernel)(*tuple(_d.values())))

</pallas_src>

<mosaic_0001>
#map = affine_map<(d0, d1) -> (0, 0)>
#map1 = affine_map<(d0, d1) -> (0, 0, 0)>
module attributes {stable_mosaic.version = 14 : i64} {
  func.func @body(%arg0: i32, %arg1: i32, %arg2: memref<10240x16xf32, #tpu.memory_space<hbm>>, %arg3: memref<32x5x2048xi32, #tpu.memory_space<hbm>>, %arg4: memref<32x5x2048xi32, #tpu.memory_space<hbm>>, %arg5: memref<640x16xf32, #tpu.memory_space<hbm>>, %arg6: memref<2x10240x16xf32, #tpu.memory_space<hbm>>, %arg7: memref<10240x16xf32, #tpu.memory_space<vmem_shared>>, %arg8: memref<10240x16xf32, #tpu.memory_space<vmem_shared>>, %arg9: memref<5x2048xi32, #tpu.memory_space<vmem>>, %arg10: memref<5x2048xi32, #tpu.memory_space<vmem>>, %arg11: memref<2x2048x16xf32, #tpu.memory_space<vmem>>, %arg12: memref<640x16xf32, #tpu.memory_space<vmem>>, %arg13: memref<!tpu.dma_semaphore, #tpu.memory_space<semaphore_mem>>, %arg14: memref<!tpu.dma_semaphore, #tpu.memory_space<semaphore_mem>>) attributes {dimension_semantics = [#tpu.dimension_semantics<core_parallel>, #tpu.dimension_semantics<subcore_parallel>], iteration_bounds = array<i64: 2, 16>, scalar_prefetch = 0 : i64, scratch_operands = 8 : i64, tpu.core_type = #tpu.core_type<sc_vector_subcore>, window_params = [{transform_indices = #map}, {transform_indices = #map1}, {transform_indices = #map1}, {transform_indices = #map}, {transform_indices = #map1}]} {
    %mul3A = arith.constant 16 : i32
    %mul3A_0 = arith.muli %arg0, %mul3A : i32
    %add3A = arith.addi %mul3A_0, %arg1 : i32
    "tpu.region"() ({
      %run_scoped3A = tpu.sem_alloc : memref<!tpu.dma_semaphore, #tpu.memory_space<semaphore_mem>>
      tpu.enqueue_dma source(%arg5 : memref<640x16xf32, #tpu.memory_space<hbm>>) target(%arg12 : memref<640x16xf32, #tpu.memory_space<vmem>>) target_semaphore(%run_scoped3A : memref<!tpu.dma_semaphore, #tpu.memory_space<semaphore_mem>>)
      tpu.wait_dma2 semaphore(%run_scoped3A : memref<!tpu.dma_semaphore, #tpu.memory_space<semaphore_mem>>) src(%arg5 : memref<640x16xf32, #tpu.memory_space<hbm>>) dst(%arg12 : memref<640x16xf32, #tpu.memory_space<vmem>>)
      tpu.yield
    }) : () -> ()
    %mul3A_1 = arith.constant 640 : i32
    %mul3A_2 = arith.muli %arg1, %mul3A_1 : i32
    "tpu.region"() ({
      %run_scoped3A = tpu.sem_alloc : memref<!tpu.dma_semaphore, #tpu.memory_space<semaphore_mem>>
      %dma_start3A_250 = arith.constant 0 : i32
      %dma_start3A_251 = tpu.memref_slice %arg7[%mul3A_2, %dma_start3A_250] : memref<10240x16xf32, #tpu.memory_space<vmem_shared>> -> memref<640x16xf32, #tpu.memory_space<vmem_shared>>
      %dma_start3A_252 = arith.constant 0 : i32
      %dma_start3A_253 = tpu.memref_slice %arg7[%mul3A_2, %dma_start3A_252] : memref<10240x16xf32, #tpu.memory_space<vmem_shared>> -> memref<640x16xf32, #tpu.memory_space<vmem_shared>>
      tpu.enqueue_dma source(%arg12 : memref<640x16xf32, #tpu.memory_space<vmem>>) target(%dma_start3A_253 : memref<640x16xf32, #tpu.memory_space<vmem_shared>>) target_semaphore(%run_scoped3A : memref<!tpu.dma_semaphore, #tpu.memory_space<semaphore_mem>>)
      %dma_wait3A_254 = arith.constant 0 : i32
      %dma_wait3A_255 = tpu.memref_slice %arg7[%mul3A_2, %dma_wait3A_254] : memref<10240x16xf32, #tpu.memory_space<vmem_shared>> -> memref<640x16xf32, #tpu.memory_space<vmem_shared>>
      %dma_wait3A_256 = arith.constant 0 : i32
      %dma_wait3A_257 = tpu.memref_slice %arg7[%mul3A_2, %dma_wait3A_256] : memref<10240x16xf32, #tpu.memory_space<vmem_shared>> -> memref<640x16xf32, #tpu.memory_space<vmem_shared>>
      tpu.wait_dma2 semaphore(%run_scoped3A : memref<!tpu.dma_semaphore, #tpu.memory_space<semaphore_mem>>) src(%arg12 : memref<640x16xf32, #tpu.memory_space<vmem>>) dst(%dma_wait3A_257 : memref<640x16xf32, #tpu.memory_space<vmem_shared>>)
      tpu.yield
    }) : () -> ()
    %mul3A_3 = arith.constant 640 : i32
    %mul3A_4 = arith.muli %arg1, %mul3A_3 : i32
    "tpu.region"() ({
      %run_scoped3A = tpu.sem_alloc : memref<!tpu.dma_semaphore, #tpu.memory_space<semaphore_mem>>
      %dma_start3A_250 = arith.constant 0 : i32
      %dma_start3A_251 = tpu.memref_slice %arg2[%mul3A_4, %dma_start3A_250] : memref<10240x16xf32, #tpu.memory_space<hbm>> -> memref<640x16xf32, #tpu.memory_space<hbm>>
      %dma_start3A_252 = arith.constant 0 : i32
      %dma_start3A_253 = tpu.memref_slice %arg2[%mul3A_4, %dma_start3A_252] : memref<10240x16xf32, #tpu.memory_space<hbm>> -> memref<640x16xf32, #tpu.memory_space<hbm>>
      tpu.enqueue_dma source(%dma_start3A_253 : memref<640x16xf32, #tpu.memory_space<hbm>>) target(%arg12 : memref<640x16xf32, #tpu.memory_space<vmem>>) target_semaphore(%run_scoped3A : memref<!tpu.dma_semaphore, #tpu.memory_space<semaphore_mem>>)
      %dma_wait3A_254 = arith.constant 0 : i32
      %dma_wait3A_255 = tpu.memref_slice %arg2[%mul3A_4, %dma_wait3A_254] : memref<10240x16xf32, #tpu.memory_space<hbm>> -> memref<640x16xf32, #tpu.memory_space<hbm>>
      %dma_wait3A_256 = arith.constant 0 : i32
      %dma_wait3A_257 = tpu.memref_slice %arg2[%mul3A_4, %dma_wait3A_256] : memref<10240x16xf32, #tpu.memory_space<hbm>> -> memref<640x16xf32, #tpu.memory_space<hbm>>
      tpu.wait_dma2 semaphore(%run_scoped3A : memref<!tpu.dma_semaphore, #tpu.memory_space<semaphore_mem>>) src(%dma_wait3A_257 : memref<640x16xf32, #tpu.memory_space<hbm>>) dst(%arg12 : memref<640x16xf32, #tpu.memory_space<vmem>>)
      tpu.yield
    }) : () -> ()
    %mul3A_5 = arith.constant 640 : i32
    %mul3A_6 = arith.muli %arg1, %mul3A_5 : i32
    "tpu.region"() ({
      %run_scoped3A = tpu.sem_alloc : memref<!tpu.dma_semaphore, #tpu.memory_space<semaphore_mem>>
      %dma_start3A_250 = arith.constant 0 : i32
      %dma_start3A_251 = tpu.memref_slice %arg8[%mul3A_6, %dma_start3A_250] : memref<10240x16xf32, #tpu.memory_space<vmem_shared>> -> memref<640x16xf32, #tpu.memory_space<vmem_shared>>
      %dma_start3A_252 = arith.constant 0 : i32
      %dma_start3A_253 = tpu.memref_slice %arg8[%mul3A_6, %dma_start3A_252] : memref<10240x16xf32, #tpu.memory_space<vmem_shared>> -> memref<640x16xf32, #tpu.memory_space<vmem_shared>>
      tpu.enqueue_dma source(%arg12 : memref<640x16xf32, #tpu.memory_space<vmem>>) target(%dma_start3A_253 : memref<640x16xf32, #tpu.memory_space<vmem_shared>>) target_semaphore(%run_scoped3A : memref<!tpu.dma_semaphore, #tpu.memory_space<semaphore_mem>>)
      %dma_wait3A_254 = arith.constant 0 : i32
      %dma_wait3A_255 = tpu.memref_slice %arg8[%mul3A_6, %dma_wait3A_254] : memref<10240x16xf32, #tpu.memory_space<vmem_shared>> -> memref<640x16xf32, #tpu.memory_space<vmem_shared>>
      %dma_wait3A_256 = arith.constant 0 : i32
      %dma_wait3A_257 = tpu.memref_slice %arg8[%mul3A_6, %dma_wait3A_256] : memref<10240x16xf32, #tpu.memory_space<vmem_shared>> -> memref<640x16xf32, #tpu.memory_space<vmem_shared>>
      tpu.wait_dma2 semaphore(%run_scoped3A : memref<!tpu.dma_semaphore, #tpu.memory_space<semaphore_mem>>) src(%arg12 : memref<640x16xf32, #tpu.memory_space<vmem>>) dst(%dma_wait3A_257 : memref<640x16xf32, #tpu.memory_space<vmem_shared>>)
      tpu.yield
    }) : () -> ()
    "tpu.region"() ({
      %run_scoped3A = tpu.sem_alloc : memref<!tpu.dma_semaphore, #tpu.memory_space<semaphore_mem>>
      %dma_start3A_250 = arith.constant 0 : i32
      %dma_start3A_251 = arith.constant 0 : i32
      %dma_start3A_252 = tpu.memref_slice %arg3[%add3A, %dma_start3A_250, %dma_start3A_251] : memref<32x5x2048xi32, #tpu.memory_space<hbm>> -> memref<1x5x2048xi32, #tpu.memory_space<hbm>>
      %dma_start3A_253 = tpu.memref_squeeze %dma_start3A_252 : memref<1x5x2048xi32, #tpu.memory_space<hbm>> -> memref<5x2048xi32, #tpu.memory_space<hbm>>
      %dma_start3A_254 = arith.constant 0 : i32
      %dma_start3A_255 = arith.constant 0 : i32
      %dma_start3A_256 = tpu.memref_slice %arg3[%add3A, %dma_start3A_254, %dma_start3A_255] : memref<32x5x2048xi32, #tpu.memory_space<hbm>> -> memref<1x5x2048xi32, #tpu.memory_space<hbm>>
      %dma_start3A_257 = tpu.memref_squeeze %dma_start3A_256 : memref<1x5x2048xi32, #tpu.memory_space<hbm>> -> memref<5x2048xi32, #tpu.memory_space<hbm>>
      tpu.enqueue_dma source(%dma_start3A_257 : memref<5x2048xi32, #tpu.memory_space<hbm>>) target(%arg9 : memref<5x2048xi32, #tpu.memory_space<vmem>>) target_semaphore(%run_scoped3A : memref<!tpu.dma_semaphore, #tpu.memory_space<semaphore_mem>>)
      %dma_wait3A_258 = arith.constant 0 : i32
      %dma_wait3A_259 = arith.constant 0 : i32
      %dma_wait3A_260 = tpu.memref_slice %arg3[%add3A, %dma_wait3A_258, %dma_wait3A_259] : memref<32x5x2048xi32, #tpu.memory_space<hbm>> -> memref<1x5x2048xi32, #tpu.memory_space<hbm>>
      %dma_wait3A_261 = tpu.memref_squeeze %dma_wait3A_260 : memref<1x5x2048xi32, #tpu.memory_space<hbm>> -> memref<5x2048xi32, #tpu.memory_space<hbm>>
      %dma_wait3A_262 = arith.constant 0 : i32
      %dma_wait3A_263 = arith.constant 0 : i32
      %dma_wait3A_264 = tpu.memref_slice %arg3[%add3A, %dma_wait3A_262, %dma_wait3A_263] : memref<32x5x2048xi32, #tpu.memory_space<hbm>> -> memref<1x5x2048xi32, #tpu.memory_space<hbm>>
      %dma_wait3A_265 = tpu.memref_squeeze %dma_wait3A_264 : memref<1x5x2048xi32, #tpu.memory_space<hbm>> -> memref<5x2048xi32, #tpu.memory_space<hbm>>
      tpu.wait_dma2 semaphore(%run_scoped3A : memref<!tpu.dma_semaphore, #tpu.memory_space<semaphore_mem>>) src(%dma_wait3A_265 : memref<5x2048xi32, #tpu.memory_space<hbm>>) dst(%arg9 : memref<5x2048xi32, #tpu.memory_space<vmem>>)
      tpu.yield
    }) : () -> ()
    "tpu.region"() ({
      %run_scoped3A = tpu.sem_alloc : memref<!tpu.dma_semaphore, #tpu.memory_space<semaphore_mem>>
      %dma_start3A_250 = arith.constant 0 : i32
      %dma_start3A_251 = arith.constant 0 : i32
      %dma_start3A_252 = tpu.memref_slice %arg4[%add3A, %dma_start3A_250, %dma_start3A_251] : memref<32x5x2048xi32, #tpu.memory_space<hbm>> -> memref<1x5x2048xi32, #tpu.memory_space<hbm>>
      %dma_start3A_253 = tpu.memref_squeeze %dma_start3A_252 : memref<1x5x2048xi32, #tpu.memory_space<hbm>> -> memref<5x2048xi32, #tpu.memory_space<hbm>>
      %dma_start3A_254 = arith.constant 0 : i32
      %dma_start3A_255 = arith.constant 0 : i32
      %dma_start3A_256 = tpu.memref_slice %arg4[%add3A, %dma_start3A_254, %dma_start3A_255] : memref<32x5x2048xi32, #tpu.memory_space<hbm>> -> memref<1x5x2048xi32, #tpu.memory_space<hbm>>
      %dma_start3A_257 = tpu.memref_squeeze %dma_start3A_256 : memref<1x5x2048xi32, #tpu.memory_space<hbm>> -> memref<5x2048xi32, #tpu.memory_space<hbm>>
      tpu.enqueue_dma source(%dma_start3A_257 : memref<5x2048xi32, #tpu.memory_space<hbm>>) target(%arg10 : memref<5x2048xi32, #tpu.memory_space<vmem>>) target_semaphore(%run_scoped3A : memref<!tpu.dma_semaphore, #tpu.memory_space<semaphore_mem>>)
      %dma_wait3A_258 = arith.constant 0 : i32
      %dma_wait3A_259 = arith.constant 0 : i32
      %dma_wait3A_260 = tpu.memref_slice %arg4[%add3A, %dma_wait3A_258, %dma_wait3A_259] : memref<32x5x2048xi32, #tpu.memory_space<hbm>> -> memref<1x5x2048xi32, #tpu.memory_space<hbm>>
      %dma_wait3A_261 = tpu.memref_squeeze %dma_wait3A_260 : memref<1x5x2048xi32, #tpu.memory_space<hbm>> -> memref<5x2048xi32, #tpu.memory_space<hbm>>
      %dma_wait3A_262 = arith.constant 0 : i32
      %dma_wait3A_263 = arith.constant 0 : i32
      %dma_wait3A_264 = tpu.memref_slice %arg4[%add3A, %dma_wait3A_262, %dma_wait3A_263] : memref<32x5x2048xi32, #tpu.memory_space<hbm>> -> memref<1x5x2048xi32, #tpu.memory_space<hbm>>
      %dma_wait3A_265 = tpu.memref_squeeze %dma_wait3A_264 : memref<1x5x2048xi32, #tpu.memory_space<hbm>> -> memref<5x2048xi32, #tpu.memory_space<hbm>>
      tpu.wait_dma2 semaphore(%run_scoped3A : memref<!tpu.dma_semaphore, #tpu.memory_space<semaphore_mem>>) src(%dma_wait3A_265 : memref<5x2048xi32, #tpu.memory_space<hbm>>) dst(%arg10 : memref<5x2048xi32, #tpu.memory_space<vmem>>)
      tpu.yield
    }) : () -> ()
    %barrier3A = arith.constant 0 : index
    tpu.barrier barrier_id(%barrier3A)
    %dma_start3A = arith.constant 0 : i32
    %dma_start3A_7 = arith.constant 0 : i32
    %dma_start3A_8 = arith.constant 0 : i32
    %dma_start3A_9 = arith.constant 0 : i32
    %dma_start3A_10 = tpu.memref_slice %arg11[%dma_start3A_7, %dma_start3A_8, %dma_start3A_9] : memref<2x2048x16xf32, #tpu.memory_space<vmem>> -> memref<1x2048x16xf32, #tpu.memory_space<vmem>>
    %dma_start3A_11 = tpu.memref_squeeze %dma_start3A_10 : memref<1x2048x16xf32, #tpu.memory_space<vmem>> -> memref<2048x16xf32, #tpu.memory_space<vmem>>
    %dma_start3A_12 = arith.constant 0 : i32
    %dma_start3A_13 = tpu.memref_slice %arg9[%dma_start3A, %dma_start3A_12] : memref<5x2048xi32, #tpu.memory_space<vmem>> -> memref<1x2048xi32, #tpu.memory_space<vmem>>
    %dma_start3A_14 = tpu.memref_squeeze %dma_start3A_13 : memref<1x2048xi32, #tpu.memory_space<vmem>> -> memref<2048xi32, #tpu.memory_space<vmem>>
    %dma_start3A_15 = arith.constant 0 : i32
    %dma_start3A_16 = arith.constant 0 : i32
    %dma_start3A_17 = tpu.memref_slice %arg8[%dma_start3A_15, %dma_start3A_16] : memref<10240x16xf32, #tpu.memory_space<vmem_shared>> -> memref<10240x16xf32, #tpu.memory_space<vmem_shared>>
    tpu.enqueue_indirect_dma source(%dma_start3A_17 : memref<10240x16xf32, #tpu.memory_space<vmem_shared>>) target(%dma_start3A_11 : memref<2048x16xf32, #tpu.memory_space<vmem>>) offsets(%dma_start3A_14 : memref<2048xi32, #tpu.memory_space<vmem>>) semaphore(%arg13 : memref<!tpu.dma_semaphore, #tpu.memory_space<semaphore_mem>>)
    %dma_wait3A = arith.constant 0 : i32
    %dma_wait3A_18 = arith.constant 0 : i32
    %dma_wait3A_19 = arith.constant 0 : i32
    %dma_wait3A_20 = arith.constant 0 : i32
    %dma_wait3A_21 = tpu.memref_slice %arg11[%dma_wait3A_18, %dma_wait3A_19, %dma_wait3A_20] : memref<2x2048x16xf32, #tpu.memory_space<vmem>> -> memref<1x2048x16xf32, #tpu.memory_space<vmem>>
    %dma_wait3A_22 = tpu.memref_squeeze %dma_wait3A_21 : memref<1x2048x16xf32, #tpu.memory_space<vmem>> -> memref<2048x16xf32, #tpu.memory_space<vmem>>
    %dma_wait3A_23 = arith.constant 0 : i32
    %dma_wait3A_24 = tpu.memref_slice %arg9[%dma_wait3A, %dma_wait3A_23] : memref<5x2048xi32, #tpu.memory_space<vmem>> -> memref<1x2048xi32, #tpu.memory_space<vmem>>
    %dma_wait3A_25 = tpu.memref_squeeze %dma_wait3A_24 : memref<1x2048xi32, #tpu.memory_space<vmem>> -> memref<2048xi32, #tpu.memory_space<vmem>>
    %dma_wait3A_26 = arith.constant 0 : i32
    %dma_wait3A_27 = arith.constant 0 : i32
    %dma_wait3A_28 = tpu.memref_slice %arg2[%dma_wait3A_26, %dma_wait3A_27] : memref<10240x16xf32, #tpu.memory_space<hbm>> -> memref<10240x16xf32, #tpu.memory_space<hbm>>
    tpu.wait_indirect_dma semaphore(%arg13 : memref<!tpu.dma_semaphore, #tpu.memory_space<semaphore_mem>>) src(%dma_wait3A_28 : memref<10240x16xf32, #tpu.memory_space<hbm>>) dst(%dma_wait3A_22 : memref<2048x16xf32, #tpu.memory_space<vmem>>)
    %dma_start3A_29 = arith.constant 0 : i32
    %dma_start3A_30 = arith.constant 0 : i32
    %dma_start3A_31 = arith.constant 0 : i32
    %dma_start3A_32 = arith.constant 0 : i32
    %dma_start3A_33 = tpu.memref_slice %arg11[%dma_start3A_29, %dma_start3A_31, %dma_start3A_32] : memref<2x2048x16xf32, #tpu.memory_space<vmem>> -> memref<1x2048x16xf32, #tpu.memory_space<vmem>>
    %dma_start3A_34 = tpu.memref_squeeze %dma_start3A_33 : memref<1x2048x16xf32, #tpu.memory_space<vmem>> -> memref<2048x16xf32, #tpu.memory_space<vmem>>
    %dma_start3A_35 = arith.constant 0 : i32
    %dma_start3A_36 = tpu.memref_slice %arg10[%dma_start3A_30, %dma_start3A_35] : memref<5x2048xi32, #tpu.memory_space<vmem>> -> memref<1x2048xi32, #tpu.memory_space<vmem>>
    %dma_start3A_37 = tpu.memref_squeeze %dma_start3A_36 : memref<1x2048xi32, #tpu.memory_space<vmem>> -> memref<2048xi32, #tpu.memory_space<vmem>>
    %dma_start3A_38 = arith.constant 0 : i32
    %dma_start3A_39 = arith.constant 0 : i32
    %dma_start3A_40 = tpu.memref_slice %arg7[%dma_start3A_38, %dma_start3A_39] : memref<10240x16xf32, #tpu.memory_space<vmem_shared>> -> memref<10240x16xf32, #tpu.memory_space<vmem_shared>>
    tpu.enqueue_indirect_dma source(%dma_start3A_34 : memref<2048x16xf32, #tpu.memory_space<vmem>>) target(%dma_start3A_40 : memref<10240x16xf32, #tpu.memory_space<vmem_shared>>) offsets(%dma_start3A_37 : memref<2048xi32, #tpu.memory_space<vmem>>) semaphore(%arg14 : memref<!tpu.dma_semaphore, #tpu.memory_space<semaphore_mem>>) {add = true}
    %dma_start3A_41 = arith.constant 1 : i32
    %dma_start3A_42 = arith.constant 1 : i32
    %dma_start3A_43 = arith.constant 0 : i32
    %dma_start3A_44 = arith.constant 0 : i32
    %dma_start3A_45 = tpu.memref_slice %arg11[%dma_start3A_42, %dma_start3A_43, %dma_start3A_44] : memref<2x2048x16xf32, #tpu.memory_space<vmem>> -> memref<1x2048x16xf32, #tpu.memory_space<vmem>>
    %dma_start3A_46 = tpu.memref_squeeze %dma_start3A_45 : memref<1x2048x16xf32, #tpu.memory_space<vmem>> -> memref<2048x16xf32, #tpu.memory_space<vmem>>
    %dma_start3A_47 = arith.constant 0 : i32
    %dma_start3A_48 = tpu.memref_slice %arg9[%dma_start3A_41, %dma_start3A_47] : memref<5x2048xi32, #tpu.memory_space<vmem>> -> memref<1x2048xi32, #tpu.memory_space<vmem>>
    %dma_start3A_49 = tpu.memref_squeeze %dma_start3A_48 : memref<1x2048xi32, #tpu.memory_space<vmem>> -> memref<2048xi32, #tpu.memory_space<vmem>>
    %dma_start3A_50 = arith.constant 0 : i32
    %dma_start3A_51 = arith.constant 0 : i32
    %dma_start3A_52 = tpu.memref_slice %arg8[%dma_start3A_50, %dma_start3A_51] : memref<10240x16xf32, #tpu.memory_space<vmem_shared>> -> memref<10240x16xf32, #tpu.memory_space<vmem_shared>>
    tpu.enqueue_indirect_dma source(%dma_start3A_52 : memref<10240x16xf32, #tpu.memory_space<vmem_shared>>) target(%dma_start3A_46 : memref<2048x16xf32, #tpu.memory_space<vmem>>) offsets(%dma_start3A_49 : memref<2048xi32, #tpu.memory_space<vmem>>) semaphore(%arg13 : memref<!tpu.dma_semaphore, #tpu.memory_space<semaphore_mem>>)
    %dma_wait3A_53 = arith.constant 0 : i32
    %dma_wait3A_54 = arith.constant 1 : i32
    %dma_wait3A_55 = arith.constant 0 : i32
    %dma_wait3A_56 = arith.constant 0 : i32
    %dma_wait3A_57 = tpu.memref_slice %arg11[%dma_wait3A_54, %dma_wait3A_55, %dma_wait3A_56] : memref<2x2048x16xf32, #tpu.memory_space<vmem>> -> memref<1x2048x16xf32, #tpu.memory_space<vmem>>
    %dma_wait3A_58 = tpu.memref_squeeze %dma_wait3A_57 : memref<1x2048x16xf32, #tpu.memory_space<vmem>> -> memref<2048x16xf32, #tpu.memory_space<vmem>>
    %dma_wait3A_59 = arith.constant 0 : i32
    %dma_wait3A_60 = tpu.memref_slice %arg9[%dma_wait3A_53, %dma_wait3A_59] : memref<5x2048xi32, #tpu.memory_space<vmem>> -> memref<1x2048xi32, #tpu.memory_space<vmem>>
    %dma_wait3A_61 = tpu.memref_squeeze %dma_wait3A_60 : memref<1x2048xi32, #tpu.memory_space<vmem>> -> memref<2048xi32, #tpu.memory_space<vmem>>
    %dma_wait3A_62 = arith.constant 0 : i32
    %dma_wait3A_63 = arith.constant 0 : i32
    %dma_wait3A_64 = tpu.memref_slice %arg2[%dma_wait3A_62, %dma_wait3A_63] : memref<10240x16xf32, #tpu.memory_space<hbm>> -> memref<10240x16xf32, #tpu.memory_space<hbm>>
    tpu.wait_indirect_dma semaphore(%arg13 : memref<!tpu.dma_semaphore, #tpu.memory_space<semaphore_mem>>) src(%dma_wait3A_64 : memref<10240x16xf32, #tpu.memory_space<hbm>>) dst(%dma_wait3A_58 : memref<2048x16xf32, #tpu.memory_space<vmem>>)
    %dma_wait3A_65 = arith.constant 0 : i32
    %dma_wait3A_66 = arith.constant 0 : i32
    %dma_wait3A_67 = arith.constant 0 : i32
    %dma_wait3A_68 = arith.constant 0 : i32
    %dma_wait3A_69 = tpu.memref_slice %arg11[%dma_wait3A_65, %dma_wait3A_67, %dma_wait3A_68] : memref<2x2048x16xf32, #tpu.memory_space<vmem>> -> memref<1x2048x16xf32, #tpu.memory_space<vmem>>
    %dma_wait3A_70 = tpu.memref_squeeze %dma_wait3A_69 : memref<1x2048x16xf32, #tpu.memory_space<vmem>> -> memref<2048x16xf32, #tpu.memory_space<vmem>>
    %dma_wait3A_71 = arith.constant 0 : i32
    %dma_wait3A_72 = tpu.memref_slice %arg10[%dma_wait3A_66, %dma_wait3A_71] : memref<5x2048xi32, #tpu.memory_space<vmem>> -> memref<1x2048xi32, #tpu.memory_space<vmem>>
    %dma_wait3A_73 = tpu.memref_squeeze %dma_wait3A_72 : memref<1x2048xi32, #tpu.memory_space<vmem>> -> memref<2048xi32, #tpu.memory_space<vmem>>
    %dma_wait3A_74 = arith.constant 0 : i32
    %dma_wait3A_75 = arith.constant 0 : i32
    %dma_wait3A_76 = tpu.memref_slice %arg7[%dma_wait3A_74, %dma_wait3A_75] : memref<10240x16xf32, #tpu.memory_space<vmem_shared>> -> memref<10240x16xf32, #tpu.memory_space<vmem_shared>>
    tpu.wait_indirect_dma semaphore(%arg14 : memref<!tpu.dma_semaphore, #tpu.memory_space<semaphore_mem>>) src(%dma_wait3A_70 : memref<2048x16xf32, #tpu.memory_space<vmem>>) dst(%dma_wait3A_76 : memref<10240x16xf32, #tpu.memory_space<vmem_shared>>)
    %dma_start3A_77 = arith.constant 1 : i32
    %dma_start3A_78 = arith.constant 1 : i32
    %dma_start3A_79 = arith.constant 0 : i32
    %dma_start3A_80 = arith.constant 0 : i32
    %dma_start3A_81 = tpu.memref_slice %arg11[%dma_start3A_77, %dma_start3A_79, %dma_start3A_80] : memref<2x2048x16xf32, #tpu.memory_space<vmem>> -> memref<1x2048x16xf32, #tpu.memory_space<vmem>>
    %dma_start3A_82 = tpu.memref_squeeze %dma_start3A_81 : memref<1x2048x16xf32, #tpu.memory_space<vmem>> -> memref<2048x16xf32, #tpu.memory_space<vmem>>
    %dma_start3A_83 = arith.constant 0 : i32
    %dma_start3A_84 = tpu.memref_slice %arg10[%dma_start3A_78, %dma_start3A_83] : memref<5x2048xi32, #tpu.memory_space<vmem>> -> memref<1x2048xi32, #tpu.memory_space<vmem>>
    %dma_start3A_85 = tpu.memref_squeeze %dma_start3A_84 : memref<1x2048xi32, #tpu.memory_space<vmem>> -> memref<2048xi32, #tpu.memory_space<vmem>>
    %dma_start3A_86 = arith.constant 0 : i32
    %dma_start3A_87 = arith.constant 0 : i32
    %dma_start3A_88 = tpu.memref_slice %arg7[%dma_start3A_86, %dma_start3A_87] : memref<10240x16xf32, #tpu.memory_space<vmem_shared>> -> memref<10240x16xf32, #tpu.memory_space<vmem_shared>>
    tpu.enqueue_indirect_dma source(%dma_start3A_82 : memref<2048x16xf32, #tpu.memory_space<vmem>>) target(%dma_start3A_88 : memref<10240x16xf32, #tpu.memory_space<vmem_shared>>) offsets(%dma_start3A_85 : memref<2048xi32, #tpu.memory_space<vmem>>) semaphore(%arg14 : memref<!tpu.dma_semaphore, #tpu.memory_space<semaphore_mem>>) {add = true}
    %dma_start3A_89 = arith.constant 2 : i32
    %dma_start3A_90 = arith.constant 0 : i32
    %dma_start3A_91 = arith.constant 0 : i32
    %dma_start3A_92 = arith.constant 0 : i32
    %dma_start3A_93 = tpu.memref_slice %arg11[%dma_start3A_90, %dma_start3A_91, %dma_start3A_92] : memref<2x2048x16xf32, #tpu.memory_space<vmem>> -> memref<1x2048x16xf32, #tpu.memory_space<vmem>>
    %dma_start3A_94 = tpu.memref_squeeze %dma_start3A_93 : memref<1x2048x16xf32, #tpu.memory_space<vmem>> -> memref<2048x16xf32, #tpu.memory_space<vmem>>
    %dma_start3A_95 = arith.constant 0 : i32
    %dma_start3A_96 = tpu.memref_slice %arg9[%dma_start3A_89, %dma_start3A_95] : memref<5x2048xi32, #tpu.memory_space<vmem>> -> memref<1x2048xi32, #tpu.memory_space<vmem>>
    %dma_start3A_97 = tpu.memref_squeeze %dma_start3A_96 : memref<1x2048xi32, #tpu.memory_space<vmem>> -> memref<2048xi32, #tpu.memory_space<vmem>>
    %dma_start3A_98 = arith.constant 0 : i32
    %dma_start3A_99 = arith.constant 0 : i32
    %dma_start3A_100 = tpu.memref_slice %arg8[%dma_start3A_98, %dma_start3A_99] : memref<10240x16xf32, #tpu.memory_space<vmem_shared>> -> memref<10240x16xf32, #tpu.memory_space<vmem_shared>>
    tpu.enqueue_indirect_dma source(%dma_start3A_100 : memref<10240x16xf32, #tpu.memory_space<vmem_shared>>) target(%dma_start3A_94 : memref<2048x16xf32, #tpu.memory_space<vmem>>) offsets(%dma_start3A_97 : memref<2048xi32, #tpu.memory_space<vmem>>) semaphore(%arg13 : memref<!tpu.dma_semaphore, #tpu.memory_space<semaphore_mem>>)
    %dma_wait3A_101 = arith.constant 0 : i32
    %dma_wait3A_102 = arith.constant 0 : i32
    %dma_wait3A_103 = arith.constant 0 : i32
    %dma_wait3A_104 = arith.constant 0 : i32
    %dma_wait3A_105 = tpu.memref_slice %arg11[%dma_wait3A_102, %dma_wait3A_103, %dma_wait3A_104] : memref<2x2048x16xf32, #tpu.memory_space<vmem>> -> memref<1x2048x16xf32, #tpu.memory_space<vmem>>
    %dma_wait3A_106 = tpu.memref_squeeze %dma_wait3A_105 : memref<1x2048x16xf32, #tpu.memory_space<vmem>> -> memref<2048x16xf32, #tpu.memory_space<vmem>>
    %dma_wait3A_107 = arith.constant 0 : i32
    %dma_wait3A_108 = tpu.memref_slice %arg9[%dma_wait3A_101, %dma_wait3A_107] : memref<5x2048xi32, #tpu.memory_space<vmem>> -> memref<1x2048xi32, #tpu.memory_space<vmem>>
    %dma_wait3A_109 = tpu.memref_squeeze %dma_wait3A_108 : memref<1x2048xi32, #tpu.memory_space<vmem>> -> memref<2048xi32, #tpu.memory_space<vmem>>
    %dma_wait3A_110 = arith.constant 0 : i32
    %dma_wait3A_111 = arith.constant 0 : i32
    %dma_wait3A_112 = tpu.memref_slice %arg2[%dma_wait3A_110, %dma_wait3A_111] : memref<10240x16xf32, #tpu.memory_space<hbm>> -> memref<10240x16xf32, #tpu.memory_space<hbm>>
    tpu.wait_indirect_dma semaphore(%arg13 : memref<!tpu.dma_semaphore, #tpu.memory_space<semaphore_mem>>) src(%dma_wait3A_112 : memref<10240x16xf32, #tpu.memory_space<hbm>>) dst(%dma_wait3A_106 : memref<2048x16xf32, #tpu.memory_space<vmem>>)
    %dma_wait3A_113 = arith.constant 1 : i32
    %dma_wait3A_114 = arith.constant 0 : i32
    %dma_wait3A_115 = arith.constant 0 : i32
    %dma_wait3A_116 = arith.constant 0 : i32
    %dma_wait3A_117 = tpu.memref_slice %arg11[%dma_wait3A_113, %dma_wait3A_115, %dma_wait3A_116] : memref<2x2048x16xf32, #tpu.memory_space<vmem>> -> memref<1x2048x16xf32, #tpu.memory_space<vmem>>
    %dma_wait3A_118 = tpu.memref_squeeze %dma_wait3A_117 : memref<1x2048x16xf32, #tpu.memory_space<vmem>> -> memref<2048x16xf32, #tpu.memory_space<vmem>>
    %dma_wait3A_119 = arith.constant 0 : i32
    %dma_wait3A_120 = tpu.memref_slice %arg10[%dma_wait3A_114, %dma_wait3A_119] : memref<5x2048xi32, #tpu.memory_space<vmem>> -> memref<1x2048xi32, #tpu.memory_space<vmem>>
    %dma_wait3A_121 = tpu.memref_squeeze %dma_wait3A_120 : memref<1x2048xi32, #tpu.memory_space<vmem>> -> memref<2048xi32, #tpu.memory_space<vmem>>
    %dma_wait3A_122 = arith.constant 0 : i32
    %dma_wait3A_123 = arith.constant 0 : i32
    %dma_wait3A_124 = tpu.memref_slice %arg7[%dma_wait3A_122, %dma_wait3A_123] : memref<10240x16xf32, #tpu.memory_space<vmem_shared>> -> memref<10240x16xf32, #tpu.memory_space<vmem_shared>>
    tpu.wait_indirect_dma semaphore(%arg14 : memref<!tpu.dma_semaphore, #tpu.memory_space<semaphore_mem>>) src(%dma_wait3A_118 : memref<2048x16xf32, #tpu.memory_space<vmem>>) dst(%dma_wait3A_124 : memref<10240x16xf32, #tpu.memory_space<vmem_shared>>)
    %dma_start3A_125 = arith.constant 0 : i32
    %dma_start3A_126 = arith.constant 2 : i32
    %dma_start3A_127 = arith.constant 0 : i32
    %dma_start3A_128 = arith.constant 0 : i32
    %dma_start3A_129 = tpu.memref_slice %arg11[%dma_start3A_125, %dma_start3A_127, %dma_start3A_128] : memref<2x2048x16xf32, #tpu.memory_space<vmem>> -> memref<1x2048x16xf32, #tpu.memory_space<vmem>>
    %dma_start3A_130 = tpu.memref_squeeze %dma_start3A_129 : memref<1x2048x16xf32, #tpu.memory_space<vmem>> -> memref<2048x16xf32, #tpu.memory_space<vmem>>
    %dma_start3A_131 = arith.constant 0 : i32
    %dma_start3A_132 = tpu.memref_slice %arg10[%dma_start3A_126, %dma_start3A_131] : memref<5x2048xi32, #tpu.memory_space<vmem>> -> memref<1x2048xi32, #tpu.memory_space<vmem>>
    %dma_start3A_133 = tpu.memref_squeeze %dma_start3A_132 : memref<1x2048xi32, #tpu.memory_space<vmem>> -> memref<2048xi32, #tpu.memory_space<vmem>>
    %dma_start3A_134 = arith.constant 0 : i32
    %dma_start3A_135 = arith.constant 0 : i32
    %dma_start3A_136 = tpu.memref_slice %arg7[%dma_start3A_134, %dma_start3A_135] : memref<10240x16xf32, #tpu.memory_space<vmem_shared>> -> memref<10240x16xf32, #tpu.memory_space<vmem_shared>>
    tpu.enqueue_indirect_dma source(%dma_start3A_130 : memref<2048x16xf32, #tpu.memory_space<vmem>>) target(%dma_start3A_136 : memref<10240x16xf32, #tpu.memory_space<vmem_shared>>) offsets(%dma_start3A_133 : memref<2048xi32, #tpu.memory_space<vmem>>) semaphore(%arg14 : memref<!tpu.dma_semaphore, #tpu.memory_space<semaphore_mem>>) {add = true}
    %dma_start3A_137 = arith.constant 3 : i32
    %dma_start3A_138 = arith.constant 1 : i32
    %dma_start3A_139 = arith.constant 0 : i32
    %dma_start3A_140 = arith.constant 0 : i32
    %dma_start3A_141 = tpu.memref_slice %arg11[%dma_start3A_138, %dma_start3A_139, %dma_start3A_140] : memref<2x2048x16xf32, #tpu.memory_space<vmem>> -> memref<1x2048x16xf32, #tpu.memory_space<vmem>>
    %dma_start3A_142 = tpu.memref_squeeze %dma_start3A_141 : memref<1x2048x16xf32, #tpu.memory_space<vmem>> -> memref<2048x16xf32, #tpu.memory_space<vmem>>
    %dma_start3A_143 = arith.constant 0 : i32
    %dma_start3A_144 = tpu.memref_slice %arg9[%dma_start3A_137, %dma_start3A_143] : memref<5x2048xi32, #tpu.memory_space<vmem>> -> memref<1x2048xi32, #tpu.memory_space<vmem>>
    %dma_start3A_145 = tpu.memref_squeeze %dma_start3A_144 : memref<1x2048xi32, #tpu.memory_space<vmem>> -> memref<2048xi32, #tpu.memory_space<vmem>>
    %dma_start3A_146 = arith.constant 0 : i32
    %dma_start3A_147 = arith.constant 0 : i32
    %dma_start3A_148 = tpu.memref_slice %arg8[%dma_start3A_146, %dma_start3A_147] : memref<10240x16xf32, #tpu.memory_space<vmem_shared>> -> memref<10240x16xf32, #tpu.memory_space<vmem_shared>>
    tpu.enqueue_indirect_dma source(%dma_start3A_148 : memref<10240x16xf32, #tpu.memory_space<vmem_shared>>) target(%dma_start3A_142 : memref<2048x16xf32, #tpu.memory_space<vmem>>) offsets(%dma_start3A_145 : memref<2048xi32, #tpu.memory_space<vmem>>) semaphore(%arg13 : memref<!tpu.dma_semaphore, #tpu.memory_space<semaphore_mem>>)
    %dma_wait3A_149 = arith.constant 0 : i32
    %dma_wait3A_150 = arith.constant 1 : i32
    %dma_wait3A_151 = arith.constant 0 : i32
    %dma_wait3A_152 = arith.constant 0 : i32
    %dma_wait3A_153 = tpu.memref_slice %arg11[%dma_wait3A_150, %dma_wait3A_151, %dma_wait3A_152] : memref<2x2048x16xf32, #tpu.memory_space<vmem>> -> memref<1x2048x16xf32, #tpu.memory_space<vmem>>
    %dma_wait3A_154 = tpu.memref_squeeze %dma_wait3A_153 : memref<1x2048x16xf32, #tpu.memory_space<vmem>> -> memref<2048x16xf32, #tpu.memory_space<vmem>>
    %dma_wait3A_155 = arith.constant 0 : i32
    %dma_wait3A_156 = tpu.memref_slice %arg9[%dma_wait3A_149, %dma_wait3A_155] : memref<5x2048xi32, #tpu.memory_space<vmem>> -> memref<1x2048xi32, #tpu.memory_space<vmem>>
    %dma_wait3A_157 = tpu.memref_squeeze %dma_wait3A_156 : memref<1x2048xi32, #tpu.memory_space<vmem>> -> memref<2048xi32, #tpu.memory_space<vmem>>
    %dma_wait3A_158 = arith.constant 0 : i32
    %dma_wait3A_159 = arith.constant 0 : i32
    %dma_wait3A_160 = tpu.memref_slice %arg2[%dma_wait3A_158, %dma_wait3A_159] : memref<10240x16xf32, #tpu.memory_space<hbm>> -> memref<10240x16xf32, #tpu.memory_space<hbm>>
    tpu.wait_indirect_dma semaphore(%arg13 : memref<!tpu.dma_semaphore, #tpu.memory_space<semaphore_mem>>) src(%dma_wait3A_160 : memref<10240x16xf32, #tpu.memory_space<hbm>>) dst(%dma_wait3A_154 : memref<2048x16xf32, #tpu.memory_space<vmem>>)
    %dma_wait3A_161 = arith.constant 0 : i32
    %dma_wait3A_162 = arith.constant 0 : i32
    %dma_wait3A_163 = arith.constant 0 : i32
    %dma_wait3A_164 = arith.constant 0 : i32
    %dma_wait3A_165 = tpu.memref_slice %arg11[%dma_wait3A_161, %dma_wait3A_163, %dma_wait3A_164] : memref<2x2048x16xf32, #tpu.memory_space<vmem>> -> memref<1x2048x16xf32, #tpu.memory_space<vmem>>
    %dma_wait3A_166 = tpu.memref_squeeze %dma_wait3A_165 : memref<1x2048x16xf32, #tpu.memory_space<vmem>> -> memref<2048x16xf32, #tpu.memory_space<vmem>>
    %dma_wait3A_167 = arith.constant 0 : i32
    %dma_wait3A_168 = tpu.memref_slice %arg10[%dma_wait3A_162, %dma_wait3A_167] : memref<5x2048xi32, #tpu.memory_space<vmem>> -> memref<1x2048xi32, #tpu.memory_space<vmem>>
    %dma_wait3A_169 = tpu.memref_squeeze %dma_wait3A_168 : memref<1x2048xi32, #tpu.memory_space<vmem>> -> memref<2048xi32, #tpu.memory_space<vmem>>
    %dma_wait3A_170 = arith.constant 0 : i32
    %dma_wait3A_171 = arith.constant 0 : i32
    %dma_wait3A_172 = tpu.memref_slice %arg7[%dma_wait3A_170, %dma_wait3A_171] : memref<10240x16xf32, #tpu.memory_space<vmem_shared>> -> memref<10240x16xf32, #tpu.memory_space<vmem_shared>>
    tpu.wait_indirect_dma semaphore(%arg14 : memref<!tpu.dma_semaphore, #tpu.memory_space<semaphore_mem>>) src(%dma_wait3A_166 : memref<2048x16xf32, #tpu.memory_space<vmem>>) dst(%dma_wait3A_172 : memref<10240x16xf32, #tpu.memory_space<vmem_shared>>)
    %dma_start3A_173 = arith.constant 1 : i32
    %dma_start3A_174 = arith.constant 3 : i32
    %dma_start3A_175 = arith.constant 0 : i32
    %dma_start3A_176 = arith.constant 0 : i32
    %dma_start3A_177 = tpu.memref_slice %arg11[%dma_start3A_173, %dma_start3A_175, %dma_start3A_176] : memref<2x2048x16xf32, #tpu.memory_space<vmem>> -> memref<1x2048x16xf32, #tpu.memory_space<vmem>>
    %dma_start3A_178 = tpu.memref_squeeze %dma_start3A_177 : memref<1x2048x16xf32, #tpu.memory_space<vmem>> -> memref<2048x16xf32, #tpu.memory_space<vmem>>
    %dma_start3A_179 = arith.constant 0 : i32
    %dma_start3A_180 = tpu.memref_slice %arg10[%dma_start3A_174, %dma_start3A_179] : memref<5x2048xi32, #tpu.memory_space<vmem>> -> memref<1x2048xi32, #tpu.memory_space<vmem>>
    %dma_start3A_181 = tpu.memref_squeeze %dma_start3A_180 : memref<1x2048xi32, #tpu.memory_space<vmem>> -> memref<2048xi32, #tpu.memory_space<vmem>>
    %dma_start3A_182 = arith.constant 0 : i32
    %dma_start3A_183 = arith.constant 0 : i32
    %dma_start3A_184 = tpu.memref_slice %arg7[%dma_start3A_182, %dma_start3A_183] : memref<10240x16xf32, #tpu.memory_space<vmem_shared>> -> memref<10240x16xf32, #tpu.memory_space<vmem_shared>>
    tpu.enqueue_indirect_dma source(%dma_start3A_178 : memref<2048x16xf32, #tpu.memory_space<vmem>>) target(%dma_start3A_184 : memref<10240x16xf32, #tpu.memory_space<vmem_shared>>) offsets(%dma_start3A_181 : memref<2048xi32, #tpu.memory_space<vmem>>) semaphore(%arg14 : memref<!tpu.dma_semaphore, #tpu.memory_space<semaphore_mem>>) {add = true}
    %dma_start3A_185 = arith.constant 4 : i32
    %dma_start3A_186 = arith.constant 0 : i32
    %dma_start3A_187 = arith.constant 0 : i32
    %dma_start3A_188 = arith.constant 0 : i32
    %dma_start3A_189 = tpu.memref_slice %arg11[%dma_start3A_186, %dma_start3A_187, %dma_start3A_188] : memref<2x2048x16xf32, #tpu.memory_space<vmem>> -> memref<1x2048x16xf32, #tpu.memory_space<vmem>>
    %dma_start3A_190 = tpu.memref_squeeze %dma_start3A_189 : memref<1x2048x16xf32, #tpu.memory_space<vmem>> -> memref<2048x16xf32, #tpu.memory_space<vmem>>
    %dma_start3A_191 = arith.constant 0 : i32
    %dma_start3A_192 = tpu.memref_slice %arg9[%dma_start3A_185, %dma_start3A_191] : memref<5x2048xi32, #tpu.memory_space<vmem>> -> memref<1x2048xi32, #tpu.memory_space<vmem>>
    %dma_start3A_193 = tpu.memref_squeeze %dma_start3A_192 : memref<1x2048xi32, #tpu.memory_space<vmem>> -> memref<2048xi32, #tpu.memory_space<vmem>>
    %dma_start3A_194 = arith.constant 0 : i32
    %dma_start3A_195 = arith.constant 0 : i32
    %dma_start3A_196 = tpu.memref_slice %arg8[%dma_start3A_194, %dma_start3A_195] : memref<10240x16xf32, #tpu.memory_space<vmem_shared>> -> memref<10240x16xf32, #tpu.memory_space<vmem_shared>>
    tpu.enqueue_indirect_dma source(%dma_start3A_196 : memref<10240x16xf32, #tpu.memory_space<vmem_shared>>) target(%dma_start3A_190 : memref<2048x16xf32, #tpu.memory_space<vmem>>) offsets(%dma_start3A_193 : memref<2048xi32, #tpu.memory_space<vmem>>) semaphore(%arg13 : memref<!tpu.dma_semaphore, #tpu.memory_space<semaphore_mem>>)
    %dma_wait3A_197 = arith.constant 0 : i32
    %dma_wait3A_198 = arith.constant 0 : i32
    %dma_wait3A_199 = arith.constant 0 : i32
    %dma_wait3A_200 = arith.constant 0 : i32
    %dma_wait3A_201 = tpu.memref_slice %arg11[%dma_wait3A_198, %dma_wait3A_199, %dma_wait3A_200] : memref<2x2048x16xf32, #tpu.memory_space<vmem>> -> memref<1x2048x16xf32, #tpu.memory_space<vmem>>
    %dma_wait3A_202 = tpu.memref_squeeze %dma_wait3A_201 : memref<1x2048x16xf32, #tpu.memory_space<vmem>> -> memref<2048x16xf32, #tpu.memory_space<vmem>>
    %dma_wait3A_203 = arith.constant 0 : i32
    %dma_wait3A_204 = tpu.memref_slice %arg9[%dma_wait3A_197, %dma_wait3A_203] : memref<5x2048xi32, #tpu.memory_space<vmem>> -> memref<1x2048xi32, #tpu.memory_space<vmem>>
    %dma_wait3A_205 = tpu.memref_squeeze %dma_wait3A_204 : memref<1x2048xi32, #tpu.memory_space<vmem>> -> memref<2048xi32, #tpu.memory_space<vmem>>
    %dma_wait3A_206 = arith.constant 0 : i32
    %dma_wait3A_207 = arith.constant 0 : i32
    %dma_wait3A_208 = tpu.memref_slice %arg2[%dma_wait3A_206, %dma_wait3A_207] : memref<10240x16xf32, #tpu.memory_space<hbm>> -> memref<10240x16xf32, #tpu.memory_space<hbm>>
    tpu.wait_indirect_dma semaphore(%arg13 : memref<!tpu.dma_semaphore, #tpu.memory_space<semaphore_mem>>) src(%dma_wait3A_208 : memref<10240x16xf32, #tpu.memory_space<hbm>>) dst(%dma_wait3A_202 : memref<2048x16xf32, #tpu.memory_space<vmem>>)
    %dma_wait3A_209 = arith.constant 1 : i32
    %dma_wait3A_210 = arith.constant 0 : i32
    %dma_wait3A_211 = arith.constant 0 : i32
    %dma_wait3A_212 = arith.constant 0 : i32
    %dma_wait3A_213 = tpu.memref_slice %arg11[%dma_wait3A_209, %dma_wait3A_211, %dma_wait3A_212] : memref<2x2048x16xf32, #tpu.memory_space<vmem>> -> memref<1x2048x16xf32, #tpu.memory_space<vmem>>
    %dma_wait3A_214 = tpu.memref_squeeze %dma_wait3A_213 : memref<1x2048x16xf32, #tpu.memory_space<vmem>> -> memref<2048x16xf32, #tpu.memory_space<vmem>>
    %dma_wait3A_215 = arith.constant 0 : i32
    %dma_wait3A_216 = tpu.memref_slice %arg10[%dma_wait3A_210, %dma_wait3A_215] : memref<5x2048xi32, #tpu.memory_space<vmem>> -> memref<1x2048xi32, #tpu.memory_space<vmem>>
    %dma_wait3A_217 = tpu.memref_squeeze %dma_wait3A_216 : memref<1x2048xi32, #tpu.memory_space<vmem>> -> memref<2048xi32, #tpu.memory_space<vmem>>
    %dma_wait3A_218 = arith.constant 0 : i32
    %dma_wait3A_219 = arith.constant 0 : i32
    %dma_wait3A_220 = tpu.memref_slice %arg7[%dma_wait3A_218, %dma_wait3A_219] : memref<10240x16xf32, #tpu.memory_space<vmem_shared>> -> memref<10240x16xf32, #tpu.memory_space<vmem_shared>>
    tpu.wait_indirect_dma semaphore(%arg14 : memref<!tpu.dma_semaphore, #tpu.memory_space<semaphore_mem>>) src(%dma_wait3A_214 : memref<2048x16xf32, #tpu.memory_space<vmem>>) dst(%dma_wait3A_220 : memref<10240x16xf32, #tpu.memory_space<vmem_shared>>)
    %dma_start3A_221 = arith.constant 0 : i32
    %dma_start3A_222 = arith.constant 4 : i32
    %dma_start3A_223 = arith.constant 0 : i32
    %dma_start3A_224 = arith.constant 0 : i32
    %dma_start3A_225 = tpu.memref_slice %arg11[%dma_start3A_221, %dma_start3A_223, %dma_start3A_224] : memref<2x2048x16xf32, #tpu.memory_space<vmem>> -> memref<1x2048x16xf32, #tpu.memory_space<vmem>>
    %dma_start3A_226 = tpu.memref_squeeze %dma_start3A_225 : memref<1x2048x16xf32, #tpu.memory_space<vmem>> -> memref<2048x16xf32, #tpu.memory_space<vmem>>
    %dma_start3A_227 = arith.constant 0 : i32
    %dma_start3A_228 = tpu.memref_slice %arg10[%dma_start3A_222, %dma_start3A_227] : memref<5x2048xi32, #tpu.memory_space<vmem>> -> memref<1x2048xi32, #tpu.memory_space<vmem>>
    %dma_start3A_229 = tpu.memref_squeeze %dma_start3A_228 : memref<1x2048xi32, #tpu.memory_space<vmem>> -> memref<2048xi32, #tpu.memory_space<vmem>>
    %dma_start3A_230 = arith.constant 0 : i32
    %dma_start3A_231 = arith.constant 0 : i32
    %dma_start3A_232 = tpu.memref_slice %arg7[%dma_start3A_230, %dma_start3A_231] : memref<10240x16xf32, #tpu.memory_space<vmem_shared>> -> memref<10240x16xf32, #tpu.memory_space<vmem_shared>>
    tpu.enqueue_indirect_dma source(%dma_start3A_226 : memref<2048x16xf32, #tpu.memory_space<vmem>>) target(%dma_start3A_232 : memref<10240x16xf32, #tpu.memory_space<vmem_shared>>) offsets(%dma_start3A_229 : memref<2048xi32, #tpu.memory_space<vmem>>) semaphore(%arg14 : memref<!tpu.dma_semaphore, #tpu.memory_space<semaphore_mem>>) {add = true}
    %dma_wait3A_233 = arith.constant 0 : i32
    %dma_wait3A_234 = arith.constant 0 : i32
    %dma_wait3A_235 = arith.constant 0 : i32
    %dma_wait3A_236 = arith.constant 0 : i32
    %dma_wait3A_237 = tpu.memref_slice %arg11[%dma_wait3A_233, %dma_wait3A_235, %dma_wait3A_236] : memref<2x2048x16xf32, #tpu.memory_space<vmem>> -> memref<1x2048x16xf32, #tpu.memory_space<vmem>>
    %dma_wait3A_238 = tpu.memref_squeeze %dma_wait3A_237 : memref<1x2048x16xf32, #tpu.memory_space<vmem>> -> memref<2048x16xf32, #tpu.memory_space<vmem>>
    %dma_wait3A_239 = arith.constant 0 : i32
    %dma_wait3A_240 = tpu.memref_slice %arg10[%dma_wait3A_234, %dma_wait3A_239] : memref<5x2048xi32, #tpu.memory_space<vmem>> -> memref<1x2048xi32, #tpu.memory_space<vmem>>
    %dma_wait3A_241 = tpu.memref_squeeze %dma_wait3A_240 : memref<1x2048xi32, #tpu.memory_space<vmem>> -> memref<2048xi32, #tpu.memory_space<vmem>>
    %dma_wait3A_242 = arith.constant 0 : i32
    %dma_wait3A_243 = arith.constant 0 : i32
    %dma_wait3A_244 = tpu.memref_slice %arg7[%dma_wait3A_242, %dma_wait3A_243] : memref<10240x16xf32, #tpu.memory_space<vmem_shared>> -> memref<10240x16xf32, #tpu.memory_space<vmem_shared>>
    tpu.wait_indirect_dma semaphore(%arg14 : memref<!tpu.dma_semaphore, #tpu.memory_space<semaphore_mem>>) src(%dma_wait3A_238 : memref<2048x16xf32, #tpu.memory_space<vmem>>) dst(%dma_wait3A_244 : memref<10240x16xf32, #tpu.memory_space<vmem_shared>>)
    %barrier3A_245 = arith.constant 0 : index
    tpu.barrier barrier_id(%barrier3A_245)
    %mul3A_246 = arith.constant 640 : i32
    %mul3A_247 = arith.muli %arg1, %mul3A_246 : i32
    "tpu.region"() ({
      %run_scoped3A = tpu.sem_alloc : memref<!tpu.dma_semaphore, #tpu.memory_space<semaphore_mem>>
      %dma_start3A_250 = arith.constant 0 : i32
      %dma_start3A_251 = tpu.memref_slice %arg7[%mul3A_247, %dma_start3A_250] : memref<10240x16xf32, #tpu.memory_space<vmem_shared>> -> memref<640x16xf32, #tpu.memory_space<vmem_shared>>
      %dma_start3A_252 = arith.constant 0 : i32
      %dma_start3A_253 = tpu.memref_slice %arg7[%mul3A_247, %dma_start3A_252] : memref<10240x16xf32, #tpu.memory_space<vmem_shared>> -> memref<640x16xf32, #tpu.memory_space<vmem_shared>>
      tpu.enqueue_dma source(%dma_start3A_253 : memref<640x16xf32, #tpu.memory_space<vmem_shared>>) target(%arg12 : memref<640x16xf32, #tpu.memory_space<vmem>>) target_semaphore(%run_scoped3A : memref<!tpu.dma_semaphore, #tpu.memory_space<semaphore_mem>>)
      %dma_wait3A_254 = arith.constant 0 : i32
      %dma_wait3A_255 = tpu.memref_slice %arg7[%mul3A_247, %dma_wait3A_254] : memref<10240x16xf32, #tpu.memory_space<vmem_shared>> -> memref<640x16xf32, #tpu.memory_space<vmem_shared>>
      %dma_wait3A_256 = arith.constant 0 : i32
      %dma_wait3A_257 = tpu.memref_slice %arg7[%mul3A_247, %dma_wait3A_256] : memref<10240x16xf32, #tpu.memory_space<vmem_shared>> -> memref<640x16xf32, #tpu.memory_space<vmem_shared>>
      tpu.wait_dma2 semaphore(%run_scoped3A : memref<!tpu.dma_semaphore, #tpu.memory_space<semaphore_mem>>) src(%dma_wait3A_257 : memref<640x16xf32, #tpu.memory_space<vmem_shared>>) dst(%arg12 : memref<640x16xf32, #tpu.memory_space<vmem>>)
      tpu.yield
    }) : () -> ()
    %mul3A_248 = arith.constant 640 : i32
    %mul3A_249 = arith.muli %arg1, %mul3A_248 : i32
    "tpu.region"() ({
      %run_scoped3A = tpu.sem_alloc : memref<!tpu.dma_semaphore, #tpu.memory_space<semaphore_mem>>
      %dma_start3A_250 = arith.constant 0 : i32
      %dma_start3A_251 = tpu.memref_slice %arg6[%arg0, %mul3A_249, %dma_start3A_250] : memref<2x10240x16xf32, #tpu.memory_space<hbm>> -> memref<1x640x16xf32, #tpu.memory_space<hbm>>
      %dma_start3A_252 = tpu.memref_squeeze %dma_start3A_251 : memref<1x640x16xf32, #tpu.memory_space<hbm>> -> memref<640x16xf32, #tpu.memory_space<hbm>>
      %dma_start3A_253 = arith.constant 0 : i32
      %dma_start3A_254 = tpu.memref_slice %arg6[%arg0, %mul3A_249, %dma_start3A_253] : memref<2x10240x16xf32, #tpu.memory_space<hbm>> -> memref<1x640x16xf32, #tpu.memory_space<hbm>>
      %dma_start3A_255 = tpu.memref_squeeze %dma_start3A_254 : memref<1x640x16xf32, #tpu.memory_space<hbm>> -> memref<640x16xf32, #tpu.memory_space<hbm>>
      tpu.enqueue_dma source(%arg12 : memref<640x16xf32, #tpu.memory_space<vmem>>) target(%dma_start3A_255 : memref<640x16xf32, #tpu.memory_space<hbm>>) target_semaphore(%run_scoped3A : memref<!tpu.dma_semaphore, #tpu.memory_space<semaphore_mem>>)
      %dma_wait3A_256 = arith.constant 0 : i32
      %dma_wait3A_257 = tpu.memref_slice %arg6[%arg0, %mul3A_249, %dma_wait3A_256] : memref<2x10240x16xf32, #tpu.memory_space<hbm>> -> memref<1x640x16xf32, #tpu.memory_space<hbm>>
      %dma_wait3A_258 = tpu.memref_squeeze %dma_wait3A_257 : memref<1x640x16xf32, #tpu.memory_space<hbm>> -> memref<640x16xf32, #tpu.memory_space<hbm>>
      %dma_wait3A_259 = arith.constant 0 : i32
      %dma_wait3A_260 = tpu.memref_slice %arg6[%arg0, %mul3A_249, %dma_wait3A_259] : memref<2x10240x16xf32, #tpu.memory_space<hbm>> -> memref<1x640x16xf32, #tpu.memory_space<hbm>>
      %dma_wait3A_261 = tpu.memref_squeeze %dma_wait3A_260 : memref<1x640x16xf32, #tpu.memory_space<hbm>> -> memref<640x16xf32, #tpu.memory_space<hbm>>
      tpu.wait_dma2 semaphore(%run_scoped3A : memref<!tpu.dma_semaphore, #tpu.memory_space<semaphore_mem>>) src(%arg12 : memref<640x16xf32, #tpu.memory_space<vmem>>) dst(%dma_wait3A_261 : memref<640x16xf32, #tpu.memory_space<hbm>>)
      tpu.yield
    }) : () -> ()
    return
  }
}

#map = affine_map<(d0, d1) -> (0, 0)>
#map1 = affine_map<(d0, d1) -> (0, 0, 0)>
module attributes {stable_mosaic.version = 14 : i64} {
  func.func @body(%arg0: i32, %arg1: i32, %arg2: memref<10240x16xf32, #tpu.memory_space<hbm>>, %arg3: memref<32x5x2048xi32, #tpu.memory_space<hbm>>, %arg4: memref<32x5x2048xi32, #tpu.memory_space<hbm>>, %arg5: memref<640x16xf32, #tpu.memory_space<hbm>>, %arg6: memref<2x10240x16xf32, #tpu.memory_space<hbm>>, %arg7: memref<10240x16xf32, #tpu.memory_space<vmem_shared>>, %arg8: memref<10240x16xf32, #tpu.memory_space<vmem_shared>>, %arg9: memref<5x2048xi32, #tpu.memory_space<vmem>>, %arg10: memref<5x2048xi32, #tpu.memory_space<vmem>>, %arg11: memref<2x2048x16xf32, #tpu.memory_space<vmem>>, %arg12: memref<640x16xf32, #tpu.memory_space<vmem>>, %arg13: memref<!tpu.dma_semaphore, #tpu.memory_space<semaphore_mem>>, %arg14: memref<!tpu.dma_semaphore, #tpu.memory_space<semaphore_mem>>) attributes {dimension_semantics = [#tpu.dimension_semantics<core_parallel>, #tpu.dimension_semantics<subcore_parallel>], iteration_bounds = array<i64: 2, 16>, scalar_prefetch = 0 : i64, scratch_operands = 8 : i64, tpu.core_type = #tpu.core_type<sc_vector_subcore>, window_params = [{transform_indices = #map}, {transform_indices = #map1}, {transform_indices = #map1}, {transform_indices = #map}, {transform_indices = #map1}]} {
    %mul3A = arith.constant 16 : i32
    %mul3A_0 = arith.muli %arg0, %mul3A : i32
    %add3A = arith.addi %mul3A_0, %arg1 : i32
    "tpu.region"() ({
      %run_scoped3A = tpu.sem_alloc : memref<!tpu.dma_semaphore, #tpu.memory_space<semaphore_mem>>
      tpu.enqueue_dma source(%arg5 : memref<640x16xf32, #tpu.memory_space<hbm>>) target(%arg12 : memref<640x16xf32, #tpu.memory_space<vmem>>) target_semaphore(%run_scoped3A : memref<!tpu.dma_semaphore, #tpu.memory_space<semaphore_mem>>)
      tpu.wait_dma2 semaphore(%run_scoped3A : memref<!tpu.dma_semaphore, #tpu.memory_space<semaphore_mem>>) src(%arg5 : memref<640x16xf32, #tpu.memory_space<hbm>>) dst(%arg12 : memref<640x16xf32, #tpu.memory_space<vmem>>)
      tpu.yield
    }) : () -> ()
    %mul3A_1 = arith.constant 640 : i32
    %mul3A_2 = arith.muli %arg1, %mul3A_1 : i32
    "tpu.region"() ({
      %run_scoped3A = tpu.sem_alloc : memref<!tpu.dma_semaphore, #tpu.memory_space<semaphore_mem>>
      %dma_start3A_250 = arith.constant 0 : i32
      %dma_start3A_251 = tpu.memref_slice %arg7[%mul3A_2, %dma_start3A_250] : memref<10240x16xf32, #tpu.memory_space<vmem_shared>> -> memref<640x16xf32, #tpu.memory_space<vmem_shared>>
      %dma_start3A_252 = arith.constant 0 : i32
      %dma_start3A_253 = tpu.memref_slice %arg7[%mul3A_2, %dma_start3A_252] : memref<10240x16xf32, #tpu.memory_space<vmem_shared>> -> memref<640x16xf32, #tpu.memory_space<vmem_shared>>
      tpu.enqueue_dma source(%arg12 : memref<640x16xf32, #tpu.memory_space<vmem>>) target(%dma_start3A_253 : memref<640x16xf32, #tpu.memory_space<vmem_shared>>) target_semaphore(%run_scoped3A : memref<!tpu.dma_semaphore, #tpu.memory_space<semaphore_mem>>)
      %dma_wait3A_254 = arith.constant 0 : i32
      %dma_wait3A_255 = tpu.memref_slice %arg7[%mul3A_2, %dma_wait3A_254] : memref<10240x16xf32, #tpu.memory_space<vmem_shared>> -> memref<640x16xf32, #tpu.memory_space<vmem_shared>>
      %dma_wait3A_256 = arith.constant 0 : i32
      %dma_wait3A_257 = tpu.memref_slice %arg7[%mul3A_2, %dma_wait3A_256] : memref<10240x16xf32, #tpu.memory_space<vmem_shared>> -> memref<640x16xf32, #tpu.memory_space<vmem_shared>>
      tpu.wait_dma2 semaphore(%run_scoped3A : memref<!tpu.dma_semaphore, #tpu.memory_space<semaphore_mem>>) src(%arg12 : memref<640x16xf32, #tpu.memory_space<vmem>>) dst(%dma_wait3A_257 : memref<640x16xf32, #tpu.memory_space<vmem_shared>>)
      tpu.yield
    }) : () -> ()
    %mul3A_3 = arith.constant 640 : i32
    %mul3A_4 = arith.muli %arg1, %mul3A_3 : i32
    "tpu.region"() ({
      %run_scoped3A = tpu.sem_alloc : memref<!tpu.dma_semaphore, #tpu.memory_space<semaphore_mem>>
      %dma_start3A_250 = arith.constant 0 : i32
      %dma_start3A_251 = tpu.memref_slice %arg2[%mul3A_4, %dma_start3A_250] : memref<10240x16xf32, #tpu.memory_space<hbm>> -> memref<640x16xf32, #tpu.memory_space<hbm>>
      %dma_start3A_252 = arith.constant 0 : i32
      %dma_start3A_253 = tpu.memref_slice %arg2[%mul3A_4, %dma_start3A_252] : memref<10240x16xf32, #tpu.memory_space<hbm>> -> memref<640x16xf32, #tpu.memory_space<hbm>>
      tpu.enqueue_dma source(%dma_start3A_253 : memref<640x16xf32, #tpu.memory_space<hbm>>) target(%arg12 : memref<640x16xf32, #tpu.memory_space<vmem>>) target_semaphore(%run_scoped3A : memref<!tpu.dma_semaphore, #tpu.memory_space<semaphore_mem>>)
      %dma_wait3A_254 = arith.constant 0 : i32
      %dma_wait3A_255 = tpu.memref_slice %arg2[%mul3A_4, %dma_wait3A_254] : memref<10240x16xf32, #tpu.memory_space<hbm>> -> memref<640x16xf32, #tpu.memory_space<hbm>>
      %dma_wait3A_256 = arith.constant 0 : i32
      %dma_wait3A_257 = tpu.memref_slice %arg2[%mul3A_4, %dma_wait3A_256] : memref<10240x16xf32, #tpu.memory_space<hbm>> -> memref<640x16xf32, #tpu.memory_space<hbm>>
      tpu.wait_dma2 semaphore(%run_scoped3A : memref<!tpu.dma_semaphore, #tpu.memory_space<semaphore_mem>>) src(%dma_wait3A_257 : memref<640x16xf32, #tpu.memory_space<hbm>>) dst(%arg12 : memref<640x16xf32, #tpu.memory_space<vmem>>)
      tpu.yield
    }) : () -> ()
    %mul3A_5 = arith.constant 640 : i32
    %mul3A_6 = arith.muli %arg1, %mul3A_5 : i32
    "tpu.region"() ({
      %run_scoped3A = tpu.sem_alloc : memref<!tpu.dma_semaphore, #tpu.memory_space<semaphore_mem>>
      %dma_start3A_250 = arith.constant 0 : i32
      %dma_start3A_251 = tpu.memref_slice %arg8[%mul3A_6, %dma_start3A_250] : memref<10240x16xf32, #tpu.memory_space<vmem_shared>> -> memref<640x16xf32, #tpu.memory_space<vmem_shared>>
      %dma_start3A_252 = arith.constant 0 : i32
      %dma_start3A_253 = tpu.memref_slice %arg8[%mul3A_6, %dma_start3A_252] : memref<10240x16xf32, #tpu.memory_space<vmem_shared>> -> memref<640x16xf32, #tpu.memory_space<vmem_shared>>
      tpu.enqueue_dma source(%arg12 : memref<640x16xf32, #tpu.memory_space<vmem>>) target(%dma_start3A_253 : memref<640x16xf32, #tpu.memory_space<vmem_shared>>) target_semaphore(%run_scoped3A : memref<!tpu.dma_semaphore, #tpu.memory_space<semaphore_mem>>)
      %dma_wait3A_254 = arith.constant 0 : i32
      %dma_wait3A_255 = tpu.memref_slice %arg8[%mul3A_6, %dma_wait3A_254] : memref<10240x16xf32, #tpu.memory_space<vmem_shared>> -> memref<640x16xf32, #tpu.memory_space<vmem_shared>>
      %dma_wait3A_256 = arith.constant 0 : i32
      %dma_wait3A_257 = tpu.memref_slice %arg8[%mul3A_6, %dma_wait3A_256] : memref<10240x16xf32, #tpu.memory_space<vmem_shared>> -> memref<640x16xf32, #tpu.memory_space<vmem_shared>>
      tpu.wait_dma2 semaphore(%run_scoped3A : memref<!tpu.dma_semaphore, #tpu.memory_space<semaphore_mem>>) src(%arg12 : memref<640x16xf32, #tpu.memory_space<vmem>>) dst(%dma_wait3A_257 : memref<640x16xf32, #tpu.memory_space<vmem_shared>>)
      tpu.yield
    }) : () -> ()
    "tpu.region"() ({
      %run_scoped3A = tpu.sem_alloc : memref<!tpu.dma_semaphore, #tpu.memory_space<semaphore_mem>>
      %dma_start3A_250 = arith.constant 0 : i32
      %dma_start3A_251 = arith.constant 0 : i32
      %dma_start3A_252 = tpu.memref_slice %arg3[%add3A, %dma_start3A_250, %dma_start3A_251] : memref<32x5x2048xi32, #tpu.memory_space<hbm>> -> memref<1x5x2048xi32, #tpu.memory_space<hbm>>
      %dma_start3A_253 = tpu.memref_squeeze %dma_start3A_252 : memref<1x5x2048xi32, #tpu.memory_space<hbm>> -> memref<5x2048xi32, #tpu.memory_space<hbm>>
      %dma_start3A_254 = arith.constant 0 : i32
      %dma_start3A_255 = arith.constant 0 : i32
      %dma_start3A_256 = tpu.memref_slice %arg3[%add3A, %dma_start3A_254, %dma_start3A_255] : memref<32x5x2048xi32, #tpu.memory_space<hbm>> -> memref<1x5x2048xi32, #tpu.memory_space<hbm>>
      %dma_start3A_257 = tpu.memref_squeeze %dma_start3A_256 : memref<1x5x2048xi32, #tpu.memory_space<hbm>> -> memref<5x2048xi32, #tpu.memory_space<hbm>>
      tpu.enqueue_dma source(%dma_start3A_257 : memref<5x2048xi32, #tpu.memory_space<hbm>>) target(%arg9 : memref<5x2048xi32, #tpu.memory_space<vmem>>) target_semaphore(%run_scoped3A : memref<!tpu.dma_semaphore, #tpu.memory_space<semaphore_mem>>)
      %dma_wait3A_258 = arith.constant 0 : i32
      %dma_wait3A_259 = arith.constant 0 : i32
      %dma_wait3A_260 = tpu.memref_slice %arg3[%add3A, %dma_wait3A_258, %dma_wait3A_259] : memref<32x5x2048xi32, #tpu.memory_space<hbm>> -> memref<1x5x2048xi32, #tpu.memory_space<hbm>>
      %dma_wait3A_261 = tpu.memref_squeeze %dma_wait3A_260 : memref<1x5x2048xi32, #tpu.memory_space<hbm>> -> memref<5x2048xi32, #tpu.memory_space<hbm>>
      %dma_wait3A_262 = arith.constant 0 : i32
      %dma_wait3A_263 = arith.constant 0 : i32
      %dma_wait3A_264 = tpu.memref_slice %arg3[%add3A, %dma_wait3A_262, %dma_wait3A_263] : memref<32x5x2048xi32, #tpu.memory_space<hbm>> -> memref<1x5x2048xi32, #tpu.memory_space<hbm>>
      %dma_wait3A_265 = tpu.memref_squeeze %dma_wait3A_264 : memref<1x5x2048xi32, #tpu.memory_space<hbm>> -> memref<5x2048xi32, #tpu.memory_space<hbm>>
      tpu.wait_dma2 semaphore(%run_scoped3A : memref<!tpu.dma_semaphore, #tpu.memory_space<semaphore_mem>>) src(%dma_wait3A_265 : memref<5x2048xi32, #tpu.memory_space<hbm>>) dst(%arg9 : memref<5x2048xi32, #tpu.memory_space<vmem>>)
      tpu.yield
    }) : () -> ()
    "tpu.region"() ({
      %run_scoped3A = tpu.sem_alloc : memref<!tpu.dma_semaphore, #tpu.memory_space<semaphore_mem>>
      %dma_start3A_250 = arith.constant 0 : i32
      %dma_start3A_251 = arith.constant 0 : i32
      %dma_start3A_252 = tpu.memref_slice %arg4[%add3A, %dma_start3A_250, %dma_start3A_251] : memref<32x5x2048xi32, #tpu.memory_space<hbm>> -> memref<1x5x2048xi32, #tpu.memory_space<hbm>>
      %dma_start3A_253 = tpu.memref_squeeze %dma_start3A_252 : memref<1x5x2048xi32, #tpu.memory_space<hbm>> -> memref<5x2048xi32, #tpu.memory_space<hbm>>
      %dma_start3A_254 = arith.constant 0 : i32
      %dma_start3A_255 = arith.constant 0 : i32
      %dma_start3A_256 = tpu.memref_slice %arg4[%add3A, %dma_start3A_254, %dma_start3A_255] : memref<32x5x2048xi32, #tpu.memory_space<hbm>> -> memref<1x5x2048xi32, #tpu.memory_space<hbm>>
      %dma_start3A_257 = tpu.memref_squeeze %dma_start3A_256 : memref<1x5x2048xi32, #tpu.memory_space<hbm>> -> memref<5x2048xi32, #tpu.memory_space<hbm>>
      tpu.enqueue_dma source(%dma_start3A_257 : memref<5x2048xi32, #tpu.memory_space<hbm>>) target(%arg10 : memref<5x2048xi32, #tpu.memory_space<vmem>>) target_semaphore(%run_scoped3A : memref<!tpu.dma_semaphore, #tpu.memory_space<semaphore_mem>>)
      %dma_wait3A_258 = arith.constant 0 : i32
      %dma_wait3A_259 = arith.constant 0 : i32
      %dma_wait3A_260 = tpu.memref_slice %arg4[%add3A, %dma_wait3A_258, %dma_wait3A_259] : memref<32x5x2048xi32, #tpu.memory_space<hbm>> -> memref<1x5x2048xi32, #tpu.memory_space<hbm>>
      %dma_wait3A_261 = tpu.memref_squeeze %dma_wait3A_260 : memref<1x5x2048xi32, #tpu.memory_space<hbm>> -> memref<5x2048xi32, #tpu.memory_space<hbm>>
      %dma_wait3A_262 = arith.constant 0 : i32
      %dma_wait3A_263 = arith.constant 0 : i32
      %dma_wait3A_264 = tpu.memref_slice %arg4[%add3A, %dma_wait3A_262, %dma_wait3A_263] : memref<32x5x2048xi32, #tpu.memory_space<hbm>> -> memref<1x5x2048xi32, #tpu.memory_space<hbm>>
      %dma_wait3A_265 = tpu.memref_squeeze %dma_wait3A_264 : memref<1x5x2048xi32, #tpu.memory_space<hbm>> -> memref<5x2048xi32, #tpu.memory_space<hbm>>
      tpu.wait_dma2 semaphore(%run_scoped3A : memref<!tpu.dma_semaphore, #tpu.memory_space<semaphore_mem>>) src(%dma_wait3A_265 : memref<5x2048xi32, #tpu.memory_space<hbm>>) dst(%arg10 : memref<5x2048xi32, #tpu.memory_space<vmem>>)
      tpu.yield
    }) : () -> ()
    %barrier3A = arith.constant 0 : index
    tpu.barrier barrier_id(%barrier3A)
    %dma_start3A = arith.constant 0 : i32
    %dma_start3A_7 = arith.constant 0 : i32
    %dma_start3A_8 = arith.constant 0 : i32
    %dma_start3A_9 = arith.constant 0 : i32
    %dma_start3A_10 = tpu.memref_slice %arg11[%dma_start3A_7, %dma_start3A_8, %dma_start3A_9] : memref<2x2048x16xf32, #tpu.memory_space<vmem>> -> memref<1x2048x16xf32, #tpu.memory_space<vmem>>
    %dma_start3A_11 = tpu.memref_squeeze %dma_start3A_10 : memref<1x2048x16xf32, #tpu.memory_space<vmem>> -> memref<2048x16xf32, #tpu.memory_space<vmem>>
    %dma_start3A_12 = arith.constant 0 : i32
    %dma_start3A_13 = tpu.memref_slice %arg9[%dma_start3A, %dma_start3A_12] : memref<5x2048xi32, #tpu.memory_space<vmem>> -> memref<1x2048xi32, #tpu.memory_space<vmem>>
    %dma_start3A_14 = tpu.memref_squeeze %dma_start3A_13 : memref<1x2048xi32, #tpu.memory_space<vmem>> -> memref<2048xi32, #tpu.memory_space<vmem>>
    %dma_start3A_15 = arith.constant 0 : i32
    %dma_start3A_16 = arith.constant 0 : i32
    %dma_start3A_17 = tpu.memref_slice %arg8[%dma_start3A_15, %dma_start3A_16] : memref<10240x16xf32, #tpu.memory_space<vmem_shared>> -> memref<10240x16xf32, #tpu.memory_space<vmem_shared>>
    tpu.enqueue_indirect_dma source(%dma_start3A_17 : memref<10240x16xf32, #tpu.memory_space<vmem_shared>>) target(%dma_start3A_11 : memref<2048x16xf32, #tpu.memory_space<vmem>>) offsets(%dma_start3A_14 : memref<2048xi32, #tpu.memory_space<vmem>>) semaphore(%arg13 : memref<!tpu.dma_semaphore, #tpu.memory_space<semaphore_mem>>)
    %dma_wait3A = arith.constant 0 : i32
    %dma_wait3A_18 = arith.constant 0 : i32
    %dma_wait3A_19 = arith.constant 0 : i32
    %dma_wait3A_20 = arith.constant 0 : i32
    %dma_wait3A_21 = tpu.memref_slice %arg11[%dma_wait3A_18, %dma_wait3A_19, %dma_wait3A_20] : memref<2x2048x16xf32, #tpu.memory_space<vmem>> -> memref<1x2048x16xf32, #tpu.memory_space<vmem>>
    %dma_wait3A_22 = tpu.memref_squeeze %dma_wait3A_21 : memref<1x2048x16xf32, #tpu.memory_space<vmem>> -> memref<2048x16xf32, #tpu.memory_space<vmem>>
    %dma_wait3A_23 = arith.constant 0 : i32
    %dma_wait3A_24 = tpu.memref_slice %arg9[%dma_wait3A, %dma_wait3A_23] : memref<5x2048xi32, #tpu.memory_space<vmem>> -> memref<1x2048xi32, #tpu.memory_space<vmem>>
    %dma_wait3A_25 = tpu.memref_squeeze %dma_wait3A_24 : memref<1x2048xi32, #tpu.memory_space<vmem>> -> memref<2048xi32, #tpu.memory_space<vmem>>
    %dma_wait3A_26 = arith.constant 0 : i32
    %dma_wait3A_27 = arith.constant 0 : i32
    %dma_wait3A_28 = tpu.memref_slice %arg2[%dma_wait3A_26, %dma_wait3A_27] : memref<10240x16xf32, #tpu.memory_space<hbm>> -> memref<10240x16xf32, #tpu.memory_space<hbm>>
    tpu.wait_indirect_dma semaphore(%arg13 : memref<!tpu.dma_semaphore, #tpu.memory_space<semaphore_mem>>) src(%dma_wait3A_28 : memref<10240x16xf32, #tpu.memory_space<hbm>>) dst(%dma_wait3A_22 : memref<2048x16xf32, #tpu.memory_space<vmem>>)
    %dma_start3A_29 = arith.constant 0 : i32
    %dma_start3A_30 = arith.constant 0 : i32
    %dma_start3A_31 = arith.constant 0 : i32
    %dma_start3A_32 = arith.constant 0 : i32
    %dma_start3A_33 = tpu.memref_slice %arg11[%dma_start3A_29, %dma_start3A_31, %dma_start3A_32] : memref<2x2048x16xf32, #tpu.memory_space<vmem>> -> memref<1x2048x16xf32, #tpu.memory_space<vmem>>
    %dma_start3A_34 = tpu.memref_squeeze %dma_start3A_33 : memref<1x2048x16xf32, #tpu.memory_space<vmem>> -> memref<2048x16xf32, #tpu.memory_space<vmem>>
    %dma_start3A_35 = arith.constant 0 : i32
    %dma_start3A_36 = tpu.memref_slice %arg10[%dma_start3A_30, %dma_start3A_35] : memref<5x2048xi32, #tpu.memory_space<vmem>> -> memref<1x2048xi32, #tpu.memory_space<vmem>>
    %dma_start3A_37 = tpu.memref_squeeze %dma_start3A_36 : memref<1x2048xi32, #tpu.memory_space<vmem>> -> memref<2048xi32, #tpu.memory_space<vmem>>
    %dma_start3A_38 = arith.constant 0 : i32
    %dma_start3A_39 = arith.constant 0 : i32
    %dma_start3A_40 = tpu.memref_slice %arg7[%dma_start3A_38, %dma_start3A_39] : memref<10240x16xf32, #tpu.memory_space<vmem_shared>> -> memref<10240x16xf32, #tpu.memory_space<vmem_shared>>
    tpu.enqueue_indirect_dma source(%dma_start3A_34 : memref<2048x16xf32, #tpu.memory_space<vmem>>) target(%dma_start3A_40 : memref<10240x16xf32, #tpu.memory_space<vmem_shared>>) offsets(%dma_start3A_37 : memref<2048xi32, #tpu.memory_space<vmem>>) semaphore(%arg14 : memref<!tpu.dma_semaphore, #tpu.memory_space<semaphore_mem>>) {add = true}
    %dma_start3A_41 = arith.constant 1 : i32
    %dma_start3A_42 = arith.constant 1 : i32
    %dma_start3A_43 = arith.constant 0 : i32
    %dma_start3A_44 = arith.constant 0 : i32
    %dma_start3A_45 = tpu.memref_slice %arg11[%dma_start3A_42, %dma_start3A_43, %dma_start3A_44] : memref<2x2048x16xf32, #tpu.memory_space<vmem>> -> memref<1x2048x16xf32, #tpu.memory_space<vmem>>
    %dma_start3A_46 = tpu.memref_squeeze %dma_start3A_45 : memref<1x2048x16xf32, #tpu.memory_space<vmem>> -> memref<2048x16xf32, #tpu.memory_space<vmem>>
    %dma_start3A_47 = arith.constant 0 : i32
    %dma_start3A_48 = tpu.memref_slice %arg9[%dma_start3A_41, %dma_start3A_47] : memref<5x2048xi32, #tpu.memory_space<vmem>> -> memref<1x2048xi32, #tpu.memory_space<vmem>>
    %dma_start3A_49 = tpu.memref_squeeze %dma_start3A_48 : memref<1x2048xi32, #tpu.memory_space<vmem>> -> memref<2048xi32, #tpu.memory_space<vmem>>
    %dma_start3A_50 = arith.constant 0 : i32
    %dma_start3A_51 = arith.constant 0 : i32
    %dma_start3A_52 = tpu.memref_slice %arg8[%dma_start3A_50, %dma_start3A_51] : memref<10240x16xf32, #tpu.memory_space<vmem_shared>> -> memref<10240x16xf32, #tpu.memory_space<vmem_shared>>
    tpu.enqueue_indirect_dma source(%dma_start3A_52 : memref<10240x16xf32, #tpu.memory_space<vmem_shared>>) target(%dma_start3A_46 : memref<2048x16xf32, #tpu.memory_space<vmem>>) offsets(%dma_start3A_49 : memref<2048xi32, #tpu.memory_space<vmem>>) semaphore(%arg13 : memref<!tpu.dma_semaphore, #tpu.memory_space<semaphore_mem>>)
    %dma_wait3A_53 = arith.constant 0 : i32
    %dma_wait3A_54 = arith.constant 1 : i32
    %dma_wait3A_55 = arith.constant 0 : i32
    %dma_wait3A_56 = arith.constant 0 : i32
    %dma_wait3A_57 = tpu.memref_slice %arg11[%dma_wait3A_54, %dma_wait3A_55, %dma_wait3A_56] : memref<2x2048x16xf32, #tpu.memory_space<vmem>> -> memref<1x2048x16xf32, #tpu.memory_space<vmem>>
    %dma_wait3A_58 = tpu.memref_squeeze %dma_wait3A_57 : memref<1x2048x16xf32, #tpu.memory_space<vmem>> -> memref<2048x16xf32, #tpu.memory_space<vmem>>
    %dma_wait3A_59 = arith.constant 0 : i32
    %dma_wait3A_60 = tpu.memref_slice %arg9[%dma_wait3A_53, %dma_wait3A_59] : memref<5x2048xi32, #tpu.memory_space<vmem>> -> memref<1x2048xi32, #tpu.memory_space<vmem>>
    %dma_wait3A_61 = tpu.memref_squeeze %dma_wait3A_60 : memref<1x2048xi32, #tpu.memory_space<vmem>> -> memref<2048xi32, #tpu.memory_space<vmem>>
    %dma_wait3A_62 = arith.constant 0 : i32
    %dma_wait3A_63 = arith.constant 0 : i32
    %dma_wait3A_64 = tpu.memref_slice %arg2[%dma_wait3A_62, %dma_wait3A_63] : memref<10240x16xf32, #tpu.memory_space<hbm>> -> memref<10240x16xf32, #tpu.memory_space<hbm>>
    tpu.wait_indirect_dma semaphore(%arg13 : memref<!tpu.dma_semaphore, #tpu.memory_space<semaphore_mem>>) src(%dma_wait3A_64 : memref<10240x16xf32, #tpu.memory_space<hbm>>) dst(%dma_wait3A_58 : memref<2048x16xf32, #tpu.memory_space<vmem>>)
    %dma_wait3A_65 = arith.constant 0 : i32
    %dma_wait3A_66 = arith.constant 0 : i32
    %dma_wait3A_67 = arith.constant 0 : i32
    %dma_wait3A_68 = arith.constant 0 : i32
    %dma_wait3A_69 = tpu.memref_slice %arg11[%dma_wait3A_65, %dma_wait3A_67, %dma_wait3A_68] : memref<2x2048x16xf32, #tpu.memory_space<vmem>> -> memref<1x2048x16xf32, #tpu.memory_space<vmem>>
    %dma_wait3A_70 = tpu.memref_squeeze %dma_wait3A_69 : memref<1x2048x16xf32, #tpu.memory_space<vmem>> -> memref<2048x16xf32, #tpu.memory_space<vmem>>
    %dma_wait3A_71 = arith.constant 0 : i32
    %dma_wait3A_72 = tpu.memref_slice %arg10[%dma_wait3A_66, %dma_wait3A_71] : memref<5x2048xi32, #tpu.memory_space<vmem>> -> memref<1x2048xi32, #tpu.memory_space<vmem>>
    %dma_wait3A_73 = tpu.memref_squeeze %dma_wait3A_72 : memref<1x2048xi32, #tpu.memory_space<vmem>> -> memref<2048xi32, #tpu.memory_space<vmem>>
    %dma_wait3A_74 = arith.constant 0 : i32
    %dma_wait3A_75 = arith.constant 0 : i32
    %dma_wait3A_76 = tpu.memref_slice %arg7[%dma_wait3A_74, %dma_wait3A_75] : memref<10240x16xf32, #tpu.memory_space<vmem_shared>> -> memref<10240x16xf32, #tpu.memory_space<vmem_shared>>
    tpu.wait_indirect_dma semaphore(%arg14 : memref<!tpu.dma_semaphore, #tpu.memory_space<semaphore_mem>>) src(%dma_wait3A_70 : memref<2048x16xf32, #tpu.memory_space<vmem>>) dst(%dma_wait3A_76 : memref<10240x16xf32, #tpu.memory_space<vmem_shared>>)
    %dma_start3A_77 = arith.constant 1 : i32
    %dma_start3A_78 = arith.constant 1 : i32
    %dma_start3A_79 = arith.constant 0 : i32
    %dma_start3A_80 = arith.constant 0 : i32
    %dma_start3A_81 = tpu.memref_slice %arg11[%dma_start3A_77, %dma_start3A_79, %dma_start3A_80] : memref<2x2048x16xf32, #tpu.memory_space<vmem>> -> memref<1x2048x16xf32, #tpu.memory_space<vmem>>
    %dma_start3A_82 = tpu.memref_squeeze %dma_start3A_81 : memref<1x2048x16xf32, #tpu.memory_space<vmem>> -> memref<2048x16xf32, #tpu.memory_space<vmem>>
    %dma_start3A_83 = arith.constant 0 : i32
    %dma_start3A_84 = tpu.memref_slice %arg10[%dma_start3A_78, %dma_start3A_83] : memref<5x2048xi32, #tpu.memory_space<vmem>> -> memref<1x2048xi32, #tpu.memory_space<vmem>>
    %dma_start3A_85 = tpu.memref_squeeze %dma_start3A_84 : memref<1x2048xi32, #tpu.memory_space<vmem>> -> memref<2048xi32, #tpu.memory_space<vmem>>
    %dma_start3A_86 = arith.constant 0 : i32
    %dma_start3A_87 = arith.constant 0 : i32
    %dma_start3A_88 = tpu.memref_slice %arg7[%dma_start3A_86, %dma_start3A_87] : memref<10240x16xf32, #tpu.memory_space<vmem_shared>> -> memref<10240x16xf32, #tpu.memory_space<vmem_shared>>
    tpu.enqueue_indirect_dma source(%dma_start3A_82 : memref<2048x16xf32, #tpu.memory_space<vmem>>) target(%dma_start3A_88 : memref<10240x16xf32, #tpu.memory_space<vmem_shared>>) offsets(%dma_start3A_85 : memref<2048xi32, #tpu.memory_space<vmem>>) semaphore(%arg14 : memref<!tpu.dma_semaphore, #tpu.memory_space<semaphore_mem>>) {add = true}
    %dma_start3A_89 = arith.constant 2 : i32
    %dma_start3A_90 = arith.constant 0 : i32
    %dma_start3A_91 = arith.constant 0 : i32
    %dma_start3A_92 = arith.constant 0 : i32
    %dma_start3A_93 = tpu.memref_slice %arg11[%dma_start3A_90, %dma_start3A_91, %dma_start3A_92] : memref<2x2048x16xf32, #tpu.memory_space<vmem>> -> memref<1x2048x16xf32, #tpu.memory_space<vmem>>
    %dma_start3A_94 = tpu.memref_squeeze %dma_start3A_93 : memref<1x2048x16xf32, #tpu.memory_space<vmem>> -> memref<2048x16xf32, #tpu.memory_space<vmem>>
    %dma_start3A_95 = arith.constant 0 : i32
    %dma_start3A_96 = tpu.memref_slice %arg9[%dma_start3A_89, %dma_start3A_95] : memref<5x2048xi32, #tpu.memory_space<vmem>> -> memref<1x2048xi32, #tpu.memory_space<vmem>>
    %dma_start3A_97 = tpu.memref_squeeze %dma_start3A_96 : memref<1x2048xi32, #tpu.memory_space<vmem>> -> memref<2048xi32, #tpu.memory_space<vmem>>
    %dma_start3A_98 = arith.constant 0 : i32
    %dma_start3A_99 = arith.constant 0 : i32
    %dma_start3A_100 = tpu.memref_slice %arg8[%dma_start3A_98, %dma_start3A_99] : memref<10240x16xf32, #tpu.memory_space<vmem_shared>> -> memref<10240x16xf32, #tpu.memory_space<vmem_shared>>
    tpu.enqueue_indirect_dma source(%dma_start3A_100 : memref<10240x16xf32, #tpu.memory_space<vmem_shared>>) target(%dma_start3A_94 : memref<2048x16xf32, #tpu.memory_space<vmem>>) offsets(%dma_start3A_97 : memref<2048xi32, #tpu.memory_space<vmem>>) semaphore(%arg13 : memref<!tpu.dma_semaphore, #tpu.memory_space<semaphore_mem>>)
    %dma_wait3A_101 = arith.constant 0 : i32
    %dma_wait3A_102 = arith.constant 0 : i32
    %dma_wait3A_103 = arith.constant 0 : i32
    %dma_wait3A_104 = arith.constant 0 : i32
    %dma_wait3A_105 = tpu.memref_slice %arg11[%dma_wait3A_102, %dma_wait3A_103, %dma_wait3A_104] : memref<2x2048x16xf32, #tpu.memory_space<vmem>> -> memref<1x2048x16xf32, #tpu.memory_space<vmem>>
    %dma_wait3A_106 = tpu.memref_squeeze %dma_wait3A_105 : memref<1x2048x16xf32, #tpu.memory_space<vmem>> -> memref<2048x16xf32, #tpu.memory_space<vmem>>
    %dma_wait3A_107 = arith.constant 0 : i32
    %dma_wait3A_108 = tpu.memref_slice %arg9[%dma_wait3A_101, %dma_wait3A_107] : memref<5x2048xi32, #tpu.memory_space<vmem>> -> memref<1x2048xi32, #tpu.memory_space<vmem>>
    %dma_wait3A_109 = tpu.memref_squeeze %dma_wait3A_108 : memref<1x2048xi32, #tpu.memory_space<vmem>> -> memref<2048xi32, #tpu.memory_space<vmem>>
    %dma_wait3A_110 = arith.constant 0 : i32
    %dma_wait3A_111 = arith.constant 0 : i32
    %dma_wait3A_112 = tpu.memref_slice %arg2[%dma_wait3A_110, %dma_wait3A_111] : memref<10240x16xf32, #tpu.memory_space<hbm>> -> memref<10240x16xf32, #tpu.memory_space<hbm>>
    tpu.wait_indirect_dma semaphore(%arg13 : memref<!tpu.dma_semaphore, #tpu.memory_space<semaphore_mem>>) src(%dma_wait3A_112 : memref<10240x16xf32, #tpu.memory_space<hbm>>) dst(%dma_wait3A_106 : memref<2048x16xf32, #tpu.memory_space<vmem>>)
    %dma_wait3A_113 = arith.constant 1 : i32
    %dma_wait3A_114 = arith.constant 0 : i32
    %dma_wait3A_115 = arith.constant 0 : i32
    %dma_wait3A_116 = arith.constant 0 : i32
    %dma_wait3A_117 = tpu.memref_slice %arg11[%dma_wait3A_113, %dma_wait3A_115, %dma_wait3A_116] : memref<2x2048x16xf32, #tpu.memory_space<vmem>> -> memref<1x2048x16xf32, #tpu.memory_space<vmem>>
    %dma_wait3A_118 = tpu.memref_squeeze %dma_wait3A_117 : memref<1x2048x16xf32, #tpu.memory_space<vmem>> -> memref<2048x16xf32, #tpu.memory_space<vmem>>
    %dma_wait3A_119 = arith.constant 0 : i32
    %dma_wait3A_120 = tpu.memref_slice %arg10[%dma_wait3A_114, %dma_wait3A_119] : memref<5x2048xi32, #tpu.memory_space<vmem>> -> memref<1x2048xi32, #tpu.memory_space<vmem>>
    %dma_wait3A_121 = tpu.memref_squeeze %dma_wait3A_120 : memref<1x2048xi32, #tpu.memory_space<vmem>> -> memref<2048xi32, #tpu.memory_space<vmem>>
    %dma_wait3A_122 = arith.constant 0 : i32
    %dma_wait3A_123 = arith.constant 0 : i32
    %dma_wait3A_124 = tpu.memref_slice %arg7[%dma_wait3A_122, %dma_wait3A_123] : memref<10240x16xf32, #tpu.memory_space<vmem_shared>> -> memref<10240x16xf32, #tpu.memory_space<vmem_shared>>
    tpu.wait_indirect_dma semaphore(%arg14 : memref<!tpu.dma_semaphore, #tpu.memory_space<semaphore_mem>>) src(%dma_wait3A_118 : memref<2048x16xf32, #tpu.memory_space<vmem>>) dst(%dma_wait3A_124 : memref<10240x16xf32, #tpu.memory_space<vmem_shared>>)
    %dma_start3A_125 = arith.constant 0 : i32
    %dma_start3A_126 = arith.constant 2 : i32
    %dma_start3A_127 = arith.constant 0 : i32
    %dma_start3A_128 = arith.constant 0 : i32
    %dma_start3A_129 = tpu.memref_slice %arg11[%dma_start3A_125, %dma_start3A_127, %dma_start3A_128] : memref<2x2048x16xf32, #tpu.memory_space<vmem>> -> memref<1x2048x16xf32, #tpu.memory_space<vmem>>
    %dma_start3A_130 = tpu.memref_squeeze %dma_start3A_129 : memref<1x2048x16xf32, #tpu.memory_space<vmem>> -> memref<2048x16xf32, #tpu.memory_space<vmem>>
    %dma_start3A_131 = arith.constant 0 : i32
    %dma_start3A_132 = tpu.memref_slice %arg10[%dma_start3A_126, %dma_start3A_131] : memref<5x2048xi32, #tpu.memory_space<vmem>> -> memref<1x2048xi32, #tpu.memory_space<vmem>>
    %dma_start3A_133 = tpu.memref_squeeze %dma_start3A_132 : memref<1x2048xi32, #tpu.memory_space<vmem>> -> memref<2048xi32, #tpu.memory_space<vmem>>
    %dma_start3A_134 = arith.constant 0 : i32
    %dma_start3A_135 = arith.constant 0 : i32
    %dma_start3A_136 = tpu.memref_slice %arg7[%dma_start3A_134, %dma_start3A_135] : memref<10240x16xf32, #tpu.memory_space<vmem_shared>> -> memref<10240x16xf32, #tpu.memory_space<vmem_shared>>
    tpu.enqueue_indirect_dma source(%dma_start3A_130 : memref<2048x16xf32, #tpu.memory_space<vmem>>) target(%dma_start3A_136 : memref<10240x16xf32, #tpu.memory_space<vmem_shared>>) offsets(%dma_start3A_133 : memref<2048xi32, #tpu.memory_space<vmem>>) semaphore(%arg14 : memref<!tpu.dma_semaphore, #tpu.memory_space<semaphore_mem>>) {add = true}
    %dma_start3A_137 = arith.constant 3 : i32
    %dma_start3A_138 = arith.constant 1 : i32
    %dma_start3A_139 = arith.constant 0 : i32
    %dma_start3A_140 = arith.constant 0 : i32
    %dma_start3A_141 = tpu.memref_slice %arg11[%dma_start3A_138, %dma_start3A_139, %dma_start3A_140] : memref<2x2048x16xf32, #tpu.memory_space<vmem>> -> memref<1x2048x16xf32, #tpu.memory_space<vmem>>
    %dma_start3A_142 = tpu.memref_squeeze %dma_start3A_141 : memref<1x2048x16xf32, #tpu.memory_space<vmem>> -> memref<2048x16xf32, #tpu.memory_space<vmem>>
    %dma_start3A_143 = arith.constant 0 : i32
    %dma_start3A_144 = tpu.memref_slice %arg9[%dma_start3A_137, %dma_start3A_143] : memref<5x2048xi32, #tpu.memory_space<vmem>> -> memref<1x2048xi32, #tpu.memory_space<vmem>>
    %dma_start3A_145 = tpu.memref_squeeze %dma_start3A_144 : memref<1x2048xi32, #tpu.memory_space<vmem>> -> memref<2048xi32, #tpu.memory_space<vmem>>
    %dma_start3A_146 = arith.constant 0 : i32
    %dma_start3A_147 = arith.constant 0 : i32
    %dma_start3A_148 = tpu.memref_slice %arg8[%dma_start3A_146, %dma_start3A_147] : memref<10240x16xf32, #tpu.memory_space<vmem_shared>> -> memref<10240x16xf32, #tpu.memory_space<vmem_shared>>
    tpu.enqueue_indirect_dma source(%dma_start3A_148 : memref<10240x16xf32, #tpu.memory_space<vmem_shared>>) target(%dma_start3A_142 : memref<2048x16xf32, #tpu.memory_space<vmem>>) offsets(%dma_start3A_145 : memref<2048xi32, #tpu.memory_space<vmem>>) semaphore(%arg13 : memref<!tpu.dma_semaphore, #tpu.memory_space<semaphore_mem>>)
    %dma_wait3A_149 = arith.constant 0 : i32
    %dma_wait3A_150 = arith.constant 1 : i32
    %dma_wait3A_151 = arith.constant 0 : i32
    %dma_wait3A_152 = arith.constant 0 : i32
    %dma_wait3A_153 = tpu.memref_slice %arg11[%dma_wait3A_150, %dma_wait3A_151, %dma_wait3A_152] : memref<2x2048x16xf32, #tpu.memory_space<vmem>> -> memref<1x2048x16xf32, #tpu.memory_space<vmem>>
    %dma_wait3A_154 = tpu.memref_squeeze %dma_wait3A_153 : memref<1x2048x16xf32, #tpu.memory_space<vmem>> -> memref<2048x16xf32, #tpu.memory_space<vmem>>
    %dma_wait3A_155 = arith.constant 0 : i32
    %dma_wait3A_156 = tpu.memref_slice %arg9[%dma_wait3A_149, %dma_wait3A_155] : memref<5x2048xi32, #tpu.memory_space<vmem>> -> memref<1x2048xi32, #tpu.memory_space<vmem>>
    %dma_wait3A_157 = tpu.memref_squeeze %dma_wait3A_156 : memref<1x2048xi32, #tpu.memory_space<vmem>> -> memref<2048xi32, #tpu.memory_space<vmem>>
    %dma_wait3A_158 = arith.constant 0 : i32
    %dma_wait3A_159 = arith.constant 0 : i32
    %dma_wait3A_160 = tpu.memref_slice %arg2[%dma_wait3A_158, %dma_wait3A_159] : memref<10240x16xf32, #tpu.memory_space<hbm>> -> memref<10240x16xf32, #tpu.memory_space<hbm>>
    tpu.wait_indirect_dma semaphore(%arg13 : memref<!tpu.dma_semaphore, #tpu.memory_space<semaphore_mem>>) src(%dma_wait3A_160 : memref<10240x16xf32, #tpu.memory_space<hbm>>) dst(%dma_wait3A_154 : memref<2048x16xf32, #tpu.memory_space<vmem>>)
    %dma_wait3A_161 = arith.constant 0 : i32
    %dma_wait3A_162 = arith.constant 0 : i32
    %dma_wait3A_163 = arith.constant 0 : i32
    %dma_wait3A_164 = arith.constant 0 : i32
    %dma_wait3A_165 = tpu.memref_slice %arg11[%dma_wait3A_161, %dma_wait3A_163, %dma_wait3A_164] : memref<2x2048x16xf32, #tpu.memory_space<vmem>> -> memref<1x2048x16xf32, #tpu.memory_space<vmem>>
    %dma_wait3A_166 = tpu.memref_squeeze %dma_wait3A_165 : memref<1x2048x16xf32, #tpu.memory_space<vmem>> -> memref<2048x16xf32, #tpu.memory_space<vmem>>
    %dma_wait3A_167 = arith.constant 0 : i32
    %dma_wait3A_168 = tpu.memref_slice %arg10[%dma_wait3A_162, %dma_wait3A_167] : memref<5x2048xi32, #tpu.memory_space<vmem>> -> memref<1x2048xi32, #tpu.memory_space<vmem>>
    %dma_wait3A_169 = tpu.memref_squeeze %dma_wait3A_168 : memref<1x2048xi32, #tpu.memory_space<vmem>> -> memref<2048xi32, #tpu.memory_space<vmem>>
    %dma_wait3A_170 = arith.constant 0 : i32
    %dma_wait3A_171 = arith.constant 0 : i32
    %dma_wait3A_172 = tpu.memref_slice %arg7[%dma_wait3A_170, %dma_wait3A_171] : memref<10240x16xf32, #tpu.memory_space<vmem_shared>> -> memref<10240x16xf32, #tpu.memory_space<vmem_shared>>
    tpu.wait_indirect_dma semaphore(%arg14 : memref<!tpu.dma_semaphore, #tpu.memory_space<semaphore_mem>>) src(%dma_wait3A_166 : memref<2048x16xf32, #tpu.memory_space<vmem>>) dst(%dma_wait3A_172 : memref<10240x16xf32, #tpu.memory_space<vmem_shared>>)
    %dma_start3A_173 = arith.constant 1 : i32
    %dma_start3A_174 = arith.constant 3 : i32
    %dma_start3A_175 = arith.constant 0 : i32
    %dma_start3A_176 = arith.constant 0 : i32
    %dma_start3A_177 = tpu.memref_slice %arg11[%dma_start3A_173, %dma_start3A_175, %dma_start3A_176] : memref<2x2048x16xf32, #tpu.memory_space<vmem>> -> memref<1x2048x16xf32, #tpu.memory_space<vmem>>
    %dma_start3A_178 = tpu.memref_squeeze %dma_start3A_177 : memref<1x2048x16xf32, #tpu.memory_space<vmem>> -> memref<2048x16xf32, #tpu.memory_space<vmem>>
    %dma_start3A_179 = arith.constant 0 : i32
    %dma_start3A_180 = tpu.memref_slice %arg10[%dma_start3A_174, %dma_start3A_179] : memref<5x2048xi32, #tpu.memory_space<vmem>> -> memref<1x2048xi32, #tpu.memory_space<vmem>>
    %dma_start3A_181 = tpu.memref_squeeze %dma_start3A_180 : memref<1x2048xi32, #tpu.memory_space<vmem>> -> memref<2048xi32, #tpu.memory_space<vmem>>
    %dma_start3A_182 = arith.constant 0 : i32
    %dma_start3A_183 = arith.constant 0 : i32
    %dma_start3A_184 = tpu.memref_slice %arg7[%dma_start3A_182, %dma_start3A_183] : memref<10240x16xf32, #tpu.memory_space<vmem_shared>> -> memref<10240x16xf32, #tpu.memory_space<vmem_shared>>
    tpu.enqueue_indirect_dma source(%dma_start3A_178 : memref<2048x16xf32, #tpu.memory_space<vmem>>) target(%dma_start3A_184 : memref<10240x16xf32, #tpu.memory_space<vmem_shared>>) offsets(%dma_start3A_181 : memref<2048xi32, #tpu.memory_space<vmem>>) semaphore(%arg14 : memref<!tpu.dma_semaphore, #tpu.memory_space<semaphore_mem>>) {add = true}
    %dma_start3A_185 = arith.constant 4 : i32
    %dma_start3A_186 = arith.constant 0 : i32
    %dma_start3A_187 = arith.constant 0 : i32
    %dma_start3A_188 = arith.constant 0 : i32
    %dma_start3A_189 = tpu.memref_slice %arg11[%dma_start3A_186, %dma_start3A_187, %dma_start3A_188] : memref<2x2048x16xf32, #tpu.memory_space<vmem>> -> memref<1x2048x16xf32, #tpu.memory_space<vmem>>
    %dma_start3A_190 = tpu.memref_squeeze %dma_start3A_189 : memref<1x2048x16xf32, #tpu.memory_space<vmem>> -> memref<2048x16xf32, #tpu.memory_space<vmem>>
    %dma_start3A_191 = arith.constant 0 : i32
    %dma_start3A_192 = tpu.memref_slice %arg9[%dma_start3A_185, %dma_start3A_191] : memref<5x2048xi32, #tpu.memory_space<vmem>> -> memref<1x2048xi32, #tpu.memory_space<vmem>>
    %dma_start3A_193 = tpu.memref_squeeze %dma_start3A_192 : memref<1x2048xi32, #tpu.memory_space<vmem>> -> memref<2048xi32, #tpu.memory_space<vmem>>
    %dma_start3A_194 = arith.constant 0 : i32
    %dma_start3A_195 = arith.constant 0 : i32
    %dma_start3A_196 = tpu.memref_slice %arg8[%dma_start3A_194, %dma_start3A_195] : memref<10240x16xf32, #tpu.memory_space<vmem_shared>> -> memref<10240x16xf32, #tpu.memory_space<vmem_shared>>
    tpu.enqueue_indirect_dma source(%dma_start3A_196 : memref<10240x16xf32, #tpu.memory_space<vmem_shared>>) target(%dma_start3A_190 : memref<2048x16xf32, #tpu.memory_space<vmem>>) offsets(%dma_start3A_193 : memref<2048xi32, #tpu.memory_space<vmem>>) semaphore(%arg13 : memref<!tpu.dma_semaphore, #tpu.memory_space<semaphore_mem>>)
    %dma_wait3A_197 = arith.constant 0 : i32
    %dma_wait3A_198 = arith.constant 0 : i32
    %dma_wait3A_199 = arith.constant 0 : i32
    %dma_wait3A_200 = arith.constant 0 : i32
    %dma_wait3A_201 = tpu.memref_slice %arg11[%dma_wait3A_198, %dma_wait3A_199, %dma_wait3A_200] : memref<2x2048x16xf32, #tpu.memory_space<vmem>> -> memref<1x2048x16xf32, #tpu.memory_space<vmem>>
    %dma_wait3A_202 = tpu.memref_squeeze %dma_wait3A_201 : memref<1x2048x16xf32, #tpu.memory_space<vmem>> -> memref<2048x16xf32, #tpu.memory_space<vmem>>
    %dma_wait3A_203 = arith.constant 0 : i32
    %dma_wait3A_204 = tpu.memref_slice %arg9[%dma_wait3A_197, %dma_wait3A_203] : memref<5x2048xi32, #tpu.memory_space<vmem>> -> memref<1x2048xi32, #tpu.memory_space<vmem>>
    %dma_wait3A_205 = tpu.memref_squeeze %dma_wait3A_204 : memref<1x2048xi32, #tpu.memory_space<vmem>> -> memref<2048xi32, #tpu.memory_space<vmem>>
    %dma_wait3A_206 = arith.constant 0 : i32
    %dma_wait3A_207 = arith.constant 0 : i32
    %dma_wait3A_208 = tpu.memref_slice %arg2[%dma_wait3A_206, %dma_wait3A_207] : memref<10240x16xf32, #tpu.memory_space<hbm>> -> memref<10240x16xf32, #tpu.memory_space<hbm>>
    tpu.wait_indirect_dma semaphore(%arg13 : memref<!tpu.dma_semaphore, #tpu.memory_space<semaphore_mem>>) src(%dma_wait3A_208 : memref<10240x16xf32, #tpu.memory_space<hbm>>) dst(%dma_wait3A_202 : memref<2048x16xf32, #tpu.memory_space<vmem>>)
    %dma_wait3A_209 = arith.constant 1 : i32
    %dma_wait3A_210 = arith.constant 0 : i32
    %dma_wait3A_211 = arith.constant 0 : i32
    %dma_wait3A_212 = arith.constant 0 : i32
    %dma_wait3A_213 = tpu.memref_slice %arg11[%dma_wait3A_209, %dma_wait3A_211, %dma_wait3A_212] : memref<2x2048x16xf32, #tpu.memory_space<vmem>> -> memref<1x2048x16xf32, #tpu.memory_space<vmem>>
    %dma_wait3A_214 = tpu.memref_squeeze %dma_wait3A_213 : memref<1x2048x16xf32, #tpu.memory_space<vmem>> -> memref<2048x16xf32, #tpu.memory_space<vmem>>
    %dma_wait3A_215 = arith.constant 0 : i32
    %dma_wait3A_216 = tpu.memref_slice %arg10[%dma_wait3A_210, %dma_wait3A_215] : memref<5x2048xi32, #tpu.memory_space<vmem>> -> memref<1x2048xi32, #tpu.memory_space<vmem>>
    %dma_wait3A_217 = tpu.memref_squeeze %dma_wait3A_216 : memref<1x2048xi32, #tpu.memory_space<vmem>> -> memref<2048xi32, #tpu.memory_space<vmem>>
    %dma_wait3A_218 = arith.constant 0 : i32
    %dma_wait3A_219 = arith.constant 0 : i32
    %dma_wait3A_220 = tpu.memref_slice %arg7[%dma_wait3A_218, %dma_wait3A_219] : memref<10240x16xf32, #tpu.memory_space<vmem_shared>> -> memref<10240x16xf32, #tpu.memory_space<vmem_shared>>
    tpu.wait_indirect_dma semaphore(%arg14 : memref<!tpu.dma_semaphore, #tpu.memory_space<semaphore_mem>>) src(%dma_wait3A_214 : memref<2048x16xf32, #tpu.memory_space<vmem>>) dst(%dma_wait3A_220 : memref<10240x16xf32, #tpu.memory_space<vmem_shared>>)
    %dma_start3A_221 = arith.constant 0 : i32
    %dma_start3A_222 = arith.constant 4 : i32
    %dma_start3A_223 = arith.constant 0 : i32
    %dma_start3A_224 = arith.constant 0 : i32
    %dma_start3A_225 = tpu.memref_slice %arg11[%dma_start3A_221, %dma_start3A_223, %dma_start3A_224] : memref<2x2048x16xf32, #tpu.memory_space<vmem>> -> memref<1x2048x16xf32, #tpu.memory_space<vmem>>
    %dma_start3A_226 = tpu.memref_squeeze %dma_start3A_225 : memref<1x2048x16xf32, #tpu.memory_space<vmem>> -> memref<2048x16xf32, #tpu.memory_space<vmem>>
    %dma_start3A_227 = arith.constant 0 : i32
    %dma_start3A_228 = tpu.memref_slice %arg10[%dma_start3A_222, %dma_start3A_227] : memref<5x2048xi32, #tpu.memory_space<vmem>> -> memref<1x2048xi32, #tpu.memory_space<vmem>>
    %dma_start3A_229 = tpu.memref_squeeze %dma_start3A_228 : memref<1x2048xi32, #tpu.memory_space<vmem>> -> memref<2048xi32, #tpu.memory_space<vmem>>
    %dma_start3A_230 = arith.constant 0 : i32
    %dma_start3A_231 = arith.constant 0 : i32
    %dma_start3A_232 = tpu.memref_slice %arg7[%dma_start3A_230, %dma_start3A_231] : memref<10240x16xf32, #tpu.memory_space<vmem_shared>> -> memref<10240x16xf32, #tpu.memory_space<vmem_shared>>
    tpu.enqueue_indirect_dma source(%dma_start3A_226 : memref<2048x16xf32, #tpu.memory_space<vmem>>) target(%dma_start3A_232 : memref<10240x16xf32, #tpu.memory_space<vmem_shared>>) offsets(%dma_start3A_229 : memref<2048xi32, #tpu.memory_space<vmem>>) semaphore(%arg14 : memref<!tpu.dma_semaphore, #tpu.memory_space<semaphore_mem>>) {add = true}
    %dma_wait3A_233 = arith.constant 0 : i32
    %dma_wait3A_234 = arith.constant 0 : i32
    %dma_wait3A_235 = arith.constant 0 : i32
    %dma_wait3A_236 = arith.constant 0 : i32
    %dma_wait3A_237 = tpu.memref_slice %arg11[%dma_wait3A_233, %dma_wait3A_235, %dma_wait3A_236] : memref<2x2048x16xf32, #tpu.memory_space<vmem>> -> memref<1x2048x16xf32, #tpu.memory_space<vmem>>
    %dma_wait3A_238 = tpu.memref_squeeze %dma_wait3A_237 : memref<1x2048x16xf32, #tpu.memory_space<vmem>> -> memref<2048x16xf32, #tpu.memory_space<vmem>>
    %dma_wait3A_239 = arith.constant 0 : i32
    %dma_wait3A_240 = tpu.memref_slice %arg10[%dma_wait3A_234, %dma_wait3A_239] : memref<5x2048xi32, #tpu.memory_space<vmem>> -> memref<1x2048xi32, #tpu.memory_space<vmem>>
    %dma_wait3A_241 = tpu.memref_squeeze %dma_wait3A_240 : memref<1x2048xi32, #tpu.memory_space<vmem>> -> memref<2048xi32, #tpu.memory_space<vmem>>
    %dma_wait3A_242 = arith.constant 0 : i32
    %dma_wait3A_243 = arith.constant 0 : i32
    %dma_wait3A_244 = tpu.memref_slice %arg7[%dma_wait3A_242, %dma_wait3A_243] : memref<10240x16xf32, #tpu.memory_space<vmem_shared>> -> memref<10240x16xf32, #tpu.memory_space<vmem_shared>>
    tpu.wait_indirect_dma semaphore(%arg14 : memref<!tpu.dma_semaphore, #tpu.memory_space<semaphore_mem>>) src(%dma_wait3A_238 : memref<2048x16xf32, #tpu.memory_space<vmem>>) dst(%dma_wait3A_244 : memref<10240x16xf32, #tpu.memory_space<vmem_shared>>)
    %barrier3A_245 = arith.constant 0 : index
    tpu.barrier barrier_id(%barrier3A_245)
    %mul3A_246 = arith.constant 640 : i32
    %mul3A_247 = arith.muli %arg1, %mul3A_246 : i32
    "tpu.region"() ({
      %run_scoped3A = tpu.sem_alloc : memref<!tpu.dma_semaphore, #tpu.memory_space<semaphore_mem>>
      %dma_start3A_250 = arith.constant 0 : i32
      %dma_start3A_251 = tpu.memref_slice %arg7[%mul3A_247, %dma_start3A_250] : memref<10240x16xf32, #tpu.memory_space<vmem_shared>> -> memref<640x16xf32, #tpu.memory_space<vmem_shared>>
      %dma_start3A_252 = arith.constant 0 : i32
      %dma_start3A_253 = tpu.memref_slice %arg7[%mul3A_247, %dma_start3A_252] : memref<10240x16xf32, #tpu.memory_space<vmem_shared>> -> memref<640x16xf32, #tpu.memory_space<vmem_shared>>
      tpu.enqueue_dma source(%dma_start3A_253 : memref<640x16xf32, #tpu.memory_space<vmem_shared>>) target(%arg12 : memref<640x16xf32, #tpu.memory_space<vmem>>) target_semaphore(%run_scoped3A : memref<!tpu.dma_semaphore, #tpu.memory_space<semaphore_mem>>)
      %dma_wait3A_254 = arith.constant 0 : i32
      %dma_wait3A_255 = tpu.memref_slice %arg7[%mul3A_247, %dma_wait3A_254] : memref<10240x16xf32, #tpu.memory_space<vmem_shared>> -> memref<640x16xf32, #tpu.memory_space<vmem_shared>>
      %dma_wait3A_256 = arith.constant 0 : i32
      %dma_wait3A_257 = tpu.memref_slice %arg7[%mul3A_247, %dma_wait3A_256] : memref<10240x16xf32, #tpu.memory_space<vmem_shared>> -> memref<640x16xf32, #tpu.memory_space<vmem_shared>>
      tpu.wait_dma2 semaphore(%run_scoped3A : memref<!tpu.dma_semaphore, #tpu.memory_space<semaphore_mem>>) src(%dma_wait3A_257 : memref<640x16xf32, #tpu.memory_space<vmem_shared>>) dst(%arg12 : memref<640x16xf32, #tpu.memory_space<vmem>>)
      tpu.yield
    }) : () -> ()
    %mul3A_248 = arith.constant 640 : i32
    %mul3A_249 = arith.muli %arg1, %mul3A_248 : i32
    "tpu.region"() ({
      %run_scoped3A = tpu.sem_alloc : memref<!tpu.dma_semaphore, #tpu.memory_space<semaphore_mem>>
      %dma_start3A_250 = arith.constant 0 : i32
      %dma_start3A_251 = tpu.memref_slice %arg6[%arg0, %mul3A_249, %dma_start3A_250] : memref<2x10240x16xf32, #tpu.memory_space<hbm>> -> memref<1x640x16xf32, #tpu.memory_space<hbm>>
      %dma_start3A_252 = tpu.memref_squeeze %dma_start3A_251 : memref<1x640x16xf32, #tpu.memory_space<hbm>> -> memref<640x16xf32, #tpu.memory_space<hbm>>
      %dma_start3A_253 = arith.constant 0 : i32
      %dma_start3A_254 = tpu.memref_slice %arg6[%arg0, %mul3A_249, %dma_start3A_253] : memref<2x10240x16xf32, #tpu.memory_space<hbm>> -> memref<1x640x16xf32, #tpu.memory_space<hbm>>
      %dma_start3A_255 = tpu.memref_squeeze %dma_start3A_254 : memref<1x640x16xf32, #tpu.memory_space<hbm>> -> memref<640x16xf32, #tpu.memory_space<hbm>>
      tpu.enqueue_dma source(%arg12 : memref<640x16xf32, #tpu.memory_space<vmem>>) target(%dma_start3A_255 : memref<640x16xf32, #tpu.memory_space<hbm>>) target_semaphore(%run_scoped3A : memref<!tpu.dma_semaphore, #tpu.memory_space<semaphore_mem>>)
      %dma_wait3A_256 = arith.constant 0 : i32
      %dma_wait3A_257 = tpu.memref_slice %arg6[%arg0, %mul3A_249, %dma_wait3A_256] : memref<2x10240x16xf32, #tpu.memory_space<hbm>> -> memref<1x640x16xf32, #tpu.memory_space<hbm>>
      %dma_wait3A_258 = tpu.memref_squeeze %dma_wait3A_257 : memref<1x640x16xf32, #tpu.memory_space<hbm>> -> memref<640x16xf32, #tpu.memory_space<hbm>>
      %dma_wait3A_259 = arith.constant 0 : i32
      %dma_wait3A_260 = tpu.memref_slice %arg6[%arg0, %mul3A_249, %dma_wait3A_259] : memref<2x10240x16xf32, #tpu.memory_space<hbm>> -> memref<1x640x16xf32, #tpu.memory_space<hbm>>
      %dma_wait3A_261 = tpu.memref_squeeze %dma_wait3A_260 : memref<1x640x16xf32, #tpu.memory_space<hbm>> -> memref<640x16xf32, #tpu.memory_space<hbm>>
      tpu.wait_dma2 semaphore(%run_scoped3A : memref<!tpu.dma_semaphore, #tpu.memory_space<semaphore_mem>>) src(%arg12 : memref<640x16xf32, #tpu.memory_space<vmem>>) dst(%dma_wait3A_261 : memref<640x16xf32, #tpu.memory_space<hbm>>)
      tpu.yield
    }) : () -> ()
    return
  }
}

#map = affine_map<(d0, d1) -> (0, 0)>
#map1 = affine_map<(d0, d1) -> (0, 0, 0)>
module attributes {stable_mosaic.version = 14 : i64} {
  func.func @_sc_deg_body(%arg0: i32, %arg1: i32, %arg2: memref<2048x16xf32, #tpu.memory_space<hbm>>, %arg3: memref<32x5x2048xi32, #tpu.memory_space<hbm>>, %arg4: memref<10240x16xf32, #tpu.memory_space<hbm>>, %arg5: memref<2x10240x16xf32, #tpu.memory_space<hbm>>, %arg6: memref<10240x16xf32, #tpu.memory_space<vmem_shared>>, %arg7: memref<5x2048xi32, #tpu.memory_space<vmem>>, %arg8: memref<2048x16xf32, #tpu.memory_space<vmem>>, %arg9: memref<640x16xf32, #tpu.memory_space<vmem>>, %arg10: memref<!tpu.dma_semaphore, #tpu.memory_space<semaphore_mem>>) attributes {dimension_semantics = [#tpu.dimension_semantics<core_parallel>, #tpu.dimension_semantics<subcore_parallel>], iteration_bounds = array<i64: 2, 16>, scalar_prefetch = 0 : i64, scratch_operands = 5 : i64, tpu.core_type = #tpu.core_type<sc_vector_subcore>, window_params = [{transform_indices = #map}, {transform_indices = #map1}, {transform_indices = #map}, {transform_indices = #map1}]} {
    %mul3A = arith.constant 16 : i32
    %mul3A_0 = arith.muli %arg0, %mul3A : i32
    %add3A = arith.addi %mul3A_0, %arg1 : i32
    %mul3A_1 = arith.constant 640 : i32
    %mul3A_2 = arith.muli %arg1, %mul3A_1 : i32
    "tpu.region"() ({
      %run_scoped3A = tpu.sem_alloc : memref<!tpu.dma_semaphore, #tpu.memory_space<semaphore_mem>>
      %dma_start3A_78 = arith.constant 0 : i32
      %dma_start3A_79 = tpu.memref_slice %arg4[%mul3A_2, %dma_start3A_78] : memref<10240x16xf32, #tpu.memory_space<hbm>> -> memref<640x16xf32, #tpu.memory_space<hbm>>
      %dma_start3A_80 = arith.constant 0 : i32
      %dma_start3A_81 = tpu.memref_slice %arg4[%mul3A_2, %dma_start3A_80] : memref<10240x16xf32, #tpu.memory_space<hbm>> -> memref<640x16xf32, #tpu.memory_space<hbm>>
      tpu.enqueue_dma source(%dma_start3A_81 : memref<640x16xf32, #tpu.memory_space<hbm>>) target(%arg9 : memref<640x16xf32, #tpu.memory_space<vmem>>) target_semaphore(%run_scoped3A : memref<!tpu.dma_semaphore, #tpu.memory_space<semaphore_mem>>)
      %dma_wait3A_82 = arith.constant 0 : i32
      %dma_wait3A_83 = tpu.memref_slice %arg4[%mul3A_2, %dma_wait3A_82] : memref<10240x16xf32, #tpu.memory_space<hbm>> -> memref<640x16xf32, #tpu.memory_space<hbm>>
      %dma_wait3A_84 = arith.constant 0 : i32
      %dma_wait3A_85 = tpu.memref_slice %arg4[%mul3A_2, %dma_wait3A_84] : memref<10240x16xf32, #tpu.memory_space<hbm>> -> memref<640x16xf32, #tpu.memory_space<hbm>>
      tpu.wait_dma2 semaphore(%run_scoped3A : memref<!tpu.dma_semaphore, #tpu.memory_space<semaphore_mem>>) src(%dma_wait3A_85 : memref<640x16xf32, #tpu.memory_space<hbm>>) dst(%arg9 : memref<640x16xf32, #tpu.memory_space<vmem>>)
      tpu.yield
    }) : () -> ()
    %mul3A_3 = arith.constant 640 : i32
    %mul3A_4 = arith.muli %arg1, %mul3A_3 : i32
    "tpu.region"() ({
      %run_scoped3A = tpu.sem_alloc : memref<!tpu.dma_semaphore, #tpu.memory_space<semaphore_mem>>
      %dma_start3A_78 = arith.constant 0 : i32
      %dma_start3A_79 = tpu.memref_slice %arg6[%mul3A_4, %dma_start3A_78] : memref<10240x16xf32, #tpu.memory_space<vmem_shared>> -> memref<640x16xf32, #tpu.memory_space<vmem_shared>>
      %dma_start3A_80 = arith.constant 0 : i32
      %dma_start3A_81 = tpu.memref_slice %arg6[%mul3A_4, %dma_start3A_80] : memref<10240x16xf32, #tpu.memory_space<vmem_shared>> -> memref<640x16xf32, #tpu.memory_space<vmem_shared>>
      tpu.enqueue_dma source(%arg9 : memref<640x16xf32, #tpu.memory_space<vmem>>) target(%dma_start3A_81 : memref<640x16xf32, #tpu.memory_space<vmem_shared>>) target_semaphore(%run_scoped3A : memref<!tpu.dma_semaphore, #tpu.memory_space<semaphore_mem>>)
      %dma_wait3A_82 = arith.constant 0 : i32
      %dma_wait3A_83 = tpu.memref_slice %arg6[%mul3A_4, %dma_wait3A_82] : memref<10240x16xf32, #tpu.memory_space<vmem_shared>> -> memref<640x16xf32, #tpu.memory_space<vmem_shared>>
      %dma_wait3A_84 = arith.constant 0 : i32
      %dma_wait3A_85 = tpu.memref_slice %arg6[%mul3A_4, %dma_wait3A_84] : memref<10240x16xf32, #tpu.memory_space<vmem_shared>> -> memref<640x16xf32, #tpu.memory_space<vmem_shared>>
      tpu.wait_dma2 semaphore(%run_scoped3A : memref<!tpu.dma_semaphore, #tpu.memory_space<semaphore_mem>>) src(%arg9 : memref<640x16xf32, #tpu.memory_space<vmem>>) dst(%dma_wait3A_85 : memref<640x16xf32, #tpu.memory_space<vmem_shared>>)
      tpu.yield
    }) : () -> ()
    "tpu.region"() ({
      %run_scoped3A = tpu.sem_alloc : memref<!tpu.dma_semaphore, #tpu.memory_space<semaphore_mem>>
      %dma_start3A_78 = arith.constant 0 : i32
      %dma_start3A_79 = arith.constant 0 : i32
      %dma_start3A_80 = tpu.memref_slice %arg3[%add3A, %dma_start3A_78, %dma_start3A_79] : memref<32x5x2048xi32, #tpu.memory_space<hbm>> -> memref<1x5x2048xi32, #tpu.memory_space<hbm>>
      %dma_start3A_81 = tpu.memref_squeeze %dma_start3A_80 : memref<1x5x2048xi32, #tpu.memory_space<hbm>> -> memref<5x2048xi32, #tpu.memory_space<hbm>>
      %dma_start3A_82 = arith.constant 0 : i32
      %dma_start3A_83 = arith.constant 0 : i32
      %dma_start3A_84 = tpu.memref_slice %arg3[%add3A, %dma_start3A_82, %dma_start3A_83] : memref<32x5x2048xi32, #tpu.memory_space<hbm>> -> memref<1x5x2048xi32, #tpu.memory_space<hbm>>
      %dma_start3A_85 = tpu.memref_squeeze %dma_start3A_84 : memref<1x5x2048xi32, #tpu.memory_space<hbm>> -> memref<5x2048xi32, #tpu.memory_space<hbm>>
      tpu.enqueue_dma source(%dma_start3A_85 : memref<5x2048xi32, #tpu.memory_space<hbm>>) target(%arg7 : memref<5x2048xi32, #tpu.memory_space<vmem>>) target_semaphore(%run_scoped3A : memref<!tpu.dma_semaphore, #tpu.memory_space<semaphore_mem>>)
      %dma_wait3A_86 = arith.constant 0 : i32
      %dma_wait3A_87 = arith.constant 0 : i32
      %dma_wait3A_88 = tpu.memref_slice %arg3[%add3A, %dma_wait3A_86, %dma_wait3A_87] : memref<32x5x2048xi32, #tpu.memory_space<hbm>> -> memref<1x5x2048xi32, #tpu.memory_space<hbm>>
      %dma_wait3A_89 = tpu.memref_squeeze %dma_wait3A_88 : memref<1x5x2048xi32, #tpu.memory_space<hbm>> -> memref<5x2048xi32, #tpu.memory_space<hbm>>
      %dma_wait3A_90 = arith.constant 0 : i32
      %dma_wait3A_91 = arith.constant 0 : i32
      %dma_wait3A_92 = tpu.memref_slice %arg3[%add3A, %dma_wait3A_90, %dma_wait3A_91] : memref<32x5x2048xi32, #tpu.memory_space<hbm>> -> memref<1x5x2048xi32, #tpu.memory_space<hbm>>
      %dma_wait3A_93 = tpu.memref_squeeze %dma_wait3A_92 : memref<1x5x2048xi32, #tpu.memory_space<hbm>> -> memref<5x2048xi32, #tpu.memory_space<hbm>>
      tpu.wait_dma2 semaphore(%run_scoped3A : memref<!tpu.dma_semaphore, #tpu.memory_space<semaphore_mem>>) src(%dma_wait3A_93 : memref<5x2048xi32, #tpu.memory_space<hbm>>) dst(%arg7 : memref<5x2048xi32, #tpu.memory_space<vmem>>)
      tpu.yield
    }) : () -> ()
    "tpu.region"() ({
      %run_scoped3A = tpu.sem_alloc : memref<!tpu.dma_semaphore, #tpu.memory_space<semaphore_mem>>
      tpu.enqueue_dma source(%arg2 : memref<2048x16xf32, #tpu.memory_space<hbm>>) target(%arg8 : memref<2048x16xf32, #tpu.memory_space<vmem>>) target_semaphore(%run_scoped3A : memref<!tpu.dma_semaphore, #tpu.memory_space<semaphore_mem>>)
      tpu.wait_dma2 semaphore(%run_scoped3A : memref<!tpu.dma_semaphore, #tpu.memory_space<semaphore_mem>>) src(%arg2 : memref<2048x16xf32, #tpu.memory_space<hbm>>) dst(%arg8 : memref<2048x16xf32, #tpu.memory_space<vmem>>)
      tpu.yield
    }) : () -> ()
    %barrier3A = arith.constant 0 : index
    tpu.barrier barrier_id(%barrier3A)
    %dma_start3A = arith.constant 0 : i32
    %dma_start3A_5 = arith.constant 0 : i32
    %dma_start3A_6 = tpu.memref_slice %arg7[%dma_start3A, %dma_start3A_5] : memref<5x2048xi32, #tpu.memory_space<vmem>> -> memref<1x2048xi32, #tpu.memory_space<vmem>>
    %dma_start3A_7 = tpu.memref_squeeze %dma_start3A_6 : memref<1x2048xi32, #tpu.memory_space<vmem>> -> memref<2048xi32, #tpu.memory_space<vmem>>
    %dma_start3A_8 = arith.constant 0 : i32
    %dma_start3A_9 = arith.constant 0 : i32
    %dma_start3A_10 = tpu.memref_slice %arg6[%dma_start3A_8, %dma_start3A_9] : memref<10240x16xf32, #tpu.memory_space<vmem_shared>> -> memref<10240x16xf32, #tpu.memory_space<vmem_shared>>
    tpu.enqueue_indirect_dma source(%arg8 : memref<2048x16xf32, #tpu.memory_space<vmem>>) target(%dma_start3A_10 : memref<10240x16xf32, #tpu.memory_space<vmem_shared>>) offsets(%dma_start3A_7 : memref<2048xi32, #tpu.memory_space<vmem>>) semaphore(%arg10 : memref<!tpu.dma_semaphore, #tpu.memory_space<semaphore_mem>>) {add = true}
    %dma_start3A_11 = arith.constant 1 : i32
    %dma_start3A_12 = arith.constant 0 : i32
    %dma_start3A_13 = tpu.memref_slice %arg7[%dma_start3A_11, %dma_start3A_12] : memref<5x2048xi32, #tpu.memory_space<vmem>> -> memref<1x2048xi32, #tpu.memory_space<vmem>>
    %dma_start3A_14 = tpu.memref_squeeze %dma_start3A_13 : memref<1x2048xi32, #tpu.memory_space<vmem>> -> memref<2048xi32, #tpu.memory_space<vmem>>
    %dma_start3A_15 = arith.constant 0 : i32
    %dma_start3A_16 = arith.constant 0 : i32
    %dma_start3A_17 = tpu.memref_slice %arg6[%dma_start3A_15, %dma_start3A_16] : memref<10240x16xf32, #tpu.memory_space<vmem_shared>> -> memref<10240x16xf32, #tpu.memory_space<vmem_shared>>
    tpu.enqueue_indirect_dma source(%arg8 : memref<2048x16xf32, #tpu.memory_space<vmem>>) target(%dma_start3A_17 : memref<10240x16xf32, #tpu.memory_space<vmem_shared>>) offsets(%dma_start3A_14 : memref<2048xi32, #tpu.memory_space<vmem>>) semaphore(%arg10 : memref<!tpu.dma_semaphore, #tpu.memory_space<semaphore_mem>>) {add = true}
    %dma_start3A_18 = arith.constant 2 : i32
    %dma_start3A_19 = arith.constant 0 : i32
    %dma_start3A_20 = tpu.memref_slice %arg7[%dma_start3A_18, %dma_start3A_19] : memref<5x2048xi32, #tpu.memory_space<vmem>> -> memref<1x2048xi32, #tpu.memory_space<vmem>>
    %dma_start3A_21 = tpu.memref_squeeze %dma_start3A_20 : memref<1x2048xi32, #tpu.memory_space<vmem>> -> memref<2048xi32, #tpu.memory_space<vmem>>
    %dma_start3A_22 = arith.constant 0 : i32
    %dma_start3A_23 = arith.constant 0 : i32
    %dma_start3A_24 = tpu.memref_slice %arg6[%dma_start3A_22, %dma_start3A_23] : memref<10240x16xf32, #tpu.memory_space<vmem_shared>> -> memref<10240x16xf32, #tpu.memory_space<vmem_shared>>
    tpu.enqueue_indirect_dma source(%arg8 : memref<2048x16xf32, #tpu.memory_space<vmem>>) target(%dma_start3A_24 : memref<10240x16xf32, #tpu.memory_space<vmem_shared>>) offsets(%dma_start3A_21 : memref<2048xi32, #tpu.memory_space<vmem>>) semaphore(%arg10 : memref<!tpu.dma_semaphore, #tpu.memory_space<semaphore_mem>>) {add = true}
    %dma_start3A_25 = arith.constant 3 : i32
    %dma_start3A_26 = arith.constant 0 : i32
    %dma_start3A_27 = tpu.memref_slice %arg7[%dma_start3A_25, %dma_start3A_26] : memref<5x2048xi32, #tpu.memory_space<vmem>> -> memref<1x2048xi32, #tpu.memory_space<vmem>>
    %dma_start3A_28 = tpu.memref_squeeze %dma_start3A_27 : memref<1x2048xi32, #tpu.memory_space<vmem>> -> memref<2048xi32, #tpu.memory_space<vmem>>
    %dma_start3A_29 = arith.constant 0 : i32
    %dma_start3A_30 = arith.constant 0 : i32
    %dma_start3A_31 = tpu.memref_slice %arg6[%dma_start3A_29, %dma_start3A_30] : memref<10240x16xf32, #tpu.memory_space<vmem_shared>> -> memref<10240x16xf32, #tpu.memory_space<vmem_shared>>
    tpu.enqueue_indirect_dma source(%arg8 : memref<2048x16xf32, #tpu.memory_space<vmem>>) target(%dma_start3A_31 : memref<10240x16xf32, #tpu.memory_space<vmem_shared>>) offsets(%dma_start3A_28 : memref<2048xi32, #tpu.memory_space<vmem>>) semaphore(%arg10 : memref<!tpu.dma_semaphore, #tpu.memory_space<semaphore_mem>>) {add = true}
    %dma_start3A_32 = arith.constant 4 : i32
    %dma_start3A_33 = arith.constant 0 : i32
    %dma_start3A_34 = tpu.memref_slice %arg7[%dma_start3A_32, %dma_start3A_33] : memref<5x2048xi32, #tpu.memory_space<vmem>> -> memref<1x2048xi32, #tpu.memory_space<vmem>>
    %dma_start3A_35 = tpu.memref_squeeze %dma_start3A_34 : memref<1x2048xi32, #tpu.memory_space<vmem>> -> memref<2048xi32, #tpu.memory_space<vmem>>
    %dma_start3A_36 = arith.constant 0 : i32
    %dma_start3A_37 = arith.constant 0 : i32
    %dma_start3A_38 = tpu.memref_slice %arg6[%dma_start3A_36, %dma_start3A_37] : memref<10240x16xf32, #tpu.memory_space<vmem_shared>> -> memref<10240x16xf32, #tpu.memory_space<vmem_shared>>
    tpu.enqueue_indirect_dma source(%arg8 : memref<2048x16xf32, #tpu.memory_space<vmem>>) target(%dma_start3A_38 : memref<10240x16xf32, #tpu.memory_space<vmem_shared>>) offsets(%dma_start3A_35 : memref<2048xi32, #tpu.memory_space<vmem>>) semaphore(%arg10 : memref<!tpu.dma_semaphore, #tpu.memory_space<semaphore_mem>>) {add = true}
    %dma_wait3A = arith.constant 0 : i32
    %dma_wait3A_39 = arith.constant 0 : i32
    %dma_wait3A_40 = tpu.memref_slice %arg7[%dma_wait3A, %dma_wait3A_39] : memref<5x2048xi32, #tpu.memory_space<vmem>> -> memref<1x2048xi32, #tpu.memory_space<vmem>>
    %dma_wait3A_41 = tpu.memref_squeeze %dma_wait3A_40 : memref<1x2048xi32, #tpu.memory_space<vmem>> -> memref<2048xi32, #tpu.memory_space<vmem>>
    %dma_wait3A_42 = arith.constant 0 : i32
    %dma_wait3A_43 = arith.constant 0 : i32
    %dma_wait3A_44 = tpu.memref_slice %arg6[%dma_wait3A_42, %dma_wait3A_43] : memref<10240x16xf32, #tpu.memory_space<vmem_shared>> -> memref<10240x16xf32, #tpu.memory_space<vmem_shared>>
    tpu.wait_indirect_dma semaphore(%arg10 : memref<!tpu.dma_semaphore, #tpu.memory_space<semaphore_mem>>) src(%arg8 : memref<2048x16xf32, #tpu.memory_space<vmem>>) dst(%dma_wait3A_44 : memref<10240x16xf32, #tpu.memory_space<vmem_shared>>)
    %dma_wait3A_45 = arith.constant 0 : i32
    %dma_wait3A_46 = arith.constant 0 : i32
    %dma_wait3A_47 = tpu.memref_slice %arg7[%dma_wait3A_45, %dma_wait3A_46] : memref<5x2048xi32, #tpu.memory_space<vmem>> -> memref<1x2048xi32, #tpu.memory_space<vmem>>
    %dma_wait3A_48 = tpu.memref_squeeze %dma_wait3A_47 : memref<1x2048xi32, #tpu.memory_space<vmem>> -> memref<2048xi32, #tpu.memory_space<vmem>>
    %dma_wait3A_49 = arith.constant 0 : i32
    %dma_wait3A_50 = arith.constant 0 : i32
    %dma_wait3A_51 = tpu.memref_slice %arg6[%dma_wait3A_49, %dma_wait3A_50] : memref<10240x16xf32, #tpu.memory_space<vmem_shared>> -> memref<10240x16xf32, #tpu.memory_space<vmem_shared>>
    tpu.wait_indirect_dma semaphore(%arg10 : memref<!tpu.dma_semaphore, #tpu.memory_space<semaphore_mem>>) src(%arg8 : memref<2048x16xf32, #tpu.memory_space<vmem>>) dst(%dma_wait3A_51 : memref<10240x16xf32, #tpu.memory_space<vmem_shared>>)
    %dma_wait3A_52 = arith.constant 0 : i32
    %dma_wait3A_53 = arith.constant 0 : i32
    %dma_wait3A_54 = tpu.memref_slice %arg7[%dma_wait3A_52, %dma_wait3A_53] : memref<5x2048xi32, #tpu.memory_space<vmem>> -> memref<1x2048xi32, #tpu.memory_space<vmem>>
    %dma_wait3A_55 = tpu.memref_squeeze %dma_wait3A_54 : memref<1x2048xi32, #tpu.memory_space<vmem>> -> memref<2048xi32, #tpu.memory_space<vmem>>
    %dma_wait3A_56 = arith.constant 0 : i32
    %dma_wait3A_57 = arith.constant 0 : i32
    %dma_wait3A_58 = tpu.memref_slice %arg6[%dma_wait3A_56, %dma_wait3A_57] : memref<10240x16xf32, #tpu.memory_space<vmem_shared>> -> memref<10240x16xf32, #tpu.memory_space<vmem_shared>>
    tpu.wait_indirect_dma semaphore(%arg10 : memref<!tpu.dma_semaphore, #tpu.memory_space<semaphore_mem>>) src(%arg8 : memref<2048x16xf32, #tpu.memory_space<vmem>>) dst(%dma_wait3A_58 : memref<10240x16xf32, #tpu.memory_space<vmem_shared>>)
    %dma_wait3A_59 = arith.constant 0 : i32
    %dma_wait3A_60 = arith.constant 0 : i32
    %dma_wait3A_61 = tpu.memref_slice %arg7[%dma_wait3A_59, %dma_wait3A_60] : memref<5x2048xi32, #tpu.memory_space<vmem>> -> memref<1x2048xi32, #tpu.memory_space<vmem>>
    %dma_wait3A_62 = tpu.memref_squeeze %dma_wait3A_61 : memref<1x2048xi32, #tpu.memory_space<vmem>> -> memref<2048xi32, #tpu.memory_space<vmem>>
    %dma_wait3A_63 = arith.constant 0 : i32
    %dma_wait3A_64 = arith.constant 0 : i32
    %dma_wait3A_65 = tpu.memref_slice %arg6[%dma_wait3A_63, %dma_wait3A_64] : memref<10240x16xf32, #tpu.memory_space<vmem_shared>> -> memref<10240x16xf32, #tpu.memory_space<vmem_shared>>
    tpu.wait_indirect_dma semaphore(%arg10 : memref<!tpu.dma_semaphore, #tpu.memory_space<semaphore_mem>>) src(%arg8 : memref<2048x16xf32, #tpu.memory_space<vmem>>) dst(%dma_wait3A_65 : memref<10240x16xf32, #tpu.memory_space<vmem_shared>>)
    %dma_wait3A_66 = arith.constant 0 : i32
    %dma_wait3A_67 = arith.constant 0 : i32
    %dma_wait3A_68 = tpu.memref_slice %arg7[%dma_wait3A_66, %dma_wait3A_67] : memref<5x2048xi32, #tpu.memory_space<vmem>> -> memref<1x2048xi32, #tpu.memory_space<vmem>>
    %dma_wait3A_69 = tpu.memref_squeeze %dma_wait3A_68 : memref<1x2048xi32, #tpu.memory_space<vmem>> -> memref<2048xi32, #tpu.memory_space<vmem>>
    %dma_wait3A_70 = arith.constant 0 : i32
    %dma_wait3A_71 = arith.constant 0 : i32
    %dma_wait3A_72 = tpu.memref_slice %arg6[%dma_wait3A_70, %dma_wait3A_71] : memref<10240x16xf32, #tpu.memory_space<vmem_shared>> -> memref<10240x16xf32, #tpu.memory_space<vmem_shared>>
    tpu.wait_indirect_dma semaphore(%arg10 : memref<!tpu.dma_semaphore, #tpu.memory_space<semaphore_mem>>) src(%arg8 : memref<2048x16xf32, #tpu.memory_space<vmem>>) dst(%dma_wait3A_72 : memref<10240x16xf32, #tpu.memory_space<vmem_shared>>)
    %barrier3A_73 = arith.constant 0 : index
    tpu.barrier barrier_id(%barrier3A_73)
    %mul3A_74 = arith.constant 640 : i32
    %mul3A_75 = arith.muli %arg1, %mul3A_74 : i32
    "tpu.region"() ({
      %run_scoped3A = tpu.sem_alloc : memref<!tpu.dma_semaphore, #tpu.memory_space<semaphore_mem>>
      %dma_start3A_78 = arith.constant 0 : i32
      %dma_start3A_79 = tpu.memref_slice %arg6[%mul3A_75, %dma_start3A_78] : memref<10240x16xf32, #tpu.memory_space<vmem_shared>> -> memref<640x16xf32, #tpu.memory_space<vmem_shared>>
      %dma_start3A_80 = arith.constant 0 : i32
      %dma_start3A_81 = tpu.memref_slice %arg6[%mul3A_75, %dma_start3A_80] : memref<10240x16xf32, #tpu.memory_space<vmem_shared>> -> memref<640x16xf32, #tpu.memory_space<vmem_shared>>
      tpu.enqueue_dma source(%dma_start3A_81 : memref<640x16xf32, #tpu.memory_space<vmem_shared>>) target(%arg9 : memref<640x16xf32, #tpu.memory_space<vmem>>) target_semaphore(%run_scoped3A : memref<!tpu.dma_semaphore, #tpu.memory_space<semaphore_mem>>)
      %dma_wait3A_82 = arith.constant 0 : i32
      %dma_wait3A_83 = tpu.memref_slice %arg6[%mul3A_75, %dma_wait3A_82] : memref<10240x16xf32, #tpu.memory_space<vmem_shared>> -> memref<640x16xf32, #tpu.memory_space<vmem_shared>>
      %dma_wait3A_84 = arith.constant 0 : i32
      %dma_wait3A_85 = tpu.memref_slice %arg6[%mul3A_75, %dma_wait3A_84] : memref<10240x16xf32, #tpu.memory_space<vmem_shared>> -> memref<640x16xf32, #tpu.memory_space<vmem_shared>>
      tpu.wait_dma2 semaphore(%run_scoped3A : memref<!tpu.dma_semaphore, #tpu.memory_space<semaphore_mem>>) src(%dma_wait3A_85 : memref<640x16xf32, #tpu.memory_space<vmem_shared>>) dst(%arg9 : memref<640x16xf32, #tpu.memory_space<vmem>>)
      tpu.yield
    }) : () -> ()
    %mul3A_76 = arith.constant 640 : i32
    %mul3A_77 = arith.muli %arg1, %mul3A_76 : i32
    "tpu.region"() ({
      %run_scoped3A = tpu.sem_alloc : memref<!tpu.dma_semaphore, #tpu.memory_space<semaphore_mem>>
      %dma_start3A_78 = arith.constant 0 : i32
      %dma_start3A_79 = tpu.memref_slice %arg5[%arg0, %mul3A_77, %dma_start3A_78] : memref<2x10240x16xf32, #tpu.memory_space<hbm>> -> memref<1x640x16xf32, #tpu.memory_space<hbm>>
      %dma_start3A_80 = tpu.memref_squeeze %dma_start3A_79 : memref<1x640x16xf32, #tpu.memory_space<hbm>> -> memref<640x16xf32, #tpu.memory_space<hbm>>
      %dma_start3A_81 = arith.constant 0 : i32
      %dma_start3A_82 = tpu.memref_slice %arg5[%arg0, %mul3A_77, %dma_start3A_81] : memref<2x10240x16xf32, #tpu.memory_space<hbm>> -> memref<1x640x16xf32, #tpu.memory_space<hbm>>
      %dma_start3A_83 = tpu.memref_squeeze %dma_start3A_82 : memref<1x640x16xf32, #tpu.memory_space<hbm>> -> memref<640x16xf32, #tpu.memory_space<hbm>>
      tpu.enqueue_dma source(%arg9 : memref<640x16xf32, #tpu.memory_space<vmem>>) target(%dma_start3A_83 : memref<640x16xf32, #tpu.memory_space<hbm>>) target_semaphore(%run_scoped3A : memref<!tpu.dma_semaphore, #tpu.memory_space<semaphore_mem>>)
      %dma_wait3A_84 = arith.constant 0 : i32
      %dma_wait3A_85 = tpu.memref_slice %arg5[%arg0, %mul3A_77, %dma_wait3A_84] : memref<2x10240x16xf32, #tpu.memory_space<hbm>> -> memref<1x640x16xf32, #tpu.memory_space<hbm>>
      %dma_wait3A_86 = tpu.memref_squeeze %dma_wait3A_85 : memref<1x640x16xf32, #tpu.memory_space<hbm>> -> memref<640x16xf32, #tpu.memory_space<hbm>>
      %dma_wait3A_87 = arith.constant 0 : i32
      %dma_wait3A_88 = tpu.memref_slice %arg5[%arg0, %mul3A_77, %dma_wait3A_87] : memref<2x10240x16xf32, #tpu.memory_space<hbm>> -> memref<1x640x16xf32, #tpu.memory_space<hbm>>
      %dma_wait3A_89 = tpu.memref_squeeze %dma_wait3A_88 : memref<1x640x16xf32, #tpu.memory_space<hbm>> -> memref<640x16xf32, #tpu.memory_space<hbm>>
      tpu.wait_dma2 semaphore(%run_scoped3A : memref<!tpu.dma_semaphore, #tpu.memory_space<semaphore_mem>>) src(%arg9 : memref<640x16xf32, #tpu.memory_space<vmem>>) dst(%dma_wait3A_89 : memref<640x16xf32, #tpu.memory_space<hbm>>)
      tpu.yield
    }) : () -> ()
    return
  }
}

#map = affine_map<(d0, d1) -> (0, 0)>
#map1 = affine_map<(d0, d1) -> (0, 0, 0)>
module attributes {stable_mosaic.version = 14 : i64} {
  func.func @body(%arg0: i32, %arg1: i32, %arg2: memref<10240x16xf32, #tpu.memory_space<hbm>>, %arg3: memref<32x5x2048xi32, #tpu.memory_space<hbm>>, %arg4: memref<32x5x2048xi32, #tpu.memory_space<hbm>>, %arg5: memref<640x16xf32, #tpu.memory_space<hbm>>, %arg6: memref<2x10240x16xf32, #tpu.memory_space<hbm>>, %arg7: memref<10240x16xf32, #tpu.memory_space<vmem_shared>>, %arg8: memref<10240x16xf32, #tpu.memory_space<vmem_shared>>, %arg9: memref<5x2048xi32, #tpu.memory_space<vmem>>, %arg10: memref<5x2048xi32, #tpu.memory_space<vmem>>, %arg11: memref<2x2048x16xf32, #tpu.memory_space<vmem>>, %arg12: memref<640x16xf32, #tpu.memory_space<vmem>>, %arg13: memref<!tpu.dma_semaphore, #tpu.memory_space<semaphore_mem>>, %arg14: memref<!tpu.dma_semaphore, #tpu.memory_space<semaphore_mem>>) attributes {dimension_semantics = [#tpu.dimension_semantics<core_parallel>, #tpu.dimension_semantics<subcore_parallel>], iteration_bounds = array<i64: 2, 16>, scalar_prefetch = 0 : i64, scratch_operands = 8 : i64, tpu.core_type = #tpu.core_type<sc_vector_subcore>, window_params = [{transform_indices = #map}, {transform_indices = #map1}, {transform_indices = #map1}, {transform_indices = #map}, {transform_indices = #map1}]} {
    %mul3A = arith.constant 16 : i32
    %mul3A_0 = arith.muli %arg0, %mul3A : i32
    %add3A = arith.addi %mul3A_0, %arg1 : i32
    "tpu.region"() ({
      %run_scoped3A = tpu.sem_alloc : memref<!tpu.dma_semaphore, #tpu.memory_space<semaphore_mem>>
      tpu.enqueue_dma source(%arg5 : memref<640x16xf32, #tpu.memory_space<hbm>>) target(%arg12 : memref<640x16xf32, #tpu.memory_space<vmem>>) target_semaphore(%run_scoped3A : memref<!tpu.dma_semaphore, #tpu.memory_space<semaphore_mem>>)
      tpu.wait_dma2 semaphore(%run_scoped3A : memref<!tpu.dma_semaphore, #tpu.memory_space<semaphore_mem>>) src(%arg5 : memref<640x16xf32, #tpu.memory_space<hbm>>) dst(%arg12 : memref<640x16xf32, #tpu.memory_space<vmem>>)
      tpu.yield
    }) : () -> ()
    %mul3A_1 = arith.constant 640 : i32
    %mul3A_2 = arith.muli %arg1, %mul3A_1 : i32
    "tpu.region"() ({
      %run_scoped3A = tpu.sem_alloc : memref<!tpu.dma_semaphore, #tpu.memory_space<semaphore_mem>>
      %dma_start3A_250 = arith.constant 0 : i32
      %dma_start3A_251 = tpu.memref_slice %arg7[%mul3A_2, %dma_start3A_250] : memref<10240x16xf32, #tpu.memory_space<vmem_shared>> -> memref<640x16xf32, #tpu.memory_space<vmem_shared>>
      %dma_start3A_252 = arith.constant 0 : i32
      %dma_start3A_253 = tpu.memref_slice %arg7[%mul3A_2, %dma_start3A_252] : memref<10240x16xf32, #tpu.memory_space<vmem_shared>> -> memref<640x16xf32, #tpu.memory_space<vmem_shared>>
      tpu.enqueue_dma source(%arg12 : memref<640x16xf32, #tpu.memory_space<vmem>>) target(%dma_start3A_253 : memref<640x16xf32, #tpu.memory_space<vmem_shared>>) target_semaphore(%run_scoped3A : memref<!tpu.dma_semaphore, #tpu.memory_space<semaphore_mem>>)
      %dma_wait3A_254 = arith.constant 0 : i32
      %dma_wait3A_255 = tpu.memref_slice %arg7[%mul3A_2, %dma_wait3A_254] : memref<10240x16xf32, #tpu.memory_space<vmem_shared>> -> memref<640x16xf32, #tpu.memory_space<vmem_shared>>
      %dma_wait3A_256 = arith.constant 0 : i32
      %dma_wait3A_257 = tpu.memref_slice %arg7[%mul3A_2, %dma_wait3A_256] : memref<10240x16xf32, #tpu.memory_space<vmem_shared>> -> memref<640x16xf32, #tpu.memory_space<vmem_shared>>
      tpu.wait_dma2 semaphore(%run_scoped3A : memref<!tpu.dma_semaphore, #tpu.memory_space<semaphore_mem>>) src(%arg12 : memref<640x16xf32, #tpu.memory_space<vmem>>) dst(%dma_wait3A_257 : memref<640x16xf32, #tpu.memory_space<vmem_shared>>)
      tpu.yield
    }) : () -> ()
    %mul3A_3 = arith.constant 640 : i32
    %mul3A_4 = arith.muli %arg1, %mul3A_3 : i32
    "tpu.region"() ({
      %run_scoped3A = tpu.sem_alloc : memref<!tpu.dma_semaphore, #tpu.memory_space<semaphore_mem>>
      %dma_start3A_250 = arith.constant 0 : i32
      %dma_start3A_251 = tpu.memref_slice %arg2[%mul3A_4, %dma_start3A_250] : memref<10240x16xf32, #tpu.memory_space<hbm>> -> memref<640x16xf32, #tpu.memory_space<hbm>>
      %dma_start3A_252 = arith.constant 0 : i32
      %dma_start3A_253 = tpu.memref_slice %arg2[%mul3A_4, %dma_start3A_252] : memref<10240x16xf32, #tpu.memory_space<hbm>> -> memref<640x16xf32, #tpu.memory_space<hbm>>
      tpu.enqueue_dma source(%dma_start3A_253 : memref<640x16xf32, #tpu.memory_space<hbm>>) target(%arg12 : memref<640x16xf32, #tpu.memory_space<vmem>>) target_semaphore(%run_scoped3A : memref<!tpu.dma_semaphore, #tpu.memory_space<semaphore_mem>>)
      %dma_wait3A_254 = arith.constant 0 : i32
      %dma_wait3A_255 = tpu.memref_slice %arg2[%mul3A_4, %dma_wait3A_254] : memref<10240x16xf32, #tpu.memory_space<hbm>> -> memref<640x16xf32, #tpu.memory_space<hbm>>
      %dma_wait3A_256 = arith.constant 0 : i32
      %dma_wait3A_257 = tpu.memref_slice %arg2[%mul3A_4, %dma_wait3A_256] : memref<10240x16xf32, #tpu.memory_space<hbm>> -> memref<640x16xf32, #tpu.memory_space<hbm>>
      tpu.wait_dma2 semaphore(%run_scoped3A : memref<!tpu.dma_semaphore, #tpu.memory_space<semaphore_mem>>) src(%dma_wait3A_257 : memref<640x16xf32, #tpu.memory_space<hbm>>) dst(%arg12 : memref<640x16xf32, #tpu.memory_space<vmem>>)
      tpu.yield
    }) : () -> ()
    %mul3A_5 = arith.constant 640 : i32
    %mul3A_6 = arith.muli %arg1, %mul3A_5 : i32
    "tpu.region"() ({
      %run_scoped3A = tpu.sem_alloc : memref<!tpu.dma_semaphore, #tpu.memory_space<semaphore_mem>>
      %dma_start3A_250 = arith.constant 0 : i32
      %dma_start3A_251 = tpu.memref_slice %arg8[%mul3A_6, %dma_start3A_250] : memref<10240x16xf32, #tpu.memory_space<vmem_shared>> -> memref<640x16xf32, #tpu.memory_space<vmem_shared>>
      %dma_start3A_252 = arith.constant 0 : i32
      %dma_start3A_253 = tpu.memref_slice %arg8[%mul3A_6, %dma_start3A_252] : memref<10240x16xf32, #tpu.memory_space<vmem_shared>> -> memref<640x16xf32, #tpu.memory_space<vmem_shared>>
      tpu.enqueue_dma source(%arg12 : memref<640x16xf32, #tpu.memory_space<vmem>>) target(%dma_start3A_253 : memref<640x16xf32, #tpu.memory_space<vmem_shared>>) target_semaphore(%run_scoped3A : memref<!tpu.dma_semaphore, #tpu.memory_space<semaphore_mem>>)
      %dma_wait3A_254 = arith.constant 0 : i32
      %dma_wait3A_255 = tpu.memref_slice %arg8[%mul3A_6, %dma_wait3A_254] : memref<10240x16xf32, #tpu.memory_space<vmem_shared>> -> memref<640x16xf32, #tpu.memory_space<vmem_shared>>
      %dma_wait3A_256 = arith.constant 0 : i32
      %dma_wait3A_257 = tpu.memref_slice %arg8[%mul3A_6, %dma_wait3A_256] : memref<10240x16xf32, #tpu.memory_space<vmem_shared>> -> memref<640x16xf32, #tpu.memory_space<vmem_shared>>
      tpu.wait_dma2 semaphore(%run_scoped3A : memref<!tpu.dma_semaphore, #tpu.memory_space<semaphore_mem>>) src(%arg12 : memref<640x16xf32, #tpu.memory_space<vmem>>) dst(%dma_wait3A_257 : memref<640x16xf32, #tpu.memory_space<vmem_shared>>)
      tpu.yield
    }) : () -> ()
    "tpu.region"() ({
      %run_scoped3A = tpu.sem_alloc : memref<!tpu.dma_semaphore, #tpu.memory_space<semaphore_mem>>
      %dma_start3A_250 = arith.constant 0 : i32
      %dma_start3A_251 = arith.constant 0 : i32
      %dma_start3A_252 = tpu.memref_slice %arg3[%add3A, %dma_start3A_250, %dma_start3A_251] : memref<32x5x2048xi32, #tpu.memory_space<hbm>> -> memref<1x5x2048xi32, #tpu.memory_space<hbm>>
      %dma_start3A_253 = tpu.memref_squeeze %dma_start3A_252 : memref<1x5x2048xi32, #tpu.memory_space<hbm>> -> memref<5x2048xi32, #tpu.memory_space<hbm>>
      %dma_start3A_254 = arith.constant 0 : i32
      %dma_start3A_255 = arith.constant 0 : i32
      %dma_start3A_256 = tpu.memref_slice %arg3[%add3A, %dma_start3A_254, %dma_start3A_255] : memref<32x5x2048xi32, #tpu.memory_space<hbm>> -> memref<1x5x2048xi32, #tpu.memory_space<hbm>>
      %dma_start3A_257 = tpu.memref_squeeze %dma_start3A_256 : memref<1x5x2048xi32, #tpu.memory_space<hbm>> -> memref<5x2048xi32, #tpu.memory_space<hbm>>
      tpu.enqueue_dma source(%dma_start3A_257 : memref<5x2048xi32, #tpu.memory_space<hbm>>) target(%arg9 : memref<5x2048xi32, #tpu.memory_space<vmem>>) target_semaphore(%run_scoped3A : memref<!tpu.dma_semaphore, #tpu.memory_space<semaphore_mem>>)
      %dma_wait3A_258 = arith.constant 0 : i32
      %dma_wait3A_259 = arith.constant 0 : i32
      %dma_wait3A_260 = tpu.memref_slice %arg3[%add3A, %dma_wait3A_258, %dma_wait3A_259] : memref<32x5x2048xi32, #tpu.memory_space<hbm>> -> memref<1x5x2048xi32, #tpu.memory_space<hbm>>
      %dma_wait3A_261 = tpu.memref_squeeze %dma_wait3A_260 : memref<1x5x2048xi32, #tpu.memory_space<hbm>> -> memref<5x2048xi32, #tpu.memory_space<hbm>>
      %dma_wait3A_262 = arith.constant 0 : i32
      %dma_wait3A_263 = arith.constant 0 : i32
      %dma_wait3A_264 = tpu.memref_slice %arg3[%add3A, %dma_wait3A_262, %dma_wait3A_263] : memref<32x5x2048xi32, #tpu.memory_space<hbm>> -> memref<1x5x2048xi32, #tpu.memory_space<hbm>>
      %dma_wait3A_265 = tpu.memref_squeeze %dma_wait3A_264 : memref<1x5x2048xi32, #tpu.memory_space<hbm>> -> memref<5x2048xi32, #tpu.memory_space<hbm>>
      tpu.wait_dma2 semaphore(%run_scoped3A : memref<!tpu.dma_semaphore, #tpu.memory_space<semaphore_mem>>) src(%dma_wait3A_265 : memref<5x2048xi32, #tpu.memory_space<hbm>>) dst(%arg9 : memref<5x2048xi32, #tpu.memory_space<vmem>>)
      tpu.yield
    }) : () -> ()
    "tpu.region"() ({
      %run_scoped3A = tpu.sem_alloc : memref<!tpu.dma_semaphore, #tpu.memory_space<semaphore_mem>>
      %dma_start3A_250 = arith.constant 0 : i32
      %dma_start3A_251 = arith.constant 0 : i32
      %dma_start3A_252 = tpu.memref_slice %arg4[%add3A, %dma_start3A_250, %dma_start3A_251] : memref<32x5x2048xi32, #tpu.memory_space<hbm>> -> memref<1x5x2048xi32, #tpu.memory_space<hbm>>
      %dma_start3A_253 = tpu.memref_squeeze %dma_start3A_252 : memref<1x5x2048xi32, #tpu.memory_space<hbm>> -> memref<5x2048xi32, #tpu.memory_space<hbm>>
      %dma_start3A_254 = arith.constant 0 : i32
      %dma_start3A_255 = arith.constant 0 : i32
      %dma_start3A_256 = tpu.memref_slice %arg4[%add3A, %dma_start3A_254, %dma_start3A_255] : memref<32x5x2048xi32, #tpu.memory_space<hbm>> -> memref<1x5x2048xi32, #tpu.memory_space<hbm>>
      %dma_start3A_257 = tpu.memref_squeeze %dma_start3A_256 : memref<1x5x2048xi32, #tpu.memory_space<hbm>> -> memref<5x2048xi32, #tpu.memory_space<hbm>>
      tpu.enqueue_dma source(%dma_start3A_257 : memref<5x2048xi32, #tpu.memory_space<hbm>>) target(%arg10 : memref<5x2048xi32, #tpu.memory_space<vmem>>) target_semaphore(%run_scoped3A : memref<!tpu.dma_semaphore, #tpu.memory_space<semaphore_mem>>)
      %dma_wait3A_258 = arith.constant 0 : i32
      %dma_wait3A_259 = arith.constant 0 : i32
      %dma_wait3A_260 = tpu.memref_slice %arg4[%add3A, %dma_wait3A_258, %dma_wait3A_259] : memref<32x5x2048xi32, #tpu.memory_space<hbm>> -> memref<1x5x2048xi32, #tpu.memory_space<hbm>>
      %dma_wait3A_261 = tpu.memref_squeeze %dma_wait3A_260 : memref<1x5x2048xi32, #tpu.memory_space<hbm>> -> memref<5x2048xi32, #tpu.memory_space<hbm>>
      %dma_wait3A_262 = arith.constant 0 : i32
      %dma_wait3A_263 = arith.constant 0 : i32
      %dma_wait3A_264 = tpu.memref_slice %arg4[%add3A, %dma_wait3A_262, %dma_wait3A_263] : memref<32x5x2048xi32, #tpu.memory_space<hbm>> -> memref<1x5x2048xi32, #tpu.memory_space<hbm>>
      %dma_wait3A_265 = tpu.memref_squeeze %dma_wait3A_264 : memref<1x5x2048xi32, #tpu.memory_space<hbm>> -> memref<5x2048xi32, #tpu.memory_space<hbm>>
      tpu.wait_dma2 semaphore(%run_scoped3A : memref<!tpu.dma_semaphore, #tpu.memory_space<semaphore_mem>>) src(%dma_wait3A_265 : memref<5x2048xi32, #tpu.memory_space<hbm>>) dst(%arg10 : memref<5x2048xi32, #tpu.memory_space<vmem>>)
      tpu.yield
    }) : () -> ()
    %barrier3A = arith.constant 0 : index
    tpu.barrier barrier_id(%barrier3A)
    %dma_start3A = arith.constant 0 : i32
    %dma_start3A_7 = arith.constant 0 : i32
    %dma_start3A_8 = arith.constant 0 : i32
    %dma_start3A_9 = arith.constant 0 : i32
    %dma_start3A_10 = tpu.memref_slice %arg11[%dma_start3A_7, %dma_start3A_8, %dma_start3A_9] : memref<2x2048x16xf32, #tpu.memory_space<vmem>> -> memref<1x2048x16xf32, #tpu.memory_space<vmem>>
    %dma_start3A_11 = tpu.memref_squeeze %dma_start3A_10 : memref<1x2048x16xf32, #tpu.memory_space<vmem>> -> memref<2048x16xf32, #tpu.memory_space<vmem>>
    %dma_start3A_12 = arith.constant 0 : i32
    %dma_start3A_13 = tpu.memref_slice %arg9[%dma_start3A, %dma_start3A_12] : memref<5x2048xi32, #tpu.memory_space<vmem>> -> memref<1x2048xi32, #tpu.memory_space<vmem>>
    %dma_start3A_14 = tpu.memref_squeeze %dma_start3A_13 : memref<1x2048xi32, #tpu.memory_space<vmem>> -> memref<2048xi32, #tpu.memory_space<vmem>>
    %dma_start3A_15 = arith.constant 0 : i32
    %dma_start3A_16 = arith.constant 0 : i32
    %dma_start3A_17 = tpu.memref_slice %arg8[%dma_start3A_15, %dma_start3A_16] : memref<10240x16xf32, #tpu.memory_space<vmem_shared>> -> memref<10240x16xf32, #tpu.memory_space<vmem_shared>>
    tpu.enqueue_indirect_dma source(%dma_start3A_17 : memref<10240x16xf32, #tpu.memory_space<vmem_shared>>) target(%dma_start3A_11 : memref<2048x16xf32, #tpu.memory_space<vmem>>) offsets(%dma_start3A_14 : memref<2048xi32, #tpu.memory_space<vmem>>) semaphore(%arg13 : memref<!tpu.dma_semaphore, #tpu.memory_space<semaphore_mem>>)
    %dma_wait3A = arith.constant 0 : i32
    %dma_wait3A_18 = arith.constant 0 : i32
    %dma_wait3A_19 = arith.constant 0 : i32
    %dma_wait3A_20 = arith.constant 0 : i32
    %dma_wait3A_21 = tpu.memref_slice %arg11[%dma_wait3A_18, %dma_wait3A_19, %dma_wait3A_20] : memref<2x2048x16xf32, #tpu.memory_space<vmem>> -> memref<1x2048x16xf32, #tpu.memory_space<vmem>>
    %dma_wait3A_22 = tpu.memref_squeeze %dma_wait3A_21 : memref<1x2048x16xf32, #tpu.memory_space<vmem>> -> memref<2048x16xf32, #tpu.memory_space<vmem>>
    %dma_wait3A_23 = arith.constant 0 : i32
    %dma_wait3A_24 = tpu.memref_slice %arg9[%dma_wait3A, %dma_wait3A_23] : memref<5x2048xi32, #tpu.memory_space<vmem>> -> memref<1x2048xi32, #tpu.memory_space<vmem>>
    %dma_wait3A_25 = tpu.memref_squeeze %dma_wait3A_24 : memref<1x2048xi32, #tpu.memory_space<vmem>> -> memref<2048xi32, #tpu.memory_space<vmem>>
    %dma_wait3A_26 = arith.constant 0 : i32
    %dma_wait3A_27 = arith.constant 0 : i32
    %dma_wait3A_28 = tpu.memref_slice %arg2[%dma_wait3A_26, %dma_wait3A_27] : memref<10240x16xf32, #tpu.memory_space<hbm>> -> memref<10240x16xf32, #tpu.memory_space<hbm>>
    tpu.wait_indirect_dma semaphore(%arg13 : memref<!tpu.dma_semaphore, #tpu.memory_space<semaphore_mem>>) src(%dma_wait3A_28 : memref<10240x16xf32, #tpu.memory_space<hbm>>) dst(%dma_wait3A_22 : memref<2048x16xf32, #tpu.memory_space<vmem>>)
    %dma_start3A_29 = arith.constant 0 : i32
    %dma_start3A_30 = arith.constant 0 : i32
    %dma_start3A_31 = arith.constant 0 : i32
    %dma_start3A_32 = arith.constant 0 : i32
    %dma_start3A_33 = tpu.memref_slice %arg11[%dma_start3A_29, %dma_start3A_31, %dma_start3A_32] : memref<2x2048x16xf32, #tpu.memory_space<vmem>> -> memref<1x2048x16xf32, #tpu.memory_space<vmem>>
    %dma_start3A_34 = tpu.memref_squeeze %dma_start3A_33 : memref<1x2048x16xf32, #tpu.memory_space<vmem>> -> memref<2048x16xf32, #tpu.memory_space<vmem>>
    %dma_start3A_35 = arith.constant 0 : i32
    %dma_start3A_36 = tpu.memref_slice %arg10[%dma_start3A_30, %dma_start3A_35] : memref<5x2048xi32, #tpu.memory_space<vmem>> -> memref<1x2048xi32, #tpu.memory_space<vmem>>
    %dma_start3A_37 = tpu.memref_squeeze %dma_start3A_36 : memref<1x2048xi32, #tpu.memory_space<vmem>> -> memref<2048xi32, #tpu.memory_space<vmem>>
    %dma_start3A_38 = arith.constant 0 : i32
    %dma_start3A_39 = arith.constant 0 : i32
    %dma_start3A_40 = tpu.memref_slice %arg7[%dma_start3A_38, %dma_start3A_39] : memref<10240x16xf32, #tpu.memory_space<vmem_shared>> -> memref<10240x16xf32, #tpu.memory_space<vmem_shared>>
    tpu.enqueue_indirect_dma source(%dma_start3A_34 : memref<2048x16xf32, #tpu.memory_space<vmem>>) target(%dma_start3A_40 : memref<10240x16xf32, #tpu.memory_space<vmem_shared>>) offsets(%dma_start3A_37 : memref<2048xi32, #tpu.memory_space<vmem>>) semaphore(%arg14 : memref<!tpu.dma_semaphore, #tpu.memory_space<semaphore_mem>>) {add = true}
    %dma_start3A_41 = arith.constant 1 : i32
    %dma_start3A_42 = arith.constant 1 : i32
    %dma_start3A_43 = arith.constant 0 : i32
    %dma_start3A_44 = arith.constant 0 : i32
    %dma_start3A_45 = tpu.memref_slice %arg11[%dma_start3A_42, %dma_start3A_43, %dma_start3A_44] : memref<2x2048x16xf32, #tpu.memory_space<vmem>> -> memref<1x2048x16xf32, #tpu.memory_space<vmem>>
    %dma_start3A_46 = tpu.memref_squeeze %dma_start3A_45 : memref<1x2048x16xf32, #tpu.memory_space<vmem>> -> memref<2048x16xf32, #tpu.memory_space<vmem>>
    %dma_start3A_47 = arith.constant 0 : i32
    %dma_start3A_48 = tpu.memref_slice %arg9[%dma_start3A_41, %dma_start3A_47] : memref<5x2048xi32, #tpu.memory_space<vmem>> -> memref<1x2048xi32, #tpu.memory_space<vmem>>
    %dma_start3A_49 = tpu.memref_squeeze %dma_start3A_48 : memref<1x2048xi32, #tpu.memory_space<vmem>> -> memref<2048xi32, #tpu.memory_space<vmem>>
    %dma_start3A_50 = arith.constant 0 : i32
    %dma_start3A_51 = arith.constant 0 : i32
    %dma_start3A_52 = tpu.memref_slice %arg8[%dma_start3A_50, %dma_start3A_51] : memref<10240x16xf32, #tpu.memory_space<vmem_shared>> -> memref<10240x16xf32, #tpu.memory_space<vmem_shared>>
    tpu.enqueue_indirect_dma source(%dma_start3A_52 : memref<10240x16xf32, #tpu.memory_space<vmem_shared>>) target(%dma_start3A_46 : memref<2048x16xf32, #tpu.memory_space<vmem>>) offsets(%dma_start3A_49 : memref<2048xi32, #tpu.memory_space<vmem>>) semaphore(%arg13 : memref<!tpu.dma_semaphore, #tpu.memory_space<semaphore_mem>>)
    %dma_wait3A_53 = arith.constant 0 : i32
    %dma_wait3A_54 = arith.constant 1 : i32
    %dma_wait3A_55 = arith.constant 0 : i32
    %dma_wait3A_56 = arith.constant 0 : i32
    %dma_wait3A_57 = tpu.memref_slice %arg11[%dma_wait3A_54, %dma_wait3A_55, %dma_wait3A_56] : memref<2x2048x16xf32, #tpu.memory_space<vmem>> -> memref<1x2048x16xf32, #tpu.memory_space<vmem>>
    %dma_wait3A_58 = tpu.memref_squeeze %dma_wait3A_57 : memref<1x2048x16xf32, #tpu.memory_space<vmem>> -> memref<2048x16xf32, #tpu.memory_space<vmem>>
    %dma_wait3A_59 = arith.constant 0 : i32
    %dma_wait3A_60 = tpu.memref_slice %arg9[%dma_wait3A_53, %dma_wait3A_59] : memref<5x2048xi32, #tpu.memory_space<vmem>> -> memref<1x2048xi32, #tpu.memory_space<vmem>>
    %dma_wait3A_61 = tpu.memref_squeeze %dma_wait3A_60 : memref<1x2048xi32, #tpu.memory_space<vmem>> -> memref<2048xi32, #tpu.memory_space<vmem>>
    %dma_wait3A_62 = arith.constant 0 : i32
    %dma_wait3A_63 = arith.constant 0 : i32
    %dma_wait3A_64 = tpu.memref_slice %arg2[%dma_wait3A_62, %dma_wait3A_63] : memref<10240x16xf32, #tpu.memory_space<hbm>> -> memref<10240x16xf32, #tpu.memory_space<hbm>>
    tpu.wait_indirect_dma semaphore(%arg13 : memref<!tpu.dma_semaphore, #tpu.memory_space<semaphore_mem>>) src(%dma_wait3A_64 : memref<10240x16xf32, #tpu.memory_space<hbm>>) dst(%dma_wait3A_58 : memref<2048x16xf32, #tpu.memory_space<vmem>>)
    %dma_wait3A_65 = arith.constant 0 : i32
    %dma_wait3A_66 = arith.constant 0 : i32
    %dma_wait3A_67 = arith.constant 0 : i32
    %dma_wait3A_68 = arith.constant 0 : i32
    %dma_wait3A_69 = tpu.memref_slice %arg11[%dma_wait3A_65, %dma_wait3A_67, %dma_wait3A_68] : memref<2x2048x16xf32, #tpu.memory_space<vmem>> -> memref<1x2048x16xf32, #tpu.memory_space<vmem>>
    %dma_wait3A_70 = tpu.memref_squeeze %dma_wait3A_69 : memref<1x2048x16xf32, #tpu.memory_space<vmem>> -> memref<2048x16xf32, #tpu.memory_space<vmem>>
    %dma_wait3A_71 = arith.constant 0 : i32
    %dma_wait3A_72 = tpu.memref_slice %arg10[%dma_wait3A_66, %dma_wait3A_71] : memref<5x2048xi32, #tpu.memory_space<vmem>> -> memref<1x2048xi32, #tpu.memory_space<vmem>>
    %dma_wait3A_73 = tpu.memref_squeeze %dma_wait3A_72 : memref<1x2048xi32, #tpu.memory_space<vmem>> -> memref<2048xi32, #tpu.memory_space<vmem>>
    %dma_wait3A_74 = arith.constant 0 : i32
    %dma_wait3A_75 = arith.constant 0 : i32
    %dma_wait3A_76 = tpu.memref_slice %arg7[%dma_wait3A_74, %dma_wait3A_75] : memref<10240x16xf32, #tpu.memory_space<vmem_shared>> -> memref<10240x16xf32, #tpu.memory_space<vmem_shared>>
    tpu.wait_indirect_dma semaphore(%arg14 : memref<!tpu.dma_semaphore, #tpu.memory_space<semaphore_mem>>) src(%dma_wait3A_70 : memref<2048x16xf32, #tpu.memory_space<vmem>>) dst(%dma_wait3A_76 : memref<10240x16xf32, #tpu.memory_space<vmem_shared>>)
    %dma_start3A_77 = arith.constant 1 : i32
    %dma_start3A_78 = arith.constant 1 : i32
    %dma_start3A_79 = arith.constant 0 : i32
    %dma_start3A_80 = arith.constant 0 : i32
    %dma_start3A_81 = tpu.memref_slice %arg11[%dma_start3A_77, %dma_start3A_79, %dma_start3A_80] : memref<2x2048x16xf32, #tpu.memory_space<vmem>> -> memref<1x2048x16xf32, #tpu.memory_space<vmem>>
    %dma_start3A_82 = tpu.memref_squeeze %dma_start3A_81 : memref<1x2048x16xf32, #tpu.memory_space<vmem>> -> memref<2048x16xf32, #tpu.memory_space<vmem>>
    %dma_start3A_83 = arith.constant 0 : i32
    %dma_start3A_84 = tpu.memref_slice %arg10[%dma_start3A_78, %dma_start3A_83] : memref<5x2048xi32, #tpu.memory_space<vmem>> -> memref<1x2048xi32, #tpu.memory_space<vmem>>
    %dma_start3A_85 = tpu.memref_squeeze %dma_start3A_84 : memref<1x2048xi32, #tpu.memory_space<vmem>> -> memref<2048xi32, #tpu.memory_space<vmem>>
    %dma_start3A_86 = arith.constant 0 : i32
    %dma_start3A_87 = arith.constant 0 : i32
    %dma_start3A_88 = tpu.memref_slice %arg7[%dma_start3A_86, %dma_start3A_87] : memref<10240x16xf32, #tpu.memory_space<vmem_shared>> -> memref<10240x16xf32, #tpu.memory_space<vmem_shared>>
    tpu.enqueue_indirect_dma source(%dma_start3A_82 : memref<2048x16xf32, #tpu.memory_space<vmem>>) target(%dma_start3A_88 : memref<10240x16xf32, #tpu.memory_space<vmem_shared>>) offsets(%dma_start3A_85 : memref<2048xi32, #tpu.memory_space<vmem>>) semaphore(%arg14 : memref<!tpu.dma_semaphore, #tpu.memory_space<semaphore_mem>>) {add = true}
    %dma_start3A_89 = arith.constant 2 : i32
    %dma_start3A_90 = arith.constant 0 : i32
    %dma_start3A_91 = arith.constant 0 : i32
    %dma_start3A_92 = arith.constant 0 : i32
    %dma_start3A_93 = tpu.memref_slice %arg11[%dma_start3A_90, %dma_start3A_91, %dma_start3A_92] : memref<2x2048x16xf32, #tpu.memory_space<vmem>> -> memref<1x2048x16xf32, #tpu.memory_space<vmem>>
    %dma_start3A_94 = tpu.memref_squeeze %dma_start3A_93 : memref<1x2048x16xf32, #tpu.memory_space<vmem>> -> memref<2048x16xf32, #tpu.memory_space<vmem>>
    %dma_start3A_95 = arith.constant 0 : i32
    %dma_start3A_96 = tpu.memref_slice %arg9[%dma_start3A_89, %dma_start3A_95] : memref<5x2048xi32, #tpu.memory_space<vmem>> -> memref<1x2048xi32, #tpu.memory_space<vmem>>
    %dma_start3A_97 = tpu.memref_squeeze %dma_start3A_96 : memref<1x2048xi32, #tpu.memory_space<vmem>> -> memref<2048xi32, #tpu.memory_space<vmem>>
    %dma_start3A_98 = arith.constant 0 : i32
    %dma_start3A_99 = arith.constant 0 : i32
    %dma_start3A_100 = tpu.memref_slice %arg8[%dma_start3A_98, %dma_start3A_99] : memref<10240x16xf32, #tpu.memory_space<vmem_shared>> -> memref<10240x16xf32, #tpu.memory_space<vmem_shared>>
    tpu.enqueue_indirect_dma source(%dma_start3A_100 : memref<10240x16xf32, #tpu.memory_space<vmem_shared>>) target(%dma_start3A_94 : memref<2048x16xf32, #tpu.memory_space<vmem>>) offsets(%dma_start3A_97 : memref<2048xi32, #tpu.memory_space<vmem>>) semaphore(%arg13 : memref<!tpu.dma_semaphore, #tpu.memory_space<semaphore_mem>>)
    %dma_wait3A_101 = arith.constant 0 : i32
    %dma_wait3A_102 = arith.constant 0 : i32
    %dma_wait3A_103 = arith.constant 0 : i32
    %dma_wait3A_104 = arith.constant 0 : i32
    %dma_wait3A_105 = tpu.memref_slice %arg11[%dma_wait3A_102, %dma_wait3A_103, %dma_wait3A_104] : memref<2x2048x16xf32, #tpu.memory_space<vmem>> -> memref<1x2048x16xf32, #tpu.memory_space<vmem>>
    %dma_wait3A_106 = tpu.memref_squeeze %dma_wait3A_105 : memref<1x2048x16xf32, #tpu.memory_space<vmem>> -> memref<2048x16xf32, #tpu.memory_space<vmem>>
    %dma_wait3A_107 = arith.constant 0 : i32
    %dma_wait3A_108 = tpu.memref_slice %arg9[%dma_wait3A_101, %dma_wait3A_107] : memref<5x2048xi32, #tpu.memory_space<vmem>> -> memref<1x2048xi32, #tpu.memory_space<vmem>>
    %dma_wait3A_109 = tpu.memref_squeeze %dma_wait3A_108 : memref<1x2048xi32, #tpu.memory_space<vmem>> -> memref<2048xi32, #tpu.memory_space<vmem>>
    %dma_wait3A_110 = arith.constant 0 : i32
    %dma_wait3A_111 = arith.constant 0 : i32
    %dma_wait3A_112 = tpu.memref_slice %arg2[%dma_wait3A_110, %dma_wait3A_111] : memref<10240x16xf32, #tpu.memory_space<hbm>> -> memref<10240x16xf32, #tpu.memory_space<hbm>>
    tpu.wait_indirect_dma semaphore(%arg13 : memref<!tpu.dma_semaphore, #tpu.memory_space<semaphore_mem>>) src(%dma_wait3A_112 : memref<10240x16xf32, #tpu.memory_space<hbm>>) dst(%dma_wait3A_106 : memref<2048x16xf32, #tpu.memory_space<vmem>>)
    %dma_wait3A_113 = arith.constant 1 : i32
    %dma_wait3A_114 = arith.constant 0 : i32
    %dma_wait3A_115 = arith.constant 0 : i32
    %dma_wait3A_116 = arith.constant 0 : i32
    %dma_wait3A_117 = tpu.memref_slice %arg11[%dma_wait3A_113, %dma_wait3A_115, %dma_wait3A_116] : memref<2x2048x16xf32, #tpu.memory_space<vmem>> -> memref<1x2048x16xf32, #tpu.memory_space<vmem>>
    %dma_wait3A_118 = tpu.memref_squeeze %dma_wait3A_117 : memref<1x2048x16xf32, #tpu.memory_space<vmem>> -> memref<2048x16xf32, #tpu.memory_space<vmem>>
    %dma_wait3A_119 = arith.constant 0 : i32
    %dma_wait3A_120 = tpu.memref_slice %arg10[%dma_wait3A_114, %dma_wait3A_119] : memref<5x2048xi32, #tpu.memory_space<vmem>> -> memref<1x2048xi32, #tpu.memory_space<vmem>>
    %dma_wait3A_121 = tpu.memref_squeeze %dma_wait3A_120 : memref<1x2048xi32, #tpu.memory_space<vmem>> -> memref<2048xi32, #tpu.memory_space<vmem>>
    %dma_wait3A_122 = arith.constant 0 : i32
    %dma_wait3A_123 = arith.constant 0 : i32
    %dma_wait3A_124 = tpu.memref_slice %arg7[%dma_wait3A_122, %dma_wait3A_123] : memref<10240x16xf32, #tpu.memory_space<vmem_shared>> -> memref<10240x16xf32, #tpu.memory_space<vmem_shared>>
    tpu.wait_indirect_dma semaphore(%arg14 : memref<!tpu.dma_semaphore, #tpu.memory_space<semaphore_mem>>) src(%dma_wait3A_118 : memref<2048x16xf32, #tpu.memory_space<vmem>>) dst(%dma_wait3A_124 : memref<10240x16xf32, #tpu.memory_space<vmem_shared>>)
    %dma_start3A_125 = arith.constant 0 : i32
    %dma_start3A_126 = arith.constant 2 : i32
    %dma_start3A_127 = arith.constant 0 : i32
    %dma_start3A_128 = arith.constant 0 : i32
    %dma_start3A_129 = tpu.memref_slice %arg11[%dma_start3A_125, %dma_start3A_127, %dma_start3A_128] : memref<2x2048x16xf32, #tpu.memory_space<vmem>> -> memref<1x2048x16xf32, #tpu.memory_space<vmem>>
    %dma_start3A_130 = tpu.memref_squeeze %dma_start3A_129 : memref<1x2048x16xf32, #tpu.memory_space<vmem>> -> memref<2048x16xf32, #tpu.memory_space<vmem>>
    %dma_start3A_131 = arith.constant 0 : i32
    %dma_start3A_132 = tpu.memref_slice %arg10[%dma_start3A_126, %dma_start3A_131] : memref<5x2048xi32, #tpu.memory_space<vmem>> -> memref<1x2048xi32, #tpu.memory_space<vmem>>
    %dma_start3A_133 = tpu.memref_squeeze %dma_start3A_132 : memref<1x2048xi32, #tpu.memory_space<vmem>> -> memref<2048xi32, #tpu.memory_space<vmem>>
    %dma_start3A_134 = arith.constant 0 : i32
    %dma_start3A_135 = arith.constant 0 : i32
    %dma_start3A_136 = tpu.memref_slice %arg7[%dma_start3A_134, %dma_start3A_135] : memref<10240x16xf32, #tpu.memory_space<vmem_shared>> -> memref<10240x16xf32, #tpu.memory_space<vmem_shared>>
    tpu.enqueue_indirect_dma source(%dma_start3A_130 : memref<2048x16xf32, #tpu.memory_space<vmem>>) target(%dma_start3A_136 : memref<10240x16xf32, #tpu.memory_space<vmem_shared>>) offsets(%dma_start3A_133 : memref<2048xi32, #tpu.memory_space<vmem>>) semaphore(%arg14 : memref<!tpu.dma_semaphore, #tpu.memory_space<semaphore_mem>>) {add = true}
    %dma_start3A_137 = arith.constant 3 : i32
    %dma_start3A_138 = arith.constant 1 : i32
    %dma_start3A_139 = arith.constant 0 : i32
    %dma_start3A_140 = arith.constant 0 : i32
    %dma_start3A_141 = tpu.memref_slice %arg11[%dma_start3A_138, %dma_start3A_139, %dma_start3A_140] : memref<2x2048x16xf32, #tpu.memory_space<vmem>> -> memref<1x2048x16xf32, #tpu.memory_space<vmem>>
    %dma_start3A_142 = tpu.memref_squeeze %dma_start3A_141 : memref<1x2048x16xf32, #tpu.memory_space<vmem>> -> memref<2048x16xf32, #tpu.memory_space<vmem>>
    %dma_start3A_143 = arith.constant 0 : i32
    %dma_start3A_144 = tpu.memref_slice %arg9[%dma_start3A_137, %dma_start3A_143] : memref<5x2048xi32, #tpu.memory_space<vmem>> -> memref<1x2048xi32, #tpu.memory_space<vmem>>
    %dma_start3A_145 = tpu.memref_squeeze %dma_start3A_144 : memref<1x2048xi32, #tpu.memory_space<vmem>> -> memref<2048xi32, #tpu.memory_space<vmem>>
    %dma_start3A_146 = arith.constant 0 : i32
    %dma_start3A_147 = arith.constant 0 : i32
    %dma_start3A_148 = tpu.memref_slice %arg8[%dma_start3A_146, %dma_start3A_147] : memref<10240x16xf32, #tpu.memory_space<vmem_shared>> -> memref<10240x16xf32, #tpu.memory_space<vmem_shared>>
    tpu.enqueue_indirect_dma source(%dma_start3A_148 : memref<10240x16xf32, #tpu.memory_space<vmem_shared>>) target(%dma_start3A_142 : memref<2048x16xf32, #tpu.memory_space<vmem>>) offsets(%dma_start3A_145 : memref<2048xi32, #tpu.memory_space<vmem>>) semaphore(%arg13 : memref<!tpu.dma_semaphore, #tpu.memory_space<semaphore_mem>>)
    %dma_wait3A_149 = arith.constant 0 : i32
    %dma_wait3A_150 = arith.constant 1 : i32
    %dma_wait3A_151 = arith.constant 0 : i32
    %dma_wait3A_152 = arith.constant 0 : i32
    %dma_wait3A_153 = tpu.memref_slice %arg11[%dma_wait3A_150, %dma_wait3A_151, %dma_wait3A_152] : memref<2x2048x16xf32, #tpu.memory_space<vmem>> -> memref<1x2048x16xf32, #tpu.memory_space<vmem>>
    %dma_wait3A_154 = tpu.memref_squeeze %dma_wait3A_153 : memref<1x2048x16xf32, #tpu.memory_space<vmem>> -> memref<2048x16xf32, #tpu.memory_space<vmem>>
    %dma_wait3A_155 = arith.constant 0 : i32
    %dma_wait3A_156 = tpu.memref_slice %arg9[%dma_wait3A_149, %dma_wait3A_155] : memref<5x2048xi32, #tpu.memory_space<vmem>> -> memref<1x2048xi32, #tpu.memory_space<vmem>>
    %dma_wait3A_157 = tpu.memref_squeeze %dma_wait3A_156 : memref<1x2048xi32, #tpu.memory_space<vmem>> -> memref<2048xi32, #tpu.memory_space<vmem>>
    %dma_wait3A_158 = arith.constant 0 : i32
    %dma_wait3A_159 = arith.constant 0 : i32
    %dma_wait3A_160 = tpu.memref_slice %arg2[%dma_wait3A_158, %dma_wait3A_159] : memref<10240x16xf32, #tpu.memory_space<hbm>> -> memref<10240x16xf32, #tpu.memory_space<hbm>>
    tpu.wait_indirect_dma semaphore(%arg13 : memref<!tpu.dma_semaphore, #tpu.memory_space<semaphore_mem>>) src(%dma_wait3A_160 : memref<10240x16xf32, #tpu.memory_space<hbm>>) dst(%dma_wait3A_154 : memref<2048x16xf32, #tpu.memory_space<vmem>>)
    %dma_wait3A_161 = arith.constant 0 : i32
    %dma_wait3A_162 = arith.constant 0 : i32
    %dma_wait3A_163 = arith.constant 0 : i32
    %dma_wait3A_164 = arith.constant 0 : i32
    %dma_wait3A_165 = tpu.memref_slice %arg11[%dma_wait3A_161, %dma_wait3A_163, %dma_wait3A_164] : memref<2x2048x16xf32, #tpu.memory_space<vmem>> -> memref<1x2048x16xf32, #tpu.memory_space<vmem>>
    %dma_wait3A_166 = tpu.memref_squeeze %dma_wait3A_165 : memref<1x2048x16xf32, #tpu.memory_space<vmem>> -> memref<2048x16xf32, #tpu.memory_space<vmem>>
    %dma_wait3A_167 = arith.constant 0 : i32
    %dma_wait3A_168 = tpu.memref_slice %arg10[%dma_wait3A_162, %dma_wait3A_167] : memref<5x2048xi32, #tpu.memory_space<vmem>> -> memref<1x2048xi32, #tpu.memory_space<vmem>>
    %dma_wait3A_169 = tpu.memref_squeeze %dma_wait3A_168 : memref<1x2048xi32, #tpu.memory_space<vmem>> -> memref<2048xi32, #tpu.memory_space<vmem>>
    %dma_wait3A_170 = arith.constant 0 : i32
    %dma_wait3A_171 = arith.constant 0 : i32
    %dma_wait3A_172 = tpu.memref_slice %arg7[%dma_wait3A_170, %dma_wait3A_171] : memref<10240x16xf32, #tpu.memory_space<vmem_shared>> -> memref<10240x16xf32, #tpu.memory_space<vmem_shared>>
    tpu.wait_indirect_dma semaphore(%arg14 : memref<!tpu.dma_semaphore, #tpu.memory_space<semaphore_mem>>) src(%dma_wait3A_166 : memref<2048x16xf32, #tpu.memory_space<vmem>>) dst(%dma_wait3A_172 : memref<10240x16xf32, #tpu.memory_space<vmem_shared>>)
    %dma_start3A_173 = arith.constant 1 : i32
    %dma_start3A_174 = arith.constant 3 : i32
    %dma_start3A_175 = arith.constant 0 : i32
    %dma_start3A_176 = arith.constant 0 : i32
    %dma_start3A_177 = tpu.memref_slice %arg11[%dma_start3A_173, %dma_start3A_175, %dma_start3A_176] : memref<2x2048x16xf32, #tpu.memory_space<vmem>> -> memref<1x2048x16xf32, #tpu.memory_space<vmem>>
    %dma_start3A_178 = tpu.memref_squeeze %dma_start3A_177 : memref<1x2048x16xf32, #tpu.memory_space<vmem>> -> memref<2048x16xf32, #tpu.memory_space<vmem>>
    %dma_start3A_179 = arith.constant 0 : i32
    %dma_start3A_180 = tpu.memref_slice %arg10[%dma_start3A_174, %dma_start3A_179] : memref<5x2048xi32, #tpu.memory_space<vmem>> -> memref<1x2048xi32, #tpu.memory_space<vmem>>
    %dma_start3A_181 = tpu.memref_squeeze %dma_start3A_180 : memref<1x2048xi32, #tpu.memory_space<vmem>> -> memref<2048xi32, #tpu.memory_space<vmem>>
    %dma_start3A_182 = arith.constant 0 : i32
    %dma_start3A_183 = arith.constant 0 : i32
    %dma_start3A_184 = tpu.memref_slice %arg7[%dma_start3A_182, %dma_start3A_183] : memref<10240x16xf32, #tpu.memory_space<vmem_shared>> -> memref<10240x16xf32, #tpu.memory_space<vmem_shared>>
    tpu.enqueue_indirect_dma source(%dma_start3A_178 : memref<2048x16xf32, #tpu.memory_space<vmem>>) target(%dma_start3A_184 : memref<10240x16xf32, #tpu.memory_space<vmem_shared>>) offsets(%dma_start3A_181 : memref<2048xi32, #tpu.memory_space<vmem>>) semaphore(%arg14 : memref<!tpu.dma_semaphore, #tpu.memory_space<semaphore_mem>>) {add = true}
    %dma_start3A_185 = arith.constant 4 : i32
    %dma_start3A_186 = arith.constant 0 : i32
    %dma_start3A_187 = arith.constant 0 : i32
    %dma_start3A_188 = arith.constant 0 : i32
    %dma_start3A_189 = tpu.memref_slice %arg11[%dma_start3A_186, %dma_start3A_187, %dma_start3A_188] : memref<2x2048x16xf32, #tpu.memory_space<vmem>> -> memref<1x2048x16xf32, #tpu.memory_space<vmem>>
    %dma_start3A_190 = tpu.memref_squeeze %dma_start3A_189 : memref<1x2048x16xf32, #tpu.memory_space<vmem>> -> memref<2048x16xf32, #tpu.memory_space<vmem>>
    %dma_start3A_191 = arith.constant 0 : i32
    %dma_start3A_192 = tpu.memref_slice %arg9[%dma_start3A_185, %dma_start3A_191] : memref<5x2048xi32, #tpu.memory_space<vmem>> -> memref<1x2048xi32, #tpu.memory_space<vmem>>
    %dma_start3A_193 = tpu.memref_squeeze %dma_start3A_192 : memref<1x2048xi32, #tpu.memory_space<vmem>> -> memref<2048xi32, #tpu.memory_space<vmem>>
    %dma_start3A_194 = arith.constant 0 : i32
    %dma_start3A_195 = arith.constant 0 : i32
    %dma_start3A_196 = tpu.memref_slice %arg8[%dma_start3A_194, %dma_start3A_195] : memref<10240x16xf32, #tpu.memory_space<vmem_shared>> -> memref<10240x16xf32, #tpu.memory_space<vmem_shared>>
    tpu.enqueue_indirect_dma source(%dma_start3A_196 : memref<10240x16xf32, #tpu.memory_space<vmem_shared>>) target(%dma_start3A_190 : memref<2048x16xf32, #tpu.memory_space<vmem>>) offsets(%dma_start3A_193 : memref<2048xi32, #tpu.memory_space<vmem>>) semaphore(%arg13 : memref<!tpu.dma_semaphore, #tpu.memory_space<semaphore_mem>>)
    %dma_wait3A_197 = arith.constant 0 : i32
    %dma_wait3A_198 = arith.constant 0 : i32
    %dma_wait3A_199 = arith.constant 0 : i32
    %dma_wait3A_200 = arith.constant 0 : i32
    %dma_wait3A_201 = tpu.memref_slice %arg11[%dma_wait3A_198, %dma_wait3A_199, %dma_wait3A_200] : memref<2x2048x16xf32, #tpu.memory_space<vmem>> -> memref<1x2048x16xf32, #tpu.memory_space<vmem>>
    %dma_wait3A_202 = tpu.memref_squeeze %dma_wait3A_201 : memref<1x2048x16xf32, #tpu.memory_space<vmem>> -> memref<2048x16xf32, #tpu.memory_space<vmem>>
    %dma_wait3A_203 = arith.constant 0 : i32
    %dma_wait3A_204 = tpu.memref_slice %arg9[%dma_wait3A_197, %dma_wait3A_203] : memref<5x2048xi32, #tpu.memory_space<vmem>> -> memref<1x2048xi32, #tpu.memory_space<vmem>>
    %dma_wait3A_205 = tpu.memref_squeeze %dma_wait3A_204 : memref<1x2048xi32, #tpu.memory_space<vmem>> -> memref<2048xi32, #tpu.memory_space<vmem>>
    %dma_wait3A_206 = arith.constant 0 : i32
    %dma_wait3A_207 = arith.constant 0 : i32
    %dma_wait3A_208 = tpu.memref_slice %arg2[%dma_wait3A_206, %dma_wait3A_207] : memref<10240x16xf32, #tpu.memory_space<hbm>> -> memref<10240x16xf32, #tpu.memory_space<hbm>>
    tpu.wait_indirect_dma semaphore(%arg13 : memref<!tpu.dma_semaphore, #tpu.memory_space<semaphore_mem>>) src(%dma_wait3A_208 : memref<10240x16xf32, #tpu.memory_space<hbm>>) dst(%dma_wait3A_202 : memref<2048x16xf32, #tpu.memory_space<vmem>>)
    %dma_wait3A_209 = arith.constant 1 : i32
    %dma_wait3A_210 = arith.constant 0 : i32
    %dma_wait3A_211 = arith.constant 0 : i32
    %dma_wait3A_212 = arith.constant 0 : i32
    %dma_wait3A_213 = tpu.memref_slice %arg11[%dma_wait3A_209, %dma_wait3A_211, %dma_wait3A_212] : memref<2x2048x16xf32, #tpu.memory_space<vmem>> -> memref<1x2048x16xf32, #tpu.memory_space<vmem>>
    %dma_wait3A_214 = tpu.memref_squeeze %dma_wait3A_213 : memref<1x2048x16xf32, #tpu.memory_space<vmem>> -> memref<2048x16xf32, #tpu.memory_space<vmem>>
    %dma_wait3A_215 = arith.constant 0 : i32
    %dma_wait3A_216 = tpu.memref_slice %arg10[%dma_wait3A_210, %dma_wait3A_215] : memref<5x2048xi32, #tpu.memory_space<vmem>> -> memref<1x2048xi32, #tpu.memory_space<vmem>>
    %dma_wait3A_217 = tpu.memref_squeeze %dma_wait3A_216 : memref<1x2048xi32, #tpu.memory_space<vmem>> -> memref<2048xi32, #tpu.memory_space<vmem>>
    %dma_wait3A_218 = arith.constant 0 : i32
    %dma_wait3A_219 = arith.constant 0 : i32
    %dma_wait3A_220 = tpu.memref_slice %arg7[%dma_wait3A_218, %dma_wait3A_219] : memref<10240x16xf32, #tpu.memory_space<vmem_shared>> -> memref<10240x16xf32, #tpu.memory_space<vmem_shared>>
    tpu.wait_indirect_dma semaphore(%arg14 : memref<!tpu.dma_semaphore, #tpu.memory_space<semaphore_mem>>) src(%dma_wait3A_214 : memref<2048x16xf32, #tpu.memory_space<vmem>>) dst(%dma_wait3A_220 : memref<10240x16xf32, #tpu.memory_space<vmem_shared>>)
    %dma_start3A_221 = arith.constant 0 : i32
    %dma_start3A_222 = arith.constant 4 : i32
    %dma_start3A_223 = arith.constant 0 : i32
    %dma_start3A_224 = arith.constant 0 : i32
    %dma_start3A_225 = tpu.memref_slice %arg11[%dma_start3A_221, %dma_start3A_223, %dma_start3A_224] : memref<2x2048x16xf32, #tpu.memory_space<vmem>> -> memref<1x2048x16xf32, #tpu.memory_space<vmem>>
    %dma_start3A_226 = tpu.memref_squeeze %dma_start3A_225 : memref<1x2048x16xf32, #tpu.memory_space<vmem>> -> memref<2048x16xf32, #tpu.memory_space<vmem>>
    %dma_start3A_227 = arith.constant 0 : i32
    %dma_start3A_228 = tpu.memref_slice %arg10[%dma_start3A_222, %dma_start3A_227] : memref<5x2048xi32, #tpu.memory_space<vmem>> -> memref<1x2048xi32, #tpu.memory_space<vmem>>
    %dma_start3A_229 = tpu.memref_squeeze %dma_start3A_228 : memref<1x2048xi32, #tpu.memory_space<vmem>> -> memref<2048xi32, #tpu.memory_space<vmem>>
    %dma_start3A_230 = arith.constant 0 : i32
    %dma_start3A_231 = arith.constant 0 : i32
    %dma_start3A_232 = tpu.memref_slice %arg7[%dma_start3A_230, %dma_start3A_231] : memref<10240x16xf32, #tpu.memory_space<vmem_shared>> -> memref<10240x16xf32, #tpu.memory_space<vmem_shared>>
    tpu.enqueue_indirect_dma source(%dma_start3A_226 : memref<2048x16xf32, #tpu.memory_space<vmem>>) target(%dma_start3A_232 : memref<10240x16xf32, #tpu.memory_space<vmem_shared>>) offsets(%dma_start3A_229 : memref<2048xi32, #tpu.memory_space<vmem>>) semaphore(%arg14 : memref<!tpu.dma_semaphore, #tpu.memory_space<semaphore_mem>>) {add = true}
    %dma_wait3A_233 = arith.constant 0 : i32
    %dma_wait3A_234 = arith.constant 0 : i32
    %dma_wait3A_235 = arith.constant 0 : i32
    %dma_wait3A_236 = arith.constant 0 : i32
    %dma_wait3A_237 = tpu.memref_slice %arg11[%dma_wait3A_233, %dma_wait3A_235, %dma_wait3A_236] : memref<2x2048x16xf32, #tpu.memory_space<vmem>> -> memref<1x2048x16xf32, #tpu.memory_space<vmem>>
    %dma_wait3A_238 = tpu.memref_squeeze %dma_wait3A_237 : memref<1x2048x16xf32, #tpu.memory_space<vmem>> -> memref<2048x16xf32, #tpu.memory_space<vmem>>
    %dma_wait3A_239 = arith.constant 0 : i32
    %dma_wait3A_240 = tpu.memref_slice %arg10[%dma_wait3A_234, %dma_wait3A_239] : memref<5x2048xi32, #tpu.memory_space<vmem>> -> memref<1x2048xi32, #tpu.memory_space<vmem>>
    %dma_wait3A_241 = tpu.memref_squeeze %dma_wait3A_240 : memref<1x2048xi32, #tpu.memory_space<vmem>> -> memref<2048xi32, #tpu.memory_space<vmem>>
    %dma_wait3A_242 = arith.constant 0 : i32
    %dma_wait3A_243 = arith.constant 0 : i32
    %dma_wait3A_244 = tpu.memref_slice %arg7[%dma_wait3A_242, %dma_wait3A_243] : memref<10240x16xf32, #tpu.memory_space<vmem_shared>> -> memref<10240x16xf32, #tpu.memory_space<vmem_shared>>
    tpu.wait_indirect_dma semaphore(%arg14 : memref<!tpu.dma_semaphore, #tpu.memory_space<semaphore_mem>>) src(%dma_wait3A_238 : memref<2048x16xf32, #tpu.memory_space<vmem>>) dst(%dma_wait3A_244 : memref<10240x16xf32, #tpu.memory_space<vmem_shared>>)
    %barrier3A_245 = arith.constant 0 : index
    tpu.barrier barrier_id(%barrier3A_245)
    %mul3A_246 = arith.constant 640 : i32
    %mul3A_247 = arith.muli %arg1, %mul3A_246 : i32
    "tpu.region"() ({
      %run_scoped3A = tpu.sem_alloc : memref<!tpu.dma_semaphore, #tpu.memory_space<semaphore_mem>>
      %dma_start3A_250 = arith.constant 0 : i32
      %dma_start3A_251 = tpu.memref_slice %arg7[%mul3A_247, %dma_start3A_250] : memref<10240x16xf32, #tpu.memory_space<vmem_shared>> -> memref<640x16xf32, #tpu.memory_space<vmem_shared>>
      %dma_start3A_252 = arith.constant 0 : i32
      %dma_start3A_253 = tpu.memref_slice %arg7[%mul3A_247, %dma_start3A_252] : memref<10240x16xf32, #tpu.memory_space<vmem_shared>> -> memref<640x16xf32, #tpu.memory_space<vmem_shared>>
      tpu.enqueue_dma source(%dma_start3A_253 : memref<640x16xf32, #tpu.memory_space<vmem_shared>>) target(%arg12 : memref<640x16xf32, #tpu.memory_space<vmem>>) target_semaphore(%run_scoped3A : memref<!tpu.dma_semaphore, #tpu.memory_space<semaphore_mem>>)
      %dma_wait3A_254 = arith.constant 0 : i32
      %dma_wait3A_255 = tpu.memref_slice %arg7[%mul3A_247, %dma_wait3A_254] : memref<10240x16xf32, #tpu.memory_space<vmem_shared>> -> memref<640x16xf32, #tpu.memory_space<vmem_shared>>
      %dma_wait3A_256 = arith.constant 0 : i32
      %dma_wait3A_257 = tpu.memref_slice %arg7[%mul3A_247, %dma_wait3A_256] : memref<10240x16xf32, #tpu.memory_space<vmem_shared>> -> memref<640x16xf32, #tpu.memory_space<vmem_shared>>
      tpu.wait_dma2 semaphore(%run_scoped3A : memref<!tpu.dma_semaphore, #tpu.memory_space<semaphore_mem>>) src(%dma_wait3A_257 : memref<640x16xf32, #tpu.memory_space<vmem_shared>>) dst(%arg12 : memref<640x16xf32, #tpu.memory_space<vmem>>)
      tpu.yield
    }) : () -> ()
    %mul3A_248 = arith.constant 640 : i32
    %mul3A_249 = arith.muli %arg1, %mul3A_248 : i32
    "tpu.region"() ({
      %run_scoped3A = tpu.sem_alloc : memref<!tpu.dma_semaphore, #tpu.memory_space<semaphore_mem>>
      %dma_start3A_250 = arith.constant 0 : i32
      %dma_start3A_251 = tpu.memref_slice %arg6[%arg0, %mul3A_249, %dma_start3A_250] : memref<2x10240x16xf32, #tpu.memory_space<hbm>> -> memref<1x640x16xf32, #tpu.memory_space<hbm>>
      %dma_start3A_252 = tpu.memref_squeeze %dma_start3A_251 : memref<1x640x16xf32, #tpu.memory_space<hbm>> -> memref<640x16xf32, #tpu.memory_space<hbm>>
      %dma_start3A_253 = arith.constant 0 : i32
      %dma_start3A_254 = tpu.memref_slice %arg6[%arg0, %mul3A_249, %dma_start3A_253] : memref<2x10240x16xf32, #tpu.memory_space<hbm>> -> memref<1x640x16xf32, #tpu.memory_space<hbm>>
      %dma_start3A_255 = tpu.memref_squeeze %dma_start3A_254 : memref<1x640x16xf32, #tpu.memory_space<hbm>> -> memref<640x16xf32, #tpu.memory_space<hbm>>
      tpu.enqueue_dma source(%arg12 : memref<640x16xf32, #tpu.memory_space<vmem>>) target(%dma_start3A_255 : memref<640x16xf32, #tpu.memory_space<hbm>>) target_semaphore(%run_scoped3A : memref<!tpu.dma_semaphore, #tpu.memory_space<semaphore_mem>>)
      %dma_wait3A_256 = arith.constant 0 : i32
      %dma_wait3A_257 = tpu.memref_slice %arg6[%arg0, %mul3A_249, %dma_wait3A_256] : memref<2x10240x16xf32, #tpu.memory_space<hbm>> -> memref<1x640x16xf32, #tpu.memory_space<hbm>>
      %dma_wait3A_258 = tpu.memref_squeeze %dma_wait3A_257 : memref<1x640x16xf32, #tpu.memory_space<hbm>> -> memref<640x16xf32, #tpu.memory_space<hbm>>
      %dma_wait3A_259 = arith.constant 0 : i32
      %dma_wait3A_260 = tpu.memref_slice %arg6[%arg0, %mul3A_249, %dma_wait3A_259] : memref<2x10240x16xf32, #tpu.memory_space<hbm>> -> memref<1x640x16xf32, #tpu.memory_space<hbm>>
      %dma_wait3A_261 = tpu.memref_squeeze %dma_wait3A_260 : memref<1x640x16xf32, #tpu.memory_space<hbm>> -> memref<640x16xf32, #tpu.memory_space<hbm>>
      tpu.wait_dma2 semaphore(%run_scoped3A : memref<!tpu.dma_semaphore, #tpu.memory_space<semaphore_mem>>) src(%arg12 : memref<640x16xf32, #tpu.memory_space<vmem>>) dst(%dma_wait3A_261 : memref<640x16xf32, #tpu.memory_space<hbm>>)
      tpu.yield
    }) : () -> ()
    return
  }
}

#map = affine_map<(d0, d1) -> (0, 0)>
#map1 = affine_map<(d0, d1) -> (0, 0, 0)>
module attributes {stable_mosaic.version = 14 : i64} {
  func.func @body(%arg0: i32, %arg1: i32, %arg2: memref<10240x16xf32, #tpu.memory_space<hbm>>, %arg3: memref<32x5x2048xi32, #tpu.memory_space<hbm>>, %arg4: memref<32x5x2048xi32, #tpu.memory_space<hbm>>, %arg5: memref<640x16xf32, #tpu.memory_space<hbm>>, %arg6: memref<2x10240x16xf32, #tpu.memory_space<hbm>>, %arg7: memref<10240x16xf32, #tpu.memory_space<vmem_shared>>, %arg8: memref<10240x16xf32, #tpu.memory_space<vmem_shared>>, %arg9: memref<5x2048xi32, #tpu.memory_space<vmem>>, %arg10: memref<5x2048xi32, #tpu.memory_space<vmem>>, %arg11: memref<2x2048x16xf32, #tpu.memory_space<vmem>>, %arg12: memref<640x16xf32, #tpu.memory_space<vmem>>, %arg13: memref<!tpu.dma_semaphore, #tpu.memory_space<semaphore_mem>>, %arg14: memref<!tpu.dma_semaphore, #tpu.memory_space<semaphore_mem>>) attributes {dimension_semantics = [#tpu.dimension_semantics<core_parallel>, #tpu.dimension_semantics<subcore_parallel>], iteration_bounds = array<i64: 2, 16>, scalar_prefetch = 0 : i64, scratch_operands = 8 : i64, tpu.core_type = #tpu.core_type<sc_vector_subcore>, window_params = [{transform_indices = #map}, {transform_indices = #map1}, {transform_indices = #map1}, {transform_indices = #map}, {transform_indices = #map1}]} {
    %mul3A = arith.constant 16 : i32
    %mul3A_0 = arith.muli %arg0, %mul3A : i32
    %add3A = arith.addi %mul3A_0, %arg1 : i32
    "tpu.region"() ({
      %run_scoped3A = tpu.sem_alloc : memref<!tpu.dma_semaphore, #tpu.memory_space<semaphore_mem>>
      tpu.enqueue_dma source(%arg5 : memref<640x16xf32, #tpu.memory_space<hbm>>) target(%arg12 : memref<640x16xf32, #tpu.memory_space<vmem>>) target_semaphore(%run_scoped3A : memref<!tpu.dma_semaphore, #tpu.memory_space<semaphore_mem>>)
      tpu.wait_dma2 semaphore(%run_scoped3A : memref<!tpu.dma_semaphore, #tpu.memory_space<semaphore_mem>>) src(%arg5 : memref<640x16xf32, #tpu.memory_space<hbm>>) dst(%arg12 : memref<640x16xf32, #tpu.memory_space<vmem>>)
      tpu.yield
    }) : () -> ()
    %mul3A_1 = arith.constant 640 : i32
    %mul3A_2 = arith.muli %arg1, %mul3A_1 : i32
    "tpu.region"() ({
      %run_scoped3A = tpu.sem_alloc : memref<!tpu.dma_semaphore, #tpu.memory_space<semaphore_mem>>
      %dma_start3A_250 = arith.constant 0 : i32
      %dma_start3A_251 = tpu.memref_slice %arg7[%mul3A_2, %dma_start3A_250] : memref<10240x16xf32, #tpu.memory_space<vmem_shared>> -> memref<640x16xf32, #tpu.memory_space<vmem_shared>>
      %dma_start3A_252 = arith.constant 0 : i32
      %dma_start3A_253 = tpu.memref_slice %arg7[%mul3A_2, %dma_start3A_252] : memref<10240x16xf32, #tpu.memory_space<vmem_shared>> -> memref<640x16xf32, #tpu.memory_space<vmem_shared>>
      tpu.enqueue_dma source(%arg12 : memref<640x16xf32, #tpu.memory_space<vmem>>) target(%dma_start3A_253 : memref<640x16xf32, #tpu.memory_space<vmem_shared>>) target_semaphore(%run_scoped3A : memref<!tpu.dma_semaphore, #tpu.memory_space<semaphore_mem>>)
      %dma_wait3A_254 = arith.constant 0 : i32
      %dma_wait3A_255 = tpu.memref_slice %arg7[%mul3A_2, %dma_wait3A_254] : memref<10240x16xf32, #tpu.memory_space<vmem_shared>> -> memref<640x16xf32, #tpu.memory_space<vmem_shared>>
      %dma_wait3A_256 = arith.constant 0 : i32
      %dma_wait3A_257 = tpu.memref_slice %arg7[%mul3A_2, %dma_wait3A_256] : memref<10240x16xf32, #tpu.memory_space<vmem_shared>> -> memref<640x16xf32, #tpu.memory_space<vmem_shared>>
      tpu.wait_dma2 semaphore(%run_scoped3A : memref<!tpu.dma_semaphore, #tpu.memory_space<semaphore_mem>>) src(%arg12 : memref<640x16xf32, #tpu.memory_space<vmem>>) dst(%dma_wait3A_257 : memref<640x16xf32, #tpu.memory_space<vmem_shared>>)
      tpu.yield
    }) : () -> ()
    %mul3A_3 = arith.constant 640 : i32
    %mul3A_4 = arith.muli %arg1, %mul3A_3 : i32
    "tpu.region"() ({
      %run_scoped3A = tpu.sem_alloc : memref<!tpu.dma_semaphore, #tpu.memory_space<semaphore_mem>>
      %dma_start3A_250 = arith.constant 0 : i32
      %dma_start3A_251 = tpu.memref_slice %arg2[%mul3A_4, %dma_start3A_250] : memref<10240x16xf32, #tpu.memory_space<hbm>> -> memref<640x16xf32, #tpu.memory_space<hbm>>
      %dma_start3A_252 = arith.constant 0 : i32
      %dma_start3A_253 = tpu.memref_slice %arg2[%mul3A_4, %dma_start3A_252] : memref<10240x16xf32, #tpu.memory_space<hbm>> -> memref<640x16xf32, #tpu.memory_space<hbm>>
      tpu.enqueue_dma source(%dma_start3A_253 : memref<640x16xf32, #tpu.memory_space<hbm>>) target(%arg12 : memref<640x16xf32, #tpu.memory_space<vmem>>) target_semaphore(%run_scoped3A : memref<!tpu.dma_semaphore, #tpu.memory_space<semaphore_mem>>)
      %dma_wait3A_254 = arith.constant 0 : i32
      %dma_wait3A_255 = tpu.memref_slice %arg2[%mul3A_4, %dma_wait3A_254] : memref<10240x16xf32, #tpu.memory_space<hbm>> -> memref<640x16xf32, #tpu.memory_space<hbm>>
      %dma_wait3A_256 = arith.constant 0 : i32
      %dma_wait3A_257 = tpu.memref_slice %arg2[%mul3A_4, %dma_wait3A_256] : memref<10240x16xf32, #tpu.memory_space<hbm>> -> memref<640x16xf32, #tpu.memory_space<hbm>>
      tpu.wait_dma2 semaphore(%run_scoped3A : memref<!tpu.dma_semaphore, #tpu.memory_space<semaphore_mem>>) src(%dma_wait3A_257 : memref<640x16xf32, #tpu.memory_space<hbm>>) dst(%arg12 : memref<640x16xf32, #tpu.memory_space<vmem>>)
      tpu.yield
    }) : () -> ()
    %mul3A_5 = arith.constant 640 : i32
    %mul3A_6 = arith.muli %arg1, %mul3A_5 : i32
    "tpu.region"() ({
      %run_scoped3A = tpu.sem_alloc : memref<!tpu.dma_semaphore, #tpu.memory_space<semaphore_mem>>
      %dma_start3A_250 = arith.constant 0 : i32
      %dma_start3A_251 = tpu.memref_slice %arg8[%mul3A_6, %dma_start3A_250] : memref<10240x16xf32, #tpu.memory_space<vmem_shared>> -> memref<640x16xf32, #tpu.memory_space<vmem_shared>>
      %dma_start3A_252 = arith.constant 0 : i32
      %dma_start3A_253 = tpu.memref_slice %arg8[%mul3A_6, %dma_start3A_252] : memref<10240x16xf32, #tpu.memory_space<vmem_shared>> -> memref<640x16xf32, #tpu.memory_space<vmem_shared>>
      tpu.enqueue_dma source(%arg12 : memref<640x16xf32, #tpu.memory_space<vmem>>) target(%dma_start3A_253 : memref<640x16xf32, #tpu.memory_space<vmem_shared>>) target_semaphore(%run_scoped3A : memref<!tpu.dma_semaphore, #tpu.memory_space<semaphore_mem>>)
      %dma_wait3A_254 = arith.constant 0 : i32
      %dma_wait3A_255 = tpu.memref_slice %arg8[%mul3A_6, %dma_wait3A_254] : memref<10240x16xf32, #tpu.memory_space<vmem_shared>> -> memref<640x16xf32, #tpu.memory_space<vmem_shared>>
      %dma_wait3A_256 = arith.constant 0 : i32
      %dma_wait3A_257 = tpu.memref_slice %arg8[%mul3A_6, %dma_wait3A_256] : memref<10240x16xf32, #tpu.memory_space<vmem_shared>> -> memref<640x16xf32, #tpu.memory_space<vmem_shared>>
      tpu.wait_dma2 semaphore(%run_scoped3A : memref<!tpu.dma_semaphore, #tpu.memory_space<semaphore_mem>>) src(%arg12 : memref<640x16xf32, #tpu.memory_space<vmem>>) dst(%dma_wait3A_257 : memref<640x16xf32, #tpu.memory_space<vmem_shared>>)
      tpu.yield
    }) : () -> ()
    "tpu.region"() ({
      %run_scoped3A = tpu.sem_alloc : memref<!tpu.dma_semaphore, #tpu.memory_space<semaphore_mem>>
      %dma_start3A_250 = arith.constant 0 : i32
      %dma_start3A_251 = arith.constant 0 : i32
      %dma_start3A_252 = tpu.memref_slice %arg3[%add3A, %dma_start3A_250, %dma_start3A_251] : memref<32x5x2048xi32, #tpu.memory_space<hbm>> -> memref<1x5x2048xi32, #tpu.memory_space<hbm>>
      %dma_start3A_253 = tpu.memref_squeeze %dma_start3A_252 : memref<1x5x2048xi32, #tpu.memory_space<hbm>> -> memref<5x2048xi32, #tpu.memory_space<hbm>>
      %dma_start3A_254 = arith.constant 0 : i32
      %dma_start3A_255 = arith.constant 0 : i32
      %dma_start3A_256 = tpu.memref_slice %arg3[%add3A, %dma_start3A_254, %dma_start3A_255] : memref<32x5x2048xi32, #tpu.memory_space<hbm>> -> memref<1x5x2048xi32, #tpu.memory_space<hbm>>
      %dma_start3A_257 = tpu.memref_squeeze %dma_start3A_256 : memref<1x5x2048xi32, #tpu.memory_space<hbm>> -> memref<5x2048xi32, #tpu.memory_space<hbm>>
      tpu.enqueue_dma source(%dma_start3A_257 : memref<5x2048xi32, #tpu.memory_space<hbm>>) target(%arg9 : memref<5x2048xi32, #tpu.memory_space<vmem>>) target_semaphore(%run_scoped3A : memref<!tpu.dma_semaphore, #tpu.memory_space<semaphore_mem>>)
      %dma_wait3A_258 = arith.constant 0 : i32
      %dma_wait3A_259 = arith.constant 0 : i32
      %dma_wait3A_260 = tpu.memref_slice %arg3[%add3A, %dma_wait3A_258, %dma_wait3A_259] : memref<32x5x2048xi32, #tpu.memory_space<hbm>> -> memref<1x5x2048xi32, #tpu.memory_space<hbm>>
      %dma_wait3A_261 = tpu.memref_squeeze %dma_wait3A_260 : memref<1x5x2048xi32, #tpu.memory_space<hbm>> -> memref<5x2048xi32, #tpu.memory_space<hbm>>
      %dma_wait3A_262 = arith.constant 0 : i32
      %dma_wait3A_263 = arith.constant 0 : i32
      %dma_wait3A_264 = tpu.memref_slice %arg3[%add3A, %dma_wait3A_262, %dma_wait3A_263] : memref<32x5x2048xi32, #tpu.memory_space<hbm>> -> memref<1x5x2048xi32, #tpu.memory_space<hbm>>
      %dma_wait3A_265 = tpu.memref_squeeze %dma_wait3A_264 : memref<1x5x2048xi32, #tpu.memory_space<hbm>> -> memref<5x2048xi32, #tpu.memory_space<hbm>>
      tpu.wait_dma2 semaphore(%run_scoped3A : memref<!tpu.dma_semaphore, #tpu.memory_space<semaphore_mem>>) src(%dma_wait3A_265 : memref<5x2048xi32, #tpu.memory_space<hbm>>) dst(%arg9 : memref<5x2048xi32, #tpu.memory_space<vmem>>)
      tpu.yield
    }) : () -> ()
    "tpu.region"() ({
      %run_scoped3A = tpu.sem_alloc : memref<!tpu.dma_semaphore, #tpu.memory_space<semaphore_mem>>
      %dma_start3A_250 = arith.constant 0 : i32
      %dma_start3A_251 = arith.constant 0 : i32
      %dma_start3A_252 = tpu.memref_slice %arg4[%add3A, %dma_start3A_250, %dma_start3A_251] : memref<32x5x2048xi32, #tpu.memory_space<hbm>> -> memref<1x5x2048xi32, #tpu.memory_space<hbm>>
      %dma_start3A_253 = tpu.memref_squeeze %dma_start3A_252 : memref<1x5x2048xi32, #tpu.memory_space<hbm>> -> memref<5x2048xi32, #tpu.memory_space<hbm>>
      %dma_start3A_254 = arith.constant 0 : i32
      %dma_start3A_255 = arith.constant 0 : i32
      %dma_start3A_256 = tpu.memref_slice %arg4[%add3A, %dma_start3A_254, %dma_start3A_255] : memref<32x5x2048xi32, #tpu.memory_space<hbm>> -> memref<1x5x2048xi32, #tpu.memory_space<hbm>>
      %dma_start3A_257 = tpu.memref_squeeze %dma_start3A_256 : memref<1x5x2048xi32, #tpu.memory_space<hbm>> -> memref<5x2048xi32, #tpu.memory_space<hbm>>
      tpu.enqueue_dma source(%dma_start3A_257 : memref<5x2048xi32, #tpu.memory_space<hbm>>) target(%arg10 : memref<5x2048xi32, #tpu.memory_space<vmem>>) target_semaphore(%run_scoped3A : memref<!tpu.dma_semaphore, #tpu.memory_space<semaphore_mem>>)
      %dma_wait3A_258 = arith.constant 0 : i32
      %dma_wait3A_259 = arith.constant 0 : i32
      %dma_wait3A_260 = tpu.memref_slice %arg4[%add3A, %dma_wait3A_258, %dma_wait3A_259] : memref<32x5x2048xi32, #tpu.memory_space<hbm>> -> memref<1x5x2048xi32, #tpu.memory_space<hbm>>
      %dma_wait3A_261 = tpu.memref_squeeze %dma_wait3A_260 : memref<1x5x2048xi32, #tpu.memory_space<hbm>> -> memref<5x2048xi32, #tpu.memory_space<hbm>>
      %dma_wait3A_262 = arith.constant 0 : i32
      %dma_wait3A_263 = arith.constant 0 : i32
      %dma_wait3A_264 = tpu.memref_slice %arg4[%add3A, %dma_wait3A_262, %dma_wait3A_263] : memref<32x5x2048xi32, #tpu.memory_space<hbm>> -> memref<1x5x2048xi32, #tpu.memory_space<hbm>>
      %dma_wait3A_265 = tpu.memref_squeeze %dma_wait3A_264 : memref<1x5x2048xi32, #tpu.memory_space<hbm>> -> memref<5x2048xi32, #tpu.memory_space<hbm>>
      tpu.wait_dma2 semaphore(%run_scoped3A : memref<!tpu.dma_semaphore, #tpu.memory_space<semaphore_mem>>) src(%dma_wait3A_265 : memref<5x2048xi32, #tpu.memory_space<hbm>>) dst(%arg10 : memref<5x2048xi32, #tpu.memory_space<vmem>>)
      tpu.yield
    }) : () -> ()
    %barrier3A = arith.constant 0 : index
    tpu.barrier barrier_id(%barrier3A)
    %dma_start3A = arith.constant 0 : i32
    %dma_start3A_7 = arith.constant 0 : i32
    %dma_start3A_8 = arith.constant 0 : i32
    %dma_start3A_9 = arith.constant 0 : i32
    %dma_start3A_10 = tpu.memref_slice %arg11[%dma_start3A_7, %dma_start3A_8, %dma_start3A_9] : memref<2x2048x16xf32, #tpu.memory_space<vmem>> -> memref<1x2048x16xf32, #tpu.memory_space<vmem>>
    %dma_start3A_11 = tpu.memref_squeeze %dma_start3A_10 : memref<1x2048x16xf32, #tpu.memory_space<vmem>> -> memref<2048x16xf32, #tpu.memory_space<vmem>>
    %dma_start3A_12 = arith.constant 0 : i32
    %dma_start3A_13 = tpu.memref_slice %arg9[%dma_start3A, %dma_start3A_12] : memref<5x2048xi32, #tpu.memory_space<vmem>> -> memref<1x2048xi32, #tpu.memory_space<vmem>>
    %dma_start3A_14 = tpu.memref_squeeze %dma_start3A_13 : memref<1x2048xi32, #tpu.memory_space<vmem>> -> memref<2048xi32, #tpu.memory_space<vmem>>
    %dma_start3A_15 = arith.constant 0 : i32
    %dma_start3A_16 = arith.constant 0 : i32
    %dma_start3A_17 = tpu.memref_slice %arg8[%dma_start3A_15, %dma_start3A_16] : memref<10240x16xf32, #tpu.memory_space<vmem_shared>> -> memref<10240x16xf32, #tpu.memory_space<vmem_shared>>
    tpu.enqueue_indirect_dma source(%dma_start3A_17 : memref<10240x16xf32, #tpu.memory_space<vmem_shared>>) target(%dma_start3A_11 : memref<2048x16xf32, #tpu.memory_space<vmem>>) offsets(%dma_start3A_14 : memref<2048xi32, #tpu.memory_space<vmem>>) semaphore(%arg13 : memref<!tpu.dma_semaphore, #tpu.memory_space<semaphore_mem>>)
    %dma_wait3A = arith.constant 0 : i32
    %dma_wait3A_18 = arith.constant 0 : i32
    %dma_wait3A_19 = arith.constant 0 : i32
    %dma_wait3A_20 = arith.constant 0 : i32
    %dma_wait3A_21 = tpu.memref_slice %arg11[%dma_wait3A_18, %dma_wait3A_19, %dma_wait3A_20] : memref<2x2048x16xf32, #tpu.memory_space<vmem>> -> memref<1x2048x16xf32, #tpu.memory_space<vmem>>
    %dma_wait3A_22 = tpu.memref_squeeze %dma_wait3A_21 : memref<1x2048x16xf32, #tpu.memory_space<vmem>> -> memref<2048x16xf32, #tpu.memory_space<vmem>>
    %dma_wait3A_23 = arith.constant 0 : i32
    %dma_wait3A_24 = tpu.memref_slice %arg9[%dma_wait3A, %dma_wait3A_23] : memref<5x2048xi32, #tpu.memory_space<vmem>> -> memref<1x2048xi32, #tpu.memory_space<vmem>>
    %dma_wait3A_25 = tpu.memref_squeeze %dma_wait3A_24 : memref<1x2048xi32, #tpu.memory_space<vmem>> -> memref<2048xi32, #tpu.memory_space<vmem>>
    %dma_wait3A_26 = arith.constant 0 : i32
    %dma_wait3A_27 = arith.constant 0 : i32
    %dma_wait3A_28 = tpu.memref_slice %arg2[%dma_wait3A_26, %dma_wait3A_27] : memref<10240x16xf32, #tpu.memory_space<hbm>> -> memref<10240x16xf32, #tpu.memory_space<hbm>>
    tpu.wait_indirect_dma semaphore(%arg13 : memref<!tpu.dma_semaphore, #tpu.memory_space<semaphore_mem>>) src(%dma_wait3A_28 : memref<10240x16xf32, #tpu.memory_space<hbm>>) dst(%dma_wait3A_22 : memref<2048x16xf32, #tpu.memory_space<vmem>>)
    %dma_start3A_29 = arith.constant 0 : i32
    %dma_start3A_30 = arith.constant 0 : i32
    %dma_start3A_31 = arith.constant 0 : i32
    %dma_start3A_32 = arith.constant 0 : i32
    %dma_start3A_33 = tpu.memref_slice %arg11[%dma_start3A_29, %dma_start3A_31, %dma_start3A_32] : memref<2x2048x16xf32, #tpu.memory_space<vmem>> -> memref<1x2048x16xf32, #tpu.memory_space<vmem>>
    %dma_start3A_34 = tpu.memref_squeeze %dma_start3A_33 : memref<1x2048x16xf32, #tpu.memory_space<vmem>> -> memref<2048x16xf32, #tpu.memory_space<vmem>>
    %dma_start3A_35 = arith.constant 0 : i32
    %dma_start3A_36 = tpu.memref_slice %arg10[%dma_start3A_30, %dma_start3A_35] : memref<5x2048xi32, #tpu.memory_space<vmem>> -> memref<1x2048xi32, #tpu.memory_space<vmem>>
    %dma_start3A_37 = tpu.memref_squeeze %dma_start3A_36 : memref<1x2048xi32, #tpu.memory_space<vmem>> -> memref<2048xi32, #tpu.memory_space<vmem>>
    %dma_start3A_38 = arith.constant 0 : i32
    %dma_start3A_39 = arith.constant 0 : i32
    %dma_start3A_40 = tpu.memref_slice %arg7[%dma_start3A_38, %dma_start3A_39] : memref<10240x16xf32, #tpu.memory_space<vmem_shared>> -> memref<10240x16xf32, #tpu.memory_space<vmem_shared>>
    tpu.enqueue_indirect_dma source(%dma_start3A_34 : memref<2048x16xf32, #tpu.memory_space<vmem>>) target(%dma_start3A_40 : memref<10240x16xf32, #tpu.memory_space<vmem_shared>>) offsets(%dma_start3A_37 : memref<2048xi32, #tpu.memory_space<vmem>>) semaphore(%arg14 : memref<!tpu.dma_semaphore, #tpu.memory_space<semaphore_mem>>) {add = true}
    %dma_start3A_41 = arith.constant 1 : i32
    %dma_start3A_42 = arith.constant 1 : i32
    %dma_start3A_43 = arith.constant 0 : i32
    %dma_start3A_44 = arith.constant 0 : i32
    %dma_start3A_45 = tpu.memref_slice %arg11[%dma_start3A_42, %dma_start3A_43, %dma_start3A_44] : memref<2x2048x16xf32, #tpu.memory_space<vmem>> -> memref<1x2048x16xf32, #tpu.memory_space<vmem>>
    %dma_start3A_46 = tpu.memref_squeeze %dma_start3A_45 : memref<1x2048x16xf32, #tpu.memory_space<vmem>> -> memref<2048x16xf32, #tpu.memory_space<vmem>>
    %dma_start3A_47 = arith.constant 0 : i32
    %dma_start3A_48 = tpu.memref_slice %arg9[%dma_start3A_41, %dma_start3A_47] : memref<5x2048xi32, #tpu.memory_space<vmem>> -> memref<1x2048xi32, #tpu.memory_space<vmem>>
    %dma_start3A_49 = tpu.memref_squeeze %dma_start3A_48 : memref<1x2048xi32, #tpu.memory_space<vmem>> -> memref<2048xi32, #tpu.memory_space<vmem>>
    %dma_start3A_50 = arith.constant 0 : i32
    %dma_start3A_51 = arith.constant 0 : i32
    %dma_start3A_52 = tpu.memref_slice %arg8[%dma_start3A_50, %dma_start3A_51] : memref<10240x16xf32, #tpu.memory_space<vmem_shared>> -> memref<10240x16xf32, #tpu.memory_space<vmem_shared>>
    tpu.enqueue_indirect_dma source(%dma_start3A_52 : memref<10240x16xf32, #tpu.memory_space<vmem_shared>>) target(%dma_start3A_46 : memref<2048x16xf32, #tpu.memory_space<vmem>>) offsets(%dma_start3A_49 : memref<2048xi32, #tpu.memory_space<vmem>>) semaphore(%arg13 : memref<!tpu.dma_semaphore, #tpu.memory_space<semaphore_mem>>)
    %dma_wait3A_53 = arith.constant 0 : i32
    %dma_wait3A_54 = arith.constant 1 : i32
    %dma_wait3A_55 = arith.constant 0 : i32
    %dma_wait3A_56 = arith.constant 0 : i32
    %dma_wait3A_57 = tpu.memref_slice %arg11[%dma_wait3A_54, %dma_wait3A_55, %dma_wait3A_56] : memref<2x2048x16xf32, #tpu.memory_space<vmem>> -> memref<1x2048x16xf32, #tpu.memory_space<vmem>>
    %dma_wait3A_58 = tpu.memref_squeeze %dma_wait3A_57 : memref<1x2048x16xf32, #tpu.memory_space<vmem>> -> memref<2048x16xf32, #tpu.memory_space<vmem>>
    %dma_wait3A_59 = arith.constant 0 : i32
    %dma_wait3A_60 = tpu.memref_slice %arg9[%dma_wait3A_53, %dma_wait3A_59] : memref<5x2048xi32, #tpu.memory_space<vmem>> -> memref<1x2048xi32, #tpu.memory_space<vmem>>
    %dma_wait3A_61 = tpu.memref_squeeze %dma_wait3A_60 : memref<1x2048xi32, #tpu.memory_space<vmem>> -> memref<2048xi32, #tpu.memory_space<vmem>>
    %dma_wait3A_62 = arith.constant 0 : i32
    %dma_wait3A_63 = arith.constant 0 : i32
    %dma_wait3A_64 = tpu.memref_slice %arg2[%dma_wait3A_62, %dma_wait3A_63] : memref<10240x16xf32, #tpu.memory_space<hbm>> -> memref<10240x16xf32, #tpu.memory_space<hbm>>
    tpu.wait_indirect_dma semaphore(%arg13 : memref<!tpu.dma_semaphore, #tpu.memory_space<semaphore_mem>>) src(%dma_wait3A_64 : memref<10240x16xf32, #tpu.memory_space<hbm>>) dst(%dma_wait3A_58 : memref<2048x16xf32, #tpu.memory_space<vmem>>)
    %dma_wait3A_65 = arith.constant 0 : i32
    %dma_wait3A_66 = arith.constant 0 : i32
    %dma_wait3A_67 = arith.constant 0 : i32
    %dma_wait3A_68 = arith.constant 0 : i32
    %dma_wait3A_69 = tpu.memref_slice %arg11[%dma_wait3A_65, %dma_wait3A_67, %dma_wait3A_68] : memref<2x2048x16xf32, #tpu.memory_space<vmem>> -> memref<1x2048x16xf32, #tpu.memory_space<vmem>>
    %dma_wait3A_70 = tpu.memref_squeeze %dma_wait3A_69 : memref<1x2048x16xf32, #tpu.memory_space<vmem>> -> memref<2048x16xf32, #tpu.memory_space<vmem>>
    %dma_wait3A_71 = arith.constant 0 : i32
    %dma_wait3A_72 = tpu.memref_slice %arg10[%dma_wait3A_66, %dma_wait3A_71] : memref<5x2048xi32, #tpu.memory_space<vmem>> -> memref<1x2048xi32, #tpu.memory_space<vmem>>
    %dma_wait3A_73 = tpu.memref_squeeze %dma_wait3A_72 : memref<1x2048xi32, #tpu.memory_space<vmem>> -> memref<2048xi32, #tpu.memory_space<vmem>>
    %dma_wait3A_74 = arith.constant 0 : i32
    %dma_wait3A_75 = arith.constant 0 : i32
    %dma_wait3A_76 = tpu.memref_slice %arg7[%dma_wait3A_74, %dma_wait3A_75] : memref<10240x16xf32, #tpu.memory_space<vmem_shared>> -> memref<10240x16xf32, #tpu.memory_space<vmem_shared>>
    tpu.wait_indirect_dma semaphore(%arg14 : memref<!tpu.dma_semaphore, #tpu.memory_space<semaphore_mem>>) src(%dma_wait3A_70 : memref<2048x16xf32, #tpu.memory_space<vmem>>) dst(%dma_wait3A_76 : memref<10240x16xf32, #tpu.memory_space<vmem_shared>>)
    %dma_start3A_77 = arith.constant 1 : i32
    %dma_start3A_78 = arith.constant 1 : i32
    %dma_start3A_79 = arith.constant 0 : i32
    %dma_start3A_80 = arith.constant 0 : i32
    %dma_start3A_81 = tpu.memref_slice %arg11[%dma_start3A_77, %dma_start3A_79, %dma_start3A_80] : memref<2x2048x16xf32, #tpu.memory_space<vmem>> -> memref<1x2048x16xf32, #tpu.memory_space<vmem>>
    %dma_start3A_82 = tpu.memref_squeeze %dma_start3A_81 : memref<1x2048x16xf32, #tpu.memory_space<vmem>> -> memref<2048x16xf32, #tpu.memory_space<vmem>>
    %dma_start3A_83 = arith.constant 0 : i32
    %dma_start3A_84 = tpu.memref_slice %arg10[%dma_start3A_78, %dma_start3A_83] : memref<5x2048xi32, #tpu.memory_space<vmem>> -> memref<1x2048xi32, #tpu.memory_space<vmem>>
    %dma_start3A_85 = tpu.memref_squeeze %dma_start3A_84 : memref<1x2048xi32, #tpu.memory_space<vmem>> -> memref<2048xi32, #tpu.memory_space<vmem>>
    %dma_start3A_86 = arith.constant 0 : i32
    %dma_start3A_87 = arith.constant 0 : i32
    %dma_start3A_88 = tpu.memref_slice %arg7[%dma_start3A_86, %dma_start3A_87] : memref<10240x16xf32, #tpu.memory_space<vmem_shared>> -> memref<10240x16xf32, #tpu.memory_space<vmem_shared>>
    tpu.enqueue_indirect_dma source(%dma_start3A_82 : memref<2048x16xf32, #tpu.memory_space<vmem>>) target(%dma_start3A_88 : memref<10240x16xf32, #tpu.memory_space<vmem_shared>>) offsets(%dma_start3A_85 : memref<2048xi32, #tpu.memory_space<vmem>>) semaphore(%arg14 : memref<!tpu.dma_semaphore, #tpu.memory_space<semaphore_mem>>) {add = true}
    %dma_start3A_89 = arith.constant 2 : i32
    %dma_start3A_90 = arith.constant 0 : i32
    %dma_start3A_91 = arith.constant 0 : i32
    %dma_start3A_92 = arith.constant 0 : i32
    %dma_start3A_93 = tpu.memref_slice %arg11[%dma_start3A_90, %dma_start3A_91, %dma_start3A_92] : memref<2x2048x16xf32, #tpu.memory_space<vmem>> -> memref<1x2048x16xf32, #tpu.memory_space<vmem>>
    %dma_start3A_94 = tpu.memref_squeeze %dma_start3A_93 : memref<1x2048x16xf32, #tpu.memory_space<vmem>> -> memref<2048x16xf32, #tpu.memory_space<vmem>>
    %dma_start3A_95 = arith.constant 0 : i32
    %dma_start3A_96 = tpu.memref_slice %arg9[%dma_start3A_89, %dma_start3A_95] : memref<5x2048xi32, #tpu.memory_space<vmem>> -> memref<1x2048xi32, #tpu.memory_space<vmem>>
    %dma_start3A_97 = tpu.memref_squeeze %dma_start3A_96 : memref<1x2048xi32, #tpu.memory_space<vmem>> -> memref<2048xi32, #tpu.memory_space<vmem>>
    %dma_start3A_98 = arith.constant 0 : i32
    %dma_start3A_99 = arith.constant 0 : i32
    %dma_start3A_100 = tpu.memref_slice %arg8[%dma_start3A_98, %dma_start3A_99] : memref<10240x16xf32, #tpu.memory_space<vmem_shared>> -> memref<10240x16xf32, #tpu.memory_space<vmem_shared>>
    tpu.enqueue_indirect_dma source(%dma_start3A_100 : memref<10240x16xf32, #tpu.memory_space<vmem_shared>>) target(%dma_start3A_94 : memref<2048x16xf32, #tpu.memory_space<vmem>>) offsets(%dma_start3A_97 : memref<2048xi32, #tpu.memory_space<vmem>>) semaphore(%arg13 : memref<!tpu.dma_semaphore, #tpu.memory_space<semaphore_mem>>)
    %dma_wait3A_101 = arith.constant 0 : i32
    %dma_wait3A_102 = arith.constant 0 : i32
    %dma_wait3A_103 = arith.constant 0 : i32
    %dma_wait3A_104 = arith.constant 0 : i32
    %dma_wait3A_105 = tpu.memref_slice %arg11[%dma_wait3A_102, %dma_wait3A_103, %dma_wait3A_104] : memref<2x2048x16xf32, #tpu.memory_space<vmem>> -> memref<1x2048x16xf32, #tpu.memory_space<vmem>>
    %dma_wait3A_106 = tpu.memref_squeeze %dma_wait3A_105 : memref<1x2048x16xf32, #tpu.memory_space<vmem>> -> memref<2048x16xf32, #tpu.memory_space<vmem>>
    %dma_wait3A_107 = arith.constant 0 : i32
    %dma_wait3A_108 = tpu.memref_slice %arg9[%dma_wait3A_101, %dma_wait3A_107] : memref<5x2048xi32, #tpu.memory_space<vmem>> -> memref<1x2048xi32, #tpu.memory_space<vmem>>
    %dma_wait3A_109 = tpu.memref_squeeze %dma_wait3A_108 : memref<1x2048xi32, #tpu.memory_space<vmem>> -> memref<2048xi32, #tpu.memory_space<vmem>>
    %dma_wait3A_110 = arith.constant 0 : i32
    %dma_wait3A_111 = arith.constant 0 : i32
    %dma_wait3A_112 = tpu.memref_slice %arg2[%dma_wait3A_110, %dma_wait3A_111] : memref<10240x16xf32, #tpu.memory_space<hbm>> -> memref<10240x16xf32, #tpu.memory_space<hbm>>
    tpu.wait_indirect_dma semaphore(%arg13 : memref<!tpu.dma_semaphore, #tpu.memory_space<semaphore_mem>>) src(%dma_wait3A_112 : memref<10240x16xf32, #tpu.memory_space<hbm>>) dst(%dma_wait3A_106 : memref<2048x16xf32, #tpu.memory_space<vmem>>)
    %dma_wait3A_113 = arith.constant 1 : i32
    %dma_wait3A_114 = arith.constant 0 : i32
    %dma_wait3A_115 = arith.constant 0 : i32
    %dma_wait3A_116 = arith.constant 0 : i32
    %dma_wait3A_117 = tpu.memref_slice %arg11[%dma_wait3A_113, %dma_wait3A_115, %dma_wait3A_116] : memref<2x2048x16xf32, #tpu.memory_space<vmem>> -> memref<1x2048x16xf32, #tpu.memory_space<vmem>>
    %dma_wait3A_118 = tpu.memref_squeeze %dma_wait3A_117 : memref<1x2048x16xf32, #tpu.memory_space<vmem>> -> memref<2048x16xf32, #tpu.memory_space<vmem>>
    %dma_wait3A_119 = arith.constant 0 : i32
    %dma_wait3A_120 = tpu.memref_slice %arg10[%dma_wait3A_114, %dma_wait3A_119] : memref<5x2048xi32, #tpu.memory_space<vmem>> -> memref<1x2048xi32, #tpu.memory_space<vmem>>
    %dma_wait3A_121 = tpu.memref_squeeze %dma_wait3A_120 : memref<1x2048xi32, #tpu.memory_space<vmem>> -> memref<2048xi32, #tpu.memory_space<vmem>>
    %dma_wait3A_122 = arith.constant 0 : i32
    %dma_wait3A_123 = arith.constant 0 : i32
    %dma_wait3A_124 = tpu.memref_slice %arg7[%dma_wait3A_122, %dma_wait3A_123] : memref<10240x16xf32, #tpu.memory_space<vmem_shared>> -> memref<10240x16xf32, #tpu.memory_space<vmem_shared>>
    tpu.wait_indirect_dma semaphore(%arg14 : memref<!tpu.dma_semaphore, #tpu.memory_space<semaphore_mem>>) src(%dma_wait3A_118 : memref<2048x16xf32, #tpu.memory_space<vmem>>) dst(%dma_wait3A_124 : memref<10240x16xf32, #tpu.memory_space<vmem_shared>>)
    %dma_start3A_125 = arith.constant 0 : i32
    %dma_start3A_126 = arith.constant 2 : i32
    %dma_start3A_127 = arith.constant 0 : i32
    %dma_start3A_128 = arith.constant 0 : i32
    %dma_start3A_129 = tpu.memref_slice %arg11[%dma_start3A_125, %dma_start3A_127, %dma_start3A_128] : memref<2x2048x16xf32, #tpu.memory_space<vmem>> -> memref<1x2048x16xf32, #tpu.memory_space<vmem>>
    %dma_start3A_130 = tpu.memref_squeeze %dma_start3A_129 : memref<1x2048x16xf32, #tpu.memory_space<vmem>> -> memref<2048x16xf32, #tpu.memory_space<vmem>>
    %dma_start3A_131 = arith.constant 0 : i32
    %dma_start3A_132 = tpu.memref_slice %arg10[%dma_start3A_126, %dma_start3A_131] : memref<5x2048xi32, #tpu.memory_space<vmem>> -> memref<1x2048xi32, #tpu.memory_space<vmem>>
    %dma_start3A_133 = tpu.memref_squeeze %dma_start3A_132 : memref<1x2048xi32, #tpu.memory_space<vmem>> -> memref<2048xi32, #tpu.memory_space<vmem>>
    %dma_start3A_134 = arith.constant 0 : i32
    %dma_start3A_135 = arith.constant 0 : i32
    %dma_start3A_136 = tpu.memref_slice %arg7[%dma_start3A_134, %dma_start3A_135] : memref<10240x16xf32, #tpu.memory_space<vmem_shared>> -> memref<10240x16xf32, #tpu.memory_space<vmem_shared>>
    tpu.enqueue_indirect_dma source(%dma_start3A_130 : memref<2048x16xf32, #tpu.memory_space<vmem>>) target(%dma_start3A_136 : memref<10240x16xf32, #tpu.memory_space<vmem_shared>>) offsets(%dma_start3A_133 : memref<2048xi32, #tpu.memory_space<vmem>>) semaphore(%arg14 : memref<!tpu.dma_semaphore, #tpu.memory_space<semaphore_mem>>) {add = true}
    %dma_start3A_137 = arith.constant 3 : i32
    %dma_start3A_138 = arith.constant 1 : i32
    %dma_start3A_139 = arith.constant 0 : i32
    %dma_start3A_140 = arith.constant 0 : i32
    %dma_start3A_141 = tpu.memref_slice %arg11[%dma_start3A_138, %dma_start3A_139, %dma_start3A_140] : memref<2x2048x16xf32, #tpu.memory_space<vmem>> -> memref<1x2048x16xf32, #tpu.memory_space<vmem>>
    %dma_start3A_142 = tpu.memref_squeeze %dma_start3A_141 : memref<1x2048x16xf32, #tpu.memory_space<vmem>> -> memref<2048x16xf32, #tpu.memory_space<vmem>>
    %dma_start3A_143 = arith.constant 0 : i32
    %dma_start3A_144 = tpu.memref_slice %arg9[%dma_start3A_137, %dma_start3A_143] : memref<5x2048xi32, #tpu.memory_space<vmem>> -> memref<1x2048xi32, #tpu.memory_space<vmem>>
    %dma_start3A_145 = tpu.memref_squeeze %dma_start3A_144 : memref<1x2048xi32, #tpu.memory_space<vmem>> -> memref<2048xi32, #tpu.memory_space<vmem>>
    %dma_start3A_146 = arith.constant 0 : i32
    %dma_start3A_147 = arith.constant 0 : i32
    %dma_start3A_148 = tpu.memref_slice %arg8[%dma_start3A_146, %dma_start3A_147] : memref<10240x16xf32, #tpu.memory_space<vmem_shared>> -> memref<10240x16xf32, #tpu.memory_space<vmem_shared>>
    tpu.enqueue_indirect_dma source(%dma_start3A_148 : memref<10240x16xf32, #tpu.memory_space<vmem_shared>>) target(%dma_start3A_142 : memref<2048x16xf32, #tpu.memory_space<vmem>>) offsets(%dma_start3A_145 : memref<2048xi32, #tpu.memory_space<vmem>>) semaphore(%arg13 : memref<!tpu.dma_semaphore, #tpu.memory_space<semaphore_mem>>)
    %dma_wait3A_149 = arith.constant 0 : i32
    %dma_wait3A_150 = arith.constant 1 : i32
    %dma_wait3A_151 = arith.constant 0 : i32
    %dma_wait3A_152 = arith.constant 0 : i32
    %dma_wait3A_153 = tpu.memref_slice %arg11[%dma_wait3A_150, %dma_wait3A_151, %dma_wait3A_152] : memref<2x2048x16xf32, #tpu.memory_space<vmem>> -> memref<1x2048x16xf32, #tpu.memory_space<vmem>>
    %dma_wait3A_154 = tpu.memref_squeeze %dma_wait3A_153 : memref<1x2048x16xf32, #tpu.memory_space<vmem>> -> memref<2048x16xf32, #tpu.memory_space<vmem>>
    %dma_wait3A_155 = arith.constant 0 : i32
    %dma_wait3A_156 = tpu.memref_slice %arg9[%dma_wait3A_149, %dma_wait3A_155] : memref<5x2048xi32, #tpu.memory_space<vmem>> -> memref<1x2048xi32, #tpu.memory_space<vmem>>
    %dma_wait3A_157 = tpu.memref_squeeze %dma_wait3A_156 : memref<1x2048xi32, #tpu.memory_space<vmem>> -> memref<2048xi32, #tpu.memory_space<vmem>>
    %dma_wait3A_158 = arith.constant 0 : i32
    %dma_wait3A_159 = arith.constant 0 : i32
    %dma_wait3A_160 = tpu.memref_slice %arg2[%dma_wait3A_158, %dma_wait3A_159] : memref<10240x16xf32, #tpu.memory_space<hbm>> -> memref<10240x16xf32, #tpu.memory_space<hbm>>
    tpu.wait_indirect_dma semaphore(%arg13 : memref<!tpu.dma_semaphore, #tpu.memory_space<semaphore_mem>>) src(%dma_wait3A_160 : memref<10240x16xf32, #tpu.memory_space<hbm>>) dst(%dma_wait3A_154 : memref<2048x16xf32, #tpu.memory_space<vmem>>)
    %dma_wait3A_161 = arith.constant 0 : i32
    %dma_wait3A_162 = arith.constant 0 : i32
    %dma_wait3A_163 = arith.constant 0 : i32
    %dma_wait3A_164 = arith.constant 0 : i32
    %dma_wait3A_165 = tpu.memref_slice %arg11[%dma_wait3A_161, %dma_wait3A_163, %dma_wait3A_164] : memref<2x2048x16xf32, #tpu.memory_space<vmem>> -> memref<1x2048x16xf32, #tpu.memory_space<vmem>>
    %dma_wait3A_166 = tpu.memref_squeeze %dma_wait3A_165 : memref<1x2048x16xf32, #tpu.memory_space<vmem>> -> memref<2048x16xf32, #tpu.memory_space<vmem>>
    %dma_wait3A_167 = arith.constant 0 : i32
    %dma_wait3A_168 = tpu.memref_slice %arg10[%dma_wait3A_162, %dma_wait3A_167] : memref<5x2048xi32, #tpu.memory_space<vmem>> -> memref<1x2048xi32, #tpu.memory_space<vmem>>
    %dma_wait3A_169 = tpu.memref_squeeze %dma_wait3A_168 : memref<1x2048xi32, #tpu.memory_space<vmem>> -> memref<2048xi32, #tpu.memory_space<vmem>>
    %dma_wait3A_170 = arith.constant 0 : i32
    %dma_wait3A_171 = arith.constant 0 : i32
    %dma_wait3A_172 = tpu.memref_slice %arg7[%dma_wait3A_170, %dma_wait3A_171] : memref<10240x16xf32, #tpu.memory_space<vmem_shared>> -> memref<10240x16xf32, #tpu.memory_space<vmem_shared>>
    tpu.wait_indirect_dma semaphore(%arg14 : memref<!tpu.dma_semaphore, #tpu.memory_space<semaphore_mem>>) src(%dma_wait3A_166 : memref<2048x16xf32, #tpu.memory_space<vmem>>) dst(%dma_wait3A_172 : memref<10240x16xf32, #tpu.memory_space<vmem_shared>>)
    %dma_start3A_173 = arith.constant 1 : i32
    %dma_start3A_174 = arith.constant 3 : i32
    %dma_start3A_175 = arith.constant 0 : i32
    %dma_start3A_176 = arith.constant 0 : i32
    %dma_start3A_177 = tpu.memref_slice %arg11[%dma_start3A_173, %dma_start3A_175, %dma_start3A_176] : memref<2x2048x16xf32, #tpu.memory_space<vmem>> -> memref<1x2048x16xf32, #tpu.memory_space<vmem>>
    %dma_start3A_178 = tpu.memref_squeeze %dma_start3A_177 : memref<1x2048x16xf32, #tpu.memory_space<vmem>> -> memref<2048x16xf32, #tpu.memory_space<vmem>>
    %dma_start3A_179 = arith.constant 0 : i32
    %dma_start3A_180 = tpu.memref_slice %arg10[%dma_start3A_174, %dma_start3A_179] : memref<5x2048xi32, #tpu.memory_space<vmem>> -> memref<1x2048xi32, #tpu.memory_space<vmem>>
    %dma_start3A_181 = tpu.memref_squeeze %dma_start3A_180 : memref<1x2048xi32, #tpu.memory_space<vmem>> -> memref<2048xi32, #tpu.memory_space<vmem>>
    %dma_start3A_182 = arith.constant 0 : i32
    %dma_start3A_183 = arith.constant 0 : i32
    %dma_start3A_184 = tpu.memref_slice %arg7[%dma_start3A_182, %dma_start3A_183] : memref<10240x16xf32, #tpu.memory_space<vmem_shared>> -> memref<10240x16xf32, #tpu.memory_space<vmem_shared>>
    tpu.enqueue_indirect_dma source(%dma_start3A_178 : memref<2048x16xf32, #tpu.memory_space<vmem>>) target(%dma_start3A_184 : memref<10240x16xf32, #tpu.memory_space<vmem_shared>>) offsets(%dma_start3A_181 : memref<2048xi32, #tpu.memory_space<vmem>>) semaphore(%arg14 : memref<!tpu.dma_semaphore, #tpu.memory_space<semaphore_mem>>) {add = true}
    %dma_start3A_185 = arith.constant 4 : i32
    %dma_start3A_186 = arith.constant 0 : i32
    %dma_start3A_187 = arith.constant 0 : i32
    %dma_start3A_188 = arith.constant 0 : i32
    %dma_start3A_189 = tpu.memref_slice %arg11[%dma_start3A_186, %dma_start3A_187, %dma_start3A_188] : memref<2x2048x16xf32, #tpu.memory_space<vmem>> -> memref<1x2048x16xf32, #tpu.memory_space<vmem>>
    %dma_start3A_190 = tpu.memref_squeeze %dma_start3A_189 : memref<1x2048x16xf32, #tpu.memory_space<vmem>> -> memref<2048x16xf32, #tpu.memory_space<vmem>>
    %dma_start3A_191 = arith.constant 0 : i32
    %dma_start3A_192 = tpu.memref_slice %arg9[%dma_start3A_185, %dma_start3A_191] : memref<5x2048xi32, #tpu.memory_space<vmem>> -> memref<1x2048xi32, #tpu.memory_space<vmem>>
    %dma_start3A_193 = tpu.memref_squeeze %dma_start3A_192 : memref<1x2048xi32, #tpu.memory_space<vmem>> -> memref<2048xi32, #tpu.memory_space<vmem>>
    %dma_start3A_194 = arith.constant 0 : i32
    %dma_start3A_195 = arith.constant 0 : i32
    %dma_start3A_196 = tpu.memref_slice %arg8[%dma_start3A_194, %dma_start3A_195] : memref<10240x16xf32, #tpu.memory_space<vmem_shared>> -> memref<10240x16xf32, #tpu.memory_space<vmem_shared>>
    tpu.enqueue_indirect_dma source(%dma_start3A_196 : memref<10240x16xf32, #tpu.memory_space<vmem_shared>>) target(%dma_start3A_190 : memref<2048x16xf32, #tpu.memory_space<vmem>>) offsets(%dma_start3A_193 : memref<2048xi32, #tpu.memory_space<vmem>>) semaphore(%arg13 : memref<!tpu.dma_semaphore, #tpu.memory_space<semaphore_mem>>)
    %dma_wait3A_197 = arith.constant 0 : i32
    %dma_wait3A_198 = arith.constant 0 : i32
    %dma_wait3A_199 = arith.constant 0 : i32
    %dma_wait3A_200 = arith.constant 0 : i32
    %dma_wait3A_201 = tpu.memref_slice %arg11[%dma_wait3A_198, %dma_wait3A_199, %dma_wait3A_200] : memref<2x2048x16xf32, #tpu.memory_space<vmem>> -> memref<1x2048x16xf32, #tpu.memory_space<vmem>>
    %dma_wait3A_202 = tpu.memref_squeeze %dma_wait3A_201 : memref<1x2048x16xf32, #tpu.memory_space<vmem>> -> memref<2048x16xf32, #tpu.memory_space<vmem>>
    %dma_wait3A_203 = arith.constant 0 : i32
    %dma_wait3A_204 = tpu.memref_slice %arg9[%dma_wait3A_197, %dma_wait3A_203] : memref<5x2048xi32, #tpu.memory_space<vmem>> -> memref<1x2048xi32, #tpu.memory_space<vmem>>
    %dma_wait3A_205 = tpu.memref_squeeze %dma_wait3A_204 : memref<1x2048xi32, #tpu.memory_space<vmem>> -> memref<2048xi32, #tpu.memory_space<vmem>>
    %dma_wait3A_206 = arith.constant 0 : i32
    %dma_wait3A_207 = arith.constant 0 : i32
    %dma_wait3A_208 = tpu.memref_slice %arg2[%dma_wait3A_206, %dma_wait3A_207] : memref<10240x16xf32, #tpu.memory_space<hbm>> -> memref<10240x16xf32, #tpu.memory_space<hbm>>
    tpu.wait_indirect_dma semaphore(%arg13 : memref<!tpu.dma_semaphore, #tpu.memory_space<semaphore_mem>>) src(%dma_wait3A_208 : memref<10240x16xf32, #tpu.memory_space<hbm>>) dst(%dma_wait3A_202 : memref<2048x16xf32, #tpu.memory_space<vmem>>)
    %dma_wait3A_209 = arith.constant 1 : i32
    %dma_wait3A_210 = arith.constant 0 : i32
    %dma_wait3A_211 = arith.constant 0 : i32
    %dma_wait3A_212 = arith.constant 0 : i32
    %dma_wait3A_213 = tpu.memref_slice %arg11[%dma_wait3A_209, %dma_wait3A_211, %dma_wait3A_212] : memref<2x2048x16xf32, #tpu.memory_space<vmem>> -> memref<1x2048x16xf32, #tpu.memory_space<vmem>>
    %dma_wait3A_214 = tpu.memref_squeeze %dma_wait3A_213 : memref<1x2048x16xf32, #tpu.memory_space<vmem>> -> memref<2048x16xf32, #tpu.memory_space<vmem>>
    %dma_wait3A_215 = arith.constant 0 : i32
    %dma_wait3A_216 = tpu.memref_slice %arg10[%dma_wait3A_210, %dma_wait3A_215] : memref<5x2048xi32, #tpu.memory_space<vmem>> -> memref<1x2048xi32, #tpu.memory_space<vmem>>
    %dma_wait3A_217 = tpu.memref_squeeze %dma_wait3A_216 : memref<1x2048xi32, #tpu.memory_space<vmem>> -> memref<2048xi32, #tpu.memory_space<vmem>>
    %dma_wait3A_218 = arith.constant 0 : i32
    %dma_wait3A_219 = arith.constant 0 : i32
    %dma_wait3A_220 = tpu.memref_slice %arg7[%dma_wait3A_218, %dma_wait3A_219] : memref<10240x16xf32, #tpu.memory_space<vmem_shared>> -> memref<10240x16xf32, #tpu.memory_space<vmem_shared>>
    tpu.wait_indirect_dma semaphore(%arg14 : memref<!tpu.dma_semaphore, #tpu.memory_space<semaphore_mem>>) src(%dma_wait3A_214 : memref<2048x16xf32, #tpu.memory_space<vmem>>) dst(%dma_wait3A_220 : memref<10240x16xf32, #tpu.memory_space<vmem_shared>>)
    %dma_start3A_221 = arith.constant 0 : i32
    %dma_start3A_222 = arith.constant 4 : i32
    %dma_start3A_223 = arith.constant 0 : i32
    %dma_start3A_224 = arith.constant 0 : i32
    %dma_start3A_225 = tpu.memref_slice %arg11[%dma_start3A_221, %dma_start3A_223, %dma_start3A_224] : memref<2x2048x16xf32, #tpu.memory_space<vmem>> -> memref<1x2048x16xf32, #tpu.memory_space<vmem>>
    %dma_start3A_226 = tpu.memref_squeeze %dma_start3A_225 : memref<1x2048x16xf32, #tpu.memory_space<vmem>> -> memref<2048x16xf32, #tpu.memory_space<vmem>>
    %dma_start3A_227 = arith.constant 0 : i32
    %dma_start3A_228 = tpu.memref_slice %arg10[%dma_start3A_222, %dma_start3A_227] : memref<5x2048xi32, #tpu.memory_space<vmem>> -> memref<1x2048xi32, #tpu.memory_space<vmem>>
    %dma_start3A_229 = tpu.memref_squeeze %dma_start3A_228 : memref<1x2048xi32, #tpu.memory_space<vmem>> -> memref<2048xi32, #tpu.memory_space<vmem>>
    %dma_start3A_230 = arith.constant 0 : i32
    %dma_start3A_231 = arith.constant 0 : i32
    %dma_start3A_232 = tpu.memref_slice %arg7[%dma_start3A_230, %dma_start3A_231] : memref<10240x16xf32, #tpu.memory_space<vmem_shared>> -> memref<10240x16xf32, #tpu.memory_space<vmem_shared>>
    tpu.enqueue_indirect_dma source(%dma_start3A_226 : memref<2048x16xf32, #tpu.memory_space<vmem>>) target(%dma_start3A_232 : memref<10240x16xf32, #tpu.memory_space<vmem_shared>>) offsets(%dma_start3A_229 : memref<2048xi32, #tpu.memory_space<vmem>>) semaphore(%arg14 : memref<!tpu.dma_semaphore, #tpu.memory_space<semaphore_mem>>) {add = true}
    %dma_wait3A_233 = arith.constant 0 : i32
    %dma_wait3A_234 = arith.constant 0 : i32
    %dma_wait3A_235 = arith.constant 0 : i32
    %dma_wait3A_236 = arith.constant 0 : i32
    %dma_wait3A_237 = tpu.memref_slice %arg11[%dma_wait3A_233, %dma_wait3A_235, %dma_wait3A_236] : memref<2x2048x16xf32, #tpu.memory_space<vmem>> -> memref<1x2048x16xf32, #tpu.memory_space<vmem>>
    %dma_wait3A_238 = tpu.memref_squeeze %dma_wait3A_237 : memref<1x2048x16xf32, #tpu.memory_space<vmem>> -> memref<2048x16xf32, #tpu.memory_space<vmem>>
    %dma_wait3A_239 = arith.constant 0 : i32
    %dma_wait3A_240 = tpu.memref_slice %arg10[%dma_wait3A_234, %dma_wait3A_239] : memref<5x2048xi32, #tpu.memory_space<vmem>> -> memref<1x2048xi32, #tpu.memory_space<vmem>>
    %dma_wait3A_241 = tpu.memref_squeeze %dma_wait3A_240 : memref<1x2048xi32, #tpu.memory_space<vmem>> -> memref<2048xi32, #tpu.memory_space<vmem>>
    %dma_wait3A_242 = arith.constant 0 : i32
    %dma_wait3A_243 = arith.constant 0 : i32
    %dma_wait3A_244 = tpu.memref_slice %arg7[%dma_wait3A_242, %dma_wait3A_243] : memref<10240x16xf32, #tpu.memory_space<vmem_shared>> -> memref<10240x16xf32, #tpu.memory_space<vmem_shared>>
    tpu.wait_indirect_dma semaphore(%arg14 : memref<!tpu.dma_semaphore, #tpu.memory_space<semaphore_mem>>) src(%dma_wait3A_238 : memref<2048x16xf32, #tpu.memory_space<vmem>>) dst(%dma_wait3A_244 : memref<10240x16xf32, #tpu.memory_space<vmem_shared>>)
    %barrier3A_245 = arith.constant 0 : index
    tpu.barrier barrier_id(%barrier3A_245)
    %mul3A_246 = arith.constant 640 : i32
    %mul3A_247 = arith.muli %arg1, %mul3A_246 : i32
    "tpu.region"() ({
      %run_scoped3A = tpu.sem_alloc : memref<!tpu.dma_semaphore, #tpu.memory_space<semaphore_mem>>
      %dma_start3A_250 = arith.constant 0 : i32
      %dma_start3A_251 = tpu.memref_slice %arg7[%mul3A_247, %dma_start3A_250] : memref<10240x16xf32, #tpu.memory_space<vmem_shared>> -> memref<640x16xf32, #tpu.memory_space<vmem_shared>>
      %dma_start3A_252 = arith.constant 0 : i32
      %dma_start3A_253 = tpu.memref_slice %arg7[%mul3A_247, %dma_start3A_252] : memref<10240x16xf32, #tpu.memory_space<vmem_shared>> -> memref<640x16xf32, #tpu.memory_space<vmem_shared>>
      tpu.enqueue_dma source(%dma_start3A_253 : memref<640x16xf32, #tpu.memory_space<vmem_shared>>) target(%arg12 : memref<640x16xf32, #tpu.memory_space<vmem>>) target_semaphore(%run_scoped3A : memref<!tpu.dma_semaphore, #tpu.memory_space<semaphore_mem>>)
      %dma_wait3A_254 = arith.constant 0 : i32
      %dma_wait3A_255 = tpu.memref_slice %arg7[%mul3A_247, %dma_wait3A_254] : memref<10240x16xf32, #tpu.memory_space<vmem_shared>> -> memref<640x16xf32, #tpu.memory_space<vmem_shared>>
      %dma_wait3A_256 = arith.constant 0 : i32
      %dma_wait3A_257 = tpu.memref_slice %arg7[%mul3A_247, %dma_wait3A_256] : memref<10240x16xf32, #tpu.memory_space<vmem_shared>> -> memref<640x16xf32, #tpu.memory_space<vmem_shared>>
      tpu.wait_dma2 semaphore(%run_scoped3A : memref<!tpu.dma_semaphore, #tpu.memory_space<semaphore_mem>>) src(%dma_wait3A_257 : memref<640x16xf32, #tpu.memory_space<vmem_shared>>) dst(%arg12 : memref<640x16xf32, #tpu.memory_space<vmem>>)
      tpu.yield
    }) : () -> ()
    %mul3A_248 = arith.constant 640 : i32
    %mul3A_249 = arith.muli %arg1, %mul3A_248 : i32
    "tpu.region"() ({
      %run_scoped3A = tpu.sem_alloc : memref<!tpu.dma_semaphore, #tpu.memory_space<semaphore_mem>>
      %dma_start3A_250 = arith.constant 0 : i32
      %dma_start3A_251 = tpu.memref_slice %arg6[%arg0, %mul3A_249, %dma_start3A_250] : memref<2x10240x16xf32, #tpu.memory_space<hbm>> -> memref<1x640x16xf32, #tpu.memory_space<hbm>>
      %dma_start3A_252 = tpu.memref_squeeze %dma_start3A_251 : memref<1x640x16xf32, #tpu.memory_space<hbm>> -> memref<640x16xf32, #tpu.memory_space<hbm>>
      %dma_start3A_253 = arith.constant 0 : i32
      %dma_start3A_254 = tpu.memref_slice %arg6[%arg0, %mul3A_249, %dma_start3A_253] : memref<2x10240x16xf32, #tpu.memory_space<hbm>> -> memref<1x640x16xf32, #tpu.memory_space<hbm>>
      %dma_start3A_255 = tpu.memref_squeeze %dma_start3A_254 : memref<1x640x16xf32, #tpu.memory_space<hbm>> -> memref<640x16xf32, #tpu.memory_space<hbm>>
      tpu.enqueue_dma source(%arg12 : memref<640x16xf32, #tpu.memory_space<vmem>>) target(%dma_start3A_255 : memref<640x16xf32, #tpu.memory_space<hbm>>) target_semaphore(%run_scoped3A : memref<!tpu.dma_semaphore, #tpu.memory_space<semaphore_mem>>)
      %dma_wait3A_256 = arith.constant 0 : i32
      %dma_wait3A_257 = tpu.memref_slice %arg6[%arg0, %mul3A_249, %dma_wait3A_256] : memref<2x10240x16xf32, #tpu.memory_space<hbm>> -> memref<1x640x16xf32, #tpu.memory_space<hbm>>
      %dma_wait3A_258 = tpu.memref_squeeze %dma_wait3A_257 : memref<1x640x16xf32, #tpu.memory_space<hbm>> -> memref<640x16xf32, #tpu.memory_space<hbm>>
      %dma_wait3A_259 = arith.constant 0 : i32
      %dma_wait3A_260 = tpu.memref_slice %arg6[%arg0, %mul3A_249, %dma_wait3A_259] : memref<2x10240x16xf32, #tpu.memory_space<hbm>> -> memref<1x640x16xf32, #tpu.memory_space<hbm>>
      %dma_wait3A_261 = tpu.memref_squeeze %dma_wait3A_260 : memref<1x640x16xf32, #tpu.memory_space<hbm>> -> memref<640x16xf32, #tpu.memory_space<hbm>>
      tpu.wait_dma2 semaphore(%run_scoped3A : memref<!tpu.dma_semaphore, #tpu.memory_space<semaphore_mem>>) src(%arg12 : memref<640x16xf32, #tpu.memory_space<vmem>>) dst(%dma_wait3A_261 : memref<640x16xf32, #tpu.memory_space<hbm>>)
      tpu.yield
    }) : () -> ()
    return
  }
}

#map = affine_map<(d0, d1) -> (0, 0)>
#map1 = affine_map<(d0, d1) -> (0, 0, 0)>
module attributes {stable_mosaic.version = 14 : i64} {
  func.func @body(%arg0: i32, %arg1: i32, %arg2: memref<10240x16xf32, #tpu.memory_space<hbm>>, %arg3: memref<32x5x2048xi32, #tpu.memory_space<hbm>>, %arg4: memref<32x5x2048xi32, #tpu.memory_space<hbm>>, %arg5: memref<640x16xf32, #tpu.memory_space<hbm>>, %arg6: memref<2x10240x16xf32, #tpu.memory_space<hbm>>, %arg7: memref<10240x16xf32, #tpu.memory_space<vmem_shared>>, %arg8: memref<10240x16xf32, #tpu.memory_space<vmem_shared>>, %arg9: memref<5x2048xi32, #tpu.memory_space<vmem>>, %arg10: memref<5x2048xi32, #tpu.memory_space<vmem>>, %arg11: memref<2x2048x16xf32, #tpu.memory_space<vmem>>, %arg12: memref<640x16xf32, #tpu.memory_space<vmem>>, %arg13: memref<!tpu.dma_semaphore, #tpu.memory_space<semaphore_mem>>, %arg14: memref<!tpu.dma_semaphore, #tpu.memory_space<semaphore_mem>>) attributes {dimension_semantics = [#tpu.dimension_semantics<core_parallel>, #tpu.dimension_semantics<subcore_parallel>], iteration_bounds = array<i64: 2, 16>, scalar_prefetch = 0 : i64, scratch_operands = 8 : i64, tpu.core_type = #tpu.core_type<sc_vector_subcore>, window_params = [{transform_indices = #map}, {transform_indices = #map1}, {transform_indices = #map1}, {transform_indices = #map}, {transform_indices = #map1}]} {
    %mul3A = arith.constant 16 : i32
    %mul3A_0 = arith.muli %arg0, %mul3A : i32
    %add3A = arith.addi %mul3A_0, %arg1 : i32
    "tpu.region"() ({
      %run_scoped3A = tpu.sem_alloc : memref<!tpu.dma_semaphore, #tpu.memory_space<semaphore_mem>>
      tpu.enqueue_dma source(%arg5 : memref<640x16xf32, #tpu.memory_space<hbm>>) target(%arg12 : memref<640x16xf32, #tpu.memory_space<vmem>>) target_semaphore(%run_scoped3A : memref<!tpu.dma_semaphore, #tpu.memory_space<semaphore_mem>>)
      tpu.wait_dma2 semaphore(%run_scoped3A : memref<!tpu.dma_semaphore, #tpu.memory_space<semaphore_mem>>) src(%arg5 : memref<640x16xf32, #tpu.memory_space<hbm>>) dst(%arg12 : memref<640x16xf32, #tpu.memory_space<vmem>>)
      tpu.yield
    }) : () -> ()
    %mul3A_1 = arith.constant 640 : i32
    %mul3A_2 = arith.muli %arg1, %mul3A_1 : i32
    "tpu.region"() ({
      %run_scoped3A = tpu.sem_alloc : memref<!tpu.dma_semaphore, #tpu.memory_space<semaphore_mem>>
      %dma_start3A_250 = arith.constant 0 : i32
      %dma_start3A_251 = tpu.memref_slice %arg7[%mul3A_2, %dma_start3A_250] : memref<10240x16xf32, #tpu.memory_space<vmem_shared>> -> memref<640x16xf32, #tpu.memory_space<vmem_shared>>
      %dma_start3A_252 = arith.constant 0 : i32
      %dma_start3A_253 = tpu.memref_slice %arg7[%mul3A_2, %dma_start3A_252] : memref<10240x16xf32, #tpu.memory_space<vmem_shared>> -> memref<640x16xf32, #tpu.memory_space<vmem_shared>>
      tpu.enqueue_dma source(%arg12 : memref<640x16xf32, #tpu.memory_space<vmem>>) target(%dma_start3A_253 : memref<640x16xf32, #tpu.memory_space<vmem_shared>>) target_semaphore(%run_scoped3A : memref<!tpu.dma_semaphore, #tpu.memory_space<semaphore_mem>>)
      %dma_wait3A_254 = arith.constant 0 : i32
      %dma_wait3A_255 = tpu.memref_slice %arg7[%mul3A_2, %dma_wait3A_254] : memref<10240x16xf32, #tpu.memory_space<vmem_shared>> -> memref<640x16xf32, #tpu.memory_space<vmem_shared>>
      %dma_wait3A_256 = arith.constant 0 : i32
      %dma_wait3A_257 = tpu.memref_slice %arg7[%mul3A_2, %dma_wait3A_256] : memref<10240x16xf32, #tpu.memory_space<vmem_shared>> -> memref<640x16xf32, #tpu.memory_space<vmem_shared>>
      tpu.wait_dma2 semaphore(%run_scoped3A : memref<!tpu.dma_semaphore, #tpu.memory_space<semaphore_mem>>) src(%arg12 : memref<640x16xf32, #tpu.memory_space<vmem>>) dst(%dma_wait3A_257 : memref<640x16xf32, #tpu.memory_space<vmem_shared>>)
      tpu.yield
    }) : () -> ()
    %mul3A_3 = arith.constant 640 : i32
    %mul3A_4 = arith.muli %arg1, %mul3A_3 : i32
    "tpu.region"() ({
      %run_scoped3A = tpu.sem_alloc : memref<!tpu.dma_semaphore, #tpu.memory_space<semaphore_mem>>
      %dma_start3A_250 = arith.constant 0 : i32
      %dma_start3A_251 = tpu.memref_slice %arg2[%mul3A_4, %dma_start3A_250] : memref<10240x16xf32, #tpu.memory_space<hbm>> -> memref<640x16xf32, #tpu.memory_space<hbm>>
      %dma_start3A_252 = arith.constant 0 : i32
      %dma_start3A_253 = tpu.memref_slice %arg2[%mul3A_4, %dma_start3A_252] : memref<10240x16xf32, #tpu.memory_space<hbm>> -> memref<640x16xf32, #tpu.memory_space<hbm>>
      tpu.enqueue_dma source(%dma_start3A_253 : memref<640x16xf32, #tpu.memory_space<hbm>>) target(%arg12 : memref<640x16xf32, #tpu.memory_space<vmem>>) target_semaphore(%run_scoped3A : memref<!tpu.dma_semaphore, #tpu.memory_space<semaphore_mem>>)
      %dma_wait3A_254 = arith.constant 0 : i32
      %dma_wait3A_255 = tpu.memref_slice %arg2[%mul3A_4, %dma_wait3A_254] : memref<10240x16xf32, #tpu.memory_space<hbm>> -> memref<640x16xf32, #tpu.memory_space<hbm>>
      %dma_wait3A_256 = arith.constant 0 : i32
      %dma_wait3A_257 = tpu.memref_slice %arg2[%mul3A_4, %dma_wait3A_256] : memref<10240x16xf32, #tpu.memory_space<hbm>> -> memref<640x16xf32, #tpu.memory_space<hbm>>
      tpu.wait_dma2 semaphore(%run_scoped3A : memref<!tpu.dma_semaphore, #tpu.memory_space<semaphore_mem>>) src(%dma_wait3A_257 : memref<640x16xf32, #tpu.memory_space<hbm>>) dst(%arg12 : memref<640x16xf32, #tpu.memory_space<vmem>>)
      tpu.yield
    }) : () -> ()
    %mul3A_5 = arith.constant 640 : i32
    %mul3A_6 = arith.muli %arg1, %mul3A_5 : i32
    "tpu.region"() ({
      %run_scoped3A = tpu.sem_alloc : memref<!tpu.dma_semaphore, #tpu.memory_space<semaphore_mem>>
      %dma_start3A_250 = arith.constant 0 : i32
      %dma_start3A_251 = tpu.memref_slice %arg8[%mul3A_6, %dma_start3A_250] : memref<10240x16xf32, #tpu.memory_space<vmem_shared>> -> memref<640x16xf32, #tpu.memory_space<vmem_shared>>
      %dma_start3A_252 = arith.constant 0 : i32
      %dma_start3A_253 = tpu.memref_slice %arg8[%mul3A_6, %dma_start3A_252] : memref<10240x16xf32, #tpu.memory_space<vmem_shared>> -> memref<640x16xf32, #tpu.memory_space<vmem_shared>>
      tpu.enqueue_dma source(%arg12 : memref<640x16xf32, #tpu.memory_space<vmem>>) target(%dma_start3A_253 : memref<640x16xf32, #tpu.memory_space<vmem_shared>>) target_semaphore(%run_scoped3A : memref<!tpu.dma_semaphore, #tpu.memory_space<semaphore_mem>>)
      %dma_wait3A_254 = arith.constant 0 : i32
      %dma_wait3A_255 = tpu.memref_slice %arg8[%mul3A_6, %dma_wait3A_254] : memref<10240x16xf32, #tpu.memory_space<vmem_shared>> -> memref<640x16xf32, #tpu.memory_space<vmem_shared>>
      %dma_wait3A_256 = arith.constant 0 : i32
      %dma_wait3A_257 = tpu.memref_slice %arg8[%mul3A_6, %dma_wait3A_256] : memref<10240x16xf32, #tpu.memory_space<vmem_shared>> -> memref<640x16xf32, #tpu.memory_space<vmem_shared>>
      tpu.wait_dma2 semaphore(%run_scoped3A : memref<!tpu.dma_semaphore, #tpu.memory_space<semaphore_mem>>) src(%arg12 : memref<640x16xf32, #tpu.memory_space<vmem>>) dst(%dma_wait3A_257 : memref<640x16xf32, #tpu.memory_space<vmem_shared>>)
      tpu.yield
    }) : () -> ()
    "tpu.region"() ({
      %run_scoped3A = tpu.sem_alloc : memref<!tpu.dma_semaphore, #tpu.memory_space<semaphore_mem>>
      %dma_start3A_250 = arith.constant 0 : i32
      %dma_start3A_251 = arith.constant 0 : i32
      %dma_start3A_252 = tpu.memref_slice %arg3[%add3A, %dma_start3A_250, %dma_start3A_251] : memref<32x5x2048xi32, #tpu.memory_space<hbm>> -> memref<1x5x2048xi32, #tpu.memory_space<hbm>>
      %dma_start3A_253 = tpu.memref_squeeze %dma_start3A_252 : memref<1x5x2048xi32, #tpu.memory_space<hbm>> -> memref<5x2048xi32, #tpu.memory_space<hbm>>
      %dma_start3A_254 = arith.constant 0 : i32
      %dma_start3A_255 = arith.constant 0 : i32
      %dma_start3A_256 = tpu.memref_slice %arg3[%add3A, %dma_start3A_254, %dma_start3A_255] : memref<32x5x2048xi32, #tpu.memory_space<hbm>> -> memref<1x5x2048xi32, #tpu.memory_space<hbm>>
      %dma_start3A_257 = tpu.memref_squeeze %dma_start3A_256 : memref<1x5x2048xi32, #tpu.memory_space<hbm>> -> memref<5x2048xi32, #tpu.memory_space<hbm>>
      tpu.enqueue_dma source(%dma_start3A_257 : memref<5x2048xi32, #tpu.memory_space<hbm>>) target(%arg9 : memref<5x2048xi32, #tpu.memory_space<vmem>>) target_semaphore(%run_scoped3A : memref<!tpu.dma_semaphore, #tpu.memory_space<semaphore_mem>>)
      %dma_wait3A_258 = arith.constant 0 : i32
      %dma_wait3A_259 = arith.constant 0 : i32
      %dma_wait3A_260 = tpu.memref_slice %arg3[%add3A, %dma_wait3A_258, %dma_wait3A_259] : memref<32x5x2048xi32, #tpu.memory_space<hbm>> -> memref<1x5x2048xi32, #tpu.memory_space<hbm>>
      %dma_wait3A_261 = tpu.memref_squeeze %dma_wait3A_260 : memref<1x5x2048xi32, #tpu.memory_space<hbm>> -> memref<5x2048xi32, #tpu.memory_space<hbm>>
      %dma_wait3A_262 = arith.constant 0 : i32
      %dma_wait3A_263 = arith.constant 0 : i32
      %dma_wait3A_264 = tpu.memref_slice %arg3[%add3A, %dma_wait3A_262, %dma_wait3A_263] : memref<32x5x2048xi32, #tpu.memory_space<hbm>> -> memref<1x5x2048xi32, #tpu.memory_space<hbm>>
      %dma_wait3A_265 = tpu.memref_squeeze %dma_wait3A_264 : memref<1x5x2048xi32, #tpu.memory_space<hbm>> -> memref<5x2048xi32, #tpu.memory_space<hbm>>
      tpu.wait_dma2 semaphore(%run_scoped3A : memref<!tpu.dma_semaphore, #tpu.memory_space<semaphore_mem>>) src(%dma_wait3A_265 : memref<5x2048xi32, #tpu.memory_space<hbm>>) dst(%arg9 : memref<5x2048xi32, #tpu.memory_space<vmem>>)
      tpu.yield
    }) : () -> ()
    "tpu.region"() ({
      %run_scoped3A = tpu.sem_alloc : memref<!tpu.dma_semaphore, #tpu.memory_space<semaphore_mem>>
      %dma_start3A_250 = arith.constant 0 : i32
      %dma_start3A_251 = arith.constant 0 : i32
      %dma_start3A_252 = tpu.memref_slice %arg4[%add3A, %dma_start3A_250, %dma_start3A_251] : memref<32x5x2048xi32, #tpu.memory_space<hbm>> -> memref<1x5x2048xi32, #tpu.memory_space<hbm>>
      %dma_start3A_253 = tpu.memref_squeeze %dma_start3A_252 : memref<1x5x2048xi32, #tpu.memory_space<hbm>> -> memref<5x2048xi32, #tpu.memory_space<hbm>>
      %dma_start3A_254 = arith.constant 0 : i32
      %dma_start3A_255 = arith.constant 0 : i32
      %dma_start3A_256 = tpu.memref_slice %arg4[%add3A, %dma_start3A_254, %dma_start3A_255] : memref<32x5x2048xi32, #tpu.memory_space<hbm>> -> memref<1x5x2048xi32, #tpu.memory_space<hbm>>
      %dma_start3A_257 = tpu.memref_squeeze %dma_start3A_256 : memref<1x5x2048xi32, #tpu.memory_space<hbm>> -> memref<5x2048xi32, #tpu.memory_space<hbm>>
      tpu.enqueue_dma source(%dma_start3A_257 : memref<5x2048xi32, #tpu.memory_space<hbm>>) target(%arg10 : memref<5x2048xi32, #tpu.memory_space<vmem>>) target_semaphore(%run_scoped3A : memref<!tpu.dma_semaphore, #tpu.memory_space<semaphore_mem>>)
      %dma_wait3A_258 = arith.constant 0 : i32
      %dma_wait3A_259 = arith.constant 0 : i32
      %dma_wait3A_260 = tpu.memref_slice %arg4[%add3A, %dma_wait3A_258, %dma_wait3A_259] : memref<32x5x2048xi32, #tpu.memory_space<hbm>> -> memref<1x5x2048xi32, #tpu.memory_space<hbm>>
      %dma_wait3A_261 = tpu.memref_squeeze %dma_wait3A_260 : memref<1x5x2048xi32, #tpu.memory_space<hbm>> -> memref<5x2048xi32, #tpu.memory_space<hbm>>
      %dma_wait3A_262 = arith.constant 0 : i32
      %dma_wait3A_263 = arith.constant 0 : i32
      %dma_wait3A_264 = tpu.memref_slice %arg4[%add3A, %dma_wait3A_262, %dma_wait3A_263] : memref<32x5x2048xi32, #tpu.memory_space<hbm>> -> memref<1x5x2048xi32, #tpu.memory_space<hbm>>
      %dma_wait3A_265 = tpu.memref_squeeze %dma_wait3A_264 : memref<1x5x2048xi32, #tpu.memory_space<hbm>> -> memref<5x2048xi32, #tpu.memory_space<hbm>>
      tpu.wait_dma2 semaphore(%run_scoped3A : memref<!tpu.dma_semaphore, #tpu.memory_space<semaphore_mem>>) src(%dma_wait3A_265 : memref<5x2048xi32, #tpu.memory_space<hbm>>) dst(%arg10 : memref<5x2048xi32, #tpu.memory_space<vmem>>)
      tpu.yield
    }) : () -> ()
    %barrier3A = arith.constant 0 : index
    tpu.barrier barrier_id(%barrier3A)
    %dma_start3A = arith.constant 0 : i32
    %dma_start3A_7 = arith.constant 0 : i32
    %dma_start3A_8 = arith.constant 0 : i32
    %dma_start3A_9 = arith.constant 0 : i32
    %dma_start3A_10 = tpu.memref_slice %arg11[%dma_start3A_7, %dma_start3A_8, %dma_start3A_9] : memref<2x2048x16xf32, #tpu.memory_space<vmem>> -> memref<1x2048x16xf32, #tpu.memory_space<vmem>>
    %dma_start3A_11 = tpu.memref_squeeze %dma_start3A_10 : memref<1x2048x16xf32, #tpu.memory_space<vmem>> -> memref<2048x16xf32, #tpu.memory_space<vmem>>
    %dma_start3A_12 = arith.constant 0 : i32
    %dma_start3A_13 = tpu.memref_slice %arg9[%dma_start3A, %dma_start3A_12] : memref<5x2048xi32, #tpu.memory_space<vmem>> -> memref<1x2048xi32, #tpu.memory_space<vmem>>
    %dma_start3A_14 = tpu.memref_squeeze %dma_start3A_13 : memref<1x2048xi32, #tpu.memory_space<vmem>> -> memref<2048xi32, #tpu.memory_space<vmem>>
    %dma_start3A_15 = arith.constant 0 : i32
    %dma_start3A_16 = arith.constant 0 : i32
    %dma_start3A_17 = tpu.memref_slice %arg8[%dma_start3A_15, %dma_start3A_16] : memref<10240x16xf32, #tpu.memory_space<vmem_shared>> -> memref<10240x16xf32, #tpu.memory_space<vmem_shared>>
    tpu.enqueue_indirect_dma source(%dma_start3A_17 : memref<10240x16xf32, #tpu.memory_space<vmem_shared>>) target(%dma_start3A_11 : memref<2048x16xf32, #tpu.memory_space<vmem>>) offsets(%dma_start3A_14 : memref<2048xi32, #tpu.memory_space<vmem>>) semaphore(%arg13 : memref<!tpu.dma_semaphore, #tpu.memory_space<semaphore_mem>>)
    %dma_wait3A = arith.constant 0 : i32
    %dma_wait3A_18 = arith.constant 0 : i32
    %dma_wait3A_19 = arith.constant 0 : i32
    %dma_wait3A_20 = arith.constant 0 : i32
    %dma_wait3A_21 = tpu.memref_slice %arg11[%dma_wait3A_18, %dma_wait3A_19, %dma_wait3A_20] : memref<2x2048x16xf32, #tpu.memory_space<vmem>> -> memref<1x2048x16xf32, #tpu.memory_space<vmem>>
    %dma_wait3A_22 = tpu.memref_squeeze %dma_wait3A_21 : memref<1x2048x16xf32, #tpu.memory_space<vmem>> -> memref<2048x16xf32, #tpu.memory_space<vmem>>
    %dma_wait3A_23 = arith.constant 0 : i32
    %dma_wait3A_24 = tpu.memref_slice %arg9[%dma_wait3A, %dma_wait3A_23] : memref<5x2048xi32, #tpu.memory_space<vmem>> -> memref<1x2048xi32, #tpu.memory_space<vmem>>
    %dma_wait3A_25 = tpu.memref_squeeze %dma_wait3A_24 : memref<1x2048xi32, #tpu.memory_space<vmem>> -> memref<2048xi32, #tpu.memory_space<vmem>>
    %dma_wait3A_26 = arith.constant 0 : i32
    %dma_wait3A_27 = arith.constant 0 : i32
    %dma_wait3A_28 = tpu.memref_slice %arg2[%dma_wait3A_26, %dma_wait3A_27] : memref<10240x16xf32, #tpu.memory_space<hbm>> -> memref<10240x16xf32, #tpu.memory_space<hbm>>
    tpu.wait_indirect_dma semaphore(%arg13 : memref<!tpu.dma_semaphore, #tpu.memory_space<semaphore_mem>>) src(%dma_wait3A_28 : memref<10240x16xf32, #tpu.memory_space<hbm>>) dst(%dma_wait3A_22 : memref<2048x16xf32, #tpu.memory_space<vmem>>)
    %dma_start3A_29 = arith.constant 0 : i32
    %dma_start3A_30 = arith.constant 0 : i32
    %dma_start3A_31 = arith.constant 0 : i32
    %dma_start3A_32 = arith.constant 0 : i32
    %dma_start3A_33 = tpu.memref_slice %arg11[%dma_start3A_29, %dma_start3A_31, %dma_start3A_32] : memref<2x2048x16xf32, #tpu.memory_space<vmem>> -> memref<1x2048x16xf32, #tpu.memory_space<vmem>>
    %dma_start3A_34 = tpu.memref_squeeze %dma_start3A_33 : memref<1x2048x16xf32, #tpu.memory_space<vmem>> -> memref<2048x16xf32, #tpu.memory_space<vmem>>
    %dma_start3A_35 = arith.constant 0 : i32
    %dma_start3A_36 = tpu.memref_slice %arg10[%dma_start3A_30, %dma_start3A_35] : memref<5x2048xi32, #tpu.memory_space<vmem>> -> memref<1x2048xi32, #tpu.memory_space<vmem>>
    %dma_start3A_37 = tpu.memref_squeeze %dma_start3A_36 : memref<1x2048xi32, #tpu.memory_space<vmem>> -> memref<2048xi32, #tpu.memory_space<vmem>>
    %dma_start3A_38 = arith.constant 0 : i32
    %dma_start3A_39 = arith.constant 0 : i32
    %dma_start3A_40 = tpu.memref_slice %arg7[%dma_start3A_38, %dma_start3A_39] : memref<10240x16xf32, #tpu.memory_space<vmem_shared>> -> memref<10240x16xf32, #tpu.memory_space<vmem_shared>>
    tpu.enqueue_indirect_dma source(%dma_start3A_34 : memref<2048x16xf32, #tpu.memory_space<vmem>>) target(%dma_start3A_40 : memref<10240x16xf32, #tpu.memory_space<vmem_shared>>) offsets(%dma_start3A_37 : memref<2048xi32, #tpu.memory_space<vmem>>) semaphore(%arg14 : memref<!tpu.dma_semaphore, #tpu.memory_space<semaphore_mem>>) {add = true}
    %dma_start3A_41 = arith.constant 1 : i32
    %dma_start3A_42 = arith.constant 1 : i32
    %dma_start3A_43 = arith.constant 0 : i32
    %dma_start3A_44 = arith.constant 0 : i32
    %dma_start3A_45 = tpu.memref_slice %arg11[%dma_start3A_42, %dma_start3A_43, %dma_start3A_44] : memref<2x2048x16xf32, #tpu.memory_space<vmem>> -> memref<1x2048x16xf32, #tpu.memory_space<vmem>>
    %dma_start3A_46 = tpu.memref_squeeze %dma_start3A_45 : memref<1x2048x16xf32, #tpu.memory_space<vmem>> -> memref<2048x16xf32, #tpu.memory_space<vmem>>
    %dma_start3A_47 = arith.constant 0 : i32
    %dma_start3A_48 = tpu.memref_slice %arg9[%dma_start3A_41, %dma_start3A_47] : memref<5x2048xi32, #tpu.memory_space<vmem>> -> memref<1x2048xi32, #tpu.memory_space<vmem>>
    %dma_start3A_49 = tpu.memref_squeeze %dma_start3A_48 : memref<1x2048xi32, #tpu.memory_space<vmem>> -> memref<2048xi32, #tpu.memory_space<vmem>>
    %dma_start3A_50 = arith.constant 0 : i32
    %dma_start3A_51 = arith.constant 0 : i32
    %dma_start3A_52 = tpu.memref_slice %arg8[%dma_start3A_50, %dma_start3A_51] : memref<10240x16xf32, #tpu.memory_space<vmem_shared>> -> memref<10240x16xf32, #tpu.memory_space<vmem_shared>>
    tpu.enqueue_indirect_dma source(%dma_start3A_52 : memref<10240x16xf32, #tpu.memory_space<vmem_shared>>) target(%dma_start3A_46 : memref<2048x16xf32, #tpu.memory_space<vmem>>) offsets(%dma_start3A_49 : memref<2048xi32, #tpu.memory_space<vmem>>) semaphore(%arg13 : memref<!tpu.dma_semaphore, #tpu.memory_space<semaphore_mem>>)
    %dma_wait3A_53 = arith.constant 0 : i32
    %dma_wait3A_54 = arith.constant 1 : i32
    %dma_wait3A_55 = arith.constant 0 : i32
    %dma_wait3A_56 = arith.constant 0 : i32
    %dma_wait3A_57 = tpu.memref_slice %arg11[%dma_wait3A_54, %dma_wait3A_55, %dma_wait3A_56] : memref<2x2048x16xf32, #tpu.memory_space<vmem>> -> memref<1x2048x16xf32, #tpu.memory_space<vmem>>
    %dma_wait3A_58 = tpu.memref_squeeze %dma_wait3A_57 : memref<1x2048x16xf32, #tpu.memory_space<vmem>> -> memref<2048x16xf32, #tpu.memory_space<vmem>>
    %dma_wait3A_59 = arith.constant 0 : i32
    %dma_wait3A_60 = tpu.memref_slice %arg9[%dma_wait3A_53, %dma_wait3A_59] : memref<5x2048xi32, #tpu.memory_space<vmem>> -> memref<1x2048xi32, #tpu.memory_space<vmem>>
    %dma_wait3A_61 = tpu.memref_squeeze %dma_wait3A_60 : memref<1x2048xi32, #tpu.memory_space<vmem>> -> memref<2048xi32, #tpu.memory_space<vmem>>
    %dma_wait3A_62 = arith.constant 0 : i32
    %dma_wait3A_63 = arith.constant 0 : i32
    %dma_wait3A_64 = tpu.memref_slice %arg2[%dma_wait3A_62, %dma_wait3A_63] : memref<10240x16xf32, #tpu.memory_space<hbm>> -> memref<10240x16xf32, #tpu.memory_space<hbm>>
    tpu.wait_indirect_dma semaphore(%arg13 : memref<!tpu.dma_semaphore, #tpu.memory_space<semaphore_mem>>) src(%dma_wait3A_64 : memref<10240x16xf32, #tpu.memory_space<hbm>>) dst(%dma_wait3A_58 : memref<2048x16xf32, #tpu.memory_space<vmem>>)
    %dma_wait3A_65 = arith.constant 0 : i32
    %dma_wait3A_66 = arith.constant 0 : i32
    %dma_wait3A_67 = arith.constant 0 : i32
    %dma_wait3A_68 = arith.constant 0 : i32
    %dma_wait3A_69 = tpu.memref_slice %arg11[%dma_wait3A_65, %dma_wait3A_67, %dma_wait3A_68] : memref<2x2048x16xf32, #tpu.memory_space<vmem>> -> memref<1x2048x16xf32, #tpu.memory_space<vmem>>
    %dma_wait3A_70 = tpu.memref_squeeze %dma_wait3A_69 : memref<1x2048x16xf32, #tpu.memory_space<vmem>> -> memref<2048x16xf32, #tpu.memory_space<vmem>>
    %dma_wait3A_71 = arith.constant 0 : i32
    %dma_wait3A_72 = tpu.memref_slice %arg10[%dma_wait3A_66, %dma_wait3A_71] : memref<5x2048xi32, #tpu.memory_space<vmem>> -> memref<1x2048xi32, #tpu.memory_space<vmem>>
    %dma_wait3A_73 = tpu.memref_squeeze %dma_wait3A_72 : memref<1x2048xi32, #tpu.memory_space<vmem>> -> memref<2048xi32, #tpu.memory_space<vmem>>
    %dma_wait3A_74 = arith.constant 0 : i32
    %dma_wait3A_75 = arith.constant 0 : i32
    %dma_wait3A_76 = tpu.memref_slice %arg7[%dma_wait3A_74, %dma_wait3A_75] : memref<10240x16xf32, #tpu.memory_space<vmem_shared>> -> memref<10240x16xf32, #tpu.memory_space<vmem_shared>>
    tpu.wait_indirect_dma semaphore(%arg14 : memref<!tpu.dma_semaphore, #tpu.memory_space<semaphore_mem>>) src(%dma_wait3A_70 : memref<2048x16xf32, #tpu.memory_space<vmem>>) dst(%dma_wait3A_76 : memref<10240x16xf32, #tpu.memory_space<vmem_shared>>)
    %dma_start3A_77 = arith.constant 1 : i32
    %dma_start3A_78 = arith.constant 1 : i32
    %dma_start3A_79 = arith.constant 0 : i32
    %dma_start3A_80 = arith.constant 0 : i32
    %dma_start3A_81 = tpu.memref_slice %arg11[%dma_start3A_77, %dma_start3A_79, %dma_start3A_80] : memref<2x2048x16xf32, #tpu.memory_space<vmem>> -> memref<1x2048x16xf32, #tpu.memory_space<vmem>>
    %dma_start3A_82 = tpu.memref_squeeze %dma_start3A_81 : memref<1x2048x16xf32, #tpu.memory_space<vmem>> -> memref<2048x16xf32, #tpu.memory_space<vmem>>
    %dma_start3A_83 = arith.constant 0 : i32
    %dma_start3A_84 = tpu.memref_slice %arg10[%dma_start3A_78, %dma_start3A_83] : memref<5x2048xi32, #tpu.memory_space<vmem>> -> memref<1x2048xi32, #tpu.memory_space<vmem>>
    %dma_start3A_85 = tpu.memref_squeeze %dma_start3A_84 : memref<1x2048xi32, #tpu.memory_space<vmem>> -> memref<2048xi32, #tpu.memory_space<vmem>>
    %dma_start3A_86 = arith.constant 0 : i32
    %dma_start3A_87 = arith.constant 0 : i32
    %dma_start3A_88 = tpu.memref_slice %arg7[%dma_start3A_86, %dma_start3A_87] : memref<10240x16xf32, #tpu.memory_space<vmem_shared>> -> memref<10240x16xf32, #tpu.memory_space<vmem_shared>>
    tpu.enqueue_indirect_dma source(%dma_start3A_82 : memref<2048x16xf32, #tpu.memory_space<vmem>>) target(%dma_start3A_88 : memref<10240x16xf32, #tpu.memory_space<vmem_shared>>) offsets(%dma_start3A_85 : memref<2048xi32, #tpu.memory_space<vmem>>) semaphore(%arg14 : memref<!tpu.dma_semaphore, #tpu.memory_space<semaphore_mem>>) {add = true}
    %dma_start3A_89 = arith.constant 2 : i32
    %dma_start3A_90 = arith.constant 0 : i32
    %dma_start3A_91 = arith.constant 0 : i32
    %dma_start3A_92 = arith.constant 0 : i32
    %dma_start3A_93 = tpu.memref_slice %arg11[%dma_start3A_90, %dma_start3A_91, %dma_start3A_92] : memref<2x2048x16xf32, #tpu.memory_space<vmem>> -> memref<1x2048x16xf32, #tpu.memory_space<vmem>>
    %dma_start3A_94 = tpu.memref_squeeze %dma_start3A_93 : memref<1x2048x16xf32, #tpu.memory_space<vmem>> -> memref<2048x16xf32, #tpu.memory_space<vmem>>
    %dma_start3A_95 = arith.constant 0 : i32
    %dma_start3A_96 = tpu.memref_slice %arg9[%dma_start3A_89, %dma_start3A_95] : memref<5x2048xi32, #tpu.memory_space<vmem>> -> memref<1x2048xi32, #tpu.memory_space<vmem>>
    %dma_start3A_97 = tpu.memref_squeeze %dma_start3A_96 : memref<1x2048xi32, #tpu.memory_space<vmem>> -> memref<2048xi32, #tpu.memory_space<vmem>>
    %dma_start3A_98 = arith.constant 0 : i32
    %dma_start3A_99 = arith.constant 0 : i32
    %dma_start3A_100 = tpu.memref_slice %arg8[%dma_start3A_98, %dma_start3A_99] : memref<10240x16xf32, #tpu.memory_space<vmem_shared>> -> memref<10240x16xf32, #tpu.memory_space<vmem_shared>>
    tpu.enqueue_indirect_dma source(%dma_start3A_100 : memref<10240x16xf32, #tpu.memory_space<vmem_shared>>) target(%dma_start3A_94 : memref<2048x16xf32, #tpu.memory_space<vmem>>) offsets(%dma_start3A_97 : memref<2048xi32, #tpu.memory_space<vmem>>) semaphore(%arg13 : memref<!tpu.dma_semaphore, #tpu.memory_space<semaphore_mem>>)
    %dma_wait3A_101 = arith.constant 0 : i32
    %dma_wait3A_102 = arith.constant 0 : i32
    %dma_wait3A_103 = arith.constant 0 : i32
    %dma_wait3A_104 = arith.constant 0 : i32
    %dma_wait3A_105 = tpu.memref_slice %arg11[%dma_wait3A_102, %dma_wait3A_103, %dma_wait3A_104] : memref<2x2048x16xf32, #tpu.memory_space<vmem>> -> memref<1x2048x16xf32, #tpu.memory_space<vmem>>
    %dma_wait3A_106 = tpu.memref_squeeze %dma_wait3A_105 : memref<1x2048x16xf32, #tpu.memory_space<vmem>> -> memref<2048x16xf32, #tpu.memory_space<vmem>>
    %dma_wait3A_107 = arith.constant 0 : i32
    %dma_wait3A_108 = tpu.memref_slice %arg9[%dma_wait3A_101, %dma_wait3A_107] : memref<5x2048xi32, #tpu.memory_space<vmem>> -> memref<1x2048xi32, #tpu.memory_space<vmem>>
    %dma_wait3A_109 = tpu.memref_squeeze %dma_wait3A_108 : memref<1x2048xi32, #tpu.memory_space<vmem>> -> memref<2048xi32, #tpu.memory_space<vmem>>
    %dma_wait3A_110 = arith.constant 0 : i32
    %dma_wait3A_111 = arith.constant 0 : i32
    %dma_wait3A_112 = tpu.memref_slice %arg2[%dma_wait3A_110, %dma_wait3A_111] : memref<10240x16xf32, #tpu.memory_space<hbm>> -> memref<10240x16xf32, #tpu.memory_space<hbm>>
    tpu.wait_indirect_dma semaphore(%arg13 : memref<!tpu.dma_semaphore, #tpu.memory_space<semaphore_mem>>) src(%dma_wait3A_112 : memref<10240x16xf32, #tpu.memory_space<hbm>>) dst(%dma_wait3A_106 : memref<2048x16xf32, #tpu.memory_space<vmem>>)
    %dma_wait3A_113 = arith.constant 1 : i32
    %dma_wait3A_114 = arith.constant 0 : i32
    %dma_wait3A_115 = arith.constant 0 : i32
    %dma_wait3A_116 = arith.constant 0 : i32
    %dma_wait3A_117 = tpu.memref_slice %arg11[%dma_wait3A_113, %dma_wait3A_115, %dma_wait3A_116] : memref<2x2048x16xf32, #tpu.memory_space<vmem>> -> memref<1x2048x16xf32, #tpu.memory_space<vmem>>
    %dma_wait3A_118 = tpu.memref_squeeze %dma_wait3A_117 : memref<1x2048x16xf32, #tpu.memory_space<vmem>> -> memref<2048x16xf32, #tpu.memory_space<vmem>>
    %dma_wait3A_119 = arith.constant 0 : i32
    %dma_wait3A_120 = tpu.memref_slice %arg10[%dma_wait3A_114, %dma_wait3A_119] : memref<5x2048xi32, #tpu.memory_space<vmem>> -> memref<1x2048xi32, #tpu.memory_space<vmem>>
    %dma_wait3A_121 = tpu.memref_squeeze %dma_wait3A_120 : memref<1x2048xi32, #tpu.memory_space<vmem>> -> memref<2048xi32, #tpu.memory_space<vmem>>
    %dma_wait3A_122 = arith.constant 0 : i32
    %dma_wait3A_123 = arith.constant 0 : i32
    %dma_wait3A_124 = tpu.memref_slice %arg7[%dma_wait3A_122, %dma_wait3A_123] : memref<10240x16xf32, #tpu.memory_space<vmem_shared>> -> memref<10240x16xf32, #tpu.memory_space<vmem_shared>>
    tpu.wait_indirect_dma semaphore(%arg14 : memref<!tpu.dma_semaphore, #tpu.memory_space<semaphore_mem>>) src(%dma_wait3A_118 : memref<2048x16xf32, #tpu.memory_space<vmem>>) dst(%dma_wait3A_124 : memref<10240x16xf32, #tpu.memory_space<vmem_shared>>)
    %dma_start3A_125 = arith.constant 0 : i32
    %dma_start3A_126 = arith.constant 2 : i32
    %dma_start3A_127 = arith.constant 0 : i32
    %dma_start3A_128 = arith.constant 0 : i32
    %dma_start3A_129 = tpu.memref_slice %arg11[%dma_start3A_125, %dma_start3A_127, %dma_start3A_128] : memref<2x2048x16xf32, #tpu.memory_space<vmem>> -> memref<1x2048x16xf32, #tpu.memory_space<vmem>>
    %dma_start3A_130 = tpu.memref_squeeze %dma_start3A_129 : memref<1x2048x16xf32, #tpu.memory_space<vmem>> -> memref<2048x16xf32, #tpu.memory_space<vmem>>
    %dma_start3A_131 = arith.constant 0 : i32
    %dma_start3A_132 = tpu.memref_slice %arg10[%dma_start3A_126, %dma_start3A_131] : memref<5x2048xi32, #tpu.memory_space<vmem>> -> memref<1x2048xi32, #tpu.memory_space<vmem>>
    %dma_start3A_133 = tpu.memref_squeeze %dma_start3A_132 : memref<1x2048xi32, #tpu.memory_space<vmem>> -> memref<2048xi32, #tpu.memory_space<vmem>>
    %dma_start3A_134 = arith.constant 0 : i32
    %dma_start3A_135 = arith.constant 0 : i32
    %dma_start3A_136 = tpu.memref_slice %arg7[%dma_start3A_134, %dma_start3A_135] : memref<10240x16xf32, #tpu.memory_space<vmem_shared>> -> memref<10240x16xf32, #tpu.memory_space<vmem_shared>>
    tpu.enqueue_indirect_dma source(%dma_start3A_130 : memref<2048x16xf32, #tpu.memory_space<vmem>>) target(%dma_start3A_136 : memref<10240x16xf32, #tpu.memory_space<vmem_shared>>) offsets(%dma_start3A_133 : memref<2048xi32, #tpu.memory_space<vmem>>) semaphore(%arg14 : memref<!tpu.dma_semaphore, #tpu.memory_space<semaphore_mem>>) {add = true}
    %dma_start3A_137 = arith.constant 3 : i32
    %dma_start3A_138 = arith.constant 1 : i32
    %dma_start3A_139 = arith.constant 0 : i32
    %dma_start3A_140 = arith.constant 0 : i32
    %dma_start3A_141 = tpu.memref_slice %arg11[%dma_start3A_138, %dma_start3A_139, %dma_start3A_140] : memref<2x2048x16xf32, #tpu.memory_space<vmem>> -> memref<1x2048x16xf32, #tpu.memory_space<vmem>>
    %dma_start3A_142 = tpu.memref_squeeze %dma_start3A_141 : memref<1x2048x16xf32, #tpu.memory_space<vmem>> -> memref<2048x16xf32, #tpu.memory_space<vmem>>
    %dma_start3A_143 = arith.constant 0 : i32
    %dma_start3A_144 = tpu.memref_slice %arg9[%dma_start3A_137, %dma_start3A_143] : memref<5x2048xi32, #tpu.memory_space<vmem>> -> memref<1x2048xi32, #tpu.memory_space<vmem>>
    %dma_start3A_145 = tpu.memref_squeeze %dma_start3A_144 : memref<1x2048xi32, #tpu.memory_space<vmem>> -> memref<2048xi32, #tpu.memory_space<vmem>>
    %dma_start3A_146 = arith.constant 0 : i32
    %dma_start3A_147 = arith.constant 0 : i32
    %dma_start3A_148 = tpu.memref_slice %arg8[%dma_start3A_146, %dma_start3A_147] : memref<10240x16xf32, #tpu.memory_space<vmem_shared>> -> memref<10240x16xf32, #tpu.memory_space<vmem_shared>>
    tpu.enqueue_indirect_dma source(%dma_start3A_148 : memref<10240x16xf32, #tpu.memory_space<vmem_shared>>) target(%dma_start3A_142 : memref<2048x16xf32, #tpu.memory_space<vmem>>) offsets(%dma_start3A_145 : memref<2048xi32, #tpu.memory_space<vmem>>) semaphore(%arg13 : memref<!tpu.dma_semaphore, #tpu.memory_space<semaphore_mem>>)
    %dma_wait3A_149 = arith.constant 0 : i32
    %dma_wait3A_150 = arith.constant 1 : i32
    %dma_wait3A_151 = arith.constant 0 : i32
    %dma_wait3A_152 = arith.constant 0 : i32
    %dma_wait3A_153 = tpu.memref_slice %arg11[%dma_wait3A_150, %dma_wait3A_151, %dma_wait3A_152] : memref<2x2048x16xf32, #tpu.memory_space<vmem>> -> memref<1x2048x16xf32, #tpu.memory_space<vmem>>
    %dma_wait3A_154 = tpu.memref_squeeze %dma_wait3A_153 : memref<1x2048x16xf32, #tpu.memory_space<vmem>> -> memref<2048x16xf32, #tpu.memory_space<vmem>>
    %dma_wait3A_155 = arith.constant 0 : i32
    %dma_wait3A_156 = tpu.memref_slice %arg9[%dma_wait3A_149, %dma_wait3A_155] : memref<5x2048xi32, #tpu.memory_space<vmem>> -> memref<1x2048xi32, #tpu.memory_space<vmem>>
    %dma_wait3A_157 = tpu.memref_squeeze %dma_wait3A_156 : memref<1x2048xi32, #tpu.memory_space<vmem>> -> memref<2048xi32, #tpu.memory_space<vmem>>
    %dma_wait3A_158 = arith.constant 0 : i32
    %dma_wait3A_159 = arith.constant 0 : i32
    %dma_wait3A_160 = tpu.memref_slice %arg2[%dma_wait3A_158, %dma_wait3A_159] : memref<10240x16xf32, #tpu.memory_space<hbm>> -> memref<10240x16xf32, #tpu.memory_space<hbm>>
    tpu.wait_indirect_dma semaphore(%arg13 : memref<!tpu.dma_semaphore, #tpu.memory_space<semaphore_mem>>) src(%dma_wait3A_160 : memref<10240x16xf32, #tpu.memory_space<hbm>>) dst(%dma_wait3A_154 : memref<2048x16xf32, #tpu.memory_space<vmem>>)
    %dma_wait3A_161 = arith.constant 0 : i32
    %dma_wait3A_162 = arith.constant 0 : i32
    %dma_wait3A_163 = arith.constant 0 : i32
    %dma_wait3A_164 = arith.constant 0 : i32
    %dma_wait3A_165 = tpu.memref_slice %arg11[%dma_wait3A_161, %dma_wait3A_163, %dma_wait3A_164] : memref<2x2048x16xf32, #tpu.memory_space<vmem>> -> memref<1x2048x16xf32, #tpu.memory_space<vmem>>
    %dma_wait3A_166 = tpu.memref_squeeze %dma_wait3A_165 : memref<1x2048x16xf32, #tpu.memory_space<vmem>> -> memref<2048x16xf32, #tpu.memory_space<vmem>>
    %dma_wait3A_167 = arith.constant 0 : i32
    %dma_wait3A_168 = tpu.memref_slice %arg10[%dma_wait3A_162, %dma_wait3A_167] : memref<5x2048xi32, #tpu.memory_space<vmem>> -> memref<1x2048xi32, #tpu.memory_space<vmem>>
    %dma_wait3A_169 = tpu.memref_squeeze %dma_wait3A_168 : memref<1x2048xi32, #tpu.memory_space<vmem>> -> memref<2048xi32, #tpu.memory_space<vmem>>
    %dma_wait3A_170 = arith.constant 0 : i32
    %dma_wait3A_171 = arith.constant 0 : i32
    %dma_wait3A_172 = tpu.memref_slice %arg7[%dma_wait3A_170, %dma_wait3A_171] : memref<10240x16xf32, #tpu.memory_space<vmem_shared>> -> memref<10240x16xf32, #tpu.memory_space<vmem_shared>>
    tpu.wait_indirect_dma semaphore(%arg14 : memref<!tpu.dma_semaphore, #tpu.memory_space<semaphore_mem>>) src(%dma_wait3A_166 : memref<2048x16xf32, #tpu.memory_space<vmem>>) dst(%dma_wait3A_172 : memref<10240x16xf32, #tpu.memory_space<vmem_shared>>)
    %dma_start3A_173 = arith.constant 1 : i32
    %dma_start3A_174 = arith.constant 3 : i32
    %dma_start3A_175 = arith.constant 0 : i32
    %dma_start3A_176 = arith.constant 0 : i32
    %dma_start3A_177 = tpu.memref_slice %arg11[%dma_start3A_173, %dma_start3A_175, %dma_start3A_176] : memref<2x2048x16xf32, #tpu.memory_space<vmem>> -> memref<1x2048x16xf32, #tpu.memory_space<vmem>>
    %dma_start3A_178 = tpu.memref_squeeze %dma_start3A_177 : memref<1x2048x16xf32, #tpu.memory_space<vmem>> -> memref<2048x16xf32, #tpu.memory_space<vmem>>
    %dma_start3A_179 = arith.constant 0 : i32
    %dma_start3A_180 = tpu.memref_slice %arg10[%dma_start3A_174, %dma_start3A_179] : memref<5x2048xi32, #tpu.memory_space<vmem>> -> memref<1x2048xi32, #tpu.memory_space<vmem>>
    %dma_start3A_181 = tpu.memref_squeeze %dma_start3A_180 : memref<1x2048xi32, #tpu.memory_space<vmem>> -> memref<2048xi32, #tpu.memory_space<vmem>>
    %dma_start3A_182 = arith.constant 0 : i32
    %dma_start3A_183 = arith.constant 0 : i32
    %dma_start3A_184 = tpu.memref_slice %arg7[%dma_start3A_182, %dma_start3A_183] : memref<10240x16xf32, #tpu.memory_space<vmem_shared>> -> memref<10240x16xf32, #tpu.memory_space<vmem_shared>>
    tpu.enqueue_indirect_dma source(%dma_start3A_178 : memref<2048x16xf32, #tpu.memory_space<vmem>>) target(%dma_start3A_184 : memref<10240x16xf32, #tpu.memory_space<vmem_shared>>) offsets(%dma_start3A_181 : memref<2048xi32, #tpu.memory_space<vmem>>) semaphore(%arg14 : memref<!tpu.dma_semaphore, #tpu.memory_space<semaphore_mem>>) {add = true}
    %dma_start3A_185 = arith.constant 4 : i32
    %dma_start3A_186 = arith.constant 0 : i32
    %dma_start3A_187 = arith.constant 0 : i32
    %dma_start3A_188 = arith.constant 0 : i32
    %dma_start3A_189 = tpu.memref_slice %arg11[%dma_start3A_186, %dma_start3A_187, %dma_start3A_188] : memref<2x2048x16xf32, #tpu.memory_space<vmem>> -> memref<1x2048x16xf32, #tpu.memory_space<vmem>>
    %dma_start3A_190 = tpu.memref_squeeze %dma_start3A_189 : memref<1x2048x16xf32, #tpu.memory_space<vmem>> -> memref<2048x16xf32, #tpu.memory_space<vmem>>
    %dma_start3A_191 = arith.constant 0 : i32
    %dma_start3A_192 = tpu.memref_slice %arg9[%dma_start3A_185, %dma_start3A_191] : memref<5x2048xi32, #tpu.memory_space<vmem>> -> memref<1x2048xi32, #tpu.memory_space<vmem>>
    %dma_start3A_193 = tpu.memref_squeeze %dma_start3A_192 : memref<1x2048xi32, #tpu.memory_space<vmem>> -> memref<2048xi32, #tpu.memory_space<vmem>>
    %dma_start3A_194 = arith.constant 0 : i32
    %dma_start3A_195 = arith.constant 0 : i32
    %dma_start3A_196 = tpu.memref_slice %arg8[%dma_start3A_194, %dma_start3A_195] : memref<10240x16xf32, #tpu.memory_space<vmem_shared>> -> memref<10240x16xf32, #tpu.memory_space<vmem_shared>>
    tpu.enqueue_indirect_dma source(%dma_start3A_196 : memref<10240x16xf32, #tpu.memory_space<vmem_shared>>) target(%dma_start3A_190 : memref<2048x16xf32, #tpu.memory_space<vmem>>) offsets(%dma_start3A_193 : memref<2048xi32, #tpu.memory_space<vmem>>) semaphore(%arg13 : memref<!tpu.dma_semaphore, #tpu.memory_space<semaphore_mem>>)
    %dma_wait3A_197 = arith.constant 0 : i32
    %dma_wait3A_198 = arith.constant 0 : i32
    %dma_wait3A_199 = arith.constant 0 : i32
    %dma_wait3A_200 = arith.constant 0 : i32
    %dma_wait3A_201 = tpu.memref_slice %arg11[%dma_wait3A_198, %dma_wait3A_199, %dma_wait3A_200] : memref<2x2048x16xf32, #tpu.memory_space<vmem>> -> memref<1x2048x16xf32, #tpu.memory_space<vmem>>
    %dma_wait3A_202 = tpu.memref_squeeze %dma_wait3A_201 : memref<1x2048x16xf32, #tpu.memory_space<vmem>> -> memref<2048x16xf32, #tpu.memory_space<vmem>>
    %dma_wait3A_203 = arith.constant 0 : i32
    %dma_wait3A_204 = tpu.memref_slice %arg9[%dma_wait3A_197, %dma_wait3A_203] : memref<5x2048xi32, #tpu.memory_space<vmem>> -> memref<1x2048xi32, #tpu.memory_space<vmem>>
    %dma_wait3A_205 = tpu.memref_squeeze %dma_wait3A_204 : memref<1x2048xi32, #tpu.memory_space<vmem>> -> memref<2048xi32, #tpu.memory_space<vmem>>
    %dma_wait3A_206 = arith.constant 0 : i32
    %dma_wait3A_207 = arith.constant 0 : i32
    %dma_wait3A_208 = tpu.memref_slice %arg2[%dma_wait3A_206, %dma_wait3A_207] : memref<10240x16xf32, #tpu.memory_space<hbm>> -> memref<10240x16xf32, #tpu.memory_space<hbm>>
    tpu.wait_indirect_dma semaphore(%arg13 : memref<!tpu.dma_semaphore, #tpu.memory_space<semaphore_mem>>) src(%dma_wait3A_208 : memref<10240x16xf32, #tpu.memory_space<hbm>>) dst(%dma_wait3A_202 : memref<2048x16xf32, #tpu.memory_space<vmem>>)
    %dma_wait3A_209 = arith.constant 1 : i32
    %dma_wait3A_210 = arith.constant 0 : i32
    %dma_wait3A_211 = arith.constant 0 : i32
    %dma_wait3A_212 = arith.constant 0 : i32
    %dma_wait3A_213 = tpu.memref_slice %arg11[%dma_wait3A_209, %dma_wait3A_211, %dma_wait3A_212] : memref<2x2048x16xf32, #tpu.memory_space<vmem>> -> memref<1x2048x16xf32, #tpu.memory_space<vmem>>
    %dma_wait3A_214 = tpu.memref_squeeze %dma_wait3A_213 : memref<1x2048x16xf32, #tpu.memory_space<vmem>> -> memref<2048x16xf32, #tpu.memory_space<vmem>>
    %dma_wait3A_215 = arith.constant 0 : i32
    %dma_wait3A_216 = tpu.memref_slice %arg10[%dma_wait3A_210, %dma_wait3A_215] : memref<5x2048xi32, #tpu.memory_space<vmem>> -> memref<1x2048xi32, #tpu.memory_space<vmem>>
    %dma_wait3A_217 = tpu.memref_squeeze %dma_wait3A_216 : memref<1x2048xi32, #tpu.memory_space<vmem>> -> memref<2048xi32, #tpu.memory_space<vmem>>
    %dma_wait3A_218 = arith.constant 0 : i32
    %dma_wait3A_219 = arith.constant 0 : i32
    %dma_wait3A_220 = tpu.memref_slice %arg7[%dma_wait3A_218, %dma_wait3A_219] : memref<10240x16xf32, #tpu.memory_space<vmem_shared>> -> memref<10240x16xf32, #tpu.memory_space<vmem_shared>>
    tpu.wait_indirect_dma semaphore(%arg14 : memref<!tpu.dma_semaphore, #tpu.memory_space<semaphore_mem>>) src(%dma_wait3A_214 : memref<2048x16xf32, #tpu.memory_space<vmem>>) dst(%dma_wait3A_220 : memref<10240x16xf32, #tpu.memory_space<vmem_shared>>)
    %dma_start3A_221 = arith.constant 0 : i32
    %dma_start3A_222 = arith.constant 4 : i32
    %dma_start3A_223 = arith.constant 0 : i32
    %dma_start3A_224 = arith.constant 0 : i32
    %dma_start3A_225 = tpu.memref_slice %arg11[%dma_start3A_221, %dma_start3A_223, %dma_start3A_224] : memref<2x2048x16xf32, #tpu.memory_space<vmem>> -> memref<1x2048x16xf32, #tpu.memory_space<vmem>>
    %dma_start3A_226 = tpu.memref_squeeze %dma_start3A_225 : memref<1x2048x16xf32, #tpu.memory_space<vmem>> -> memref<2048x16xf32, #tpu.memory_space<vmem>>
    %dma_start3A_227 = arith.constant 0 : i32
    %dma_start3A_228 = tpu.memref_slice %arg10[%dma_start3A_222, %dma_start3A_227] : memref<5x2048xi32, #tpu.memory_space<vmem>> -> memref<1x2048xi32, #tpu.memory_space<vmem>>
    %dma_start3A_229 = tpu.memref_squeeze %dma_start3A_228 : memref<1x2048xi32, #tpu.memory_space<vmem>> -> memref<2048xi32, #tpu.memory_space<vmem>>
    %dma_start3A_230 = arith.constant 0 : i32
    %dma_start3A_231 = arith.constant 0 : i32
    %dma_start3A_232 = tpu.memref_slice %arg7[%dma_start3A_230, %dma_start3A_231] : memref<10240x16xf32, #tpu.memory_space<vmem_shared>> -> memref<10240x16xf32, #tpu.memory_space<vmem_shared>>
    tpu.enqueue_indirect_dma source(%dma_start3A_226 : memref<2048x16xf32, #tpu.memory_space<vmem>>) target(%dma_start3A_232 : memref<10240x16xf32, #tpu.memory_space<vmem_shared>>) offsets(%dma_start3A_229 : memref<2048xi32, #tpu.memory_space<vmem>>) semaphore(%arg14 : memref<!tpu.dma_semaphore, #tpu.memory_space<semaphore_mem>>) {add = true}
    %dma_wait3A_233 = arith.constant 0 : i32
    %dma_wait3A_234 = arith.constant 0 : i32
    %dma_wait3A_235 = arith.constant 0 : i32
    %dma_wait3A_236 = arith.constant 0 : i32
    %dma_wait3A_237 = tpu.memref_slice %arg11[%dma_wait3A_233, %dma_wait3A_235, %dma_wait3A_236] : memref<2x2048x16xf32, #tpu.memory_space<vmem>> -> memref<1x2048x16xf32, #tpu.memory_space<vmem>>
    %dma_wait3A_238 = tpu.memref_squeeze %dma_wait3A_237 : memref<1x2048x16xf32, #tpu.memory_space<vmem>> -> memref<2048x16xf32, #tpu.memory_space<vmem>>
    %dma_wait3A_239 = arith.constant 0 : i32
    %dma_wait3A_240 = tpu.memref_slice %arg10[%dma_wait3A_234, %dma_wait3A_239] : memref<5x2048xi32, #tpu.memory_space<vmem>> -> memref<1x2048xi32, #tpu.memory_space<vmem>>
    %dma_wait3A_241 = tpu.memref_squeeze %dma_wait3A_240 : memref<1x2048xi32, #tpu.memory_space<vmem>> -> memref<2048xi32, #tpu.memory_space<vmem>>
    %dma_wait3A_242 = arith.constant 0 : i32
    %dma_wait3A_243 = arith.constant 0 : i32
    %dma_wait3A_244 = tpu.memref_slice %arg7[%dma_wait3A_242, %dma_wait3A_243] : memref<10240x16xf32, #tpu.memory_space<vmem_shared>> -> memref<10240x16xf32, #tpu.memory_space<vmem_shared>>
    tpu.wait_indirect_dma semaphore(%arg14 : memref<!tpu.dma_semaphore, #tpu.memory_space<semaphore_mem>>) src(%dma_wait3A_238 : memref<2048x16xf32, #tpu.memory_space<vmem>>) dst(%dma_wait3A_244 : memref<10240x16xf32, #tpu.memory_space<vmem_shared>>)
    %barrier3A_245 = arith.constant 0 : index
    tpu.barrier barrier_id(%barrier3A_245)
    %mul3A_246 = arith.constant 640 : i32
    %mul3A_247 = arith.muli %arg1, %mul3A_246 : i32
    "tpu.region"() ({
      %run_scoped3A = tpu.sem_alloc : memref<!tpu.dma_semaphore, #tpu.memory_space<semaphore_mem>>
      %dma_start3A_250 = arith.constant 0 : i32
      %dma_start3A_251 = tpu.memref_slice %arg7[%mul3A_247, %dma_start3A_250] : memref<10240x16xf32, #tpu.memory_space<vmem_shared>> -> memref<640x16xf32, #tpu.memory_space<vmem_shared>>
      %dma_start3A_252 = arith.constant 0 : i32
      %dma_start3A_253 = tpu.memref_slice %arg7[%mul3A_247, %dma_start3A_252] : memref<10240x16xf32, #tpu.memory_space<vmem_shared>> -> memref<640x16xf32, #tpu.memory_space<vmem_shared>>
      tpu.enqueue_dma source(%dma_start3A_253 : memref<640x16xf32, #tpu.memory_space<vmem_shared>>) target(%arg12 : memref<640x16xf32, #tpu.memory_space<vmem>>) target_semaphore(%run_scoped3A : memref<!tpu.dma_semaphore, #tpu.memory_space<semaphore_mem>>)
      %dma_wait3A_254 = arith.constant 0 : i32
      %dma_wait3A_255 = tpu.memref_slice %arg7[%mul3A_247, %dma_wait3A_254] : memref<10240x16xf32, #tpu.memory_space<vmem_shared>> -> memref<640x16xf32, #tpu.memory_space<vmem_shared>>
      %dma_wait3A_256 = arith.constant 0 : i32
      %dma_wait3A_257 = tpu.memref_slice %arg7[%mul3A_247, %dma_wait3A_256] : memref<10240x16xf32, #tpu.memory_space<vmem_shared>> -> memref<640x16xf32, #tpu.memory_space<vmem_shared>>
      tpu.wait_dma2 semaphore(%run_scoped3A : memref<!tpu.dma_semaphore, #tpu.memory_space<semaphore_mem>>) src(%dma_wait3A_257 : memref<640x16xf32, #tpu.memory_space<vmem_shared>>) dst(%arg12 : memref<640x16xf32, #tpu.memory_space<vmem>>)
      tpu.yield
    }) : () -> ()
    %mul3A_248 = arith.constant 640 : i32
    %mul3A_249 = arith.muli %arg1, %mul3A_248 : i32
    "tpu.region"() ({
      %run_scoped3A = tpu.sem_alloc : memref<!tpu.dma_semaphore, #tpu.memory_space<semaphore_mem>>
      %dma_start3A_250 = arith.constant 0 : i32
      %dma_start3A_251 = tpu.memref_slice %arg6[%arg0, %mul3A_249, %dma_start3A_250] : memref<2x10240x16xf32, #tpu.memory_space<hbm>> -> memref<1x640x16xf32, #tpu.memory_space<hbm>>
      %dma_start3A_252 = tpu.memref_squeeze %dma_start3A_251 : memref<1x640x16xf32, #tpu.memory_space<hbm>> -> memref<640x16xf32, #tpu.memory_space<hbm>>
      %dma_start3A_253 = arith.constant 0 : i32
      %dma_start3A_254 = tpu.memref_slice %arg6[%arg0, %mul3A_249, %dma_start3A_253] : memref<2x10240x16xf32, #tpu.memory_space<hbm>> -> memref<1x640x16xf32, #tpu.memory_space<hbm>>
      %dma_start3A_255 = tpu.memref_squeeze %dma_start3A_254 : memref<1x640x16xf32, #tpu.memory_space<hbm>> -> memref<640x16xf32, #tpu.memory_space<hbm>>
      tpu.enqueue_dma source(%arg12 : memref<640x16xf32, #tpu.memory_space<vmem>>) target(%dma_start3A_255 : memref<640x16xf32, #tpu.memory_space<hbm>>) target_semaphore(%run_scoped3A : memref<!tpu.dma_semaphore, #tpu.memory_space<semaphore_mem>>)
      %dma_wait3A_256 = arith.constant 0 : i32
      %dma_wait3A_257 = tpu.memref_slice %arg6[%arg0, %mul3A_249, %dma_wait3A_256] : memref<2x10240x16xf32, #tpu.memory_space<hbm>> -> memref<1x640x16xf32, #tpu.memory_space<hbm>>
      %dma_wait3A_258 = tpu.memref_squeeze %dma_wait3A_257 : memref<1x640x16xf32, #tpu.memory_space<hbm>> -> memref<640x16xf32, #tpu.memory_space<hbm>>
      %dma_wait3A_259 = arith.constant 0 : i32
      %dma_wait3A_260 = tpu.memref_slice %arg6[%arg0, %mul3A_249, %dma_wait3A_259] : memref<2x10240x16xf32, #tpu.memory_space<hbm>> -> memref<1x640x16xf32, #tpu.memory_space<hbm>>
      %dma_wait3A_261 = tpu.memref_squeeze %dma_wait3A_260 : memref<1x640x16xf32, #tpu.memory_space<hbm>> -> memref<640x16xf32, #tpu.memory_space<hbm>>
      tpu.wait_dma2 semaphore(%run_scoped3A : memref<!tpu.dma_semaphore, #tpu.memory_space<semaphore_mem>>) src(%arg12 : memref<640x16xf32, #tpu.memory_space<vmem>>) dst(%dma_wait3A_261 : memref<640x16xf32, #tpu.memory_space<hbm>>)
      tpu.yield
    }) : () -> ()
    return
  }
}

#map = affine_map<(d0, d1) -> (0, 0)>
#map1 = affine_map<(d0, d1) -> (0, 0, 0)>
module attributes {stable_mosaic.version = 14 : i64} {
  func.func @body(%arg0: i32, %arg1: i32, %arg2: memref<10240x16xf32, #tpu.memory_space<hbm>>, %arg3: memref<32x5x2048xi32, #tpu.memory_space<hbm>>, %arg4: memref<32x5x2048xi32, #tpu.memory_space<hbm>>, %arg5: memref<640x16xf32, #tpu.memory_space<hbm>>, %arg6: memref<2x10240x16xf32, #tpu.memory_space<hbm>>, %arg7: memref<10240x16xf32, #tpu.memory_space<vmem_shared>>, %arg8: memref<10240x16xf32, #tpu.memory_space<vmem_shared>>, %arg9: memref<5x2048xi32, #tpu.memory_space<vmem>>, %arg10: memref<5x2048xi32, #tpu.memory_space<vmem>>, %arg11: memref<2x2048x16xf32, #tpu.memory_space<vmem>>, %arg12: memref<640x16xf32, #tpu.memory_space<vmem>>, %arg13: memref<!tpu.dma_semaphore, #tpu.memory_space<semaphore_mem>>, %arg14: memref<!tpu.dma_semaphore, #tpu.memory_space<semaphore_mem>>) attributes {dimension_semantics = [#tpu.dimension_semantics<core_parallel>, #tpu.dimension_semantics<subcore_parallel>], iteration_bounds = array<i64: 2, 16>, scalar_prefetch = 0 : i64, scratch_operands = 8 : i64, tpu.core_type = #tpu.core_type<sc_vector_subcore>, window_params = [{transform_indices = #map}, {transform_indices = #map1}, {transform_indices = #map1}, {transform_indices = #map}, {transform_indices = #map1}]} {
    %mul3A = arith.constant 16 : i32
    %mul3A_0 = arith.muli %arg0, %mul3A : i32
    %add3A = arith.addi %mul3A_0, %arg1 : i32
    "tpu.region"() ({
      %run_scoped3A = tpu.sem_alloc : memref<!tpu.dma_semaphore, #tpu.memory_space<semaphore_mem>>
      tpu.enqueue_dma source(%arg5 : memref<640x16xf32, #tpu.memory_space<hbm>>) target(%arg12 : memref<640x16xf32, #tpu.memory_space<vmem>>) target_semaphore(%run_scoped3A : memref<!tpu.dma_semaphore, #tpu.memory_space<semaphore_mem>>)
      tpu.wait_dma2 semaphore(%run_scoped3A : memref<!tpu.dma_semaphore, #tpu.memory_space<semaphore_mem>>) src(%arg5 : memref<640x16xf32, #tpu.memory_space<hbm>>) dst(%arg12 : memref<640x16xf32, #tpu.memory_space<vmem>>)
      tpu.yield
    }) : () -> ()
    %mul3A_1 = arith.constant 640 : i32
    %mul3A_2 = arith.muli %arg1, %mul3A_1 : i32
    "tpu.region"() ({
      %run_scoped3A = tpu.sem_alloc : memref<!tpu.dma_semaphore, #tpu.memory_space<semaphore_mem>>
      %dma_start3A_250 = arith.constant 0 : i32
      %dma_start3A_251 = tpu.memref_slice %arg7[%mul3A_2, %dma_start3A_250] : memref<10240x16xf32, #tpu.memory_space<vmem_shared>> -> memref<640x16xf32, #tpu.memory_space<vmem_shared>>
      %dma_start3A_252 = arith.constant 0 : i32
      %dma_start3A_253 = tpu.memref_slice %arg7[%mul3A_2, %dma_start3A_252] : memref<10240x16xf32, #tpu.memory_space<vmem_shared>> -> memref<640x16xf32, #tpu.memory_space<vmem_shared>>
      tpu.enqueue_dma source(%arg12 : memref<640x16xf32, #tpu.memory_space<vmem>>) target(%dma_start3A_253 : memref<640x16xf32, #tpu.memory_space<vmem_shared>>) target_semaphore(%run_scoped3A : memref<!tpu.dma_semaphore, #tpu.memory_space<semaphore_mem>>)
      %dma_wait3A_254 = arith.constant 0 : i32
      %dma_wait3A_255 = tpu.memref_slice %arg7[%mul3A_2, %dma_wait3A_254] : memref<10240x16xf32, #tpu.memory_space<vmem_shared>> -> memref<640x16xf32, #tpu.memory_space<vmem_shared>>
      %dma_wait3A_256 = arith.constant 0 : i32
      %dma_wait3A_257 = tpu.memref_slice %arg7[%mul3A_2, %dma_wait3A_256] : memref<10240x16xf32, #tpu.memory_space<vmem_shared>> -> memref<640x16xf32, #tpu.memory_space<vmem_shared>>
      tpu.wait_dma2 semaphore(%run_scoped3A : memref<!tpu.dma_semaphore, #tpu.memory_space<semaphore_mem>>) src(%arg12 : memref<640x16xf32, #tpu.memory_space<vmem>>) dst(%dma_wait3A_257 : memref<640x16xf32, #tpu.memory_space<vmem_shared>>)
      tpu.yield
    }) : () -> ()
    %mul3A_3 = arith.constant 640 : i32
    %mul3A_4 = arith.muli %arg1, %mul3A_3 : i32
    "tpu.region"() ({
      %run_scoped3A = tpu.sem_alloc : memref<!tpu.dma_semaphore, #tpu.memory_space<semaphore_mem>>
      %dma_start3A_250 = arith.constant 0 : i32
      %dma_start3A_251 = tpu.memref_slice %arg2[%mul3A_4, %dma_start3A_250] : memref<10240x16xf32, #tpu.memory_space<hbm>> -> memref<640x16xf32, #tpu.memory_space<hbm>>
      %dma_start3A_252 = arith.constant 0 : i32
      %dma_start3A_253 = tpu.memref_slice %arg2[%mul3A_4, %dma_start3A_252] : memref<10240x16xf32, #tpu.memory_space<hbm>> -> memref<640x16xf32, #tpu.memory_space<hbm>>
      tpu.enqueue_dma source(%dma_start3A_253 : memref<640x16xf32, #tpu.memory_space<hbm>>) target(%arg12 : memref<640x16xf32, #tpu.memory_space<vmem>>) target_semaphore(%run_scoped3A : memref<!tpu.dma_semaphore, #tpu.memory_space<semaphore_mem>>)
      %dma_wait3A_254 = arith.constant 0 : i32
      %dma_wait3A_255 = tpu.memref_slice %arg2[%mul3A_4, %dma_wait3A_254] : memref<10240x16xf32, #tpu.memory_space<hbm>> -> memref<640x16xf32, #tpu.memory_space<hbm>>
      %dma_wait3A_256 = arith.constant 0 : i32
      %dma_wait3A_257 = tpu.memref_slice %arg2[%mul3A_4, %dma_wait3A_256] : memref<10240x16xf32, #tpu.memory_space<hbm>> -> memref<640x16xf32, #tpu.memory_space<hbm>>
      tpu.wait_dma2 semaphore(%run_scoped3A : memref<!tpu.dma_semaphore, #tpu.memory_space<semaphore_mem>>) src(%dma_wait3A_257 : memref<640x16xf32, #tpu.memory_space<hbm>>) dst(%arg12 : memref<640x16xf32, #tpu.memory_space<vmem>>)
      tpu.yield
    }) : () -> ()
    %mul3A_5 = arith.constant 640 : i32
    %mul3A_6 = arith.muli %arg1, %mul3A_5 : i32
    "tpu.region"() ({
      %run_scoped3A = tpu.sem_alloc : memref<!tpu.dma_semaphore, #tpu.memory_space<semaphore_mem>>
      %dma_start3A_250 = arith.constant 0 : i32
      %dma_start3A_251 = tpu.memref_slice %arg8[%mul3A_6, %dma_start3A_250] : memref<10240x16xf32, #tpu.memory_space<vmem_shared>> -> memref<640x16xf32, #tpu.memory_space<vmem_shared>>
      %dma_start3A_252 = arith.constant 0 : i32
      %dma_start3A_253 = tpu.memref_slice %arg8[%mul3A_6, %dma_start3A_252] : memref<10240x16xf32, #tpu.memory_space<vmem_shared>> -> memref<640x16xf32, #tpu.memory_space<vmem_shared>>
      tpu.enqueue_dma source(%arg12 : memref<640x16xf32, #tpu.memory_space<vmem>>) target(%dma_start3A_253 : memref<640x16xf32, #tpu.memory_space<vmem_shared>>) target_semaphore(%run_scoped3A : memref<!tpu.dma_semaphore, #tpu.memory_space<semaphore_mem>>)
      %dma_wait3A_254 = arith.constant 0 : i32
      %dma_wait3A_255 = tpu.memref_slice %arg8[%mul3A_6, %dma_wait3A_254] : memref<10240x16xf32, #tpu.memory_space<vmem_shared>> -> memref<640x16xf32, #tpu.memory_space<vmem_shared>>
      %dma_wait3A_256 = arith.constant 0 : i32
      %dma_wait3A_257 = tpu.memref_slice %arg8[%mul3A_6, %dma_wait3A_256] : memref<10240x16xf32, #tpu.memory_space<vmem_shared>> -> memref<640x16xf32, #tpu.memory_space<vmem_shared>>
      tpu.wait_dma2 semaphore(%run_scoped3A : memref<!tpu.dma_semaphore, #tpu.memory_space<semaphore_mem>>) src(%arg12 : memref<640x16xf32, #tpu.memory_space<vmem>>) dst(%dma_wait3A_257 : memref<640x16xf32, #tpu.memory_space<vmem_shared>>)
      tpu.yield
    }) : () -> ()
    "tpu.region"() ({
      %run_scoped3A = tpu.sem_alloc : memref<!tpu.dma_semaphore, #tpu.memory_space<semaphore_mem>>
      %dma_start3A_250 = arith.constant 0 : i32
      %dma_start3A_251 = arith.constant 0 : i32
      %dma_start3A_252 = tpu.memref_slice %arg3[%add3A, %dma_start3A_250, %dma_start3A_251] : memref<32x5x2048xi32, #tpu.memory_space<hbm>> -> memref<1x5x2048xi32, #tpu.memory_space<hbm>>
      %dma_start3A_253 = tpu.memref_squeeze %dma_start3A_252 : memref<1x5x2048xi32, #tpu.memory_space<hbm>> -> memref<5x2048xi32, #tpu.memory_space<hbm>>
      %dma_start3A_254 = arith.constant 0 : i32
      %dma_start3A_255 = arith.constant 0 : i32
      %dma_start3A_256 = tpu.memref_slice %arg3[%add3A, %dma_start3A_254, %dma_start3A_255] : memref<32x5x2048xi32, #tpu.memory_space<hbm>> -> memref<1x5x2048xi32, #tpu.memory_space<hbm>>
      %dma_start3A_257 = tpu.memref_squeeze %dma_start3A_256 : memref<1x5x2048xi32, #tpu.memory_space<hbm>> -> memref<5x2048xi32, #tpu.memory_space<hbm>>
      tpu.enqueue_dma source(%dma_start3A_257 : memref<5x2048xi32, #tpu.memory_space<hbm>>) target(%arg9 : memref<5x2048xi32, #tpu.memory_space<vmem>>) target_semaphore(%run_scoped3A : memref<!tpu.dma_semaphore, #tpu.memory_space<semaphore_mem>>)
      %dma_wait3A_258 = arith.constant 0 : i32
      %dma_wait3A_259 = arith.constant 0 : i32
      %dma_wait3A_260 = tpu.memref_slice %arg3[%add3A, %dma_wait3A_258, %dma_wait3A_259] : memref<32x5x2048xi32, #tpu.memory_space<hbm>> -> memref<1x5x2048xi32, #tpu.memory_space<hbm>>
      %dma_wait3A_261 = tpu.memref_squeeze %dma_wait3A_260 : memref<1x5x2048xi32, #tpu.memory_space<hbm>> -> memref<5x2048xi32, #tpu.memory_space<hbm>>
      %dma_wait3A_262 = arith.constant 0 : i32
      %dma_wait3A_263 = arith.constant 0 : i32
      %dma_wait3A_264 = tpu.memref_slice %arg3[%add3A, %dma_wait3A_262, %dma_wait3A_263] : memref<32x5x2048xi32, #tpu.memory_space<hbm>> -> memref<1x5x2048xi32, #tpu.memory_space<hbm>>
      %dma_wait3A_265 = tpu.memref_squeeze %dma_wait3A_264 : memref<1x5x2048xi32, #tpu.memory_space<hbm>> -> memref<5x2048xi32, #tpu.memory_space<hbm>>
      tpu.wait_dma2 semaphore(%run_scoped3A : memref<!tpu.dma_semaphore, #tpu.memory_space<semaphore_mem>>) src(%dma_wait3A_265 : memref<5x2048xi32, #tpu.memory_space<hbm>>) dst(%arg9 : memref<5x2048xi32, #tpu.memory_space<vmem>>)
      tpu.yield
    }) : () -> ()
    "tpu.region"() ({
      %run_scoped3A = tpu.sem_alloc : memref<!tpu.dma_semaphore, #tpu.memory_space<semaphore_mem>>
      %dma_start3A_250 = arith.constant 0 : i32
      %dma_start3A_251 = arith.constant 0 : i32
      %dma_start3A_252 = tpu.memref_slice %arg4[%add3A, %dma_start3A_250, %dma_start3A_251] : memref<32x5x2048xi32, #tpu.memory_space<hbm>> -> memref<1x5x2048xi32, #tpu.memory_space<hbm>>
      %dma_start3A_253 = tpu.memref_squeeze %dma_start3A_252 : memref<1x5x2048xi32, #tpu.memory_space<hbm>> -> memref<5x2048xi32, #tpu.memory_space<hbm>>
      %dma_start3A_254 = arith.constant 0 : i32
      %dma_start3A_255 = arith.constant 0 : i32
      %dma_start3A_256 = tpu.memref_slice %arg4[%add3A, %dma_start3A_254, %dma_start3A_255] : memref<32x5x2048xi32, #tpu.memory_space<hbm>> -> memref<1x5x2048xi32, #tpu.memory_space<hbm>>
      %dma_start3A_257 = tpu.memref_squeeze %dma_start3A_256 : memref<1x5x2048xi32, #tpu.memory_space<hbm>> -> memref<5x2048xi32, #tpu.memory_space<hbm>>
      tpu.enqueue_dma source(%dma_start3A_257 : memref<5x2048xi32, #tpu.memory_space<hbm>>) target(%arg10 : memref<5x2048xi32, #tpu.memory_space<vmem>>) target_semaphore(%run_scoped3A : memref<!tpu.dma_semaphore, #tpu.memory_space<semaphore_mem>>)
      %dma_wait3A_258 = arith.constant 0 : i32
      %dma_wait3A_259 = arith.constant 0 : i32
      %dma_wait3A_260 = tpu.memref_slice %arg4[%add3A, %dma_wait3A_258, %dma_wait3A_259] : memref<32x5x2048xi32, #tpu.memory_space<hbm>> -> memref<1x5x2048xi32, #tpu.memory_space<hbm>>
      %dma_wait3A_261 = tpu.memref_squeeze %dma_wait3A_260 : memref<1x5x2048xi32, #tpu.memory_space<hbm>> -> memref<5x2048xi32, #tpu.memory_space<hbm>>
      %dma_wait3A_262 = arith.constant 0 : i32
      %dma_wait3A_263 = arith.constant 0 : i32
      %dma_wait3A_264 = tpu.memref_slice %arg4[%add3A, %dma_wait3A_262, %dma_wait3A_263] : memref<32x5x2048xi32, #tpu.memory_space<hbm>> -> memref<1x5x2048xi32, #tpu.memory_space<hbm>>
      %dma_wait3A_265 = tpu.memref_squeeze %dma_wait3A_264 : memref<1x5x2048xi32, #tpu.memory_space<hbm>> -> memref<5x2048xi32, #tpu.memory_space<hbm>>
      tpu.wait_dma2 semaphore(%run_scoped3A : memref<!tpu.dma_semaphore, #tpu.memory_space<semaphore_mem>>) src(%dma_wait3A_265 : memref<5x2048xi32, #tpu.memory_space<hbm>>) dst(%arg10 : memref<5x2048xi32, #tpu.memory_space<vmem>>)
      tpu.yield
    }) : () -> ()
    %barrier3A = arith.constant 0 : index
    tpu.barrier barrier_id(%barrier3A)
    %dma_start3A = arith.constant 0 : i32
    %dma_start3A_7 = arith.constant 0 : i32
    %dma_start3A_8 = arith.constant 0 : i32
    %dma_start3A_9 = arith.constant 0 : i32
    %dma_start3A_10 = tpu.memref_slice %arg11[%dma_start3A_7, %dma_start3A_8, %dma_start3A_9] : memref<2x2048x16xf32, #tpu.memory_space<vmem>> -> memref<1x2048x16xf32, #tpu.memory_space<vmem>>
    %dma_start3A_11 = tpu.memref_squeeze %dma_start3A_10 : memref<1x2048x16xf32, #tpu.memory_space<vmem>> -> memref<2048x16xf32, #tpu.memory_space<vmem>>
    %dma_start3A_12 = arith.constant 0 : i32
    %dma_start3A_13 = tpu.memref_slice %arg9[%dma_start3A, %dma_start3A_12] : memref<5x2048xi32, #tpu.memory_space<vmem>> -> memref<1x2048xi32, #tpu.memory_space<vmem>>
    %dma_start3A_14 = tpu.memref_squeeze %dma_start3A_13 : memref<1x2048xi32, #tpu.memory_space<vmem>> -> memref<2048xi32, #tpu.memory_space<vmem>>
    %dma_start3A_15 = arith.constant 0 : i32
    %dma_start3A_16 = arith.constant 0 : i32
    %dma_start3A_17 = tpu.memref_slice %arg8[%dma_start3A_15, %dma_start3A_16] : memref<10240x16xf32, #tpu.memory_space<vmem_shared>> -> memref<10240x16xf32, #tpu.memory_space<vmem_shared>>
    tpu.enqueue_indirect_dma source(%dma_start3A_17 : memref<10240x16xf32, #tpu.memory_space<vmem_shared>>) target(%dma_start3A_11 : memref<2048x16xf32, #tpu.memory_space<vmem>>) offsets(%dma_start3A_14 : memref<2048xi32, #tpu.memory_space<vmem>>) semaphore(%arg13 : memref<!tpu.dma_semaphore, #tpu.memory_space<semaphore_mem>>)
    %dma_wait3A = arith.constant 0 : i32
    %dma_wait3A_18 = arith.constant 0 : i32
    %dma_wait3A_19 = arith.constant 0 : i32
    %dma_wait3A_20 = arith.constant 0 : i32
    %dma_wait3A_21 = tpu.memref_slice %arg11[%dma_wait3A_18, %dma_wait3A_19, %dma_wait3A_20] : memref<2x2048x16xf32, #tpu.memory_space<vmem>> -> memref<1x2048x16xf32, #tpu.memory_space<vmem>>
    %dma_wait3A_22 = tpu.memref_squeeze %dma_wait3A_21 : memref<1x2048x16xf32, #tpu.memory_space<vmem>> -> memref<2048x16xf32, #tpu.memory_space<vmem>>
    %dma_wait3A_23 = arith.constant 0 : i32
    %dma_wait3A_24 = tpu.memref_slice %arg9[%dma_wait3A, %dma_wait3A_23] : memref<5x2048xi32, #tpu.memory_space<vmem>> -> memref<1x2048xi32, #tpu.memory_space<vmem>>
    %dma_wait3A_25 = tpu.memref_squeeze %dma_wait3A_24 : memref<1x2048xi32, #tpu.memory_space<vmem>> -> memref<2048xi32, #tpu.memory_space<vmem>>
    %dma_wait3A_26 = arith.constant 0 : i32
    %dma_wait3A_27 = arith.constant 0 : i32
    %dma_wait3A_28 = tpu.memref_slice %arg2[%dma_wait3A_26, %dma_wait3A_27] : memref<10240x16xf32, #tpu.memory_space<hbm>> -> memref<10240x16xf32, #tpu.memory_space<hbm>>
    tpu.wait_indirect_dma semaphore(%arg13 : memref<!tpu.dma_semaphore, #tpu.memory_space<semaphore_mem>>) src(%dma_wait3A_28 : memref<10240x16xf32, #tpu.memory_space<hbm>>) dst(%dma_wait3A_22 : memref<2048x16xf32, #tpu.memory_space<vmem>>)
    %dma_start3A_29 = arith.constant 0 : i32
    %dma_start3A_30 = arith.constant 0 : i32
    %dma_start3A_31 = arith.constant 0 : i32
    %dma_start3A_32 = arith.constant 0 : i32
    %dma_start3A_33 = tpu.memref_slice %arg11[%dma_start3A_29, %dma_start3A_31, %dma_start3A_32] : memref<2x2048x16xf32, #tpu.memory_space<vmem>> -> memref<1x2048x16xf32, #tpu.memory_space<vmem>>
    %dma_start3A_34 = tpu.memref_squeeze %dma_start3A_33 : memref<1x2048x16xf32, #tpu.memory_space<vmem>> -> memref<2048x16xf32, #tpu.memory_space<vmem>>
    %dma_start3A_35 = arith.constant 0 : i32
    %dma_start3A_36 = tpu.memref_slice %arg10[%dma_start3A_30, %dma_start3A_35] : memref<5x2048xi32, #tpu.memory_space<vmem>> -> memref<1x2048xi32, #tpu.memory_space<vmem>>
    %dma_start3A_37 = tpu.memref_squeeze %dma_start3A_36 : memref<1x2048xi32, #tpu.memory_space<vmem>> -> memref<2048xi32, #tpu.memory_space<vmem>>
    %dma_start3A_38 = arith.constant 0 : i32
    %dma_start3A_39 = arith.constant 0 : i32
    %dma_start3A_40 = tpu.memref_slice %arg7[%dma_start3A_38, %dma_start3A_39] : memref<10240x16xf32, #tpu.memory_space<vmem_shared>> -> memref<10240x16xf32, #tpu.memory_space<vmem_shared>>
    tpu.enqueue_indirect_dma source(%dma_start3A_34 : memref<2048x16xf32, #tpu.memory_space<vmem>>) target(%dma_start3A_40 : memref<10240x16xf32, #tpu.memory_space<vmem_shared>>) offsets(%dma_start3A_37 : memref<2048xi32, #tpu.memory_space<vmem>>) semaphore(%arg14 : memref<!tpu.dma_semaphore, #tpu.memory_space<semaphore_mem>>) {add = true}
    %dma_start3A_41 = arith.constant 1 : i32
    %dma_start3A_42 = arith.constant 1 : i32
    %dma_start3A_43 = arith.constant 0 : i32
    %dma_start3A_44 = arith.constant 0 : i32
    %dma_start3A_45 = tpu.memref_slice %arg11[%dma_start3A_42, %dma_start3A_43, %dma_start3A_44] : memref<2x2048x16xf32, #tpu.memory_space<vmem>> -> memref<1x2048x16xf32, #tpu.memory_space<vmem>>
    %dma_start3A_46 = tpu.memref_squeeze %dma_start3A_45 : memref<1x2048x16xf32, #tpu.memory_space<vmem>> -> memref<2048x16xf32, #tpu.memory_space<vmem>>
    %dma_start3A_47 = arith.constant 0 : i32
    %dma_start3A_48 = tpu.memref_slice %arg9[%dma_start3A_41, %dma_start3A_47] : memref<5x2048xi32, #tpu.memory_space<vmem>> -> memref<1x2048xi32, #tpu.memory_space<vmem>>
    %dma_start3A_49 = tpu.memref_squeeze %dma_start3A_48 : memref<1x2048xi32, #tpu.memory_space<vmem>> -> memref<2048xi32, #tpu.memory_space<vmem>>
    %dma_start3A_50 = arith.constant 0 : i32
    %dma_start3A_51 = arith.constant 0 : i32
    %dma_start3A_52 = tpu.memref_slice %arg8[%dma_start3A_50, %dma_start3A_51] : memref<10240x16xf32, #tpu.memory_space<vmem_shared>> -> memref<10240x16xf32, #tpu.memory_space<vmem_shared>>
    tpu.enqueue_indirect_dma source(%dma_start3A_52 : memref<10240x16xf32, #tpu.memory_space<vmem_shared>>) target(%dma_start3A_46 : memref<2048x16xf32, #tpu.memory_space<vmem>>) offsets(%dma_start3A_49 : memref<2048xi32, #tpu.memory_space<vmem>>) semaphore(%arg13 : memref<!tpu.dma_semaphore, #tpu.memory_space<semaphore_mem>>)
    %dma_wait3A_53 = arith.constant 0 : i32
    %dma_wait3A_54 = arith.constant 1 : i32
    %dma_wait3A_55 = arith.constant 0 : i32
    %dma_wait3A_56 = arith.constant 0 : i32
    %dma_wait3A_57 = tpu.memref_slice %arg11[%dma_wait3A_54, %dma_wait3A_55, %dma_wait3A_56] : memref<2x2048x16xf32, #tpu.memory_space<vmem>> -> memref<1x2048x16xf32, #tpu.memory_space<vmem>>
    %dma_wait3A_58 = tpu.memref_squeeze %dma_wait3A_57 : memref<1x2048x16xf32, #tpu.memory_space<vmem>> -> memref<2048x16xf32, #tpu.memory_space<vmem>>
    %dma_wait3A_59 = arith.constant 0 : i32
    %dma_wait3A_60 = tpu.memref_slice %arg9[%dma_wait3A_53, %dma_wait3A_59] : memref<5x2048xi32, #tpu.memory_space<vmem>> -> memref<1x2048xi32, #tpu.memory_space<vmem>>
    %dma_wait3A_61 = tpu.memref_squeeze %dma_wait3A_60 : memref<1x2048xi32, #tpu.memory_space<vmem>> -> memref<2048xi32, #tpu.memory_space<vmem>>
    %dma_wait3A_62 = arith.constant 0 : i32
    %dma_wait3A_63 = arith.constant 0 : i32
    %dma_wait3A_64 = tpu.memref_slice %arg2[%dma_wait3A_62, %dma_wait3A_63] : memref<10240x16xf32, #tpu.memory_space<hbm>> -> memref<10240x16xf32, #tpu.memory_space<hbm>>
    tpu.wait_indirect_dma semaphore(%arg13 : memref<!tpu.dma_semaphore, #tpu.memory_space<semaphore_mem>>) src(%dma_wait3A_64 : memref<10240x16xf32, #tpu.memory_space<hbm>>) dst(%dma_wait3A_58 : memref<2048x16xf32, #tpu.memory_space<vmem>>)
    %dma_wait3A_65 = arith.constant 0 : i32
    %dma_wait3A_66 = arith.constant 0 : i32
    %dma_wait3A_67 = arith.constant 0 : i32
    %dma_wait3A_68 = arith.constant 0 : i32
    %dma_wait3A_69 = tpu.memref_slice %arg11[%dma_wait3A_65, %dma_wait3A_67, %dma_wait3A_68] : memref<2x2048x16xf32, #tpu.memory_space<vmem>> -> memref<1x2048x16xf32, #tpu.memory_space<vmem>>
    %dma_wait3A_70 = tpu.memref_squeeze %dma_wait3A_69 : memref<1x2048x16xf32, #tpu.memory_space<vmem>> -> memref<2048x16xf32, #tpu.memory_space<vmem>>
    %dma_wait3A_71 = arith.constant 0 : i32
    %dma_wait3A_72 = tpu.memref_slice %arg10[%dma_wait3A_66, %dma_wait3A_71] : memref<5x2048xi32, #tpu.memory_space<vmem>> -> memref<1x2048xi32, #tpu.memory_space<vmem>>
    %dma_wait3A_73 = tpu.memref_squeeze %dma_wait3A_72 : memref<1x2048xi32, #tpu.memory_space<vmem>> -> memref<2048xi32, #tpu.memory_space<vmem>>
    %dma_wait3A_74 = arith.constant 0 : i32
    %dma_wait3A_75 = arith.constant 0 : i32
    %dma_wait3A_76 = tpu.memref_slice %arg7[%dma_wait3A_74, %dma_wait3A_75] : memref<10240x16xf32, #tpu.memory_space<vmem_shared>> -> memref<10240x16xf32, #tpu.memory_space<vmem_shared>>
    tpu.wait_indirect_dma semaphore(%arg14 : memref<!tpu.dma_semaphore, #tpu.memory_space<semaphore_mem>>) src(%dma_wait3A_70 : memref<2048x16xf32, #tpu.memory_space<vmem>>) dst(%dma_wait3A_76 : memref<10240x16xf32, #tpu.memory_space<vmem_shared>>)
    %dma_start3A_77 = arith.constant 1 : i32
    %dma_start3A_78 = arith.constant 1 : i32
    %dma_start3A_79 = arith.constant 0 : i32
    %dma_start3A_80 = arith.constant 0 : i32
    %dma_start3A_81 = tpu.memref_slice %arg11[%dma_start3A_77, %dma_start3A_79, %dma_start3A_80] : memref<2x2048x16xf32, #tpu.memory_space<vmem>> -> memref<1x2048x16xf32, #tpu.memory_space<vmem>>
    %dma_start3A_82 = tpu.memref_squeeze %dma_start3A_81 : memref<1x2048x16xf32, #tpu.memory_space<vmem>> -> memref<2048x16xf32, #tpu.memory_space<vmem>>
    %dma_start3A_83 = arith.constant 0 : i32
    %dma_start3A_84 = tpu.memref_slice %arg10[%dma_start3A_78, %dma_start3A_83] : memref<5x2048xi32, #tpu.memory_space<vmem>> -> memref<1x2048xi32, #tpu.memory_space<vmem>>
    %dma_start3A_85 = tpu.memref_squeeze %dma_start3A_84 : memref<1x2048xi32, #tpu.memory_space<vmem>> -> memref<2048xi32, #tpu.memory_space<vmem>>
    %dma_start3A_86 = arith.constant 0 : i32
    %dma_start3A_87 = arith.constant 0 : i32
    %dma_start3A_88 = tpu.memref_slice %arg7[%dma_start3A_86, %dma_start3A_87] : memref<10240x16xf32, #tpu.memory_space<vmem_shared>> -> memref<10240x16xf32, #tpu.memory_space<vmem_shared>>
    tpu.enqueue_indirect_dma source(%dma_start3A_82 : memref<2048x16xf32, #tpu.memory_space<vmem>>) target(%dma_start3A_88 : memref<10240x16xf32, #tpu.memory_space<vmem_shared>>) offsets(%dma_start3A_85 : memref<2048xi32, #tpu.memory_space<vmem>>) semaphore(%arg14 : memref<!tpu.dma_semaphore, #tpu.memory_space<semaphore_mem>>) {add = true}
    %dma_start3A_89 = arith.constant 2 : i32
    %dma_start3A_90 = arith.constant 0 : i32
    %dma_start3A_91 = arith.constant 0 : i32
    %dma_start3A_92 = arith.constant 0 : i32
    %dma_start3A_93 = tpu.memref_slice %arg11[%dma_start3A_90, %dma_start3A_91, %dma_start3A_92] : memref<2x2048x16xf32, #tpu.memory_space<vmem>> -> memref<1x2048x16xf32, #tpu.memory_space<vmem>>
    %dma_start3A_94 = tpu.memref_squeeze %dma_start3A_93 : memref<1x2048x16xf32, #tpu.memory_space<vmem>> -> memref<2048x16xf32, #tpu.memory_space<vmem>>
    %dma_start3A_95 = arith.constant 0 : i32
    %dma_start3A_96 = tpu.memref_slice %arg9[%dma_start3A_89, %dma_start3A_95] : memref<5x2048xi32, #tpu.memory_space<vmem>> -> memref<1x2048xi32, #tpu.memory_space<vmem>>
    %dma_start3A_97 = tpu.memref_squeeze %dma_start3A_96 : memref<1x2048xi32, #tpu.memory_space<vmem>> -> memref<2048xi32, #tpu.memory_space<vmem>>
    %dma_start3A_98 = arith.constant 0 : i32
    %dma_start3A_99 = arith.constant 0 : i32
    %dma_start3A_100 = tpu.memref_slice %arg8[%dma_start3A_98, %dma_start3A_99] : memref<10240x16xf32, #tpu.memory_space<vmem_shared>> -> memref<10240x16xf32, #tpu.memory_space<vmem_shared>>
    tpu.enqueue_indirect_dma source(%dma_start3A_100 : memref<10240x16xf32, #tpu.memory_space<vmem_shared>>) target(%dma_start3A_94 : memref<2048x16xf32, #tpu.memory_space<vmem>>) offsets(%dma_start3A_97 : memref<2048xi32, #tpu.memory_space<vmem>>) semaphore(%arg13 : memref<!tpu.dma_semaphore, #tpu.memory_space<semaphore_mem>>)
    %dma_wait3A_101 = arith.constant 0 : i32
    %dma_wait3A_102 = arith.constant 0 : i32
    %dma_wait3A_103 = arith.constant 0 : i32
    %dma_wait3A_104 = arith.constant 0 : i32
    %dma_wait3A_105 = tpu.memref_slice %arg11[%dma_wait3A_102, %dma_wait3A_103, %dma_wait3A_104] : memref<2x2048x16xf32, #tpu.memory_space<vmem>> -> memref<1x2048x16xf32, #tpu.memory_space<vmem>>
    %dma_wait3A_106 = tpu.memref_squeeze %dma_wait3A_105 : memref<1x2048x16xf32, #tpu.memory_space<vmem>> -> memref<2048x16xf32, #tpu.memory_space<vmem>>
    %dma_wait3A_107 = arith.constant 0 : i32
    %dma_wait3A_108 = tpu.memref_slice %arg9[%dma_wait3A_101, %dma_wait3A_107] : memref<5x2048xi32, #tpu.memory_space<vmem>> -> memref<1x2048xi32, #tpu.memory_space<vmem>>
    %dma_wait3A_109 = tpu.memref_squeeze %dma_wait3A_108 : memref<1x2048xi32, #tpu.memory_space<vmem>> -> memref<2048xi32, #tpu.memory_space<vmem>>
    %dma_wait3A_110 = arith.constant 0 : i32
    %dma_wait3A_111 = arith.constant 0 : i32
    %dma_wait3A_112 = tpu.memref_slice %arg2[%dma_wait3A_110, %dma_wait3A_111] : memref<10240x16xf32, #tpu.memory_space<hbm>> -> memref<10240x16xf32, #tpu.memory_space<hbm>>
    tpu.wait_indirect_dma semaphore(%arg13 : memref<!tpu.dma_semaphore, #tpu.memory_space<semaphore_mem>>) src(%dma_wait3A_112 : memref<10240x16xf32, #tpu.memory_space<hbm>>) dst(%dma_wait3A_106 : memref<2048x16xf32, #tpu.memory_space<vmem>>)
    %dma_wait3A_113 = arith.constant 1 : i32
    %dma_wait3A_114 = arith.constant 0 : i32
    %dma_wait3A_115 = arith.constant 0 : i32
    %dma_wait3A_116 = arith.constant 0 : i32
    %dma_wait3A_117 = tpu.memref_slice %arg11[%dma_wait3A_113, %dma_wait3A_115, %dma_wait3A_116] : memref<2x2048x16xf32, #tpu.memory_space<vmem>> -> memref<1x2048x16xf32, #tpu.memory_space<vmem>>
    %dma_wait3A_118 = tpu.memref_squeeze %dma_wait3A_117 : memref<1x2048x16xf32, #tpu.memory_space<vmem>> -> memref<2048x16xf32, #tpu.memory_space<vmem>>
    %dma_wait3A_119 = arith.constant 0 : i32
    %dma_wait3A_120 = tpu.memref_slice %arg10[%dma_wait3A_114, %dma_wait3A_119] : memref<5x2048xi32, #tpu.memory_space<vmem>> -> memref<1x2048xi32, #tpu.memory_space<vmem>>
    %dma_wait3A_121 = tpu.memref_squeeze %dma_wait3A_120 : memref<1x2048xi32, #tpu.memory_space<vmem>> -> memref<2048xi32, #tpu.memory_space<vmem>>
    %dma_wait3A_122 = arith.constant 0 : i32
    %dma_wait3A_123 = arith.constant 0 : i32
    %dma_wait3A_124 = tpu.memref_slice %arg7[%dma_wait3A_122, %dma_wait3A_123] : memref<10240x16xf32, #tpu.memory_space<vmem_shared>> -> memref<10240x16xf32, #tpu.memory_space<vmem_shared>>
    tpu.wait_indirect_dma semaphore(%arg14 : memref<!tpu.dma_semaphore, #tpu.memory_space<semaphore_mem>>) src(%dma_wait3A_118 : memref<2048x16xf32, #tpu.memory_space<vmem>>) dst(%dma_wait3A_124 : memref<10240x16xf32, #tpu.memory_space<vmem_shared>>)
    %dma_start3A_125 = arith.constant 0 : i32
    %dma_start3A_126 = arith.constant 2 : i32
    %dma_start3A_127 = arith.constant 0 : i32
    %dma_start3A_128 = arith.constant 0 : i32
    %dma_start3A_129 = tpu.memref_slice %arg11[%dma_start3A_125, %dma_start3A_127, %dma_start3A_128] : memref<2x2048x16xf32, #tpu.memory_space<vmem>> -> memref<1x2048x16xf32, #tpu.memory_space<vmem>>
    %dma_start3A_130 = tpu.memref_squeeze %dma_start3A_129 : memref<1x2048x16xf32, #tpu.memory_space<vmem>> -> memref<2048x16xf32, #tpu.memory_space<vmem>>
    %dma_start3A_131 = arith.constant 0 : i32
    %dma_start3A_132 = tpu.memref_slice %arg10[%dma_start3A_126, %dma_start3A_131] : memref<5x2048xi32, #tpu.memory_space<vmem>> -> memref<1x2048xi32, #tpu.memory_space<vmem>>
    %dma_start3A_133 = tpu.memref_squeeze %dma_start3A_132 : memref<1x2048xi32, #tpu.memory_space<vmem>> -> memref<2048xi32, #tpu.memory_space<vmem>>
    %dma_start3A_134 = arith.constant 0 : i32
    %dma_start3A_135 = arith.constant 0 : i32
    %dma_start3A_136 = tpu.memref_slice %arg7[%dma_start3A_134, %dma_start3A_135] : memref<10240x16xf32, #tpu.memory_space<vmem_shared>> -> memref<10240x16xf32, #tpu.memory_space<vmem_shared>>
    tpu.enqueue_indirect_dma source(%dma_start3A_130 : memref<2048x16xf32, #tpu.memory_space<vmem>>) target(%dma_start3A_136 : memref<10240x16xf32, #tpu.memory_space<vmem_shared>>) offsets(%dma_start3A_133 : memref<2048xi32, #tpu.memory_space<vmem>>) semaphore(%arg14 : memref<!tpu.dma_semaphore, #tpu.memory_space<semaphore_mem>>) {add = true}
    %dma_start3A_137 = arith.constant 3 : i32
    %dma_start3A_138 = arith.constant 1 : i32
    %dma_start3A_139 = arith.constant 0 : i32
    %dma_start3A_140 = arith.constant 0 : i32
    %dma_start3A_141 = tpu.memref_slice %arg11[%dma_start3A_138, %dma_start3A_139, %dma_start3A_140] : memref<2x2048x16xf32, #tpu.memory_space<vmem>> -> memref<1x2048x16xf32, #tpu.memory_space<vmem>>
    %dma_start3A_142 = tpu.memref_squeeze %dma_start3A_141 : memref<1x2048x16xf32, #tpu.memory_space<vmem>> -> memref<2048x16xf32, #tpu.memory_space<vmem>>
    %dma_start3A_143 = arith.constant 0 : i32
    %dma_start3A_144 = tpu.memref_slice %arg9[%dma_start3A_137, %dma_start3A_143] : memref<5x2048xi32, #tpu.memory_space<vmem>> -> memref<1x2048xi32, #tpu.memory_space<vmem>>
    %dma_start3A_145 = tpu.memref_squeeze %dma_start3A_144 : memref<1x2048xi32, #tpu.memory_space<vmem>> -> memref<2048xi32, #tpu.memory_space<vmem>>
    %dma_start3A_146 = arith.constant 0 : i32
    %dma_start3A_147 = arith.constant 0 : i32
    %dma_start3A_148 = tpu.memref_slice %arg8[%dma_start3A_146, %dma_start3A_147] : memref<10240x16xf32, #tpu.memory_space<vmem_shared>> -> memref<10240x16xf32, #tpu.memory_space<vmem_shared>>
    tpu.enqueue_indirect_dma source(%dma_start3A_148 : memref<10240x16xf32, #tpu.memory_space<vmem_shared>>) target(%dma_start3A_142 : memref<2048x16xf32, #tpu.memory_space<vmem>>) offsets(%dma_start3A_145 : memref<2048xi32, #tpu.memory_space<vmem>>) semaphore(%arg13 : memref<!tpu.dma_semaphore, #tpu.memory_space<semaphore_mem>>)
    %dma_wait3A_149 = arith.constant 0 : i32
    %dma_wait3A_150 = arith.constant 1 : i32
    %dma_wait3A_151 = arith.constant 0 : i32
    %dma_wait3A_152 = arith.constant 0 : i32
    %dma_wait3A_153 = tpu.memref_slice %arg11[%dma_wait3A_150, %dma_wait3A_151, %dma_wait3A_152] : memref<2x2048x16xf32, #tpu.memory_space<vmem>> -> memref<1x2048x16xf32, #tpu.memory_space<vmem>>
    %dma_wait3A_154 = tpu.memref_squeeze %dma_wait3A_153 : memref<1x2048x16xf32, #tpu.memory_space<vmem>> -> memref<2048x16xf32, #tpu.memory_space<vmem>>
    %dma_wait3A_155 = arith.constant 0 : i32
    %dma_wait3A_156 = tpu.memref_slice %arg9[%dma_wait3A_149, %dma_wait3A_155] : memref<5x2048xi32, #tpu.memory_space<vmem>> -> memref<1x2048xi32, #tpu.memory_space<vmem>>
    %dma_wait3A_157 = tpu.memref_squeeze %dma_wait3A_156 : memref<1x2048xi32, #tpu.memory_space<vmem>> -> memref<2048xi32, #tpu.memory_space<vmem>>
    %dma_wait3A_158 = arith.constant 0 : i32
    %dma_wait3A_159 = arith.constant 0 : i32
    %dma_wait3A_160 = tpu.memref_slice %arg2[%dma_wait3A_158, %dma_wait3A_159] : memref<10240x16xf32, #tpu.memory_space<hbm>> -> memref<10240x16xf32, #tpu.memory_space<hbm>>
    tpu.wait_indirect_dma semaphore(%arg13 : memref<!tpu.dma_semaphore, #tpu.memory_space<semaphore_mem>>) src(%dma_wait3A_160 : memref<10240x16xf32, #tpu.memory_space<hbm>>) dst(%dma_wait3A_154 : memref<2048x16xf32, #tpu.memory_space<vmem>>)
    %dma_wait3A_161 = arith.constant 0 : i32
    %dma_wait3A_162 = arith.constant 0 : i32
    %dma_wait3A_163 = arith.constant 0 : i32
    %dma_wait3A_164 = arith.constant 0 : i32
    %dma_wait3A_165 = tpu.memref_slice %arg11[%dma_wait3A_161, %dma_wait3A_163, %dma_wait3A_164] : memref<2x2048x16xf32, #tpu.memory_space<vmem>> -> memref<1x2048x16xf32, #tpu.memory_space<vmem>>
    %dma_wait3A_166 = tpu.memref_squeeze %dma_wait3A_165 : memref<1x2048x16xf32, #tpu.memory_space<vmem>> -> memref<2048x16xf32, #tpu.memory_space<vmem>>
    %dma_wait3A_167 = arith.constant 0 : i32
    %dma_wait3A_168 = tpu.memref_slice %arg10[%dma_wait3A_162, %dma_wait3A_167] : memref<5x2048xi32, #tpu.memory_space<vmem>> -> memref<1x2048xi32, #tpu.memory_space<vmem>>
    %dma_wait3A_169 = tpu.memref_squeeze %dma_wait3A_168 : memref<1x2048xi32, #tpu.memory_space<vmem>> -> memref<2048xi32, #tpu.memory_space<vmem>>
    %dma_wait3A_170 = arith.constant 0 : i32
    %dma_wait3A_171 = arith.constant 0 : i32
    %dma_wait3A_172 = tpu.memref_slice %arg7[%dma_wait3A_170, %dma_wait3A_171] : memref<10240x16xf32, #tpu.memory_space<vmem_shared>> -> memref<10240x16xf32, #tpu.memory_space<vmem_shared>>
    tpu.wait_indirect_dma semaphore(%arg14 : memref<!tpu.dma_semaphore, #tpu.memory_space<semaphore_mem>>) src(%dma_wait3A_166 : memref<2048x16xf32, #tpu.memory_space<vmem>>) dst(%dma_wait3A_172 : memref<10240x16xf32, #tpu.memory_space<vmem_shared>>)
    %dma_start3A_173 = arith.constant 1 : i32
    %dma_start3A_174 = arith.constant 3 : i32
    %dma_start3A_175 = arith.constant 0 : i32
    %dma_start3A_176 = arith.constant 0 : i32
    %dma_start3A_177 = tpu.memref_slice %arg11[%dma_start3A_173, %dma_start3A_175, %dma_start3A_176] : memref<2x2048x16xf32, #tpu.memory_space<vmem>> -> memref<1x2048x16xf32, #tpu.memory_space<vmem>>
    %dma_start3A_178 = tpu.memref_squeeze %dma_start3A_177 : memref<1x2048x16xf32, #tpu.memory_space<vmem>> -> memref<2048x16xf32, #tpu.memory_space<vmem>>
    %dma_start3A_179 = arith.constant 0 : i32
    %dma_start3A_180 = tpu.memref_slice %arg10[%dma_start3A_174, %dma_start3A_179] : memref<5x2048xi32, #tpu.memory_space<vmem>> -> memref<1x2048xi32, #tpu.memory_space<vmem>>
    %dma_start3A_181 = tpu.memref_squeeze %dma_start3A_180 : memref<1x2048xi32, #tpu.memory_space<vmem>> -> memref<2048xi32, #tpu.memory_space<vmem>>
    %dma_start3A_182 = arith.constant 0 : i32
    %dma_start3A_183 = arith.constant 0 : i32
    %dma_start3A_184 = tpu.memref_slice %arg7[%dma_start3A_182, %dma_start3A_183] : memref<10240x16xf32, #tpu.memory_space<vmem_shared>> -> memref<10240x16xf32, #tpu.memory_space<vmem_shared>>
    tpu.enqueue_indirect_dma source(%dma_start3A_178 : memref<2048x16xf32, #tpu.memory_space<vmem>>) target(%dma_start3A_184 : memref<10240x16xf32, #tpu.memory_space<vmem_shared>>) offsets(%dma_start3A_181 : memref<2048xi32, #tpu.memory_space<vmem>>) semaphore(%arg14 : memref<!tpu.dma_semaphore, #tpu.memory_space<semaphore_mem>>) {add = true}
    %dma_start3A_185 = arith.constant 4 : i32
    %dma_start3A_186 = arith.constant 0 : i32
    %dma_start3A_187 = arith.constant 0 : i32
    %dma_start3A_188 = arith.constant 0 : i32
    %dma_start3A_189 = tpu.memref_slice %arg11[%dma_start3A_186, %dma_start3A_187, %dma_start3A_188] : memref<2x2048x16xf32, #tpu.memory_space<vmem>> -> memref<1x2048x16xf32, #tpu.memory_space<vmem>>
    %dma_start3A_190 = tpu.memref_squeeze %dma_start3A_189 : memref<1x2048x16xf32, #tpu.memory_space<vmem>> -> memref<2048x16xf32, #tpu.memory_space<vmem>>
    %dma_start3A_191 = arith.constant 0 : i32
    %dma_start3A_192 = tpu.memref_slice %arg9[%dma_start3A_185, %dma_start3A_191] : memref<5x2048xi32, #tpu.memory_space<vmem>> -> memref<1x2048xi32, #tpu.memory_space<vmem>>
    %dma_start3A_193 = tpu.memref_squeeze %dma_start3A_192 : memref<1x2048xi32, #tpu.memory_space<vmem>> -> memref<2048xi32, #tpu.memory_space<vmem>>
    %dma_start3A_194 = arith.constant 0 : i32
    %dma_start3A_195 = arith.constant 0 : i32
    %dma_start3A_196 = tpu.memref_slice %arg8[%dma_start3A_194, %dma_start3A_195] : memref<10240x16xf32, #tpu.memory_space<vmem_shared>> -> memref<10240x16xf32, #tpu.memory_space<vmem_shared>>
    tpu.enqueue_indirect_dma source(%dma_start3A_196 : memref<10240x16xf32, #tpu.memory_space<vmem_shared>>) target(%dma_start3A_190 : memref<2048x16xf32, #tpu.memory_space<vmem>>) offsets(%dma_start3A_193 : memref<2048xi32, #tpu.memory_space<vmem>>) semaphore(%arg13 : memref<!tpu.dma_semaphore, #tpu.memory_space<semaphore_mem>>)
    %dma_wait3A_197 = arith.constant 0 : i32
    %dma_wait3A_198 = arith.constant 0 : i32
    %dma_wait3A_199 = arith.constant 0 : i32
    %dma_wait3A_200 = arith.constant 0 : i32
    %dma_wait3A_201 = tpu.memref_slice %arg11[%dma_wait3A_198, %dma_wait3A_199, %dma_wait3A_200] : memref<2x2048x16xf32, #tpu.memory_space<vmem>> -> memref<1x2048x16xf32, #tpu.memory_space<vmem>>
    %dma_wait3A_202 = tpu.memref_squeeze %dma_wait3A_201 : memref<1x2048x16xf32, #tpu.memory_space<vmem>> -> memref<2048x16xf32, #tpu.memory_space<vmem>>
    %dma_wait3A_203 = arith.constant 0 : i32
    %dma_wait3A_204 = tpu.memref_slice %arg9[%dma_wait3A_197, %dma_wait3A_203] : memref<5x2048xi32, #tpu.memory_space<vmem>> -> memref<1x2048xi32, #tpu.memory_space<vmem>>
    %dma_wait3A_205 = tpu.memref_squeeze %dma_wait3A_204 : memref<1x2048xi32, #tpu.memory_space<vmem>> -> memref<2048xi32, #tpu.memory_space<vmem>>
    %dma_wait3A_206 = arith.constant 0 : i32
    %dma_wait3A_207 = arith.constant 0 : i32
    %dma_wait3A_208 = tpu.memref_slice %arg2[%dma_wait3A_206, %dma_wait3A_207] : memref<10240x16xf32, #tpu.memory_space<hbm>> -> memref<10240x16xf32, #tpu.memory_space<hbm>>
    tpu.wait_indirect_dma semaphore(%arg13 : memref<!tpu.dma_semaphore, #tpu.memory_space<semaphore_mem>>) src(%dma_wait3A_208 : memref<10240x16xf32, #tpu.memory_space<hbm>>) dst(%dma_wait3A_202 : memref<2048x16xf32, #tpu.memory_space<vmem>>)
    %dma_wait3A_209 = arith.constant 1 : i32
    %dma_wait3A_210 = arith.constant 0 : i32
    %dma_wait3A_211 = arith.constant 0 : i32
    %dma_wait3A_212 = arith.constant 0 : i32
    %dma_wait3A_213 = tpu.memref_slice %arg11[%dma_wait3A_209, %dma_wait3A_211, %dma_wait3A_212] : memref<2x2048x16xf32, #tpu.memory_space<vmem>> -> memref<1x2048x16xf32, #tpu.memory_space<vmem>>
    %dma_wait3A_214 = tpu.memref_squeeze %dma_wait3A_213 : memref<1x2048x16xf32, #tpu.memory_space<vmem>> -> memref<2048x16xf32, #tpu.memory_space<vmem>>
    %dma_wait3A_215 = arith.constant 0 : i32
    %dma_wait3A_216 = tpu.memref_slice %arg10[%dma_wait3A_210, %dma_wait3A_215] : memref<5x2048xi32, #tpu.memory_space<vmem>> -> memref<1x2048xi32, #tpu.memory_space<vmem>>
    %dma_wait3A_217 = tpu.memref_squeeze %dma_wait3A_216 : memref<1x2048xi32, #tpu.memory_space<vmem>> -> memref<2048xi32, #tpu.memory_space<vmem>>
    %dma_wait3A_218 = arith.constant 0 : i32
    %dma_wait3A_219 = arith.constant 0 : i32
    %dma_wait3A_220 = tpu.memref_slice %arg7[%dma_wait3A_218, %dma_wait3A_219] : memref<10240x16xf32, #tpu.memory_space<vmem_shared>> -> memref<10240x16xf32, #tpu.memory_space<vmem_shared>>
    tpu.wait_indirect_dma semaphore(%arg14 : memref<!tpu.dma_semaphore, #tpu.memory_space<semaphore_mem>>) src(%dma_wait3A_214 : memref<2048x16xf32, #tpu.memory_space<vmem>>) dst(%dma_wait3A_220 : memref<10240x16xf32, #tpu.memory_space<vmem_shared>>)
    %dma_start3A_221 = arith.constant 0 : i32
    %dma_start3A_222 = arith.constant 4 : i32
    %dma_start3A_223 = arith.constant 0 : i32
    %dma_start3A_224 = arith.constant 0 : i32
    %dma_start3A_225 = tpu.memref_slice %arg11[%dma_start3A_221, %dma_start3A_223, %dma_start3A_224] : memref<2x2048x16xf32, #tpu.memory_space<vmem>> -> memref<1x2048x16xf32, #tpu.memory_space<vmem>>
    %dma_start3A_226 = tpu.memref_squeeze %dma_start3A_225 : memref<1x2048x16xf32, #tpu.memory_space<vmem>> -> memref<2048x16xf32, #tpu.memory_space<vmem>>
    %dma_start3A_227 = arith.constant 0 : i32
    %dma_start3A_228 = tpu.memref_slice %arg10[%dma_start3A_222, %dma_start3A_227] : memref<5x2048xi32, #tpu.memory_space<vmem>> -> memref<1x2048xi32, #tpu.memory_space<vmem>>
    %dma_start3A_229 = tpu.memref_squeeze %dma_start3A_228 : memref<1x2048xi32, #tpu.memory_space<vmem>> -> memref<2048xi32, #tpu.memory_space<vmem>>
    %dma_start3A_230 = arith.constant 0 : i32
    %dma_start3A_231 = arith.constant 0 : i32
    %dma_start3A_232 = tpu.memref_slice %arg7[%dma_start3A_230, %dma_start3A_231] : memref<10240x16xf32, #tpu.memory_space<vmem_shared>> -> memref<10240x16xf32, #tpu.memory_space<vmem_shared>>
    tpu.enqueue_indirect_dma source(%dma_start3A_226 : memref<2048x16xf32, #tpu.memory_space<vmem>>) target(%dma_start3A_232 : memref<10240x16xf32, #tpu.memory_space<vmem_shared>>) offsets(%dma_start3A_229 : memref<2048xi32, #tpu.memory_space<vmem>>) semaphore(%arg14 : memref<!tpu.dma_semaphore, #tpu.memory_space<semaphore_mem>>) {add = true}
    %dma_wait3A_233 = arith.constant 0 : i32
    %dma_wait3A_234 = arith.constant 0 : i32
    %dma_wait3A_235 = arith.constant 0 : i32
    %dma_wait3A_236 = arith.constant 0 : i32
    %dma_wait3A_237 = tpu.memref_slice %arg11[%dma_wait3A_233, %dma_wait3A_235, %dma_wait3A_236] : memref<2x2048x16xf32, #tpu.memory_space<vmem>> -> memref<1x2048x16xf32, #tpu.memory_space<vmem>>
    %dma_wait3A_238 = tpu.memref_squeeze %dma_wait3A_237 : memref<1x2048x16xf32, #tpu.memory_space<vmem>> -> memref<2048x16xf32, #tpu.memory_space<vmem>>
    %dma_wait3A_239 = arith.constant 0 : i32
    %dma_wait3A_240 = tpu.memref_slice %arg10[%dma_wait3A_234, %dma_wait3A_239] : memref<5x2048xi32, #tpu.memory_space<vmem>> -> memref<1x2048xi32, #tpu.memory_space<vmem>>
    %dma_wait3A_241 = tpu.memref_squeeze %dma_wait3A_240 : memref<1x2048xi32, #tpu.memory_space<vmem>> -> memref<2048xi32, #tpu.memory_space<vmem>>
    %dma_wait3A_242 = arith.constant 0 : i32
    %dma_wait3A_243 = arith.constant 0 : i32
    %dma_wait3A_244 = tpu.memref_slice %arg7[%dma_wait3A_242, %dma_wait3A_243] : memref<10240x16xf32, #tpu.memory_space<vmem_shared>> -> memref<10240x16xf32, #tpu.memory_space<vmem_shared>>
    tpu.wait_indirect_dma semaphore(%arg14 : memref<!tpu.dma_semaphore, #tpu.memory_space<semaphore_mem>>) src(%dma_wait3A_238 : memref<2048x16xf32, #tpu.memory_space<vmem>>) dst(%dma_wait3A_244 : memref<10240x16xf32, #tpu.memory_space<vmem_shared>>)
    %barrier3A_245 = arith.constant 0 : index
    tpu.barrier barrier_id(%barrier3A_245)
    %mul3A_246 = arith.constant 640 : i32
    %mul3A_247 = arith.muli %arg1, %mul3A_246 : i32
    "tpu.region"() ({
      %run_scoped3A = tpu.sem_alloc : memref<!tpu.dma_semaphore, #tpu.memory_space<semaphore_mem>>
      %dma_start3A_250 = arith.constant 0 : i32
      %dma_start3A_251 = tpu.memref_slice %arg7[%mul3A_247, %dma_start3A_250] : memref<10240x16xf32, #tpu.memory_space<vmem_shared>> -> memref<640x16xf32, #tpu.memory_space<vmem_shared>>
      %dma_start3A_252 = arith.constant 0 : i32
      %dma_start3A_253 = tpu.memref_slice %arg7[%mul3A_247, %dma_start3A_252] : memref<10240x16xf32, #tpu.memory_space<vmem_shared>> -> memref<640x16xf32, #tpu.memory_space<vmem_shared>>
      tpu.enqueue_dma source(%dma_start3A_253 : memref<640x16xf32, #tpu.memory_space<vmem_shared>>) target(%arg12 : memref<640x16xf32, #tpu.memory_space<vmem>>) target_semaphore(%run_scoped3A : memref<!tpu.dma_semaphore, #tpu.memory_space<semaphore_mem>>)
      %dma_wait3A_254 = arith.constant 0 : i32
      %dma_wait3A_255 = tpu.memref_slice %arg7[%mul3A_247, %dma_wait3A_254] : memref<10240x16xf32, #tpu.memory_space<vmem_shared>> -> memref<640x16xf32, #tpu.memory_space<vmem_shared>>
      %dma_wait3A_256 = arith.constant 0 : i32
      %dma_wait3A_257 = tpu.memref_slice %arg7[%mul3A_247, %dma_wait3A_256] : memref<10240x16xf32, #tpu.memory_space<vmem_shared>> -> memref<640x16xf32, #tpu.memory_space<vmem_shared>>
      tpu.wait_dma2 semaphore(%run_scoped3A : memref<!tpu.dma_semaphore, #tpu.memory_space<semaphore_mem>>) src(%dma_wait3A_257 : memref<640x16xf32, #tpu.memory_space<vmem_shared>>) dst(%arg12 : memref<640x16xf32, #tpu.memory_space<vmem>>)
      tpu.yield
    }) : () -> ()
    %mul3A_248 = arith.constant 640 : i32
    %mul3A_249 = arith.muli %arg1, %mul3A_248 : i32
    "tpu.region"() ({
      %run_scoped3A = tpu.sem_alloc : memref<!tpu.dma_semaphore, #tpu.memory_space<semaphore_mem>>
      %dma_start3A_250 = arith.constant 0 : i32
      %dma_start3A_251 = tpu.memref_slice %arg6[%arg0, %mul3A_249, %dma_start3A_250] : memref<2x10240x16xf32, #tpu.memory_space<hbm>> -> memref<1x640x16xf32, #tpu.memory_space<hbm>>
      %dma_start3A_252 = tpu.memref_squeeze %dma_start3A_251 : memref<1x640x16xf32, #tpu.memory_space<hbm>> -> memref<640x16xf32, #tpu.memory_space<hbm>>
      %dma_start3A_253 = arith.constant 0 : i32
      %dma_start3A_254 = tpu.memref_slice %arg6[%arg0, %mul3A_249, %dma_start3A_253] : memref<2x10240x16xf32, #tpu.memory_space<hbm>> -> memref<1x640x16xf32, #tpu.memory_space<hbm>>
      %dma_start3A_255 = tpu.memref_squeeze %dma_start3A_254 : memref<1x640x16xf32, #tpu.memory_space<hbm>> -> memref<640x16xf32, #tpu.memory_space<hbm>>
      tpu.enqueue_dma source(%arg12 : memref<640x16xf32, #tpu.memory_space<vmem>>) target(%dma_start3A_255 : memref<640x16xf32, #tpu.memory_space<hbm>>) target_semaphore(%run_scoped3A : memref<!tpu.dma_semaphore, #tpu.memory_space<semaphore_mem>>)
      %dma_wait3A_256 = arith.constant 0 : i32
      %dma_wait3A_257 = tpu.memref_slice %arg6[%arg0, %mul3A_249, %dma_wait3A_256] : memref<2x10240x16xf32, #tpu.memory_space<hbm>> -> memref<1x640x16xf32, #tpu.memory_space<hbm>>
      %dma_wait3A_258 = tpu.memref_squeeze %dma_wait3A_257 : memref<1x640x16xf32, #tpu.memory_space<hbm>> -> memref<640x16xf32, #tpu.memory_space<hbm>>
      %dma_wait3A_259 = arith.constant 0 : i32
      %dma_wait3A_260 = tpu.memref_slice %arg6[%arg0, %mul3A_249, %dma_wait3A_259] : memref<2x10240x16xf32, #tpu.memory_space<hbm>> -> memref<1x640x16xf32, #tpu.memory_space<hbm>>
      %dma_wait3A_261 = tpu.memref_squeeze %dma_wait3A_260 : memref<1x640x16xf32, #tpu.memory_space<hbm>> -> memref<640x16xf32, #tpu.memory_space<hbm>>
      tpu.wait_dma2 semaphore(%run_scoped3A : memref<!tpu.dma_semaphore, #tpu.memory_space<semaphore_mem>>) src(%arg12 : memref<640x16xf32, #tpu.memory_space<vmem>>) dst(%dma_wait3A_261 : memref<640x16xf32, #tpu.memory_space<hbm>>)
      tpu.yield
    }) : () -> ()
    return
  }
}

module attributes {stable_mosaic.version = 14 : i64} {
  func.func @_tc_g0_body(%arg0: i32, %arg1: memref<256x128xf32, #tpu.memory_space<vmem>>, %arg2: memref<128x16xf32, #tpu.memory_space<vmem>>, %arg3: memref<2x256x16xf32, #tpu.memory_space<vmem>>, %arg4: memref<256x16xf32, #tpu.memory_space<vmem>>, %arg5: memref<256x16xf32, #tpu.memory_space<vmem>>) attributes {dimension_semantics = [#tpu.dimension_semantics<arbitrary>], iteration_bounds = array<i64: 40>, scalar_prefetch = 0 : i64, scratch_operands = 0 : i64, tpu.core_type = #tpu.core_type<tc>, window_params = [{transform_indices = @transform_0, window_bounds = array<i64: 256, 128>}, {pipeline_mode = #tpu.pipeline_mode<synchronous>, transform_indices = @transform_1, window_bounds = array<i64: 128, 16>}, {transform_indices = @transform_2, window_bounds = array<i64: 2, 256, 16>}, {transform_indices = @transform_3, window_bounds = array<i64: 256, 16>}, {transform_indices = @transform_4, window_bounds = array<i64: 256, 16>}]} {
    %get3A = arith.constant 0 : index
    %get3A_0 = arith.constant 0 : index
    %get3A_1 = arith.constant 0 : index
    %get3A_2 = vector.load %arg3[%get3A, %get3A_0, %get3A_1] : memref<2x256x16xf32, #tpu.memory_space<vmem>>, vector<1x256x16xf32>
    %get3A_3 = vector.shape_cast %get3A_2 : vector<1x256x16xf32> to vector<256x16xf32>
    %get3A_4 = arith.constant 1 : index
    %get3A_5 = arith.constant 0 : index
    %get3A_6 = arith.constant 0 : index
    %get3A_7 = vector.load %arg3[%get3A_4, %get3A_5, %get3A_6] : memref<2x256x16xf32, #tpu.memory_space<vmem>>, vector<1x256x16xf32>
    %get3A_8 = vector.shape_cast %get3A_7 : vector<1x256x16xf32> to vector<256x16xf32>
    %add3A = arith.addf %get3A_3, %get3A_8 : vector<256x16xf32>
    %add3A_9 = arith.constant 1.000000e+00 : f32
    %add3A_10 = vector.broadcast %add3A_9 : f32 to vector<256x16xf32>
    %add3A_11 = arith.addf %add3A, %add3A_10 : vector<256x16xf32>
    %rsqrt3A = math.rsqrt %add3A_11 : vector<256x16xf32>
    %swap3A = arith.constant 0 : index
    %swap3A_12 = arith.constant 0 : index
    %swap3A_13 = vector.load %arg4[%swap3A, %swap3A_12] : memref<256x16xf32, #tpu.memory_space<vmem>>, vector<256x16xf32>
    tpu.vector_store %arg4[%swap3A, %swap3A_12], %rsqrt3A {strides = array<i32>} : memref<256x16xf32, #tpu.memory_space<vmem>>, vector<256x16xf32>,
    %get3A_14 = arith.constant 0 : index
    %get3A_15 = arith.constant 0 : index
    %get3A_16 = vector.load %arg1[%get3A_14, %get3A_15] : memref<256x128xf32, #tpu.memory_space<vmem>>, vector<256x128xf32>
    %get3A_17 = arith.constant 0 : index
    %get3A_18 = arith.constant 0 : index
    %get3A_19 = vector.load %arg2[%get3A_17, %get3A_18] : memref<128x16xf32, #tpu.memory_space<vmem>>, vector<128x16xf32>
    %dot_general3A = arith.constant dense<0.000000e+00> : vector<256x16xf32>
    %dot_general3A_20 = tpu.matmul %get3A_16, %get3A_19, %dot_general3A {dimension_numbers = #tpu.dot_dimension_numbers<[1], [0], [0], [1], [0, 0, 1, 1], [], []>, transpose_lhs_hint = false} : vector<256x128xf32>, vector<128x16xf32>, vector<256x16xf32> -> vector<256x16xf32>
    %mul3A = arith.mulf %dot_general3A_20, %rsqrt3A : vector<256x16xf32>
    %swap3A_21 = arith.constant 0 : index
    %swap3A_22 = arith.constant 0 : index
    %swap3A_23 = vector.load %arg5[%swap3A_21, %swap3A_22] : memref<256x16xf32, #tpu.memory_space<vmem>>, vector<256x16xf32>
    tpu.vector_store %arg5[%swap3A_21, %swap3A_22], %mul3A {strides = array<i32>} : memref<256x16xf32, #tpu.memory_space<vmem>>, vector<256x16xf32>,
    return
  }
  func.func @transform_0(%arg0: i32) -> (i32, i32) {
    %c0_i32 = arith.constant 0 : i32
    %c0_i32_0 = arith.constant 0 : i32
    return %arg0, %c0_i32 : i32, i32
  }
  func.func @transform_1(%arg0: i32) -> (i32, i32) {
    %c0_i32 = arith.constant 0 : i32
    %c0_i32_0 = arith.constant 0 : i32
    %c0_i32_1 = arith.constant 0 : i32
    return %c0_i32, %c0_i32_0 : i32, i32
  }
  func.func @transform_2(%arg0: i32) -> (i32, i32, i32) {
    %c0_i32 = arith.constant 0 : i32
    %c0_i32_0 = arith.constant 0 : i32
    %c0_i32_1 = arith.constant 0 : i32
    return %c0_i32, %arg0, %c0_i32_0 : i32, i32, i32
  }
  func.func @transform_3(%arg0: i32) -> (i32, i32) {
    %c0_i32 = arith.constant 0 : i32
    %c0_i32_0 = arith.constant 0 : i32
    return %arg0, %c0_i32 : i32, i32
  }
  func.func @transform_4(%arg0: i32) -> (i32, i32) {
    %c0_i32 = arith.constant 0 : i32
    %c0_i32_0 = arith.constant 0 : i32
    return %arg0, %c0_i32 : i32, i32
  }
}

module attributes {stable_mosaic.version = 14 : i64} {
  func.func @_tc_mid_body(%arg0: i32, %arg1: memref<2x256x16xf32, #tpu.memory_space<vmem>>, %arg2: memref<256x16xf32, #tpu.memory_space<vmem>>, %arg3: memref<256x16xf32, #tpu.memory_space<vmem>>, %arg4: memref<256x16xf32, #tpu.memory_space<vmem>>, %arg5: memref<16x16xf32, #tpu.memory_space<vmem>>, %arg6: memref<1x16xf32, #tpu.memory_space<vmem>>, %arg7: memref<256x16xf32, #tpu.memory_space<vmem>>, %arg8: memref<256x16xf32, #tpu.memory_space<vmem>>) attributes {dimension_semantics = [#tpu.dimension_semantics<arbitrary>], iteration_bounds = array<i64: 40>, scalar_prefetch = 0 : i64, scratch_operands = 0 : i64, tpu.core_type = #tpu.core_type<tc>, window_params = [{transform_indices = @transform_0, window_bounds = array<i64: 2, 256, 16>}, {transform_indices = @transform_1, window_bounds = array<i64: 256, 16>}, {transform_indices = @transform_2, window_bounds = array<i64: 256, 16>}, {transform_indices = @transform_3, window_bounds = array<i64: 256, 16>}, {pipeline_mode = #tpu.pipeline_mode<synchronous>, transform_indices = @transform_4, window_bounds = array<i64: 16, 16>}, {pipeline_mode = #tpu.pipeline_mode<synchronous>, transform_indices = @transform_5, window_bounds = array<i64: 1, 16>}, {transform_indices = @transform_6, window_bounds = array<i64: 256, 16>}, {transform_indices = @transform_7, window_bounds = array<i64: 256, 16>}]} {
    %get3A = arith.constant 0 : index
    %get3A_0 = arith.constant 0 : index
    %get3A_1 = arith.constant 0 : index
    %get3A_2 = vector.load %arg1[%get3A, %get3A_0, %get3A_1] : memref<2x256x16xf32, #tpu.memory_space<vmem>>, vector<1x256x16xf32>
    %get3A_3 = vector.shape_cast %get3A_2 : vector<1x256x16xf32> to vector<256x16xf32>
    %get3A_4 = arith.constant 1 : index
    %get3A_5 = arith.constant 0 : index
    %get3A_6 = arith.constant 0 : index
    %get3A_7 = vector.load %arg1[%get3A_4, %get3A_5, %get3A_6] : memref<2x256x16xf32, #tpu.memory_space<vmem>>, vector<1x256x16xf32>
    %get3A_8 = vector.shape_cast %get3A_7 : vector<1x256x16xf32> to vector<256x16xf32>
    %add3A = arith.addf %get3A_3, %get3A_8 : vector<256x16xf32>
    %get3A_9 = arith.constant 0 : index
    %get3A_10 = arith.constant 0 : index
    %get3A_11 = vector.load %arg3[%get3A_9, %get3A_10] : memref<256x16xf32, #tpu.memory_space<vmem>>, vector<256x16xf32>
    %get3A_12 = arith.constant 0 : index
    %get3A_13 = arith.constant 0 : index
    %get3A_14 = vector.load %arg2[%get3A_12, %get3A_13] : memref<256x16xf32, #tpu.memory_space<vmem>>, vector<256x16xf32>
    %add3A_15 = arith.addf %add3A, %get3A_14 : vector<256x16xf32>
    %mul3A = arith.mulf %get3A_11, %add3A_15 : vector<256x16xf32>
    %get3A_16 = arith.constant 0 : index
    %get3A_17 = arith.constant 0 : index
    %get3A_18 = vector.load %arg6[%get3A_16, %get3A_17] : memref<1x16xf32, #tpu.memory_space<vmem>>, vector<1x16xf32>
    %add3A_19 = vector.broadcast %get3A_18 : vector<1x16xf32> to vector<256x16xf32>
    %add3A_20 = arith.addf %mul3A, %add3A_19 : vector<256x16xf32>
    %max3A = arith.constant 0.000000e+00 : f32
    %max3A_21 = vector.broadcast %max3A : f32 to vector<256x16xf32>
    %max3A_22 = arith.maximumf %add3A_20, %max3A_21 : vector<256x16xf32>
    %get3A_23 = arith.constant 0 : index
    %get3A_24 = arith.constant 0 : index
    %get3A_25 = vector.load %arg4[%get3A_23, %get3A_24] : memref<256x16xf32, #tpu.memory_space<vmem>>, vector<256x16xf32>
    %max3A_26 = arith.maximumf %get3A_25, %max3A_22 : vector<256x16xf32>
    %swap3A = arith.constant 0 : index
    %swap3A_27 = arith.constant 0 : index
    %swap3A_28 = vector.load %arg8[%swap3A, %swap3A_27] : memref<256x16xf32, #tpu.memory_space<vmem>>, vector<256x16xf32>
    tpu.vector_store %arg8[%swap3A, %swap3A_27], %max3A_26 {strides = array<i32>} : memref<256x16xf32, #tpu.memory_space<vmem>>, vector<256x16xf32>,
    %get3A_29 = arith.constant 0 : index
    %get3A_30 = arith.constant 0 : index
    %get3A_31 = vector.load %arg5[%get3A_29, %get3A_30] : memref<16x16xf32, #tpu.memory_space<vmem>>, vector<16x16xf32>
    %dot_general3A = arith.constant dense<0.000000e+00> : vector<256x16xf32>
    %dot_general3A_32 = tpu.matmul %max3A_22, %get3A_31, %dot_general3A {dimension_numbers = #tpu.dot_dimension_numbers<[1], [0], [0], [1], [0, 0, 1, 1], [], []>, transpose_lhs_hint = false} : vector<256x16xf32>, vector<16x16xf32>, vector<256x16xf32> -> vector<256x16xf32>
    %mul3A_33 = arith.mulf %dot_general3A_32, %get3A_11 : vector<256x16xf32>
    %swap3A_34 = arith.constant 0 : index
    %swap3A_35 = arith.constant 0 : index
    %swap3A_36 = vector.load %arg7[%swap3A_34, %swap3A_35] : memref<256x16xf32, #tpu.memory_space<vmem>>, vector<256x16xf32>
    tpu.vector_store %arg7[%swap3A_34, %swap3A_35], %mul3A_33 {strides = array<i32>} : memref<256x16xf32, #tpu.memory_space<vmem>>, vector<256x16xf32>,
    return
  }
  func.func @transform_0(%arg0: i32) -> (i32, i32, i32) {
    %c0_i32 = arith.constant 0 : i32
    %c0_i32_0 = arith.constant 0 : i32
    %c0_i32_1 = arith.constant 0 : i32
    return %c0_i32, %arg0, %c0_i32_0 : i32, i32, i32
  }
  func.func @transform_1(%arg0: i32) -> (i32, i32) {
    %c0_i32 = arith.constant 0 : i32
    %c0_i32_0 = arith.constant 0 : i32
    return %arg0, %c0_i32 : i32, i32
  }
  func.func @transform_2(%arg0: i32) -> (i32, i32) {
    %c0_i32 = arith.constant 0 : i32
    %c0_i32_0 = arith.constant 0 : i32
    return %arg0, %c0_i32 : i32, i32
  }
  func.func @transform_3(%arg0: i32) -> (i32, i32) {
    %c0_i32 = arith.constant 0 : i32
    %c0_i32_0 = arith.constant 0 : i32
    return %arg0, %c0_i32 : i32, i32
  }
  func.func @transform_4(%arg0: i32) -> (i32, i32) {
    %c0_i32 = arith.constant 0 : i32
    %c0_i32_0 = arith.constant 0 : i32
    %c0_i32_1 = arith.constant 0 : i32
    return %c0_i32, %c0_i32_0 : i32, i32
  }
  func.func @transform_5(%arg0: i32) -> (i32, i32) {
    %c0_i32 = arith.constant 0 : i32
    %c0_i32_0 = arith.constant 0 : i32
    %c0_i32_1 = arith.constant 0 : i32
    return %c0_i32, %c0_i32_0 : i32, i32
  }
  func.func @transform_6(%arg0: i32) -> (i32, i32) {
    %c0_i32 = arith.constant 0 : i32
    %c0_i32_0 = arith.constant 0 : i32
    return %arg0, %c0_i32 : i32, i32
  }
  func.func @transform_7(%arg0: i32) -> (i32, i32) {
    %c0_i32 = arith.constant 0 : i32
    %c0_i32_0 = arith.constant 0 : i32
    return %arg0, %c0_i32 : i32, i32
  }
}

module attributes {stable_mosaic.version = 14 : i64} {
  func.func @_tc_fin_body(%arg0: i32, %arg1: memref<2x256x16xf32, #tpu.memory_space<vmem>>, %arg2: memref<256x16xf32, #tpu.memory_space<vmem>>, %arg3: memref<256x16xf32, #tpu.memory_space<vmem>>, %arg4: memref<256x16xf32, #tpu.memory_space<vmem>>, %arg5: memref<1x16xf32, #tpu.memory_space<vmem>>, %arg6: memref<16x47xf32, #tpu.memory_space<vmem>>, %arg7: memref<1x47xf32, #tpu.memory_space<vmem>>, %arg8: memref<256x47xf32, #tpu.memory_space<vmem>>) attributes {dimension_semantics = [#tpu.dimension_semantics<arbitrary>], iteration_bounds = array<i64: 40>, scalar_prefetch = 0 : i64, scratch_operands = 0 : i64, tpu.core_type = #tpu.core_type<tc>, window_params = [{transform_indices = @transform_0, window_bounds = array<i64: 2, 256, 16>}, {transform_indices = @transform_1, window_bounds = array<i64: 256, 16>}, {transform_indices = @transform_2, window_bounds = array<i64: 256, 16>}, {transform_indices = @transform_3, window_bounds = array<i64: 256, 16>}, {pipeline_mode = #tpu.pipeline_mode<synchronous>, transform_indices = @transform_4, window_bounds = array<i64: 1, 16>}, {pipeline_mode = #tpu.pipeline_mode<synchronous>, transform_indices = @transform_5, window_bounds = array<i64: 16, 47>}, {pipeline_mode = #tpu.pipeline_mode<synchronous>, transform_indices = @transform_6, window_bounds = array<i64: 1, 47>}, {transform_indices = @transform_7, window_bounds = array<i64: 256, 47>}]} {
    %get3A = arith.constant 0 : index
    %get3A_0 = arith.constant 0 : index
    %get3A_1 = arith.constant 0 : index
    %get3A_2 = vector.load %arg1[%get3A, %get3A_0, %get3A_1] : memref<2x256x16xf32, #tpu.memory_space<vmem>>, vector<1x256x16xf32>
    %get3A_3 = vector.shape_cast %get3A_2 : vector<1x256x16xf32> to vector<256x16xf32>
    %get3A_4 = arith.constant 1 : index
    %get3A_5 = arith.constant 0 : index
    %get3A_6 = arith.constant 0 : index
    %get3A_7 = vector.load %arg1[%get3A_4, %get3A_5, %get3A_6] : memref<2x256x16xf32, #tpu.memory_space<vmem>>, vector<1x256x16xf32>
    %get3A_8 = vector.shape_cast %get3A_7 : vector<1x256x16xf32> to vector<256x16xf32>
    %add3A = arith.addf %get3A_3, %get3A_8 : vector<256x16xf32>
    %get3A_9 = arith.constant 0 : index
    %get3A_10 = arith.constant 0 : index
    %get3A_11 = vector.load %arg3[%get3A_9, %get3A_10] : memref<256x16xf32, #tpu.memory_space<vmem>>, vector<256x16xf32>
    %get3A_12 = arith.constant 0 : index
    %get3A_13 = arith.constant 0 : index
    %get3A_14 = vector.load %arg2[%get3A_12, %get3A_13] : memref<256x16xf32, #tpu.memory_space<vmem>>, vector<256x16xf32>
    %add3A_15 = arith.addf %add3A, %get3A_14 : vector<256x16xf32>
    %mul3A = arith.mulf %get3A_11, %add3A_15 : vector<256x16xf32>
    %get3A_16 = arith.constant 0 : index
    %get3A_17 = arith.constant 0 : index
    %get3A_18 = vector.load %arg5[%get3A_16, %get3A_17] : memref<1x16xf32, #tpu.memory_space<vmem>>, vector<1x16xf32>
    %add3A_19 = vector.broadcast %get3A_18 : vector<1x16xf32> to vector<256x16xf32>
    %add3A_20 = arith.addf %mul3A, %add3A_19 : vector<256x16xf32>
    %max3A = arith.constant 0.000000e+00 : f32
    %max3A_21 = vector.broadcast %max3A : f32 to vector<256x16xf32>
    %max3A_22 = arith.maximumf %add3A_20, %max3A_21 : vector<256x16xf32>
    %get3A_23 = arith.constant 0 : index
    %get3A_24 = arith.constant 0 : index
    %get3A_25 = vector.load %arg4[%get3A_23, %get3A_24] : memref<256x16xf32, #tpu.memory_space<vmem>>, vector<256x16xf32>
    %max3A_26 = arith.maximumf %get3A_25, %max3A_22 : vector<256x16xf32>
    %get3A_27 = arith.constant 0 : index
    %get3A_28 = arith.constant 0 : index
    %get3A_29 = vector.load %arg6[%get3A_27, %get3A_28] : memref<16x47xf32, #tpu.memory_space<vmem>>, vector<16x47xf32>
    %dot_general3A = arith.constant dense<0.000000e+00> : vector<256x47xf32>
    %dot_general3A_30 = tpu.matmul %max3A_26, %get3A_29, %dot_general3A {dimension_numbers = #tpu.dot_dimension_numbers<[1], [0], [0], [1], [0, 0, 1, 1], [], []>, transpose_lhs_hint = false} : vector<256x16xf32>, vector<16x47xf32>, vector<256x47xf32> -> vector<256x47xf32>
    %get3A_31 = arith.constant 0 : index
    %get3A_32 = arith.constant 0 : index
    %get3A_33 = vector.load %arg7[%get3A_31, %get3A_32] : memref<1x47xf32, #tpu.memory_space<vmem>>, vector<1x47xf32>
    %add3A_34 = vector.broadcast %get3A_33 : vector<1x47xf32> to vector<256x47xf32>
    %add3A_35 = arith.addf %dot_general3A_30, %add3A_34 : vector<256x47xf32>
    %reduce_max3A = arith.constant dense<0xFF800000> : vector<256xf32>
    %reduce_max3A_36 = vector.multi_reduction <maximumf>, %add3A_35, %reduce_max3A [1] : vector<256x47xf32> to vector<256xf32>
    %broadcast_in_dim3A = vector.shape_cast %reduce_max3A_36 : vector<256xf32> to vector<256x1xf32>
    %sub3A = vector.broadcast %broadcast_in_dim3A : vector<256x1xf32> to vector<256x47xf32>
    %sub3A_37 = arith.subf %add3A_35, %sub3A : vector<256x47xf32>
    %exp3A = math.exp %sub3A_37 : vector<256x47xf32>
    %reduce_sum3A = arith.constant dense<0.000000e+00> : vector<256xf32>
    %reduce_sum3A_38 = vector.multi_reduction <add>, %exp3A, %reduce_sum3A [1] : vector<256x47xf32> to vector<256xf32>
    %broadcast_in_dim3A_39 = vector.shape_cast %reduce_sum3A_38 : vector<256xf32> to vector<256x1xf32>
    %log3A = math.log %broadcast_in_dim3A_39 : vector<256x1xf32>
    %sub3A_40 = vector.broadcast %broadcast_in_dim3A : vector<256x1xf32> to vector<256x47xf32>
    %sub3A_41 = arith.subf %add3A_35, %sub3A_40 : vector<256x47xf32>
    %sub3A_42 = vector.broadcast %log3A : vector<256x1xf32> to vector<256x47xf32>
    %sub3A_43 = arith.subf %sub3A_41, %sub3A_42 : vector<256x47xf32>
    %swap3A = arith.constant 0 : index
    %swap3A_44 = arith.constant 0 : index
    %swap3A_45 = vector.load %arg8[%swap3A, %swap3A_44] : memref<256x47xf32, #tpu.memory_space<vmem>>, vector<256x47xf32>
    tpu.vector_store %arg8[%swap3A, %swap3A_44], %sub3A_43 {strides = array<i32>} : memref<256x47xf32, #tpu.memory_space<vmem>>, vector<256x47xf32>,
    return
  }
  func.func @transform_0(%arg0: i32) -> (i32, i32, i32) {
    %c0_i32 = arith.constant 0 : i32
    %c0_i32_0 = arith.constant 0 : i32
    %c0_i32_1 = arith.constant 0 : i32
    return %c0_i32, %arg0, %c0_i32_0 : i32, i32, i32
  }
  func.func @transform_1(%arg0: i32) -> (i32, i32) {
    %c0_i32 = arith.constant 0 : i32
    %c0_i32_0 = arith.constant 0 : i32
    return %arg0, %c0_i32 : i32, i32
  }
  func.func @transform_2(%arg0: i32) -> (i32, i32) {
    %c0_i32 = arith.constant 0 : i32
    %c0_i32_0 = arith.constant 0 : i32
    return %arg0, %c0_i32 : i32, i32
  }
  func.func @transform_3(%arg0: i32) -> (i32, i32) {
    %c0_i32 = arith.constant 0 : i32
    %c0_i32_0 = arith.constant 0 : i32
    return %arg0, %c0_i32 : i32, i32
  }
  func.func @transform_4(%arg0: i32) -> (i32, i32) {
    %c0_i32 = arith.constant 0 : i32
    %c0_i32_0 = arith.constant 0 : i32
    %c0_i32_1 = arith.constant 0 : i32
    return %c0_i32, %c0_i32_0 : i32, i32
  }
  func.func @transform_5(%arg0: i32) -> (i32, i32) {
    %c0_i32 = arith.constant 0 : i32
    %c0_i32_0 = arith.constant 0 : i32
    %c0_i32_1 = arith.constant 0 : i32
    return %c0_i32, %c0_i32_0 : i32, i32
  }
  func.func @transform_6(%arg0: i32) -> (i32, i32) {
    %c0_i32 = arith.constant 0 : i32
    %c0_i32_0 = arith.constant 0 : i32
    %c0_i32_1 = arith.constant 0 : i32
    return %c0_i32, %c0_i32_0 : i32, i32
  }
  func.func @transform_7(%arg0: i32) -> (i32, i32) {
    %c0_i32 = arith.constant 0 : i32
    %c0_i32_0 = arith.constant 0 : i32
    return %arg0, %c0_i32 : i32, i32
  }
}

</mosaic_0001>

<sc_bundles>
// kernel: kernel.16.cloned.1.call-start
scs
__scs_entry_jumppad:
0x0: {  	(pc) =	sbr.rel $0x88, $3  }
0x1: {  	(tag) =	ssettag $0x0;
	lr =	simm.s32 $0x1  }
0x2: {  	[smem:$0x3F91] =	sst lr;
	_ =	strace $0xD0000000  }
0x3: {  	_ = 	snop  }
0x4: {  	_ = 	snop  }
0x5: {  	_ = 	snop  }
0x6: {  	_ = 	snop  }
0x7: {  	_ = 	snop  }
__scs_overlays_trampoline_lowered:
0x8: {  	[smem:$0x3FA0] =	sst s0  }
0x9: {  	[smem:$0x3FA1] =	sst s1  }
0xa: {  	[smem:$0x3FA2] =	sst s2  }
0xb: {  	[smem:$0x3FA3] =	sst s3  }
0xc: {  	[smem:$0x3FA4] =	sst s4  }
0xd: {  	[smem:$0x3FA5] =	sst s5  }
0xe: {  	[smem:$0x3FA6] =	sst s6  }
0xf: {  	[smem:$0x3FA7] =	sst s7  }
0x10: {  	[smem:$0x3FA8] =	sst s8  }
0x11: {  	[smem:$0x3FA9] =	sst s9;
	s0 =	simm.s32 @!p0 $0x0  }
0x12: {  	s1 =	sld [smem:$0x3F8F];
	s0 =	simm.s32 @p0 $0x1  }
0x13: {  	[smem:$0x3FAA] =	sst s0;
	s0 =	simm.s32 @!p1 $0x0  }
0x14: {  	s2 =	sld [smem:$0x3F8E];
	s0 =	simm.s32 @p1 $0x1  }
0x15: {  	[smem:$0x3FAB] =	sst s0;
	s0 =	simm.s32 @!p2 $0x0  }
0x16: {  	s3 =	sld [smem:$0x3FDB];
	s0 =	simm.s32 @p2 $0x1  }
0x17: {  	s4 =	simm.s32 $0x1BF5;
	[smem:$0x3FAD] =	sst s0  }
0x18: {  	s0 =	sld [smem:$0x3F90];
	_ =	swait.ge [sflag:s4], $0x0  }
0x19: {  	s7 =	sld [smem:$0x3F91]  }
0x1a: {  	s8 =	sadd.s32 $0xFFFFE003, lr  }
0x1b: {  	s9 =	sadd.s32 $0xFFFFFEF7, lr;
	s5 =	simm.s32 $0xFFFFFFFF;
	p2 =	slt.u32 s8, $0xFFFFF086  }
0x1c: {  	p1 =	slt.u32 s9, $0xF7A;
	s5 =	simm.s32 @!p2 $0x0  }
0x1d: {  	s5 =	simm.s32 @p1 $0x1;
	p0 =	seq.s32 s7, s2  }
0x1e: {  	s7 =	smul.u32 @!p0 $0xF7A, s2;
	p2 =	seq.s32 @!p0 s5, $0x0  }
0x1f: {  	s9 =	smul.u32 $0xF7A, s1;
	s8 =	simm.s32 @!p0 $0x1BF5;
	p2 =	por !p2, p0  }
0x20: {  	[sflag:s8] =	ssyncset.s32 @!p0 $0xFFFFF086;
	s6 =	sadd.s32 @!p0 s3, s7;
	s7 =	simm.s32 @!p0 $0x108  }
0x21: {  	s3 =	sadd.s32 s3, s9;
	s6 =	sadd.s32 @!p0 $0x88, s6;
	s7 =	simm.s32 @p2 $0x1082  }
0x22: {  	[simem:s7], [sflag:s8] =	dma.local @!p0 [hbm:s6], $0xF7A  }
0x23: {  	s9 =	sor.u32 $0xD0000000, s2;
	s6 =	simm.s32 $0x108;
	_ =	swait.ge @!p0 [sflag:s8], $0x0  }
0x24: {  	s3 =	sadd.s32 $0x88, s3;
	s6 =	simm.s32 @!p1 $0x1082;
	[sflag:s4] =	ssyncset.s32 $0xFFFFF086  }
0x25: {  	[simem:s6], [sflag:s4] =	dma.local [hbm:s3], $0xF7A  }
0x26: {  	[smem:$0x3F91] =	sst s1;
	(tag) =	ssettag s2;
	_ =	strace s9  }
0x27: {  	s1 =	sld [smem:$0x3FA1]  }
0x28: {  	s2 =	sld [smem:$0x3FA2]  }
0x29: {  	s4 =	sld [smem:$0x3FA4]  }
0x2a: {  	p0 =	seq.s32 s5, $0x0;
	s5 =	sld [smem:$0x3FA5]  }
0x2b: {  	s6 =	sld [smem:$0x3FA6]  }
0x2c: {  	s7 =	sld [smem:$0x3FA7]  }
0x2d: {  	s3 =	simm.s32 $0x108;
	s8 =	sld [smem:$0x3FA8]  }
0x2e: {  	s3 =	simm.s32 @!p0 $0x1082;
	s9 =	sld [smem:$0x3FA9]  }
0x2f: {  	lr =	sadd.s32 s0, s3;
	s0 =	sld [smem:$0x3FA0]  }
0x30: {  	s3 =	sld [smem:$0x3FA3]  }
0x31: {  	[smem:$0x3FAC] =	sst s10  }
0x32: {  	s10 =	sld [smem:$0x3FAA];
	_ =	sdelay $0x3  }
0x33: {  	p0 =	seq.s32 s10, $0x1;
	s10 =	sld [smem:$0x3FAC];
	_ =	sdelay $0x3  }
0x34: {  	[smem:$0x3FAC] =	sst s10  }
0x35: {  	s10 =	sld [smem:$0x3FAB];
	_ =	sdelay $0x3  }
0x36: {  	p1 =	seq.s32 s10, $0x1;
	s10 =	sld [smem:$0x3FAC];
	_ =	sdelay $0x3  }
0x37: {  	[smem:$0x3FAC] =	sst s10  }
0x38: {  	s10 =	sld [smem:$0x3FAD]  }
0x39: {  	_ = 	snop;
	(pc) =	sbr.ind lr, $3  }
0x3a: {  	_ = 	snop  }
0x3b: {  	_ = 	snop  }
0x3c: {  	p2 =	seq.s32 s10, $0x1;
	s10 =	sld [smem:$0x3FAC]  }
0x3d: {  	_ =	shalt  }
0x3e: {  	_ =	shalt  }
0x3f: {  	_ =	shalt  }
0x40: {  	_ =	shalt  }
0x41: {  	_ =	shalt  }
0x42: {  	_ =	shalt  }
0x43: {  	_ =	shalt  }
0x44: {  	_ =	shalt  }
0x45: {  	_ =	shalt  }
0x46: {  	_ =	shalt  }
0x47: {  	_ =	shalt  }
0x48: {  	_ =	shalt  }
0x49: {  	_ =	shalt  }
0x4a: {  	_ =	shalt  }
0x4b: {  	_ =	shalt  }
0x4c: {  	_ =	shalt  }
0x4d: {  	_ =	shalt  }
0x4e: {  	_ =	shalt  }
0x4f: {  	_ =	shalt  }
0x50: {  	_ =	shalt  }
0x51: {  	_ =	shalt  }
0x52: {  	_ =	shalt  }
0x53: {  	_ =	shalt  }
0x54: {  	_ =	shalt  }
0x55: {  	_ =	shalt  }
0x56: {  	_ =	shalt  }
0x57: {  	_ =	shalt  }
0x58: {  	_ =	shalt  }
0x59: {  	_ =	shalt  }
0x5a: {  	_ =	shalt  }
0x5b: {  	_ =	shalt  }
0x5c: {  	_ =	shalt  }
0x5d: {  	_ =	shalt  }
0x5e: {  	_ =	shalt  }
0x5f: {  	_ =	shalt  }
0x60: {  	_ =	shalt  }
0x61: {  	_ =	shalt  }
0x62: {  	_ =	shalt  }
0x63: {  	_ =	shalt  }
0x64: {  	_ =	shalt  }
0x65: {  	_ =	shalt  }
0x66: {  	_ =	shalt  }
0x67: {  	_ =	shalt  }
0x68: {  	_ =	shalt  }
0x69: {  	_ =	shalt  }
0x6a: {  	_ =	shalt  }
0x6b: {  	_ =	shalt  }
0x6c: {  	_ =	shalt  }
0x6d: {  	_ =	shalt  }
0x6e: {  	_ =	shalt  }
0x6f: {  	_ =	shalt  }
0x70: {  	_ =	shalt  }
0x71: {  	_ =	shalt  }
0x72: {  	_ =	shalt  }
0x73: {  	_ =	shalt  }
0x74: {  	_ =	shalt  }
0x75: {  	_ =	shalt  }
0x76: {  	_ =	shalt  }
0x77: {  	_ =	shalt  }
0x78: {  	_ =	shalt  }
0x79: {  	_ =	shalt  }
0x7a: {  	_ =	shalt  }
0x7b: {  	_ =	shalt  }
0x7c: {  	_ =	shalt  }
0x7d: {  	_ =	shalt  }
0x7e: {  	_ =	shalt  }
0x7f: {  	_ =	shalt  }
0x80: {  	_ =	shalt  }
0x81: {  	_ =	shalt  }
0x82: {  	_ =	shalt  }
0x83: {  	_ =	shalt  }
0x84: {  	_ =	shalt  }
0x85: {  	_ =	shalt  }
0x86: {  	_ =	shalt  }
0x87: {  	_ =	shalt  }
.Lfunc_end0:
.L_simem_size_0:
called_computation_lowered:
.L_overlay_start_0:
0x88: {  	s2 =	sld [smem:$0x3FD9]  }
0x89: {  	s3 =	sld [smem:$0x3FFE];
	_ =	sdelay $0x1  }
0x8a: {  	s1 =	srdreg.scid  }
0x8b: {  	s0 =	sand.u32 $0x1, s1  }
0x8c: {  	s16 =	sshll.u32 s0, $0xA;
	s2 =	sadd.s32 s3, s2  }
0x8d: {  	s2 =	sadd.s32 s2, s16  }
0x8e: {  	[smem:$0x3FB8] =	sst s2  }
0x8f: {  	_ = 	snop  }
0x90: {  	(tm) =	ssettm $0x1  }
0x91: {  	s17 =	sld [smem:$0x3FFB];
	_ =	sdelay $0x3  }
0x92: {  	_ =	strace s17  }
0x93: {  	s2 =	sld [smem:$0x3FFC];
	_ =	sdelay $0x3  }
0x94: {  	_ =	strace s2  }
0x95: {  	s2 =	sld [smem:$0x3FFD];
	_ =	sdelay $0x3  }
0x96: {  	_ =	strace s2  }
0x97: {  	_ =	strace $0x8FFFFFFF  }
0x98: {  	s18 =	sld [smem:$0x3FDB];
	_ =	sdelay $0x1  }
0x99: {  	s19 =	simm.s32 $_scs_section_size  }
0x9a: {  	s4 =	simm.s32 $_size__tile_overlayer_lowered;
	s5 =	simm.s32 $_tile_overlayer_lowered  }
0x9b: {  	s22 =	simm.s32 $0x1BFF;
	s21 =	sshll.u32 s5, $0x1;
	s2 =	sadd.s32 s19, s18  }
0x9c: {  	s6 =	simm.s32 $0x0;
	s20 =	sshll.u32 s4, $0x1;
	s4 =	sadd.s32 s21, s2  }
0x9d: {  	[timem:s6], [sflag:s22] =	dma.local [hbm:s4], s20  }
0x9e: {  	_ =	swait.ge [sflag:s22], s20  }
0x9f: {  	s3 =	ssub.s32 $0x0, s20;
	[sflag:s22] =	ssyncset.done $0x0  }
0xa0: {  	[sflag:s22] =	ssyncadd.s32 s3;
	_ =	sdelay $0x1  }
0xa1: {  	s23 =	simm.s32 $0x1B8B  }
0xa2: {  	_ =	swait.ge [sflag:s23], $0x1  }
0xa3: {  	[sflag:s23] =	ssyncset.done $0x0  }
0xa4: {  	s25 =	simm.s32 $0x1B8E;
	s24 =	sld [smem:$0x3FFE];
	[sflag:s23] =	ssyncadd.s32 $0xFFFFFFFF  }
0xa5: {  	s26 =	simm.s32 $execute0_lowered;
	[smem:$0x3FD2] =	sst s25  }
0xa6: {  	s4 =	sshll.u32 s26, $0x1;
	_ =	strace $0x80000046;
	[dreg:$0x1] =	wrdreg $0xFFFFFFFF  }
0xa7: {  	s28 =	simm.s32 $_size_execute0_lowered;
	s2 =	sadd.s32 s2, s4;
	[dreg:$0x0] =	wrdreg $0x0  }
0xa8: {  	s4 =	sshll.u32 s28, $0x1;
	[dreg:$0x2] =	wrdreg s2  }
0xa9: {  	[dreg:$0x3] =	wrdreg s4  }
0xaa: {  	[dreg:$0x4] =	wrdreg $0xC0  }
0xab: {  	_ =	task [dreg:s6], $0x5FFFF  }
0xac: {  	[dreg:$0x1] =	wrdreg $0xFFFFFFFF  }
0xad: {  	[dreg:$0x0] =	wrdreg $0x60  }
0xae: {  	[dreg:$0x2] =	wrdreg s24  }
0xaf: {  	[dreg:$0x3] =	wrdreg $0x0  }
0xb0: {  	[dreg:$0x4] =	wrdreg $0x9  }
0xb1: {  	_ =	task.clear_ibuf [dreg:s6], $0x5FFFF;
	_ =	strace $0x90000046  }
0xb2: {  	s29 =	simm.s32 $0x9;
	_ =	strace $0x80000048  }
0xb3: {  	_ =	swait.ge [sflag:s29], $0x1  }
0xb4: {  	[sflag:s29] =	ssyncadd.s32 $0xFFFFFFFF  }
0xb5: {  	_ =	strace $0x90000048  }
0xb6: {  	_ =	sfence  }
0xb7: {  	s30 =	sld [smem:$0x0];
	_ =	sdelay $0x2  }
0xb8: {  	s31 =	sshll.u32 s1, $0xD;
	s1 =	sshrl.u32 s1, $0x2  }
0xb9: {  	s3 =	sand.u32 $0x4000, s31;
	s1 =	sadd.s32 s1, s30  }
0xba: {  	s0 =	sor.u32 s3, s0;
	s1 =	sshll.u32 s1, $0x11  }
0xbb: {  	s0 =	sor.u32 s1, s0  }
0xbc: {  	s0 =	sadd.s32 $0x8F2B, s0  }
0xbd: {  	[sflag:s0] =	ssyncadd.remote.s32 $0x1  }
0xbe: {  	_ =	sfence.sel $0xFFFF  }
0xbf: {  	[dreg:$0x0] =	wrdreg $0xFFFFFFFF;
	(pc) =	sbr.abs _section_cstart, $3  }
0xc0: {  	[dreg:$0x1] =	wrdreg $0xFFFFFFFF  }
0xc1: {  	_ =	task.clear_ibuf [dreg:s6], $0x2FFFF;
	_ =	strace $0x9FFFFFFF  }
0xc2: {  	(tm) =	ssettm $0x7FFFFFFF  }
0xc3: {  	_ =	shalt  }
tec
execute0_lowered:
.L_overlay_start_1:
0x0: {  	(tag) =	ssettag $0x1  }
0x1: {  	s18 =	rddreg [dreg:$0x0];
	s0 =	stileid.u32  }
0x2: {  	s2 =	rddreg [dreg:$0x1];
	s19 =	smul.u32 $0x2800, s0  }
0x3: {  	s1 =	rddreg [dreg:$0x2];
	s3 =	simm.s32 $0x0  }
0x4: {  	s4 =	srdreg.scid;
	s6 =	simm.s32 $0xD000;
	s5 =	sshrl.u32 s19, $0x3  }
0x5: {  	[smem:$0x7FF] =	sst s3;
	s20 =	sand.u32 $0x1, s4;
	s29 =	sadd.s32 s5, s18  }
0x6: {  	_ =	strace $0x80000047;
	s5 =	simm.s32 $0x2;
	s4 =	sadd.s32 $0xFE00, s29  }
0x7: {  	[tilespmem:s6], [sflag:$0x2] =	stream.linear.gather [hbm4b:s4+s3], $0x2800, $0x38;
	[tilespmem:$0xF800] =	vst v63  }
0x8: {  	s7 =	sshll.u32 s20, $0x4;
	_ =	swait.ge [sflag:s5], $0x2800  }
0x9: {  	s7 =	sor.u32 s0, s7;
	[sflag:s5] =	ssyncset.done $0x0  }
0xa: {  	s8 =	smul.u32 $0x500, s7;
	s7 =	sadd.s32 s19, s2;
	[sflag:s5] =	ssyncadd.s32 $0xFFFFD800  }
0xb: {  	[spmem:s7] =	stream.linear.scatter [tilespmem:s6], [sflag:$0x2], $0x2800, $0x38;
	[tilespmem:$0xF800] =	vst v63  }
0xc: {  	_ =	swait.ge [sflag:s5], $0x2800  }
0xd: {  	s8 =	sadd.s32 s8, s18;
	[sflag:s5] =	ssyncset.done $0x0  }
0xe: {  	s9 =	simm.s32 $0x2800;
	s8 =	sadd.s32 $0x4E00, s8;
	[sflag:s5] =	ssyncadd.s32 $0xFFFFD800  }
0xf: {  	[tilespmem:s9], [sflag:$0x2] =	stream.linear.gather [hbm4b:s8+s3], $0x2800, $0x38;
	[tilespmem:$0xF800] =	vst v63  }
0x10: {  	_ =	swait.ge [sflag:s5], $0x2800  }
0x11: {  	[sflag:s5] =	ssyncset.done $0x0  }
0x12: {  	s11 =	simm.s32 $0x5000;
	s10 =	sadd.s32 $0xEE00, s18;
	[sflag:s5] =	ssyncadd.s32 $0xFFFFD800  }
0x13: {  	[tilespmem:s11], [sflag:$0x2] =	stream.linear.gather [hbm4b:s10+s3], $0x8000, $0x38;
	[tilespmem:$0xF800] =	vst v63  }
0x14: {  	_ =	swait.ge [sflag:s5], $0x8000  }
0x15: {  	[sflag:s5] =	ssyncset.done $0x0  }
0x16: {  	[sflag:s5] =	ssyncadd.s32 $0xFFFF8000  }
0x17: {  	s12 =	simm.s32 $0x800;
	[bflag:$0x0] =	sbarrier.arrive $0xFFFF  }
0x18: {  	[spmem:s2] =	stream.indirect.scatter.add.f32 [tilespmem:s11], [sflag:$0x1], $0x10, s9, s12, $0xb8;
	[tilespmem:$0xF800] =	vst v63  }
0x19: {  	s13 =	simm.s32 $0x3000  }
0x1a: {  	[spmem:s2] =	stream.indirect.scatter.add.f32 [tilespmem:s11], [sflag:$0x1], $0x10, s13, s12, $0xb8;
	[tilespmem:$0xF800] =	vst v63  }
0x1b: {  	s14 =	simm.s32 $0x3800  }
0x1c: {  	[spmem:s2] =	stream.indirect.scatter.add.f32 [tilespmem:s11], [sflag:$0x1], $0x10, s14, s12, $0xb8;
	[tilespmem:$0xF800] =	vst v63  }
0x1d: {  	s15 =	simm.s32 $0x4000  }
0x1e: {  	[spmem:s2] =	stream.indirect.scatter.add.f32 [tilespmem:s11], [sflag:$0x1], $0x10, s15, s12, $0xb8;
	[tilespmem:$0xF800] =	vst v63  }
0x1f: {  	s16 =	simm.s32 $0x4800;
	s17 =	simm.s32 $0x1  }
0x20: {  	[spmem:s2] =	stream.indirect.scatter.add.f32 [tilespmem:s11], [sflag:$0x1], $0x10, s16, s12, $0xb8;
	[tilespmem:$0xF800] =	vst v63  }
0x21: {  	_ =	swait.ge [sflag:s17], $0x8000  }
0x22: {  	[sflag:s17] =	ssyncset.done $0x0  }
0x23: {  	[sflag:s17] =	ssyncadd.s32 $0xFFFF8000  }
0x24: {  	_ =	swait.ge [sflag:s17], $0x8000  }
0x25: {  	[sflag:s17] =	ssyncset.done $0x0  }
0x26: {  	[sflag:s17] =	ssyncadd.s32 $0xFFFF8000  }
0x27: {  	_ =	swait.ge [sflag:s17], $0x8000  }
0x28: {  	[sflag:s17] =	ssyncset.done $0x0  }
0x29: {  	[sflag:s17] =	ssyncadd.s32 $0xFFFF8000  }
0x2a: {  	_ =	swait.ge [sflag:s17], $0x8000  }
0x2b: {  	[sflag:s17] =	ssyncset.done $0x0  }
0x2c: {  	s21 =	smul.u32 $0x28000, s20;
	[sflag:s17] =	ssyncadd.s32 $0xFFFF8000  }
0x2d: {  	s20 =	ssub.s32 $0x2, s20;
	_ =	swait.ge [sflag:s17], $0x8000  }
0x2e: {  	s30 =	sshrl.u32 s20, $0x1;
	s19 =	sadd.s32 s19, s21;
	[sflag:s17] =	ssyncset.done $0x0  }
0x2f: {  	s31 =	ssub.s32 s20, s30;
	s19 =	sshrl.u32 s19, $0x3;
	[sflag:s17] =	ssyncadd.s32 $0xFFFF8000  }
0x30: {  	s18 =	sadd.s32 s19, s18;
	s19 =	smax.u32 s31, $0x1;
	[bflag:$0x0] =	sbarrier.arrive $0xFFFF  }
0x31: {  	[tilespmem:s6], [sflag:$0x2] =	stream.linear.gather [spmem:s7], $0x2800, $0x38;
	[tilespmem:$0xF800] =	vst v63  }
0x32: {  	p0 =	sne.s32 s19, $0x1;
	_ =	swait.ge [sflag:s5], $0x2800  }
.Ltmp0:
0x33: {  	[sflag:s5] =	ssyncset.done $0x0;
	(pc) =	sbr.rel @!p0 .LBB2_2-.Ltmp0, $4  }
0x34: {  	s18 =	sadd.s32 $0x14E00, s18;
	[sflag:s5] =	ssyncadd.s32 $0xFFFFD800  }
0x35: {  	[hbm4b:s18+s3] =	stream.linear.scatter [tilespmem:s6], [sflag:$0x2], $0x2800, $0x38;
	[tilespmem:$0xF800] =	vst v63  }
0x36: {  	_ =	swait.ge [sflag:s5], $0x2800  }
0x37: {  	s19 =	sadd.s32 $0xFFFFFFFF, s19;
	[sflag:s5] =	ssyncset.done $0x0  }
.LBB2_1:
0x38: {  	p0 =	sne.s32 s19, $0x1;
	s19 =	sadd.s32 $0xFFFFFFFF, s19;
	[sflag:s5] =	ssyncadd.s32 $0xFFFFD800  }
0x39: {  	[tilespmem:s6], [sflag:$0x2] =	stream.linear.gather [hbm4b:s4+s3], $0x2800, $0x38;
	[tilespmem:$0xF800] =	vst v63  }
0x3a: {  	_ =	swait.ge [sflag:s5], $0x2800  }
0x3b: {  	[sflag:s5] =	ssyncset.done $0x0  }
0x3c: {  	[sflag:s5] =	ssyncadd.s32 $0xFFFFD800  }
0x3d: {  	[spmem:s7] =	stream.linear.scatter [tilespmem:s6], [sflag:$0x2], $0x2800, $0x38;
	[tilespmem:$0xF800] =	vst v63  }
0x3e: {  	_ =	swait.ge [sflag:s5], $0x2800  }
0x3f: {  	[sflag:s5] =	ssyncset.done $0x0  }
0x40: {  	[sflag:s5] =	ssyncadd.s32 $0xFFFFD800  }
0x41: {  	[tilespmem:s9], [sflag:$0x2] =	stream.linear.gather [hbm4b:s8+s3], $0x2800, $0x38;
	[tilespmem:$0xF800] =	vst v63  }
0x42: {  	_ =	swait.ge [sflag:s5], $0x2800  }
0x43: {  	[sflag:s5] =	ssyncset.done $0x0  }
0x44: {  	[sflag:s5] =	ssyncadd.s32 $0xFFFFD800  }
0x45: {  	[tilespmem:s11], [sflag:$0x2] =	stream.linear.gather [hbm4b:s10+s3], $0x8000, $0x38;
	[tilespmem:$0xF800] =	vst v63  }
0x46: {  	_ =	swait.ge [sflag:s5], $0x8000  }
0x47: {  	[sflag:s5] =	ssyncset.done $0x0  }
0x48: {  	[sflag:s5] =	ssyncadd.s32 $0xFFFF8000  }
0x49: {  	[bflag:$0x0] =	sbarrier.arrive $0xFFFF  }
0x4a: {  	[spmem:s2] =	stream.indirect.scatter.add.f32 [tilespmem:s11], [sflag:$0x1], $0x10, s9, s12, $0xb8;
	[tilespmem:$0xF800] =	vst v63  }
0x4b: {  	_ = 	snop  }
0x4c: {  	[spmem:s2] =	stream.indirect.scatter.add.f32 [tilespmem:s11], [sflag:$0x1], $0x10, s13, s12, $0xb8;
	[tilespmem:$0xF800] =	vst v63  }
0x4d: {  	_ = 	snop  }
0x4e: {  	[spmem:s2] =	stream.indirect.scatter.add.f32 [tilespmem:s11], [sflag:$0x1], $0x10, s14, s12, $0xb8;
	[tilespmem:$0xF800] =	vst v63  }
0x4f: {  	_ = 	snop  }
0x50: {  	[spmem:s2] =	stream.indirect.scatter.add.f32 [tilespmem:s11], [sflag:$0x1], $0x10, s15, s12, $0xb8;
	[tilespmem:$0xF800] =	vst v63  }
0x51: {  	_ = 	snop  }
0x52: {  	[spmem:s2] =	stream.indirect.scatter.add.f32 [tilespmem:s11], [sflag:$0x1], $0x10, s16, s12, $0xb8;
	[tilespmem:$0xF800] =	vst v63  }
0x53: {  	_ =	swait.ge [sflag:s17], $0x8000  }
0x54: {  	[sflag:s17] =	ssyncset.done $0x0  }
0x55: {  	[sflag:s17] =	ssyncadd.s32 $0xFFFF8000  }
0x56: {  	_ =	swait.ge [sflag:s17], $0x8000  }
0x57: {  	[sflag:s17] =	ssyncset.done $0x0  }
0x58: {  	[sflag:s17] =	ssyncadd.s32 $0xFFFF8000  }
0x59: {  	_ =	swait.ge [sflag:s17], $0x8000  }
0x5a: {  	[sflag:s17] =	ssyncset.done $0x0  }
0x5b: {  	[sflag:s17] =	ssyncadd.s32 $0xFFFF8000  }
0x5c: {  	_ =	swait.ge [sflag:s17], $0x8000  }
0x5d: {  	[sflag:s17] =	ssyncset.done $0x0  }
0x5e: {  	[sflag:s17] =	ssyncadd.s32 $0xFFFF8000  }
0x5f: {  	_ =	swait.ge [sflag:s17], $0x8000  }
0x60: {  	[sflag:s17] =	ssyncset.done $0x0  }
0x61: {  	[sflag:s17] =	ssyncadd.s32 $0xFFFF8000  }
0x62: {  	[bflag:$0x0] =	sbarrier.arrive $0xFFFF  }
0x63: {  	[tilespmem:s6], [sflag:$0x2] =	stream.linear.gather [spmem:s7], $0x2800, $0x38;
	[tilespmem:$0xF800] =	vst v63  }
0x64: {  	_ =	swait.ge [sflag:s5], $0x2800  }
.Ltmp1:
0x65: {  	[sflag:s5] =	ssyncset.done $0x0;
	(pc) =	sbr.rel @p0 .LBB2_1-.Ltmp1, $4  }
0x66: {  	[sflag:s5] =	ssyncadd.s32 $0xFFFFD800  }
0x67: {  	[hbm4b:s18+s3] =	stream.linear.scatter [tilespmem:s6], [sflag:$0x2], $0x2800, $0x38;
	[tilespmem:$0xF800] =	vst v63  }
0x68: {  	_ =	swait.ge [sflag:s5], $0x2800  }
0x69: {  	[sflag:s5] =	ssyncset.done $0x0  }
.LBB2_2:
0x6a: {  	[sflag:s5] =	ssyncadd.s32 $0xFFFFD800  }
0x6b: {  	_ =	sfence.sel $0x180000  }
0x6c: {  	[bflag:$0x0] =	sbarrier.arrive $0xFFFF  }
0x6d: {  	p0 =	sne.s32 s0, $0x0;
	_ =	strace $0x90000047  }
0x6e: {  	s0 =	sadd.s32 @!p0 $0x100000, s1;
	[bflag:$0x2] =	sbarrier.arrive $0xFFFF  }
0x6f: {  	[sflag:s0] =	ssyncadd.tile.s32 @!p0 $0x1;
	_ =	shalt  }
.Lfunc_end2:
_tile_overlayer_lowered:
.L_overlay_start_2:
0x70: {  	(tag) =	ssettag $0x2  }
0x71: {  	s0 =	rddreg [dreg:$0x0];
	s2 =	stileid.u32  }
0x72: {  	s1 =	rddreg [dreg:$0x1];
	p0 =	sne.s32 s2, $0x0  }
0x73: {  	s3 =	rddreg [dreg:$0x2];
	[bflag:$0x3] =	sbarrier.arrive $0xFFFF;
	s2 =	simm.s32 @!p0 $0x1C02  }
0x74: {  	[timem:s3], [sflag:s2] =	dma.local @!p0 [hbm:s0], s1  }
0x75: {  	s0 =	simm.s32 @!p0 $0x2  }
0x76: {  	_ =	swait.ge @!p0 [sflag:s0], s1  }
0x77: {  	s1 =	ssub.s32 @!p0 $0x0, s1;
	[sflag:s0] =	ssyncset.done @!p0 $0x0  }
0x78: {  	[sflag:s0] =	ssyncadd.s32 @!p0 s1  }
0x79: {  	[bflag:$0x3] =	sbarrier.arrive $0xFFFF  }
0x7a: {  	_ =	shalt  }

// kernel: kernel.19.cloned.1.call-start
scs
__scs_entry_jumppad:
0x0: {  	(pc) =	sbr.rel $0x88, $3  }
0x1: {  	(tag) =	ssettag $0x0;
	lr =	simm.s32 $0x1  }
0x2: {  	[smem:$0x3F91] =	sst lr;
	_ =	strace $0xD0000000  }
0x3: {  	_ = 	snop  }
0x4: {  	_ = 	snop  }
0x5: {  	_ = 	snop  }
0x6: {  	_ = 	snop  }
0x7: {  	_ = 	snop  }
__scs_overlays_trampoline_lowered:
0x8: {  	[smem:$0x3FA0] =	sst s0  }
0x9: {  	[smem:$0x3FA1] =	sst s1  }
0xa: {  	[smem:$0x3FA2] =	sst s2  }
0xb: {  	[smem:$0x3FA3] =	sst s3  }
0xc: {  	[smem:$0x3FA4] =	sst s4  }
0xd: {  	[smem:$0x3FA5] =	sst s5  }
0xe: {  	[smem:$0x3FA6] =	sst s6  }
0xf: {  	[smem:$0x3FA7] =	sst s7  }
0x10: {  	[smem:$0x3FA8] =	sst s8  }
0x11: {  	[smem:$0x3FA9] =	sst s9;
	s0 =	simm.s32 @!p0 $0x0  }
0x12: {  	s1 =	sld [smem:$0x3F8F];
	s0 =	simm.s32 @p0 $0x1  }
0x13: {  	[smem:$0x3FAA] =	sst s0;
	s0 =	simm.s32 @!p1 $0x0  }
0x14: {  	s2 =	sld [smem:$0x3F8E];
	s0 =	simm.s32 @p1 $0x1  }
0x15: {  	[smem:$0x3FAB] =	sst s0;
	s0 =	simm.s32 @!p2 $0x0  }
0x16: {  	s3 =	sld [smem:$0x3FDB];
	s0 =	simm.s32 @p2 $0x1  }
0x17: {  	s4 =	simm.s32 $0x1BF5;
	[smem:$0x3FAD] =	sst s0  }
0x18: {  	s0 =	sld [smem:$0x3F90];
	_ =	swait.ge [sflag:s4], $0x0  }
0x19: {  	s7 =	sld [smem:$0x3F91]  }
0x1a: {  	s8 =	sadd.s32 $0xFFFFE003, lr  }
0x1b: {  	s9 =	sadd.s32 $0xFFFFFEF7, lr;
	s5 =	simm.s32 $0xFFFFFFFF;
	p2 =	slt.u32 s8, $0xFFFFF086  }
0x1c: {  	p1 =	slt.u32 s9, $0xF7A;
	s5 =	simm.s32 @!p2 $0x0  }
0x1d: {  	s5 =	simm.s32 @p1 $0x1;
	p0 =	seq.s32 s7, s2  }
0x1e: {  	s7 =	smul.u32 @!p0 $0xF7A, s2;
	p2 =	seq.s32 @!p0 s5, $0x0  }
0x1f: {  	s9 =	smul.u32 $0xF7A, s1;
	s8 =	simm.s32 @!p0 $0x1BF5;
	p2 =	por !p2, p0  }
0x20: {  	[sflag:s8] =	ssyncset.s32 @!p0 $0xFFFFF086;
	s6 =	sadd.s32 @!p0 s3, s7;
	s7 =	simm.s32 @!p0 $0x108  }
0x21: {  	s3 =	sadd.s32 s3, s9;
	s6 =	sadd.s32 @!p0 $0x88, s6;
	s7 =	simm.s32 @p2 $0x1082  }
0x22: {  	[simem:s7], [sflag:s8] =	dma.local @!p0 [hbm:s6], $0xF7A  }
0x23: {  	s9 =	sor.u32 $0xD0000000, s2;
	s6 =	simm.s32 $0x108;
	_ =	swait.ge @!p0 [sflag:s8], $0x0  }
0x24: {  	s3 =	sadd.s32 $0x88, s3;
	s6 =	simm.s32 @!p1 $0x1082;
	[sflag:s4] =	ssyncset.s32 $0xFFFFF086  }
0x25: {  	[simem:s6], [sflag:s4] =	dma.local [hbm:s3], $0xF7A  }
0x26: {  	[smem:$0x3F91] =	sst s1;
	(tag) =	ssettag s2;
	_ =	strace s9  }
0x27: {  	s1 =	sld [smem:$0x3FA1]  }
0x28: {  	s2 =	sld [smem:$0x3FA2]  }
0x29: {  	s4 =	sld [smem:$0x3FA4]  }
0x2a: {  	p0 =	seq.s32 s5, $0x0;
	s5 =	sld [smem:$0x3FA5]  }
0x2b: {  	s6 =	sld [smem:$0x3FA6]  }
0x2c: {  	s7 =	sld [smem:$0x3FA7]  }
0x2d: {  	s3 =	simm.s32 $0x108;
	s8 =	sld [smem:$0x3FA8]  }
0x2e: {  	s3 =	simm.s32 @!p0 $0x1082;
	s9 =	sld [smem:$0x3FA9]  }
0x2f: {  	lr =	sadd.s32 s0, s3;
	s0 =	sld [smem:$0x3FA0]  }
0x30: {  	s3 =	sld [smem:$0x3FA3]  }
0x31: {  	[smem:$0x3FAC] =	sst s10  }
0x32: {  	s10 =	sld [smem:$0x3FAA];
	_ =	sdelay $0x3  }
0x33: {  	p0 =	seq.s32 s10, $0x1;
	s10 =	sld [smem:$0x3FAC];
	_ =	sdelay $0x3  }
0x34: {  	[smem:$0x3FAC] =	sst s10  }
0x35: {  	s10 =	sld [smem:$0x3FAB];
	_ =	sdelay $0x3  }
0x36: {  	p1 =	seq.s32 s10, $0x1;
	s10 =	sld [smem:$0x3FAC];
	_ =	sdelay $0x3  }
0x37: {  	[smem:$0x3FAC] =	sst s10  }
0x38: {  	s10 =	sld [smem:$0x3FAD]  }
0x39: {  	_ = 	snop;
	(pc) =	sbr.ind lr, $3  }
0x3a: {  	_ = 	snop  }
0x3b: {  	_ = 	snop  }
0x3c: {  	p2 =	seq.s32 s10, $0x1;
	s10 =	sld [smem:$0x3FAC]  }
0x3d: {  	_ =	shalt  }
0x3e: {  	_ =	shalt  }
0x3f: {  	_ =	shalt  }
0x40: {  	_ =	shalt  }
0x41: {  	_ =	shalt  }
0x42: {  	_ =	shalt  }
0x43: {  	_ =	shalt  }
0x44: {  	_ =	shalt  }
0x45: {  	_ =	shalt  }
0x46: {  	_ =	shalt  }
0x47: {  	_ =	shalt  }
0x48: {  	_ =	shalt  }
0x49: {  	_ =	shalt  }
0x4a: {  	_ =	shalt  }
0x4b: {  	_ =	shalt  }
0x4c: {  	_ =	shalt  }
0x4d: {  	_ =	shalt  }
0x4e: {  	_ =	shalt  }
0x4f: {  	_ =	shalt  }
0x50: {  	_ =	shalt  }
0x51: {  	_ =	shalt  }
0x52: {  	_ =	shalt  }
0x53: {  	_ =	shalt  }
0x54: {  	_ =	shalt  }
0x55: {  	_ =	shalt  }
0x56: {  	_ =	shalt  }
0x57: {  	_ =	shalt  }
0x58: {  	_ =	shalt  }
0x59: {  	_ =	shalt  }
0x5a: {  	_ =	shalt  }
0x5b: {  	_ =	shalt  }
0x5c: {  	_ =	shalt  }
0x5d: {  	_ =	shalt  }
0x5e: {  	_ =	shalt  }
0x5f: {  	_ =	shalt  }
0x60: {  	_ =	shalt  }
0x61: {  	_ =	shalt  }
0x62: {  	_ =	shalt  }
0x63: {  	_ =	shalt  }
0x64: {  	_ =	shalt  }
0x65: {  	_ =	shalt  }
0x66: {  	_ =	shalt  }
0x67: {  	_ =	shalt  }
0x68: {  	_ =	shalt  }
0x69: {  	_ =	shalt  }
0x6a: {  	_ =	shalt  }
0x6b: {  	_ =	shalt  }
0x6c: {  	_ =	shalt  }
0x6d: {  	_ =	shalt  }
0x6e: {  	_ =	shalt  }
0x6f: {  	_ =	shalt  }
0x70: {  	_ =	shalt  }
0x71: {  	_ =	shalt  }
0x72: {  	_ =	shalt  }
0x73: {  	_ =	shalt  }
0x74: {  	_ =	shalt  }
0x75: {  	_ =	shalt  }
0x76: {  	_ =	shalt  }
0x77: {  	_ =	shalt  }
0x78: {  	_ =	shalt  }
0x79: {  	_ =	shalt  }
0x7a: {  	_ =	shalt  }
0x7b: {  	_ =	shalt  }
0x7c: {  	_ =	shalt  }
0x7d: {  	_ =	shalt  }
0x7e: {  	_ =	shalt  }
0x7f: {  	_ =	shalt  }
0x80: {  	_ =	shalt  }
0x81: {  	_ =	shalt  }
0x82: {  	_ =	shalt  }
0x83: {  	_ =	shalt  }
0x84: {  	_ =	shalt  }
0x85: {  	_ =	shalt  }
0x86: {  	_ =	shalt  }
0x87: {  	_ =	shalt  }
.Lfunc_end0:
.L_simem_size_0:
called_computation.1_lowered:
.L_overlay_start_0:
0x88: {  	s2 =	sld [smem:$0x3FD9]  }
0x89: {  	s3 =	sld [smem:$0x3FFE];
	_ =	sdelay $0x1  }
0x8a: {  	s1 =	srdreg.scid  }
0x8b: {  	s0 =	sand.u32 $0x1, s1  }
0x8c: {  	s17 =	sshll.u32 s0, $0xA;
	s2 =	sadd.s32 s3, s2  }
0x8d: {  	s2 =	sadd.s32 s2, s17  }
0x8e: {  	[smem:$0x3FB8] =	sst s2  }
0x8f: {  	_ = 	snop  }
0x90: {  	s2 =	sld [smem:$0x3FD0];
	(tm) =	ssettm $0x1  }
0x91: {  	s18 =	sld [smem:$0x3FFB];
	_ =	sdelay $0x3  }
0x92: {  	_ =	strace s18  }
0x93: {  	s3 =	sld [smem:$0x3FFC];
	_ =	sdelay $0x3  }
0x94: {  	_ =	strace s3  }
0x95: {  	s3 =	sld [smem:$0x3FFD];
	_ =	sdelay $0x3  }
0x96: {  	_ =	strace s3  }
0x97: {  	_ =	strace $0x8FFFFFFF  }
0x98: {  	s19 =	sld [smem:$0x3FDB];
	_ =	sdelay $0x1  }
0x99: {  	s4 =	simm.s32 $_scs_section_size  }
0x9a: {  	s5 =	simm.s32 $_size__tile_overlayer_lowered;
	s6 =	simm.s32 $_tile_overlayer_lowered  }
0x9b: {  	s22 =	simm.s32 $0x1BFF;
	s21 =	sshll.u32 s6, $0x1;
	s3 =	sadd.s32 s4, s19  }
0x9c: {  	s7 =	simm.s32 $0x0;
	s20 =	sshll.u32 s5, $0x1;
	s5 =	sadd.s32 s21, s3  }
0x9d: {  	[timem:s7], [sflag:s22] =	dma.local [hbm:s5], s20  }
0x9e: {  	_ =	swait.ge [sflag:s22], s20  }
0x9f: {  	s4 =	ssub.s32 $0x0, s20;
	[sflag:s22] =	ssyncset.done $0x0  }
0xa0: {  	[sflag:s22] =	ssyncadd.s32 s4;
	_ =	sdelay $0x1  }
0xa1: {  	s23 =	simm.s32 $0x1B8B  }
0xa2: {  	_ =	swait.ge [sflag:s23], $0x1  }
0xa3: {  	[sflag:s23] =	ssyncset.done $0x0  }
0xa4: {  	s25 =	simm.s32 $0x1B8E;
	s24 =	sld [smem:$0x3FFE];
	[sflag:s23] =	ssyncadd.s32 $0xFFFFFFFF  }
0xa5: {  	s26 =	simm.s32 $execute0_lowered;
	[smem:$0x3FD2] =	sst s25  }
0xa6: {  	s5 =	sshll.u32 s26, $0x1;
	_ =	strace $0x80000049;
	[dreg:$0x1] =	wrdreg $0xFFFFFFFF  }
0xa7: {  	s28 =	simm.s32 $_size_execute0_lowered;
	s3 =	sadd.s32 s3, s5;
	[dreg:$0x0] =	wrdreg $0x0  }
0xa8: {  	s5 =	sshll.u32 s28, $0x1;
	[dreg:$0x2] =	wrdreg s3  }
0xa9: {  	[dreg:$0x3] =	wrdreg s5  }
0xaa: {  	[dreg:$0x4] =	wrdreg $0xC0  }
0xab: {  	_ =	task [dreg:s7], $0x5FFFF  }
0xac: {  	[dreg:$0x1] =	wrdreg $0xFFFFFFFF  }
0xad: {  	[dreg:$0x0] =	wrdreg $0x60  }
0xae: {  	[dreg:$0x2] =	wrdreg s24  }
0xaf: {  	[dreg:$0x3] =	wrdreg s2  }
0xb0: {  	[dreg:$0x4] =	wrdreg $0x0  }
0xb1: {  	[dreg:$0x5] =	wrdreg $0x28000  }
0xb2: {  	[dreg:$0x6] =	wrdreg $0x9  }
0xb3: {  	_ =	task.clear_ibuf [dreg:s7], $0x7FFFF;
	_ =	strace $0x90000049  }
0xb4: {  	s29 =	simm.s32 $0x9;
	_ =	strace $0x8000004B  }
0xb5: {  	_ =	swait.ge [sflag:s29], $0x1  }
0xb6: {  	[sflag:s29] =	ssyncadd.s32 $0xFFFFFFFF  }
0xb7: {  	_ =	strace $0x9000004B  }
0xb8: {  	_ =	sfence  }
0xb9: {  	s30 =	sld [smem:$0x0];
	_ =	sdelay $0x2  }
0xba: {  	s31 =	sshll.u32 s1, $0xD;
	s1 =	sshrl.u32 s1, $0x2  }
0xbb: {  	s3 =	sand.u32 $0x4000, s31;
	s1 =	sadd.s32 s1, s30  }
0xbc: {  	s0 =	sor.u32 s3, s0;
	s1 =	sshll.u32 s1, $0x11  }
0xbd: {  	s0 =	sor.u32 s1, s0  }
0xbe: {  	s0 =	sadd.s32 $0x8F2B, s0  }
0xbf: {  	[sflag:s0] =	ssyncadd.remote.s32 $0x1  }
0xc0: {  	_ =	sfence.sel $0xFFFF  }
0xc1: {  	[dreg:$0x0] =	wrdreg $0xFFFFFFFF;
	(pc) =	sbr.abs _section_cstart, $3  }
0xc2: {  	[dreg:$0x1] =	wrdreg $0xFFFFFFFF  }
0xc3: {  	_ =	task.clear_ibuf [dreg:s7], $0x2FFFF;
	_ =	strace $0x9FFFFFFF  }
0xc4: {  	(tm) =	ssettm $0x7FFFFFFF  }
0xc5: {  	_ =	shalt  }
tec
execute0_lowered:
.L_overlay_start_1:
0x0: {  	(tag) =	ssettag $0x1  }
0x1: {  	s29 =	rddreg [dreg:$0x0]  }
0x2: {  	s11 =	rddreg [dreg:$0x1]  }
0x3: {  	s1 =	rddreg [dreg:$0x2]  }
0x4: {  	s3 =	rddreg [dreg:$0x3];
	s4 =	simm.s32 $0x0  }
0x5: {  	s2 =	stileid.u32;
	s7 =	simm.s32 $0x1A000;
	[smem:$0x7FF] =	sst s4  }
0x6: {  	s6 =	simm.s32 $0x3;
	s5 =	sadd.s32 $0x13E00, s29;
	_ =	strace $0x8000004A  }
0x7: {  	[tilespmem:s7], [sflag:$0x3] =	stream.linear.gather [hbm4b:s5+s4], $0x2800, $0x38;
	[tilespmem:$0x1C800] =	vst v63  }
0x8: {  	s30 =	smul.u32 $0x2800, s2;
	_ =	swait.ge [sflag:s6], $0x2800  }
0x9: {  	[sflag:s6] =	ssyncset.done $0x0  }
0xa: {  	s8 =	sadd.s32 s30, s1;
	[sflag:s6] =	ssyncadd.s32 $0xFFFFD800  }
0xb: {  	[spmem:s8] =	stream.linear.scatter [tilespmem:s7], [sflag:$0x3], $0x2800, $0x38;
	[tilespmem:$0x1C800] =	vst v63  }
0xc: {  	s9 =	sshrl.u32 s30, $0x3;
	_ =	swait.ge [sflag:s6], $0x2800  }
0xd: {  	s9 =	sadd.s32 s9, s29;
	[sflag:s6] =	ssyncset.done $0x0  }
0xe: {  	s10 =	srdreg.scid;
	s9 =	sadd.s32 $0xEE00, s9;
	[sflag:s6] =	ssyncadd.s32 $0xFFFFD800  }
0xf: {  	[tilespmem:s7], [sflag:$0x3] =	stream.linear.gather [hbm4b:s9+s4], $0x2800, $0x38;
	[tilespmem:$0x1C800] =	vst v63  }
0x10: {  	s31 =	sand.u32 $0x1, s10;
	_ =	swait.ge [sflag:s6], $0x2800  }
0x11: {  	s10 =	sshll.u32 s31, $0x4;
	[sflag:s6] =	ssyncset.done $0x0  }
0x12: {  	s12 =	sor.u32 s2, s10;
	s10 =	sadd.s32 s30, s3;
	[sflag:s6] =	ssyncadd.s32 $0xFFFFD800  }
0x13: {  	[spmem:s10] =	stream.linear.scatter [tilespmem:s7], [sflag:$0x3], $0x2800, $0x38;
	[tilespmem:$0x1C800] =	vst v63  }
0x14: {  	s13 =	smul.u32 $0x500, s12;
	_ =	swait.ge [sflag:s6], $0x2800  }
0x15: {  	[sflag:s6] =	ssyncset.done $0x0  }
0x16: {  	s12 =	simm.s32 $0x5000;
	s11 =	sadd.s32 s11, s13;
	[sflag:s6] =	ssyncadd.s32 $0xFFFFD800  }
0x17: {  	[tilespmem:s12], [sflag:$0x3] =	stream.linear.gather [hbm4b:s11+s4], $0x2800, $0x38;
	[tilespmem:$0x1C800] =	vst v63  }
0x18: {  	_ =	swait.ge [sflag:s6], $0x2800  }
0x19: {  	s13 =	sadd.s32 s13, s29;
	[sflag:s6] =	ssyncset.done $0x0  }
0x1a: {  	s14 =	simm.s32 $0x7800;
	s13 =	sadd.s32 $0x4E00, s13;
	[sflag:s6] =	ssyncadd.s32 $0xFFFFD800  }
0x1b: {  	[tilespmem:s14], [sflag:$0x3] =	stream.linear.gather [hbm4b:s13+s4], $0x2800, $0x38;
	[tilespmem:$0x1C800] =	vst v63  }
0x1c: {  	_ =	swait.ge [sflag:s6], $0x2800  }
0x1d: {  	[sflag:s6] =	ssyncset.done $0x0  }
0x1e: {  	s15 =	simm.s32 $0x800;
	[sflag:s6] =	ssyncadd.s32 $0xFFFFD800  }
0x1f: {  	s16 =	simm.s32 $0xA000;
	s17 =	simm.s32 $0x1;
	[bflag:$0x0] =	sbarrier.arrive $0xFFFF  }
0x20: {  	[tilespmem:s16], [sflag:$0x1] =	stream.indirect.gather [spmem:s3], $0x10, s12, s15, $0xb8;
	[tilespmem:$0x1C800] =	vst v63  }
0x21: {  	_ =	swait.ge [sflag:s17], $0x8000  }
0x22: {  	[sflag:s17] =	ssyncset.done $0x0  }
0x23: {  	[sflag:s17] =	ssyncadd.s32 $0xFFFF8000  }
0x24: {  	[spmem:s1] =	stream.indirect.scatter.add.f32 [tilespmem:s16], [sflag:$0x2], $0x10, s14, s15, $0xb8;
	[tilespmem:$0x1C800] =	vst v63  }
0x25: {  	s18 =	simm.s32 $0x5800;
	s19 =	simm.s32 $0x12000  }
0x26: {  	[tilespmem:s19], [sflag:$0x1] =	stream.indirect.gather [spmem:s3], $0x10, s18, s15, $0xb8;
	[tilespmem:$0x1C800] =	vst v63  }
0x27: {  	_ =	swait.ge [sflag:s17], $0x8000  }
0x28: {  	[sflag:s17] =	ssyncset.done $0x0  }
0x29: {  	s20 =	simm.s32 $0x2;
	[sflag:s17] =	ssyncadd.s32 $0xFFFF8000  }
0x2a: {  	_ =	swait.ge [sflag:s20], $0x8000  }
0x2b: {  	[sflag:s20] =	ssyncset.done $0x0  }
0x2c: {  	s21 =	simm.s32 $0x8000;
	[sflag:s20] =	ssyncadd.s32 $0xFFFF8000  }
0x2d: {  	[spmem:s1] =	stream.indirect.scatter.add.f32 [tilespmem:s19], [sflag:$0x2], $0x10, s21, s15, $0xb8;
	[tilespmem:$0x1C800] =	vst v63  }
0x2e: {  	s22 =	simm.s32 $0x6000  }
0x2f: {  	[tilespmem:s16], [sflag:$0x1] =	stream.indirect.gather [spmem:s3], $0x10, s22, s15, $0xb8;
	[tilespmem:$0x1C800] =	vst v63  }
0x30: {  	_ =	swait.ge [sflag:s17], $0x8000  }
0x31: {  	[sflag:s17] =	ssyncset.done $0x0  }
0x32: {  	[sflag:s17] =	ssyncadd.s32 $0xFFFF8000  }
0x33: {  	_ =	swait.ge [sflag:s20], $0x8000  }
0x34: {  	[sflag:s20] =	ssyncset.done $0x0  }
0x35: {  	s23 =	simm.s32 $0x8800;
	[sflag:s20] =	ssyncadd.s32 $0xFFFF8000  }
0x36: {  	[spmem:s1] =	stream.indirect.scatter.add.f32 [tilespmem:s16], [sflag:$0x2], $0x10, s23, s15, $0xb8;
	[tilespmem:$0x1C800] =	vst v63  }
0x37: {  	s24 =	simm.s32 $0x6800  }
0x38: {  	[tilespmem:s19], [sflag:$0x1] =	stream.indirect.gather [spmem:s3], $0x10, s24, s15, $0xb8;
	[tilespmem:$0x1C800] =	vst v63  }
0x39: {  	_ =	swait.ge [sflag:s17], $0x8000  }
0x3a: {  	[sflag:s17] =	ssyncset.done $0x0  }
0x3b: {  	[sflag:s17] =	ssyncadd.s32 $0xFFFF8000  }
0x3c: {  	_ =	swait.ge [sflag:s20], $0x8000  }
0x3d: {  	[sflag:s20] =	ssyncset.done $0x0  }
0x3e: {  	s25 =	simm.s32 $0x9000;
	[sflag:s20] =	ssyncadd.s32 $0xFFFF8000  }
0x3f: {  	[spmem:s1] =	stream.indirect.scatter.add.f32 [tilespmem:s19], [sflag:$0x2], $0x10, s25, s15, $0xb8;
	[tilespmem:$0x1C800] =	vst v63  }
0x40: {  	s26 =	simm.s32 $0x7000  }
0x41: {  	[tilespmem:s16], [sflag:$0x1] =	stream.indirect.gather [spmem:s3], $0x10, s26, s15, $0xb8;
	[tilespmem:$0x1C800] =	vst v63  }
0x42: {  	_ =	swait.ge [sflag:s17], $0x8000  }
0x43: {  	[sflag:s17] =	ssyncset.done $0x0  }
0x44: {  	[sflag:s17] =	ssyncadd.s32 $0xFFFF8000  }
0x45: {  	_ =	swait.ge [sflag:s20], $0x8000  }
0x46: {  	[sflag:s20] =	ssyncset.done $0x0  }
0x47: {  	s28 =	simm.s32 $0x9800;
	s0 =	smul.u32 $0x28000, s31;
	[sflag:s20] =	ssyncadd.s32 $0xFFFF8000  }
0x48: {  	[spmem:s1] =	stream.indirect.scatter.add.f32 [tilespmem:s16], [sflag:$0x2], $0x10, s28, s15, $0xb8;
	[tilespmem:$0x1C800] =	vst v63  }
0x49: {  	s0 =	sadd.s32 s30, s0;
	s30 =	ssub.s32 $0x2, s31;
	_ =	swait.ge [sflag:s20], $0x8000  }
0x4a: {  	s31 =	sshrl.u32 s30, $0x1;
	[sflag:s20] =	ssyncset.done $0x0  }
0x4b: {  	s30 =	ssub.s32 s30, s31;
	[sflag:s20] =	ssyncadd.s32 $0xFFFF8000  }
0x4c: {  	s31 =	smax.u32 s30, $0x1;
	[bflag:$0x0] =	sbarrier.arrive $0xFFFF  }
0x4d: {  	[tilespmem:s7], [sflag:$0x3] =	stream.linear.gather [spmem:s8], $0x2800, $0x38;
	[tilespmem:$0x1C800] =	vst v63  }
0x4e: {  	s0 =	sshrl.u32 s0, $0x3;
	p0 =	sne.s32 s31, $0x1;
	_ =	swait.ge [sflag:s6], $0x2800  }
.Ltmp0:
0x4f: {  	s0 =	sadd.s32 s0, s29;
	[sflag:s6] =	ssyncset.done $0x0;
	(pc) =	sbr.rel @!p0 .LBB2_2-.Ltmp0, $4  }
0x50: {  	s29 =	sadd.s32 $0x14400, s0;
	[sflag:s6] =	ssyncadd.s32 $0xFFFFD800  }
0x51: {  	[hbm4b:s29+s4] =	stream.linear.scatter [tilespmem:s7], [sflag:$0x3], $0x2800, $0x38;
	[tilespmem:$0x1C800] =	vst v63  }
0x52: {  	_ =	swait.ge [sflag:s6], $0x2800  }
0x53: {  	s30 =	sadd.s32 $0xFFFFFFFF, s31;
	[sflag:s6] =	ssyncset.done $0x0  }
.LBB2_1:
0x54: {  	p0 =	sne.s32 s30, $0x1;
	s30 =	sadd.s32 $0xFFFFFFFF, s30;
	[sflag:s6] =	ssyncadd.s32 $0xFFFFD800  }
0x55: {  	[tilespmem:s7], [sflag:$0x3] =	stream.linear.gather [hbm4b:s5+s4], $0x2800, $0x38;
	[tilespmem:$0x1C800] =	vst v63  }
0x56: {  	_ =	swait.ge [sflag:s6], $0x2800  }
0x57: {  	[sflag:s6] =	ssyncset.done $0x0  }
0x58: {  	[sflag:s6] =	ssyncadd.s32 $0xFFFFD800  }
0x59: {  	[spmem:s8] =	stream.linear.scatter [tilespmem:s7], [sflag:$0x3], $0x2800, $0x38;
	[tilespmem:$0x1C800] =	vst v63  }
0x5a: {  	_ =	swait.ge [sflag:s6], $0x2800  }
0x5b: {  	[sflag:s6] =	ssyncset.done $0x0  }
0x5c: {  	[sflag:s6] =	ssyncadd.s32 $0xFFFFD800  }
0x5d: {  	[tilespmem:s7], [sflag:$0x3] =	stream.linear.gather [hbm4b:s9+s4], $0x2800, $0x38;
	[tilespmem:$0x1C800] =	vst v63  }
0x5e: {  	_ =	swait.ge [sflag:s6], $0x2800  }
0x5f: {  	[sflag:s6] =	ssyncset.done $0x0  }
0x60: {  	[sflag:s6] =	ssyncadd.s32 $0xFFFFD800  }
0x61: {  	[spmem:s10] =	stream.linear.scatter [tilespmem:s7], [sflag:$0x3], $0x2800, $0x38;
	[tilespmem:$0x1C800] =	vst v63  }
0x62: {  	_ =	swait.ge [sflag:s6], $0x2800  }
0x63: {  	[sflag:s6] =	ssyncset.done $0x0  }
0x64: {  	[sflag:s6] =	ssyncadd.s32 $0xFFFFD800  }
0x65: {  	[tilespmem:s12], [sflag:$0x3] =	stream.linear.gather [hbm4b:s11+s4], $0x2800, $0x38;
	[tilespmem:$0x1C800] =	vst v63  }
0x66: {  	_ =	swait.ge [sflag:s6], $0x2800  }
0x67: {  	[sflag:s6] =	ssyncset.done $0x0  }
0x68: {  	[sflag:s6] =	ssyncadd.s32 $0xFFFFD800  }
0x69: {  	[tilespmem:s14], [sflag:$0x3] =	stream.linear.gather [hbm4b:s13+s4], $0x2800, $0x38;
	[tilespmem:$0x1C800] =	vst v63  }
0x6a: {  	_ =	swait.ge [sflag:s6], $0x2800  }
0x6b: {  	[sflag:s6] =	ssyncset.done $0x0  }
0x6c: {  	[sflag:s6] =	ssyncadd.s32 $0xFFFFD800  }
0x6d: {  	[bflag:$0x0] =	sbarrier.arrive $0xFFFF  }
0x6e: {  	[tilespmem:s16], [sflag:$0x1] =	stream.indirect.gather [spmem:s3], $0x10, s12, s15, $0xb8;
	[tilespmem:$0x1C800] =	vst v63  }
0x6f: {  	_ =	swait.ge [sflag:s17], $0x8000  }
0x70: {  	[sflag:s17] =	ssyncset.done $0x0  }
0x71: {  	[sflag:s17] =	ssyncadd.s32 $0xFFFF8000  }
0x72: {  	[spmem:s1] =	stream.indirect.scatter.add.f32 [tilespmem:s16], [sflag:$0x2], $0x10, s14, s15, $0xb8;
	[tilespmem:$0x1C800] =	vst v63  }
0x73: {  	_ = 	snop  }
0x74: {  	[tilespmem:s19], [sflag:$0x1] =	stream.indirect.gather [spmem:s3], $0x10, s18, s15, $0xb8;
	[tilespmem:$0x1C800] =	vst v63  }
0x75: {  	_ =	swait.ge [sflag:s17], $0x8000  }
0x76: {  	[sflag:s17] =	ssyncset.done $0x0  }
0x77: {  	[sflag:s17] =	ssyncadd.s32 $0xFFFF8000  }
0x78: {  	_ =	swait.ge [sflag:s20], $0x8000  }
0x79: {  	[sflag:s20] =	ssyncset.done $0x0  }
0x7a: {  	[sflag:s20] =	ssyncadd.s32 $0xFFFF8000  }
0x7b: {  	[spmem:s1] =	stream.indirect.scatter.add.f32 [tilespmem:s19], [sflag:$0x2], $0x10, s21, s15, $0xb8;
	[tilespmem:$0x1C800] =	vst v63  }
0x7c: {  	_ = 	snop  }
0x7d: {  	[tilespmem:s16], [sflag:$0x1] =	stream.indirect.gather [spmem:s3], $0x10, s22, s15, $0xb8;
	[tilespmem:$0x1C800] =	vst v63  }
0x7e: {  	_ =	swait.ge [sflag:s17], $0x8000  }
0x7f: {  	[sflag:s17] =	ssyncset.done $0x0  }
0x80: {  	[sflag:s17] =	ssyncadd.s32 $0xFFFF8000  }
0x81: {  	_ =	swait.ge [sflag:s20], $0x8000  }
0x82: {  	[sflag:s20] =	ssyncset.done $0x0  }
0x83: {  	[sflag:s20] =	ssyncadd.s32 $0xFFFF8000  }
0x84: {  	[spmem:s1] =	stream.indirect.scatter.add.f32 [tilespmem:s16], [sflag:$0x2], $0x10, s23, s15, $0xb8;
	[tilespmem:$0x1C800] =	vst v63  }
0x85: {  	_ = 	snop  }
0x86: {  	[tilespmem:s19], [sflag:$0x1] =	stream.indirect.gather [spmem:s3], $0x10, s24, s15, $0xb8;
	[tilespmem:$0x1C800] =	vst v63  }
0x87: {  	_ =	swait.ge [sflag:s17], $0x8000  }
0x88: {  	[sflag:s17] =	ssyncset.done $0x0  }
0x89: {  	[sflag:s17] =	ssyncadd.s32 $0xFFFF8000  }
0x8a: {  	_ =	swait.ge [sflag:s20], $0x8000  }
0x8b: {  	[sflag:s20] =	ssyncset.done $0x0  }
0x8c: {  	[sflag:s20] =	ssyncadd.s32 $0xFFFF8000  }
0x8d: {  	[spmem:s1] =	stream.indirect.scatter.add.f32 [tilespmem:s19], [sflag:$0x2], $0x10, s25, s15, $0xb8;
	[tilespmem:$0x1C800] =	vst v63  }
0x8e: {  	_ = 	snop  }
0x8f: {  	[tilespmem:s16], [sflag:$0x1] =	stream.indirect.gather [spmem:s3], $0x10, s26, s15, $0xb8;
	[tilespmem:$0x1C800] =	vst v63  }
0x90: {  	_ =	swait.ge [sflag:s17], $0x8000  }
0x91: {  	[sflag:s17] =	ssyncset.done $0x0  }
0x92: {  	[sflag:s17] =	ssyncadd.s32 $0xFFFF8000  }
0x93: {  	_ =	swait.ge [sflag:s20], $0x8000  }
0x94: {  	[sflag:s20] =	ssyncset.done $0x0  }
0x95: {  	[sflag:s20] =	ssyncadd.s32 $0xFFFF8000  }
0x96: {  	[spmem:s1] =	stream.indirect.scatter.add.f32 [tilespmem:s16], [sflag:$0x2], $0x10, s28, s15, $0xb8;
	[tilespmem:$0x1C800] =	vst v63  }
0x97: {  	_ =	swait.ge [sflag:s20], $0x8000  }
0x98: {  	[sflag:s20] =	ssyncset.done $0x0  }
0x99: {  	[sflag:s20] =	ssyncadd.s32 $0xFFFF8000  }
0x9a: {  	[bflag:$0x0] =	sbarrier.arrive $0xFFFF  }
0x9b: {  	[tilespmem:s7], [sflag:$0x3] =	stream.linear.gather [spmem:s8], $0x2800, $0x38;
	[tilespmem:$0x1C800] =	vst v63  }
0x9c: {  	_ =	swait.ge [sflag:s6], $0x2800  }
.Ltmp1:
0x9d: {  	[sflag:s6] =	ssyncset.done $0x0;
	(pc) =	sbr.rel @p0 .LBB2_1-.Ltmp1, $4  }
0x9e: {  	[sflag:s6] =	ssyncadd.s32 $0xFFFFD800  }
0x9f: {  	[hbm4b:s29+s4] =	stream.linear.scatter [tilespmem:s7], [sflag:$0x3], $0x2800, $0x38;
	[tilespmem:$0x1C800] =	vst v63  }
0xa0: {  	_ =	swait.ge [sflag:s6], $0x2800  }
0xa1: {  	[sflag:s6] =	ssyncset.done $0x0  }
.LBB2_2:
0xa2: {  	[sflag:s6] =	ssyncadd.s32 $0xFFFFD800  }
0xa3: {  	_ =	sfence.sel $0x180000  }
0xa4: {  	[bflag:$0x0] =	sbarrier.arrive $0xFFFF  }
0xa5: {  	_ =	strace $0x9000004A  }
0xa6: {  	[bflag:$0x2] =	sbarrier.arrive $0xFFFF  }
0xa7: {  	p0 =	sne.s32 s2, $0x0;
	s0 =	rddreg [dreg:$0x4]  }
0xa8: {  	s0 =	sadd.s32 @!p0 $0x100000, s0  }
0xa9: {  	[sflag:s0] =	ssyncadd.tile.s32 @!p0 $0x1;
	_ =	shalt  }
.Lfunc_end2:
_tile_overlayer_lowered:
.L_overlay_start_2:
0xaa: {  	(tag) =	ssettag $0x2  }
0xab: {  	s0 =	rddreg [dreg:$0x0];
	s2 =	stileid.u32  }
0xac: {  	s1 =	rddreg [dreg:$0x1];
	p0 =	sne.s32 s2, $0x0  }
0xad: {  	s3 =	rddreg [dreg:$0x2];
	[bflag:$0x3] =	sbarrier.arrive $0xFFFF;
	s2 =	simm.s32 @!p0 $0x1C03  }
0xae: {  	[timem:s3], [sflag:s2] =	dma.local @!p0 [hbm:s0], s1  }
0xaf: {  	s0 =	simm.s32 @!p0 $0x3  }
0xb0: {  	_ =	swait.ge @!p0 [sflag:s0], s1  }
0xb1: {  	s1 =	ssub.s32 @!p0 $0x0, s1;
	[sflag:s0] =	ssyncset.done @!p0 $0x0  }
0xb2: {  	[sflag:s0] =	ssyncadd.s32 @!p0 s1  }
0xb3: {  	[bflag:$0x3] =	sbarrier.arrive $0xFFFF  }
0xb4: {  	_ =	shalt  }

// kernel: kernel.22.cloned.1.call-start
scs
__scs_entry_jumppad:
0x0: {  	(pc) =	sbr.rel $0x88, $3  }
0x1: {  	(tag) =	ssettag $0x0;
	lr =	simm.s32 $0x1  }
0x2: {  	[smem:$0x3F91] =	sst lr;
	_ =	strace $0xD0000000  }
0x3: {  	_ = 	snop  }
0x4: {  	_ = 	snop  }
0x5: {  	_ = 	snop  }
0x6: {  	_ = 	snop  }
0x7: {  	_ = 	snop  }
__scs_overlays_trampoline_lowered:
0x8: {  	[smem:$0x3FA0] =	sst s0  }
0x9: {  	[smem:$0x3FA1] =	sst s1  }
0xa: {  	[smem:$0x3FA2] =	sst s2  }
0xb: {  	[smem:$0x3FA3] =	sst s3  }
0xc: {  	[smem:$0x3FA4] =	sst s4  }
0xd: {  	[smem:$0x3FA5] =	sst s5  }
0xe: {  	[smem:$0x3FA6] =	sst s6  }
0xf: {  	[smem:$0x3FA7] =	sst s7  }
0x10: {  	[smem:$0x3FA8] =	sst s8  }
0x11: {  	[smem:$0x3FA9] =	sst s9;
	s0 =	simm.s32 @!p0 $0x0  }
0x12: {  	s1 =	sld [smem:$0x3F8F];
	s0 =	simm.s32 @p0 $0x1  }
0x13: {  	[smem:$0x3FAA] =	sst s0;
	s0 =	simm.s32 @!p1 $0x0  }
0x14: {  	s2 =	sld [smem:$0x3F8E];
	s0 =	simm.s32 @p1 $0x1  }
0x15: {  	[smem:$0x3FAB] =	sst s0;
	s0 =	simm.s32 @!p2 $0x0  }
0x16: {  	s3 =	sld [smem:$0x3FDB];
	s0 =	simm.s32 @p2 $0x1  }
0x17: {  	s4 =	simm.s32 $0x1BF5;
	[smem:$0x3FAD] =	sst s0  }
0x18: {  	s0 =	sld [smem:$0x3F90];
	_ =	swait.ge [sflag:s4], $0x0  }
0x19: {  	s7 =	sld [smem:$0x3F91]  }
0x1a: {  	s8 =	sadd.s32 $0xFFFFE003, lr  }
0x1b: {  	s9 =	sadd.s32 $0xFFFFFEF7, lr;
	s5 =	simm.s32 $0xFFFFFFFF;
	p2 =	slt.u32 s8, $0xFFFFF086  }
0x1c: {  	p1 =	slt.u32 s9, $0xF7A;
	s5 =	simm.s32 @!p2 $0x0  }
0x1d: {  	s5 =	simm.s32 @p1 $0x1;
	p0 =	seq.s32 s7, s2  }
0x1e: {  	s7 =	smul.u32 @!p0 $0xF7A, s2;
	p2 =	seq.s32 @!p0 s5, $0x0  }
0x1f: {  	s9 =	smul.u32 $0xF7A, s1;
	s8 =	simm.s32 @!p0 $0x1BF5;
	p2 =	por !p2, p0  }
0x20: {  	[sflag:s8] =	ssyncset.s32 @!p0 $0xFFFFF086;
	s6 =	sadd.s32 @!p0 s3, s7;
	s7 =	simm.s32 @!p0 $0x108  }
0x21: {  	s3 =	sadd.s32 s3, s9;
	s6 =	sadd.s32 @!p0 $0x88, s6;
	s7 =	simm.s32 @p2 $0x1082  }
0x22: {  	[simem:s7], [sflag:s8] =	dma.local @!p0 [hbm:s6], $0xF7A  }
0x23: {  	s9 =	sor.u32 $0xD0000000, s2;
	s6 =	simm.s32 $0x108;
	_ =	swait.ge @!p0 [sflag:s8], $0x0  }
0x24: {  	s3 =	sadd.s32 $0x88, s3;
	s6 =	simm.s32 @!p1 $0x1082;
	[sflag:s4] =	ssyncset.s32 $0xFFFFF086  }
0x25: {  	[simem:s6], [sflag:s4] =	dma.local [hbm:s3], $0xF7A  }
0x26: {  	[smem:$0x3F91] =	sst s1;
	(tag) =	ssettag s2;
	_ =	strace s9  }
0x27: {  	s1 =	sld [smem:$0x3FA1]  }
0x28: {  	s2 =	sld [smem:$0x3FA2]  }
0x29: {  	s4 =	sld [smem:$0x3FA4]  }
0x2a: {  	p0 =	seq.s32 s5, $0x0;
	s5 =	sld [smem:$0x3FA5]  }
0x2b: {  	s6 =	sld [smem:$0x3FA6]  }
0x2c: {  	s7 =	sld [smem:$0x3FA7]  }
0x2d: {  	s3 =	simm.s32 $0x108;
	s8 =	sld [smem:$0x3FA8]  }
0x2e: {  	s3 =	simm.s32 @!p0 $0x1082;
	s9 =	sld [smem:$0x3FA9]  }
0x2f: {  	lr =	sadd.s32 s0, s3;
	s0 =	sld [smem:$0x3FA0]  }
0x30: {  	s3 =	sld [smem:$0x3FA3]  }
0x31: {  	[smem:$0x3FAC] =	sst s10  }
0x32: {  	s10 =	sld [smem:$0x3FAA];
	_ =	sdelay $0x3  }
0x33: {  	p0 =	seq.s32 s10, $0x1;
	s10 =	sld [smem:$0x3FAC];
	_ =	sdelay $0x3  }
0x34: {  	[smem:$0x3FAC] =	sst s10  }
0x35: {  	s10 =	sld [smem:$0x3FAB];
	_ =	sdelay $0x3  }
0x36: {  	p1 =	seq.s32 s10, $0x1;
	s10 =	sld [smem:$0x3FAC];
	_ =	sdelay $0x3  }
0x37: {  	[smem:$0x3FAC] =	sst s10  }
0x38: {  	s10 =	sld [smem:$0x3FAD]  }
0x39: {  	_ = 	snop;
	(pc) =	sbr.ind lr, $3  }
0x3a: {  	_ = 	snop  }
0x3b: {  	_ = 	snop  }
0x3c: {  	p2 =	seq.s32 s10, $0x1;
	s10 =	sld [smem:$0x3FAC]  }
0x3d: {  	_ =	shalt  }
0x3e: {  	_ =	shalt  }
0x3f: {  	_ =	shalt  }
0x40: {  	_ =	shalt  }
0x41: {  	_ =	shalt  }
0x42: {  	_ =	shalt  }
0x43: {  	_ =	shalt  }
0x44: {  	_ =	shalt  }
0x45: {  	_ =	shalt  }
0x46: {  	_ =	shalt  }
0x47: {  	_ =	shalt  }
0x48: {  	_ =	shalt  }
0x49: {  	_ =	shalt  }
0x4a: {  	_ =	shalt  }
0x4b: {  	_ =	shalt  }
0x4c: {  	_ =	shalt  }
0x4d: {  	_ =	shalt  }
0x4e: {  	_ =	shalt  }
0x4f: {  	_ =	shalt  }
0x50: {  	_ =	shalt  }
0x51: {  	_ =	shalt  }
0x52: {  	_ =	shalt  }
0x53: {  	_ =	shalt  }
0x54: {  	_ =	shalt  }
0x55: {  	_ =	shalt  }
0x56: {  	_ =	shalt  }
0x57: {  	_ =	shalt  }
0x58: {  	_ =	shalt  }
0x59: {  	_ =	shalt  }
0x5a: {  	_ =	shalt  }
0x5b: {  	_ =	shalt  }
0x5c: {  	_ =	shalt  }
0x5d: {  	_ =	shalt  }
0x5e: {  	_ =	shalt  }
0x5f: {  	_ =	shalt  }
0x60: {  	_ =	shalt  }
0x61: {  	_ =	shalt  }
0x62: {  	_ =	shalt  }
0x63: {  	_ =	shalt  }
0x64: {  	_ =	shalt  }
0x65: {  	_ =	shalt  }
0x66: {  	_ =	shalt  }
0x67: {  	_ =	shalt  }
0x68: {  	_ =	shalt  }
0x69: {  	_ =	shalt  }
0x6a: {  	_ =	shalt  }
0x6b: {  	_ =	shalt  }
0x6c: {  	_ =	shalt  }
0x6d: {  	_ =	shalt  }
0x6e: {  	_ =	shalt  }
0x6f: {  	_ =	shalt  }
0x70: {  	_ =	shalt  }
0x71: {  	_ =	shalt  }
0x72: {  	_ =	shalt  }
0x73: {  	_ =	shalt  }
0x74: {  	_ =	shalt  }
0x75: {  	_ =	shalt  }
0x76: {  	_ =	shalt  }
0x77: {  	_ =	shalt  }
0x78: {  	_ =	shalt  }
0x79: {  	_ =	shalt  }
0x7a: {  	_ =	shalt  }
0x7b: {  	_ =	shalt  }
0x7c: {  	_ =	shalt  }
0x7d: {  	_ =	shalt  }
0x7e: {  	_ =	shalt  }
0x7f: {  	_ =	shalt  }
0x80: {  	_ =	shalt  }
0x81: {  	_ =	shalt  }
0x82: {  	_ =	shalt  }
0x83: {  	_ =	shalt  }
0x84: {  	_ =	shalt  }
0x85: {  	_ =	shalt  }
0x86: {  	_ =	shalt  }
0x87: {  	_ =	shalt  }
.Lfunc_end0:
.L_simem_size_0:
called_computation.2_lowered:
.L_overlay_start_0:
0x88: {  	s2 =	sld [smem:$0x3FD9]  }
0x89: {  	s3 =	sld [smem:$0x3FFE];
	_ =	sdelay $0x1  }
0x8a: {  	s1 =	srdreg.scid  }
0x8b: {  	s0 =	sand.u32 $0x1, s1  }
0x8c: {  	s17 =	sshll.u32 s0, $0xA;
	s2 =	sadd.s32 s3, s2  }
0x8d: {  	s2 =	sadd.s32 s2, s17  }
0x8e: {  	[smem:$0x3FB8] =	sst s2  }
0x8f: {  	_ = 	snop  }
0x90: {  	s2 =	sld [smem:$0x3FD0];
	(tm) =	ssettm $0x1  }
0x91: {  	s18 =	sld [smem:$0x3FFB];
	_ =	sdelay $0x3  }
0x92: {  	_ =	strace s18  }
0x93: {  	s3 =	sld [smem:$0x3FFC];
	_ =	sdelay $0x3  }
0x94: {  	_ =	strace s3  }
0x95: {  	s3 =	sld [smem:$0x3FFD];
	_ =	sdelay $0x3  }
0x96: {  	_ =	strace s3  }
0x97: {  	_ =	strace $0x8FFFFFFF  }
0x98: {  	s19 =	sld [smem:$0x3FDB];
	_ =	sdelay $0x1  }
0x99: {  	s4 =	simm.s32 $_scs_section_size  }
0x9a: {  	s5 =	simm.s32 $_size__tile_overlayer_lowered;
	s6 =	simm.s32 $_tile_overlayer_lowered  }
0x9b: {  	s22 =	simm.s32 $0x1BFF;
	s21 =	sshll.u32 s6, $0x1;
	s3 =	sadd.s32 s4, s19  }
0x9c: {  	s7 =	simm.s32 $0x0;
	s20 =	sshll.u32 s5, $0x1;
	s5 =	sadd.s32 s21, s3  }
0x9d: {  	[timem:s7], [sflag:s22] =	dma.local [hbm:s5], s20  }
0x9e: {  	_ =	swait.ge [sflag:s22], s20  }
0x9f: {  	s4 =	ssub.s32 $0x0, s20;
	[sflag:s22] =	ssyncset.done $0x0  }
0xa0: {  	[sflag:s22] =	ssyncadd.s32 s4;
	_ =	sdelay $0x1  }
0xa1: {  	s23 =	simm.s32 $0x1B8B  }
0xa2: {  	_ =	swait.ge [sflag:s23], $0x1  }
0xa3: {  	[sflag:s23] =	ssyncset.done $0x0  }
0xa4: {  	s25 =	simm.s32 $0x1B8E;
	s24 =	sld [smem:$0x3FFE];
	[sflag:s23] =	ssyncadd.s32 $0xFFFFFFFF  }
0xa5: {  	s26 =	simm.s32 $execute0_lowered;
	[smem:$0x3FD2] =	sst s25  }
0xa6: {  	s5 =	sshll.u32 s26, $0x1;
	_ =	strace $0x8000004C;
	[dreg:$0x1] =	wrdreg $0xFFFFFFFF  }
0xa7: {  	s28 =	simm.s32 $_size_execute0_lowered;
	s3 =	sadd.s32 s3, s5;
	[dreg:$0x0] =	wrdreg $0x0  }
0xa8: {  	s5 =	sshll.u32 s28, $0x1;
	[dreg:$0x2] =	wrdreg s3  }
0xa9: {  	[dreg:$0x3] =	wrdreg s5  }
0xaa: {  	[dreg:$0x4] =	wrdreg $0xC0  }
0xab: {  	_ =	task [dreg:s7], $0x5FFFF  }
0xac: {  	[dreg:$0x1] =	wrdreg $0xFFFFFFFF  }
0xad: {  	[dreg:$0x0] =	wrdreg $0x60  }
0xae: {  	[dreg:$0x2] =	wrdreg s24  }
0xaf: {  	[dreg:$0x3] =	wrdreg s2  }
0xb0: {  	[dreg:$0x4] =	wrdreg $0x0  }
0xb1: {  	[dreg:$0x5] =	wrdreg $0x28000  }
0xb2: {  	[dreg:$0x6] =	wrdreg $0x9  }
0xb3: {  	_ =	task.clear_ibuf [dreg:s7], $0x7FFFF;
	_ =	strace $0x9000004C  }
0xb4: {  	s29 =	simm.s32 $0x9;
	_ =	strace $0x8000004E  }
0xb5: {  	_ =	swait.ge [sflag:s29], $0x1  }
0xb6: {  	[sflag:s29] =	ssyncadd.s32 $0xFFFFFFFF  }
0xb7: {  	_ =	strace $0x9000004E  }
0xb8: {  	_ =	sfence  }
0xb9: {  	s30 =	sld [smem:$0x0];
	_ =	sdelay $0x2  }
0xba: {  	s31 =	sshll.u32 s1, $0xD;
	s1 =	sshrl.u32 s1, $0x2  }
0xbb: {  	s3 =	sand.u32 $0x4000, s31;
	s1 =	sadd.s32 s1, s30  }
0xbc: {  	s0 =	sor.u32 s3, s0;
	s1 =	sshll.u32 s1, $0x11  }
0xbd: {  	s0 =	sor.u32 s1, s0  }
0xbe: {  	s0 =	sadd.s32 $0x8F2B, s0  }
0xbf: {  	[sflag:s0] =	ssyncadd.remote.s32 $0x1  }
0xc0: {  	_ =	sfence.sel $0xFFFF  }
0xc1: {  	[dreg:$0x0] =	wrdreg $0xFFFFFFFF;
	(pc) =	sbr.abs _section_cstart, $3  }
0xc2: {  	[dreg:$0x1] =	wrdreg $0xFFFFFFFF  }
0xc3: {  	_ =	task.clear_ibuf [dreg:s7], $0x2FFFF;
	_ =	strace $0x9FFFFFFF  }
0xc4: {  	(tm) =	ssettm $0x7FFFFFFF  }
0xc5: {  	_ =	shalt  }
tec
execute0_lowered:
.L_overlay_start_1:
0x0: {  	(tag) =	ssettag $0x1  }
0x1: {  	s29 =	rddreg [dreg:$0x0]  }
0x2: {  	s11 =	rddreg [dreg:$0x1]  }
0x3: {  	s1 =	rddreg [dreg:$0x2]  }
0x4: {  	s3 =	rddreg [dreg:$0x3];
	s4 =	simm.s32 $0x0  }
0x5: {  	s2 =	stileid.u32;
	s7 =	simm.s32 $0x1A000;
	[smem:$0x7FF] =	sst s4  }
0x6: {  	s6 =	simm.s32 $0x3;
	s5 =	sadd.s32 $0x13E00, s29;
	_ =	strace $0x8000004D  }
0x7: {  	[tilespmem:s7], [sflag:$0x3] =	stream.linear.gather [hbm4b:s5+s4], $0x2800, $0x38;
	[tilespmem:$0x1C800] =	vst v63  }
0x8: {  	s30 =	smul.u32 $0x2800, s2;
	_ =	swait.ge [sflag:s6], $0x2800  }
0x9: {  	[sflag:s6] =	ssyncset.done $0x0  }
0xa: {  	s8 =	sadd.s32 s30, s1;
	[sflag:s6] =	ssyncadd.s32 $0xFFFFD800  }
0xb: {  	[spmem:s8] =	stream.linear.scatter [tilespmem:s7], [sflag:$0x3], $0x2800, $0x38;
	[tilespmem:$0x1C800] =	vst v63  }
0xc: {  	s9 =	sshrl.u32 s30, $0x3;
	_ =	swait.ge [sflag:s6], $0x2800  }
0xd: {  	s9 =	sadd.s32 s9, s29;
	[sflag:s6] =	ssyncset.done $0x0  }
0xe: {  	s10 =	srdreg.scid;
	s9 =	sadd.s32 $0xEE00, s9;
	[sflag:s6] =	ssyncadd.s32 $0xFFFFD800  }
0xf: {  	[tilespmem:s7], [sflag:$0x3] =	stream.linear.gather [hbm4b:s9+s4], $0x2800, $0x38;
	[tilespmem:$0x1C800] =	vst v63  }
0x10: {  	s31 =	sand.u32 $0x1, s10;
	_ =	swait.ge [sflag:s6], $0x2800  }
0x11: {  	s10 =	sshll.u32 s31, $0x4;
	[sflag:s6] =	ssyncset.done $0x0  }
0x12: {  	s12 =	sor.u32 s2, s10;
	s10 =	sadd.s32 s30, s3;
	[sflag:s6] =	ssyncadd.s32 $0xFFFFD800  }
0x13: {  	[spmem:s10] =	stream.linear.scatter [tilespmem:s7], [sflag:$0x3], $0x2800, $0x38;
	[tilespmem:$0x1C800] =	vst v63  }
0x14: {  	s13 =	smul.u32 $0x500, s12;
	_ =	swait.ge [sflag:s6], $0x2800  }
0x15: {  	[sflag:s6] =	ssyncset.done $0x0  }
0x16: {  	s12 =	simm.s32 $0x5000;
	s11 =	sadd.s32 s11, s13;
	[sflag:s6] =	ssyncadd.s32 $0xFFFFD800  }
0x17: {  	[tilespmem:s12], [sflag:$0x3] =	stream.linear.gather [hbm4b:s11+s4], $0x2800, $0x38;
	[tilespmem:$0x1C800] =	vst v63  }
0x18: {  	_ =	swait.ge [sflag:s6], $0x2800  }
0x19: {  	s13 =	sadd.s32 s13, s29;
	[sflag:s6] =	ssyncset.done $0x0  }
0x1a: {  	s14 =	simm.s32 $0x7800;
	s13 =	sadd.s32 $0x4E00, s13;
	[sflag:s6] =	ssyncadd.s32 $0xFFFFD800  }
0x1b: {  	[tilespmem:s14], [sflag:$0x3] =	stream.linear.gather [hbm4b:s13+s4], $0x2800, $0x38;
	[tilespmem:$0x1C800] =	vst v63  }
0x1c: {  	_ =	swait.ge [sflag:s6], $0x2800  }
0x1d: {  	[sflag:s6] =	ssyncset.done $0x0  }
0x1e: {  	s15 =	simm.s32 $0x800;
	[sflag:s6] =	ssyncadd.s32 $0xFFFFD800  }
0x1f: {  	s16 =	simm.s32 $0xA000;
	s17 =	simm.s32 $0x1;
	[bflag:$0x0] =	sbarrier.arrive $0xFFFF  }
0x20: {  	[tilespmem:s16], [sflag:$0x1] =	stream.indirect.gather [spmem:s3], $0x10, s12, s15, $0xb8;
	[tilespmem:$0x1C800] =	vst v63  }
0x21: {  	_ =	swait.ge [sflag:s17], $0x8000  }
0x22: {  	[sflag:s17] =	ssyncset.done $0x0  }
0x23: {  	[sflag:s17] =	ssyncadd.s32 $0xFFFF8000  }
0x24: {  	[spmem:s1] =	stream.indirect.scatter.add.f32 [tilespmem:s16], [sflag:$0x2], $0x10, s14, s15, $0xb8;
	[tilespmem:$0x1C800] =	vst v63  }
0x25: {  	s18 =	simm.s32 $0x5800;
	s19 =	simm.s32 $0x12000  }
0x26: {  	[tilespmem:s19], [sflag:$0x1] =	stream.indirect.gather [spmem:s3], $0x10, s18, s15, $0xb8;
	[tilespmem:$0x1C800] =	vst v63  }
0x27: {  	_ =	swait.ge [sflag:s17], $0x8000  }
0x28: {  	[sflag:s17] =	ssyncset.done $0x0  }
0x29: {  	s20 =	simm.s32 $0x2;
	[sflag:s17] =	ssyncadd.s32 $0xFFFF8000  }
0x2a: {  	_ =	swait.ge [sflag:s20], $0x8000  }
0x2b: {  	[sflag:s20] =	ssyncset.done $0x0  }
0x2c: {  	s21 =	simm.s32 $0x8000;
	[sflag:s20] =	ssyncadd.s32 $0xFFFF8000  }
0x2d: {  	[spmem:s1] =	stream.indirect.scatter.add.f32 [tilespmem:s19], [sflag:$0x2], $0x10, s21, s15, $0xb8;
	[tilespmem:$0x1C800] =	vst v63  }
0x2e: {  	s22 =	simm.s32 $0x6000  }
0x2f: {  	[tilespmem:s16], [sflag:$0x1] =	stream.indirect.gather [spmem:s3], $0x10, s22, s15, $0xb8;
	[tilespmem:$0x1C800] =	vst v63  }
0x30: {  	_ =	swait.ge [sflag:s17], $0x8000  }
0x31: {  	[sflag:s17] =	ssyncset.done $0x0  }
0x32: {  	[sflag:s17] =	ssyncadd.s32 $0xFFFF8000  }
0x33: {  	_ =	swait.ge [sflag:s20], $0x8000  }
0x34: {  	[sflag:s20] =	ssyncset.done $0x0  }
0x35: {  	s23 =	simm.s32 $0x8800;
	[sflag:s20] =	ssyncadd.s32 $0xFFFF8000  }
0x36: {  	[spmem:s1] =	stream.indirect.scatter.add.f32 [tilespmem:s16], [sflag:$0x2], $0x10, s23, s15, $0xb8;
	[tilespmem:$0x1C800] =	vst v63  }
0x37: {  	s24 =	simm.s32 $0x6800  }
0x38: {  	[tilespmem:s19], [sflag:$0x1] =	stream.indirect.gather [spmem:s3], $0x10, s24, s15, $0xb8;
	[tilespmem:$0x1C800] =	vst v63  }
0x39: {  	_ =	swait.ge [sflag:s17], $0x8000  }
0x3a: {  	[sflag:s17] =	ssyncset.done $0x0  }
0x3b: {  	[sflag:s17] =	ssyncadd.s32 $0xFFFF8000  }
0x3c: {  	_ =	swait.ge [sflag:s20], $0x8000  }
0x3d: {  	[sflag:s20] =	ssyncset.done $0x0  }
0x3e: {  	s25 =	simm.s32 $0x9000;
	[sflag:s20] =	ssyncadd.s32 $0xFFFF8000  }
0x3f: {  	[spmem:s1] =	stream.indirect.scatter.add.f32 [tilespmem:s19], [sflag:$0x2], $0x10, s25, s15, $0xb8;
	[tilespmem:$0x1C800] =	vst v63  }
0x40: {  	s26 =	simm.s32 $0x7000  }
0x41: {  	[tilespmem:s16], [sflag:$0x1] =	stream.indirect.gather [spmem:s3], $0x10, s26, s15, $0xb8;
	[tilespmem:$0x1C800] =	vst v63  }
0x42: {  	_ =	swait.ge [sflag:s17], $0x8000  }
0x43: {  	[sflag:s17] =	ssyncset.done $0x0  }
0x44: {  	[sflag:s17] =	ssyncadd.s32 $0xFFFF8000  }
0x45: {  	_ =	swait.ge [sflag:s20], $0x8000  }
0x46: {  	[sflag:s20] =	ssyncset.done $0x0  }
0x47: {  	s28 =	simm.s32 $0x9800;
	s0 =	smul.u32 $0x28000, s31;
	[sflag:s20] =	ssyncadd.s32 $0xFFFF8000  }
0x48: {  	[spmem:s1] =	stream.indirect.scatter.add.f32 [tilespmem:s16], [sflag:$0x2], $0x10, s28, s15, $0xb8;
	[tilespmem:$0x1C800] =	vst v63  }
0x49: {  	s0 =	sadd.s32 s30, s0;
	s30 =	ssub.s32 $0x2, s31;
	_ =	swait.ge [sflag:s20], $0x8000  }
0x4a: {  	s31 =	sshrl.u32 s30, $0x1;
	[sflag:s20] =	ssyncset.done $0x0  }
0x4b: {  	s30 =	ssub.s32 s30, s31;
	[sflag:s20] =	ssyncadd.s32 $0xFFFF8000  }
0x4c: {  	s31 =	smax.u32 s30, $0x1;
	[bflag:$0x0] =	sbarrier.arrive $0xFFFF  }
0x4d: {  	[tilespmem:s7], [sflag:$0x3] =	stream.linear.gather [spmem:s8], $0x2800, $0x38;
	[tilespmem:$0x1C800] =	vst v63  }
0x4e: {  	s0 =	sshrl.u32 s0, $0x3;
	p0 =	sne.s32 s31, $0x1;
	_ =	swait.ge [sflag:s6], $0x2800  }
.Ltmp0:
0x4f: {  	s0 =	sadd.s32 s0, s29;
	[sflag:s6] =	ssyncset.done $0x0;
	(pc) =	sbr.rel @!p0 .LBB2_2-.Ltmp0, $4  }
0x50: {  	s29 =	sadd.s32 $0x3C400, s0;
	[sflag:s6] =	ssyncadd.s32 $0xFFFFD800  }
0x51: {  	[hbm4b:s29+s4] =	stream.linear.scatter [tilespmem:s7], [sflag:$0x3], $0x2800, $0x38;
	[tilespmem:$0x1C800] =	vst v63  }
0x52: {  	_ =	swait.ge [sflag:s6], $0x2800  }
0x53: {  	s30 =	sadd.s32 $0xFFFFFFFF, s31;
	[sflag:s6] =	ssyncset.done $0x0  }
.LBB2_1:
0x54: {  	p0 =	sne.s32 s30, $0x1;
	s30 =	sadd.s32 $0xFFFFFFFF, s30;
	[sflag:s6] =	ssyncadd.s32 $0xFFFFD800  }
0x55: {  	[tilespmem:s7], [sflag:$0x3] =	stream.linear.gather [hbm4b:s5+s4], $0x2800, $0x38;
	[tilespmem:$0x1C800] =	vst v63  }
0x56: {  	_ =	swait.ge [sflag:s6], $0x2800  }
0x57: {  	[sflag:s6] =	ssyncset.done $0x0  }
0x58: {  	[sflag:s6] =	ssyncadd.s32 $0xFFFFD800  }
0x59: {  	[spmem:s8] =	stream.linear.scatter [tilespmem:s7], [sflag:$0x3], $0x2800, $0x38;
	[tilespmem:$0x1C800] =	vst v63  }
0x5a: {  	_ =	swait.ge [sflag:s6], $0x2800  }
0x5b: {  	[sflag:s6] =	ssyncset.done $0x0  }
0x5c: {  	[sflag:s6] =	ssyncadd.s32 $0xFFFFD800  }
0x5d: {  	[tilespmem:s7], [sflag:$0x3] =	stream.linear.gather [hbm4b:s9+s4], $0x2800, $0x38;
	[tilespmem:$0x1C800] =	vst v63  }
0x5e: {  	_ =	swait.ge [sflag:s6], $0x2800  }
0x5f: {  	[sflag:s6] =	ssyncset.done $0x0  }
0x60: {  	[sflag:s6] =	ssyncadd.s32 $0xFFFFD800  }
0x61: {  	[spmem:s10] =	stream.linear.scatter [tilespmem:s7], [sflag:$0x3], $0x2800, $0x38;
	[tilespmem:$0x1C800] =	vst v63  }
0x62: {  	_ =	swait.ge [sflag:s6], $0x2800  }
0x63: {  	[sflag:s6] =	ssyncset.done $0x0  }
0x64: {  	[sflag:s6] =	ssyncadd.s32 $0xFFFFD800  }
0x65: {  	[tilespmem:s12], [sflag:$0x3] =	stream.linear.gather [hbm4b:s11+s4], $0x2800, $0x38;
	[tilespmem:$0x1C800] =	vst v63  }
0x66: {  	_ =	swait.ge [sflag:s6], $0x2800  }
0x67: {  	[sflag:s6] =	ssyncset.done $0x0  }
0x68: {  	[sflag:s6] =	ssyncadd.s32 $0xFFFFD800  }
0x69: {  	[tilespmem:s14], [sflag:$0x3] =	stream.linear.gather [hbm4b:s13+s4], $0x2800, $0x38;
	[tilespmem:$0x1C800] =	vst v63  }
0x6a: {  	_ =	swait.ge [sflag:s6], $0x2800  }
0x6b: {  	[sflag:s6] =	ssyncset.done $0x0  }
0x6c: {  	[sflag:s6] =	ssyncadd.s32 $0xFFFFD800  }
0x6d: {  	[bflag:$0x0] =	sbarrier.arrive $0xFFFF  }
0x6e: {  	[tilespmem:s16], [sflag:$0x1] =	stream.indirect.gather [spmem:s3], $0x10, s12, s15, $0xb8;
	[tilespmem:$0x1C800] =	vst v63  }
0x6f: {  	_ =	swait.ge [sflag:s17], $0x8000  }
0x70: {  	[sflag:s17] =	ssyncset.done $0x0  }
0x71: {  	[sflag:s17] =	ssyncadd.s32 $0xFFFF8000  }
0x72: {  	[spmem:s1] =	stream.indirect.scatter.add.f32 [tilespmem:s16], [sflag:$0x2], $0x10, s14, s15, $0xb8;
	[tilespmem:$0x1C800] =	vst v63  }
0x73: {  	_ = 	snop  }
0x74: {  	[tilespmem:s19], [sflag:$0x1] =	stream.indirect.gather [spmem:s3], $0x10, s18, s15, $0xb8;
	[tilespmem:$0x1C800] =	vst v63  }
0x75: {  	_ =	swait.ge [sflag:s17], $0x8000  }
0x76: {  	[sflag:s17] =	ssyncset.done $0x0  }
0x77: {  	[sflag:s17] =	ssyncadd.s32 $0xFFFF8000  }
0x78: {  	_ =	swait.ge [sflag:s20], $0x8000  }
0x79: {  	[sflag:s20] =	ssyncset.done $0x0  }
0x7a: {  	[sflag:s20] =	ssyncadd.s32 $0xFFFF8000  }
0x7b: {  	[spmem:s1] =	stream.indirect.scatter.add.f32 [tilespmem:s19], [sflag:$0x2], $0x10, s21, s15, $0xb8;
	[tilespmem:$0x1C800] =	vst v63  }
0x7c: {  	_ = 	snop  }
0x7d: {  	[tilespmem:s16], [sflag:$0x1] =	stream.indirect.gather [spmem:s3], $0x10, s22, s15, $0xb8;
	[tilespmem:$0x1C800] =	vst v63  }
0x7e: {  	_ =	swait.ge [sflag:s17], $0x8000  }
0x7f: {  	[sflag:s17] =	ssyncset.done $0x0  }
0x80: {  	[sflag:s17] =	ssyncadd.s32 $0xFFFF8000  }
0x81: {  	_ =	swait.ge [sflag:s20], $0x8000  }
0x82: {  	[sflag:s20] =	ssyncset.done $0x0  }
0x83: {  	[sflag:s20] =	ssyncadd.s32 $0xFFFF8000  }
0x84: {  	[spmem:s1] =	stream.indirect.scatter.add.f32 [tilespmem:s16], [sflag:$0x2], $0x10, s23, s15, $0xb8;
	[tilespmem:$0x1C800] =	vst v63  }
0x85: {  	_ = 	snop  }
0x86: {  	[tilespmem:s19], [sflag:$0x1] =	stream.indirect.gather [spmem:s3], $0x10, s24, s15, $0xb8;
	[tilespmem:$0x1C800] =	vst v63  }
0x87: {  	_ =	swait.ge [sflag:s17], $0x8000  }
0x88: {  	[sflag:s17] =	ssyncset.done $0x0  }
0x89: {  	[sflag:s17] =	ssyncadd.s32 $0xFFFF8000  }
0x8a: {  	_ =	swait.ge [sflag:s20], $0x8000  }
0x8b: {  	[sflag:s20] =	ssyncset.done $0x0  }
0x8c: {  	[sflag:s20] =	ssyncadd.s32 $0xFFFF8000  }
0x8d: {  	[spmem:s1] =	stream.indirect.scatter.add.f32 [tilespmem:s19], [sflag:$0x2], $0x10, s25, s15, $0xb8;
	[tilespmem:$0x1C800] =	vst v63  }
0x8e: {  	_ = 	snop  }
0x8f: {  	[tilespmem:s16], [sflag:$0x1] =	stream.indirect.gather [spmem:s3], $0x10, s26, s15, $0xb8;
	[tilespmem:$0x1C800] =	vst v63  }
0x90: {  	_ =	swait.ge [sflag:s17], $0x8000  }
0x91: {  	[sflag:s17] =	ssyncset.done $0x0  }
0x92: {  	[sflag:s17] =	ssyncadd.s32 $0xFFFF8000  }
0x93: {  	_ =	swait.ge [sflag:s20], $0x8000  }
0x94: {  	[sflag:s20] =	ssyncset.done $0x0  }
0x95: {  	[sflag:s20] =	ssyncadd.s32 $0xFFFF8000  }
0x96: {  	[spmem:s1] =	stream.indirect.scatter.add.f32 [tilespmem:s16], [sflag:$0x2], $0x10, s28, s15, $0xb8;
	[tilespmem:$0x1C800] =	vst v63  }
0x97: {  	_ =	swait.ge [sflag:s20], $0x8000  }
0x98: {  	[sflag:s20] =	ssyncset.done $0x0  }
0x99: {  	[sflag:s20] =	ssyncadd.s32 $0xFFFF8000  }
0x9a: {  	[bflag:$0x0] =	sbarrier.arrive $0xFFFF  }
0x9b: {  	[tilespmem:s7], [sflag:$0x3] =	stream.linear.gather [spmem:s8], $0x2800, $0x38;
	[tilespmem:$0x1C800] =	vst v63  }
0x9c: {  	_ =	swait.ge [sflag:s6], $0x2800  }
.Ltmp1:
0x9d: {  	[sflag:s6] =	ssyncset.done $0x0;
	(pc) =	sbr.rel @p0 .LBB2_1-.Ltmp1, $4  }
0x9e: {  	[sflag:s6] =	ssyncadd.s32 $0xFFFFD800  }
0x9f: {  	[hbm4b:s29+s4] =	stream.linear.scatter [tilespmem:s7], [sflag:$0x3], $0x2800, $0x38;
	[tilespmem:$0x1C800] =	vst v63  }
0xa0: {  	_ =	swait.ge [sflag:s6], $0x2800  }
0xa1: {  	[sflag:s6] =	ssyncset.done $0x0  }
.LBB2_2:
0xa2: {  	[sflag:s6] =	ssyncadd.s32 $0xFFFFD800  }
0xa3: {  	_ =	sfence.sel $0x180000  }
0xa4: {  	[bflag:$0x0] =	sbarrier.arrive $0xFFFF  }
0xa5: {  	_ =	strace $0x9000004D  }
0xa6: {  	[bflag:$0x2] =	sbarrier.arrive $0xFFFF  }
0xa7: {  	p0 =	sne.s32 s2, $0x0;
	s0 =	rddreg [dreg:$0x4]  }
0xa8: {  	s0 =	sadd.s32 @!p0 $0x100000, s0  }
0xa9: {  	[sflag:s0] =	ssyncadd.tile.s32 @!p0 $0x1;
	_ =	shalt  }
.Lfunc_end2:
_tile_overlayer_lowered:
.L_overlay_start_2:
0xaa: {  	(tag) =	ssettag $0x2  }
0xab: {  	s0 =	rddreg [dreg:$0x0];
	s2 =	stileid.u32  }
0xac: {  	s1 =	rddreg [dreg:$0x1];
	p0 =	sne.s32 s2, $0x0  }
0xad: {  	s3 =	rddreg [dreg:$0x2];
	[bflag:$0x3] =	sbarrier.arrive $0xFFFF;
	s2 =	simm.s32 @!p0 $0x1C03  }
0xae: {  	[timem:s3], [sflag:s2] =	dma.local @!p0 [hbm:s0], s1  }
0xaf: {  	s0 =	simm.s32 @!p0 $0x3  }
0xb0: {  	_ =	swait.ge @!p0 [sflag:s0], s1  }
0xb1: {  	s1 =	ssub.s32 @!p0 $0x0, s1;
	[sflag:s0] =	ssyncset.done @!p0 $0x0  }
0xb2: {  	[sflag:s0] =	ssyncadd.s32 @!p0 s1  }
0xb3: {  	[bflag:$0x3] =	sbarrier.arrive $0xFFFF  }
0xb4: {  	_ =	shalt  }

// kernel: kernel.25.cloned.1.call-start
scs
__scs_entry_jumppad:
0x0: {  	(pc) =	sbr.rel $0x88, $3  }
0x1: {  	(tag) =	ssettag $0x0;
	lr =	simm.s32 $0x1  }
0x2: {  	[smem:$0x3F91] =	sst lr;
	_ =	strace $0xD0000000  }
0x3: {  	_ = 	snop  }
0x4: {  	_ = 	snop  }
0x5: {  	_ = 	snop  }
0x6: {  	_ = 	snop  }
0x7: {  	_ = 	snop  }
__scs_overlays_trampoline_lowered:
0x8: {  	[smem:$0x3FA0] =	sst s0  }
0x9: {  	[smem:$0x3FA1] =	sst s1  }
0xa: {  	[smem:$0x3FA2] =	sst s2  }
0xb: {  	[smem:$0x3FA3] =	sst s3  }
0xc: {  	[smem:$0x3FA4] =	sst s4  }
0xd: {  	[smem:$0x3FA5] =	sst s5  }
0xe: {  	[smem:$0x3FA6] =	sst s6  }
0xf: {  	[smem:$0x3FA7] =	sst s7  }
0x10: {  	[smem:$0x3FA8] =	sst s8  }
0x11: {  	[smem:$0x3FA9] =	sst s9;
	s0 =	simm.s32 @!p0 $0x0  }
0x12: {  	s1 =	sld [smem:$0x3F8F];
	s0 =	simm.s32 @p0 $0x1  }
0x13: {  	[smem:$0x3FAA] =	sst s0;
	s0 =	simm.s32 @!p1 $0x0  }
0x14: {  	s2 =	sld [smem:$0x3F8E];
	s0 =	simm.s32 @p1 $0x1  }
0x15: {  	[smem:$0x3FAB] =	sst s0;
	s0 =	simm.s32 @!p2 $0x0  }
0x16: {  	s3 =	sld [smem:$0x3FDB];
	s0 =	simm.s32 @p2 $0x1  }
0x17: {  	s4 =	simm.s32 $0x1BF5;
	[smem:$0x3FAD] =	sst s0  }
0x18: {  	s0 =	sld [smem:$0x3F90];
	_ =	swait.ge [sflag:s4], $0x0  }
0x19: {  	s7 =	sld [smem:$0x3F91]  }
0x1a: {  	s8 =	sadd.s32 $0xFFFFE003, lr  }
0x1b: {  	s9 =	sadd.s32 $0xFFFFFEF7, lr;
	s5 =	simm.s32 $0xFFFFFFFF;
	p2 =	slt.u32 s8, $0xFFFFF086  }
0x1c: {  	p1 =	slt.u32 s9, $0xF7A;
	s5 =	simm.s32 @!p2 $0x0  }
0x1d: {  	s5 =	simm.s32 @p1 $0x1;
	p0 =	seq.s32 s7, s2  }
0x1e: {  	s7 =	smul.u32 @!p0 $0xF7A, s2;
	p2 =	seq.s32 @!p0 s5, $0x0  }
0x1f: {  	s9 =	smul.u32 $0xF7A, s1;
	s8 =	simm.s32 @!p0 $0x1BF5;
	p2 =	por !p2, p0  }
0x20: {  	[sflag:s8] =	ssyncset.s32 @!p0 $0xFFFFF086;
	s6 =	sadd.s32 @!p0 s3, s7;
	s7 =	simm.s32 @!p0 $0x108  }
0x21: {  	s3 =	sadd.s32 s3, s9;
	s6 =	sadd.s32 @!p0 $0x88, s6;
	s7 =	simm.s32 @p2 $0x1082  }
0x22: {  	[simem:s7], [sflag:s8] =	dma.local @!p0 [hbm:s6], $0xF7A  }
0x23: {  	s9 =	sor.u32 $0xD0000000, s2;
	s6 =	simm.s32 $0x108;
	_ =	swait.ge @!p0 [sflag:s8], $0x0  }
0x24: {  	s3 =	sadd.s32 $0x88, s3;
	s6 =	simm.s32 @!p1 $0x1082;
	[sflag:s4] =	ssyncset.s32 $0xFFFFF086  }
0x25: {  	[simem:s6], [sflag:s4] =	dma.local [hbm:s3], $0xF7A  }
0x26: {  	[smem:$0x3F91] =	sst s1;
	(tag) =	ssettag s2;
	_ =	strace s9  }
0x27: {  	s1 =	sld [smem:$0x3FA1]  }
0x28: {  	s2 =	sld [smem:$0x3FA2]  }
0x29: {  	s4 =	sld [smem:$0x3FA4]  }
0x2a: {  	p0 =	seq.s32 s5, $0x0;
	s5 =	sld [smem:$0x3FA5]  }
0x2b: {  	s6 =	sld [smem:$0x3FA6]  }
0x2c: {  	s7 =	sld [smem:$0x3FA7]  }
0x2d: {  	s3 =	simm.s32 $0x108;
	s8 =	sld [smem:$0x3FA8]  }
0x2e: {  	s3 =	simm.s32 @!p0 $0x1082;
	s9 =	sld [smem:$0x3FA9]  }
0x2f: {  	lr =	sadd.s32 s0, s3;
	s0 =	sld [smem:$0x3FA0]  }
0x30: {  	s3 =	sld [smem:$0x3FA3]  }
0x31: {  	[smem:$0x3FAC] =	sst s10  }
0x32: {  	s10 =	sld [smem:$0x3FAA];
	_ =	sdelay $0x3  }
0x33: {  	p0 =	seq.s32 s10, $0x1;
	s10 =	sld [smem:$0x3FAC];
	_ =	sdelay $0x3  }
0x34: {  	[smem:$0x3FAC] =	sst s10  }
0x35: {  	s10 =	sld [smem:$0x3FAB];
	_ =	sdelay $0x3  }
0x36: {  	p1 =	seq.s32 s10, $0x1;
	s10 =	sld [smem:$0x3FAC];
	_ =	sdelay $0x3  }
0x37: {  	[smem:$0x3FAC] =	sst s10  }
0x38: {  	s10 =	sld [smem:$0x3FAD]  }
0x39: {  	_ = 	snop;
	(pc) =	sbr.ind lr, $3  }
0x3a: {  	_ = 	snop  }
0x3b: {  	_ = 	snop  }
0x3c: {  	p2 =	seq.s32 s10, $0x1;
	s10 =	sld [smem:$0x3FAC]  }
0x3d: {  	_ =	shalt  }
0x3e: {  	_ =	shalt  }
0x3f: {  	_ =	shalt  }
0x40: {  	_ =	shalt  }
0x41: {  	_ =	shalt  }
0x42: {  	_ =	shalt  }
0x43: {  	_ =	shalt  }
0x44: {  	_ =	shalt  }
0x45: {  	_ =	shalt  }
0x46: {  	_ =	shalt  }
0x47: {  	_ =	shalt  }
0x48: {  	_ =	shalt  }
0x49: {  	_ =	shalt  }
0x4a: {  	_ =	shalt  }
0x4b: {  	_ =	shalt  }
0x4c: {  	_ =	shalt  }
0x4d: {  	_ =	shalt  }
0x4e: {  	_ =	shalt  }
0x4f: {  	_ =	shalt  }
0x50: {  	_ =	shalt  }
0x51: {  	_ =	shalt  }
0x52: {  	_ =	shalt  }
0x53: {  	_ =	shalt  }
0x54: {  	_ =	shalt  }
0x55: {  	_ =	shalt  }
0x56: {  	_ =	shalt  }
0x57: {  	_ =	shalt  }
0x58: {  	_ =	shalt  }
0x59: {  	_ =	shalt  }
0x5a: {  	_ =	shalt  }
0x5b: {  	_ =	shalt  }
0x5c: {  	_ =	shalt  }
0x5d: {  	_ =	shalt  }
0x5e: {  	_ =	shalt  }
0x5f: {  	_ =	shalt  }
0x60: {  	_ =	shalt  }
0x61: {  	_ =	shalt  }
0x62: {  	_ =	shalt  }
0x63: {  	_ =	shalt  }
0x64: {  	_ =	shalt  }
0x65: {  	_ =	shalt  }
0x66: {  	_ =	shalt  }
0x67: {  	_ =	shalt  }
0x68: {  	_ =	shalt  }
0x69: {  	_ =	shalt  }
0x6a: {  	_ =	shalt  }
0x6b: {  	_ =	shalt  }
0x6c: {  	_ =	shalt  }
0x6d: {  	_ =	shalt  }
0x6e: {  	_ =	shalt  }
0x6f: {  	_ =	shalt  }
0x70: {  	_ =	shalt  }
0x71: {  	_ =	shalt  }
0x72: {  	_ =	shalt  }
0x73: {  	_ =	shalt  }
0x74: {  	_ =	shalt  }
0x75: {  	_ =	shalt  }
0x76: {  	_ =	shalt  }
0x77: {  	_ =	shalt  }
0x78: {  	_ =	shalt  }
0x79: {  	_ =	shalt  }
0x7a: {  	_ =	shalt  }
0x7b: {  	_ =	shalt  }
0x7c: {  	_ =	shalt  }
0x7d: {  	_ =	shalt  }
0x7e: {  	_ =	shalt  }
0x7f: {  	_ =	shalt  }
0x80: {  	_ =	shalt  }
0x81: {  	_ =	shalt  }
0x82: {  	_ =	shalt  }
0x83: {  	_ =	shalt  }
0x84: {  	_ =	shalt  }
0x85: {  	_ =	shalt  }
0x86: {  	_ =	shalt  }
0x87: {  	_ =	shalt  }
.Lfunc_end0:
.L_simem_size_0:
called_computation.3_lowered:
.L_overlay_start_0:
0x88: {  	s2 =	sld [smem:$0x3FD9]  }
0x89: {  	s3 =	sld [smem:$0x3FFE];
	_ =	sdelay $0x1  }
0x8a: {  	s1 =	srdreg.scid  }
0x8b: {  	s0 =	sand.u32 $0x1, s1  }
0x8c: {  	s17 =	sshll.u32 s0, $0xA;
	s2 =	sadd.s32 s3, s2  }
0x8d: {  	s2 =	sadd.s32 s2, s17  }
0x8e: {  	[smem:$0x3FB8] =	sst s2  }
0x8f: {  	_ = 	snop  }
0x90: {  	s2 =	sld [smem:$0x3FD0];
	(tm) =	ssettm $0x1  }
0x91: {  	s18 =	sld [smem:$0x3FFB];
	_ =	sdelay $0x3  }
0x92: {  	_ =	strace s18  }
0x93: {  	s3 =	sld [smem:$0x3FFC];
	_ =	sdelay $0x3  }
0x94: {  	_ =	strace s3  }
0x95: {  	s3 =	sld [smem:$0x3FFD];
	_ =	sdelay $0x3  }
0x96: {  	_ =	strace s3  }
0x97: {  	_ =	strace $0x8FFFFFFF  }
0x98: {  	s19 =	sld [smem:$0x3FDB];
	_ =	sdelay $0x1  }
0x99: {  	s4 =	simm.s32 $_scs_section_size  }
0x9a: {  	s5 =	simm.s32 $_size__tile_overlayer_lowered;
	s6 =	simm.s32 $_tile_overlayer_lowered  }
0x9b: {  	s22 =	simm.s32 $0x1BFF;
	s21 =	sshll.u32 s6, $0x1;
	s3 =	sadd.s32 s4, s19  }
0x9c: {  	s7 =	simm.s32 $0x0;
	s20 =	sshll.u32 s5, $0x1;
	s5 =	sadd.s32 s21, s3  }
0x9d: {  	[timem:s7], [sflag:s22] =	dma.local [hbm:s5], s20  }
0x9e: {  	_ =	swait.ge [sflag:s22], s20  }
0x9f: {  	s4 =	ssub.s32 $0x0, s20;
	[sflag:s22] =	ssyncset.done $0x0  }
0xa0: {  	[sflag:s22] =	ssyncadd.s32 s4;
	_ =	sdelay $0x1  }
0xa1: {  	s23 =	simm.s32 $0x1B8B  }
0xa2: {  	_ =	swait.ge [sflag:s23], $0x1  }
0xa3: {  	[sflag:s23] =	ssyncset.done $0x0  }
0xa4: {  	s25 =	simm.s32 $0x1B8E;
	s24 =	sld [smem:$0x3FFE];
	[sflag:s23] =	ssyncadd.s32 $0xFFFFFFFF  }
0xa5: {  	s26 =	simm.s32 $execute0_lowered;
	[smem:$0x3FD2] =	sst s25  }
0xa6: {  	s5 =	sshll.u32 s26, $0x1;
	_ =	strace $0x8000004F;
	[dreg:$0x1] =	wrdreg $0xFFFFFFFF  }
0xa7: {  	s28 =	simm.s32 $_size_execute0_lowered;
	s3 =	sadd.s32 s3, s5;
	[dreg:$0x0] =	wrdreg $0x0  }
0xa8: {  	s5 =	sshll.u32 s28, $0x1;
	[dreg:$0x2] =	wrdreg s3  }
0xa9: {  	[dreg:$0x3] =	wrdreg s5  }
0xaa: {  	[dreg:$0x4] =	wrdreg $0xC0  }
0xab: {  	_ =	task [dreg:s7], $0x5FFFF  }
0xac: {  	[dreg:$0x1] =	wrdreg $0xFFFFFFFF  }
0xad: {  	[dreg:$0x0] =	wrdreg $0x60  }
0xae: {  	[dreg:$0x2] =	wrdreg s24  }
0xaf: {  	[dreg:$0x3] =	wrdreg s2  }
0xb0: {  	[dreg:$0x4] =	wrdreg $0x0  }
0xb1: {  	[dreg:$0x5] =	wrdreg $0x28000  }
0xb2: {  	[dreg:$0x6] =	wrdreg $0x9  }
0xb3: {  	_ =	task.clear_ibuf [dreg:s7], $0x7FFFF;
	_ =	strace $0x9000004F  }
0xb4: {  	s29 =	simm.s32 $0x9;
	_ =	strace $0x80000051  }
0xb5: {  	_ =	swait.ge [sflag:s29], $0x1  }
0xb6: {  	[sflag:s29] =	ssyncadd.s32 $0xFFFFFFFF  }
0xb7: {  	_ =	strace $0x90000051  }
0xb8: {  	_ =	sfence  }
0xb9: {  	s30 =	sld [smem:$0x0];
	_ =	sdelay $0x2  }
0xba: {  	s31 =	sshll.u32 s1, $0xD;
	s1 =	sshrl.u32 s1, $0x2  }
0xbb: {  	s3 =	sand.u32 $0x4000, s31;
	s1 =	sadd.s32 s1, s30  }
0xbc: {  	s0 =	sor.u32 s3, s0;
	s1 =	sshll.u32 s1, $0x11  }
0xbd: {  	s0 =	sor.u32 s1, s0  }
0xbe: {  	s0 =	sadd.s32 $0x8F2B, s0  }
0xbf: {  	[sflag:s0] =	ssyncadd.remote.s32 $0x1  }
0xc0: {  	_ =	sfence.sel $0xFFFF  }
0xc1: {  	[dreg:$0x0] =	wrdreg $0xFFFFFFFF;
	(pc) =	sbr.abs _section_cstart, $3  }
0xc2: {  	[dreg:$0x1] =	wrdreg $0xFFFFFFFF  }
0xc3: {  	_ =	task.clear_ibuf [dreg:s7], $0x2FFFF;
	_ =	strace $0x9FFFFFFF  }
0xc4: {  	(tm) =	ssettm $0x7FFFFFFF  }
0xc5: {  	_ =	shalt  }
tec
execute0_lowered:
.L_overlay_start_1:
0x0: {  	(tag) =	ssettag $0x1  }
0x1: {  	s29 =	rddreg [dreg:$0x0]  }
0x2: {  	s11 =	rddreg [dreg:$0x1]  }
0x3: {  	s1 =	rddreg [dreg:$0x2]  }
0x4: {  	s3 =	rddreg [dreg:$0x3];
	s4 =	simm.s32 $0x0  }
0x5: {  	s2 =	stileid.u32;
	s7 =	simm.s32 $0x1A000;
	[smem:$0x7FF] =	sst s4  }
0x6: {  	s6 =	simm.s32 $0x3;
	s5 =	sadd.s32 $0x13E00, s29;
	_ =	strace $0x80000050  }
0x7: {  	[tilespmem:s7], [sflag:$0x3] =	stream.linear.gather [hbm4b:s5+s4], $0x2800, $0x38;
	[tilespmem:$0x1C800] =	vst v63  }
0x8: {  	s30 =	smul.u32 $0x2800, s2;
	_ =	swait.ge [sflag:s6], $0x2800  }
0x9: {  	[sflag:s6] =	ssyncset.done $0x0  }
0xa: {  	s8 =	sadd.s32 s30, s1;
	[sflag:s6] =	ssyncadd.s32 $0xFFFFD800  }
0xb: {  	[spmem:s8] =	stream.linear.scatter [tilespmem:s7], [sflag:$0x3], $0x2800, $0x38;
	[tilespmem:$0x1C800] =	vst v63  }
0xc: {  	s9 =	sshrl.u32 s30, $0x3;
	_ =	swait.ge [sflag:s6], $0x2800  }
0xd: {  	s9 =	sadd.s32 s9, s29;
	[sflag:s6] =	ssyncset.done $0x0  }
0xe: {  	s10 =	srdreg.scid;
	s9 =	sadd.s32 $0xEE00, s9;
	[sflag:s6] =	ssyncadd.s32 $0xFFFFD800  }
0xf: {  	[tilespmem:s7], [sflag:$0x3] =	stream.linear.gather [hbm4b:s9+s4], $0x2800, $0x38;
	[tilespmem:$0x1C800] =	vst v63  }
0x10: {  	s31 =	sand.u32 $0x1, s10;
	_ =	swait.ge [sflag:s6], $0x2800  }
0x11: {  	s10 =	sshll.u32 s31, $0x4;
	[sflag:s6] =	ssyncset.done $0x0  }
0x12: {  	s12 =	sor.u32 s2, s10;
	s10 =	sadd.s32 s30, s3;
	[sflag:s6] =	ssyncadd.s32 $0xFFFFD800  }
0x13: {  	[spmem:s10] =	stream.linear.scatter [tilespmem:s7], [sflag:$0x3], $0x2800, $0x38;
	[tilespmem:$0x1C800] =	vst v63  }
0x14: {  	s13 =	smul.u32 $0x500, s12;
	_ =	swait.ge [sflag:s6], $0x2800  }
0x15: {  	[sflag:s6] =	ssyncset.done $0x0  }
0x16: {  	s12 =	simm.s32 $0x5000;
	s11 =	sadd.s32 s11, s13;
	[sflag:s6] =	ssyncadd.s32 $0xFFFFD800  }
0x17: {  	[tilespmem:s12], [sflag:$0x3] =	stream.linear.gather [hbm4b:s11+s4], $0x2800, $0x38;
	[tilespmem:$0x1C800] =	vst v63  }
0x18: {  	_ =	swait.ge [sflag:s6], $0x2800  }
0x19: {  	s13 =	sadd.s32 s13, s29;
	[sflag:s6] =	ssyncset.done $0x0  }
0x1a: {  	s14 =	simm.s32 $0x7800;
	s13 =	sadd.s32 $0x4E00, s13;
	[sflag:s6] =	ssyncadd.s32 $0xFFFFD800  }
0x1b: {  	[tilespmem:s14], [sflag:$0x3] =	stream.linear.gather [hbm4b:s13+s4], $0x2800, $0x38;
	[tilespmem:$0x1C800] =	vst v63  }
0x1c: {  	_ =	swait.ge [sflag:s6], $0x2800  }
0x1d: {  	[sflag:s6] =	ssyncset.done $0x0  }
0x1e: {  	s15 =	simm.s32 $0x800;
	[sflag:s6] =	ssyncadd.s32 $0xFFFFD800  }
0x1f: {  	s16 =	simm.s32 $0xA000;
	s17 =	simm.s32 $0x1;
	[bflag:$0x0] =	sbarrier.arrive $0xFFFF  }
0x20: {  	[tilespmem:s16], [sflag:$0x1] =	stream.indirect.gather [spmem:s3], $0x10, s12, s15, $0xb8;
	[tilespmem:$0x1C800] =	vst v63  }
0x21: {  	_ =	swait.ge [sflag:s17], $0x8000  }
0x22: {  	[sflag:s17] =	ssyncset.done $0x0  }
0x23: {  	[sflag:s17] =	ssyncadd.s32 $0xFFFF8000  }
0x24: {  	[spmem:s1] =	stream.indirect.scatter.add.f32 [tilespmem:s16], [sflag:$0x2], $0x10, s14, s15, $0xb8;
	[tilespmem:$0x1C800] =	vst v63  }
0x25: {  	s18 =	simm.s32 $0x5800;
	s19 =	simm.s32 $0x12000  }
0x26: {  	[tilespmem:s19], [sflag:$0x1] =	stream.indirect.gather [spmem:s3], $0x10, s18, s15, $0xb8;
	[tilespmem:$0x1C800] =	vst v63  }
0x27: {  	_ =	swait.ge [sflag:s17], $0x8000  }
0x28: {  	[sflag:s17] =	ssyncset.done $0x0  }
0x29: {  	s20 =	simm.s32 $0x2;
	[sflag:s17] =	ssyncadd.s32 $0xFFFF8000  }
0x2a: {  	_ =	swait.ge [sflag:s20], $0x8000  }
0x2b: {  	[sflag:s20] =	ssyncset.done $0x0  }
0x2c: {  	s21 =	simm.s32 $0x8000;
	[sflag:s20] =	ssyncadd.s32 $0xFFFF8000  }
0x2d: {  	[spmem:s1] =	stream.indirect.scatter.add.f32 [tilespmem:s19], [sflag:$0x2], $0x10, s21, s15, $0xb8;
	[tilespmem:$0x1C800] =	vst v63  }
0x2e: {  	s22 =	simm.s32 $0x6000  }
0x2f: {  	[tilespmem:s16], [sflag:$0x1] =	stream.indirect.gather [spmem:s3], $0x10, s22, s15, $0xb8;
	[tilespmem:$0x1C800] =	vst v63  }
0x30: {  	_ =	swait.ge [sflag:s17], $0x8000  }
0x31: {  	[sflag:s17] =	ssyncset.done $0x0  }
0x32: {  	[sflag:s17] =	ssyncadd.s32 $0xFFFF8000  }
0x33: {  	_ =	swait.ge [sflag:s20], $0x8000  }
0x34: {  	[sflag:s20] =	ssyncset.done $0x0  }
0x35: {  	s23 =	simm.s32 $0x8800;
	[sflag:s20] =	ssyncadd.s32 $0xFFFF8000  }
0x36: {  	[spmem:s1] =	stream.indirect.scatter.add.f32 [tilespmem:s16], [sflag:$0x2], $0x10, s23, s15, $0xb8;
	[tilespmem:$0x1C800] =	vst v63  }
0x37: {  	s24 =	simm.s32 $0x6800  }
0x38: {  	[tilespmem:s19], [sflag:$0x1] =	stream.indirect.gather [spmem:s3], $0x10, s24, s15, $0xb8;
	[tilespmem:$0x1C800] =	vst v63  }
0x39: {  	_ =	swait.ge [sflag:s17], $0x8000  }
0x3a: {  	[sflag:s17] =	ssyncset.done $0x0  }
0x3b: {  	[sflag:s17] =	ssyncadd.s32 $0xFFFF8000  }
0x3c: {  	_ =	swait.ge [sflag:s20], $0x8000  }
0x3d: {  	[sflag:s20] =	ssyncset.done $0x0  }
0x3e: {  	s25 =	simm.s32 $0x9000;
	[sflag:s20] =	ssyncadd.s32 $0xFFFF8000  }
0x3f: {  	[spmem:s1] =	stream.indirect.scatter.add.f32 [tilespmem:s19], [sflag:$0x2], $0x10, s25, s15, $0xb8;
	[tilespmem:$0x1C800] =	vst v63  }
0x40: {  	s26 =	simm.s32 $0x7000  }
0x41: {  	[tilespmem:s16], [sflag:$0x1] =	stream.indirect.gather [spmem:s3], $0x10, s26, s15, $0xb8;
	[tilespmem:$0x1C800] =	vst v63  }
0x42: {  	_ =	swait.ge [sflag:s17], $0x8000  }
0x43: {  	[sflag:s17] =	ssyncset.done $0x0  }
0x44: {  	[sflag:s17] =	ssyncadd.s32 $0xFFFF8000  }
0x45: {  	_ =	swait.ge [sflag:s20], $0x8000  }
0x46: {  	[sflag:s20] =	ssyncset.done $0x0  }
0x47: {  	s28 =	simm.s32 $0x9800;
	s0 =	smul.u32 $0x28000, s31;
	[sflag:s20] =	ssyncadd.s32 $0xFFFF8000  }
0x48: {  	[spmem:s1] =	stream.indirect.scatter.add.f32 [tilespmem:s16], [sflag:$0x2], $0x10, s28, s15, $0xb8;
	[tilespmem:$0x1C800] =	vst v63  }
0x49: {  	s0 =	sadd.s32 s30, s0;
	s30 =	ssub.s32 $0x2, s31;
	_ =	swait.ge [sflag:s20], $0x8000  }
0x4a: {  	s31 =	sshrl.u32 s30, $0x1;
	[sflag:s20] =	ssyncset.done $0x0  }
0x4b: {  	s30 =	ssub.s32 s30, s31;
	[sflag:s20] =	ssyncadd.s32 $0xFFFF8000  }
0x4c: {  	s31 =	smax.u32 s30, $0x1;
	[bflag:$0x0] =	sbarrier.arrive $0xFFFF  }
0x4d: {  	[tilespmem:s7], [sflag:$0x3] =	stream.linear.gather [spmem:s8], $0x2800, $0x38;
	[tilespmem:$0x1C800] =	vst v63  }
0x4e: {  	s0 =	sshrl.u32 s0, $0x3;
	p0 =	sne.s32 s31, $0x1;
	_ =	swait.ge [sflag:s6], $0x2800  }
.Ltmp0:
0x4f: {  	s0 =	sadd.s32 s0, s29;
	[sflag:s6] =	ssyncset.done $0x0;
	(pc) =	sbr.rel @!p0 .LBB2_2-.Ltmp0, $4  }
0x50: {  	s29 =	sadd.s32 $0x3C400, s0;
	[sflag:s6] =	ssyncadd.s32 $0xFFFFD800  }
0x51: {  	[hbm4b:s29+s4] =	stream.linear.scatter [tilespmem:s7], [sflag:$0x3], $0x2800, $0x38;
	[tilespmem:$0x1C800] =	vst v63  }
0x52: {  	_ =	swait.ge [sflag:s6], $0x2800  }
0x53: {  	s30 =	sadd.s32 $0xFFFFFFFF, s31;
	[sflag:s6] =	ssyncset.done $0x0  }
.LBB2_1:
0x54: {  	p0 =	sne.s32 s30, $0x1;
	s30 =	sadd.s32 $0xFFFFFFFF, s30;
	[sflag:s6] =	ssyncadd.s32 $0xFFFFD800  }
0x55: {  	[tilespmem:s7], [sflag:$0x3] =	stream.linear.gather [hbm4b:s5+s4], $0x2800, $0x38;
	[tilespmem:$0x1C800] =	vst v63  }
0x56: {  	_ =	swait.ge [sflag:s6], $0x2800  }
0x57: {  	[sflag:s6] =	ssyncset.done $0x0  }
0x58: {  	[sflag:s6] =	ssyncadd.s32 $0xFFFFD800  }
0x59: {  	[spmem:s8] =	stream.linear.scatter [tilespmem:s7], [sflag:$0x3], $0x2800, $0x38;
	[tilespmem:$0x1C800] =	vst v63  }
0x5a: {  	_ =	swait.ge [sflag:s6], $0x2800  }
0x5b: {  	[sflag:s6] =	ssyncset.done $0x0  }
0x5c: {  	[sflag:s6] =	ssyncadd.s32 $0xFFFFD800  }
0x5d: {  	[tilespmem:s7], [sflag:$0x3] =	stream.linear.gather [hbm4b:s9+s4], $0x2800, $0x38;
	[tilespmem:$0x1C800] =	vst v63  }
0x5e: {  	_ =	swait.ge [sflag:s6], $0x2800  }
0x5f: {  	[sflag:s6] =	ssyncset.done $0x0  }
0x60: {  	[sflag:s6] =	ssyncadd.s32 $0xFFFFD800  }
0x61: {  	[spmem:s10] =	stream.linear.scatter [tilespmem:s7], [sflag:$0x3], $0x2800, $0x38;
	[tilespmem:$0x1C800] =	vst v63  }
0x62: {  	_ =	swait.ge [sflag:s6], $0x2800  }
0x63: {  	[sflag:s6] =	ssyncset.done $0x0  }
0x64: {  	[sflag:s6] =	ssyncadd.s32 $0xFFFFD800  }
0x65: {  	[tilespmem:s12], [sflag:$0x3] =	stream.linear.gather [hbm4b:s11+s4], $0x2800, $0x38;
	[tilespmem:$0x1C800] =	vst v63  }
0x66: {  	_ =	swait.ge [sflag:s6], $0x2800  }
0x67: {  	[sflag:s6] =	ssyncset.done $0x0  }
0x68: {  	[sflag:s6] =	ssyncadd.s32 $0xFFFFD800  }
0x69: {  	[tilespmem:s14], [sflag:$0x3] =	stream.linear.gather [hbm4b:s13+s4], $0x2800, $0x38;
	[tilespmem:$0x1C800] =	vst v63  }
0x6a: {  	_ =	swait.ge [sflag:s6], $0x2800  }
0x6b: {  	[sflag:s6] =	ssyncset.done $0x0  }
0x6c: {  	[sflag:s6] =	ssyncadd.s32 $0xFFFFD800  }
0x6d: {  	[bflag:$0x0] =	sbarrier.arrive $0xFFFF  }
0x6e: {  	[tilespmem:s16], [sflag:$0x1] =	stream.indirect.gather [spmem:s3], $0x10, s12, s15, $0xb8;
	[tilespmem:$0x1C800] =	vst v63  }
0x6f: {  	_ =	swait.ge [sflag:s17], $0x8000  }
0x70: {  	[sflag:s17] =	ssyncset.done $0x0  }
0x71: {  	[sflag:s17] =	ssyncadd.s32 $0xFFFF8000  }
0x72: {  	[spmem:s1] =	stream.indirect.scatter.add.f32 [tilespmem:s16], [sflag:$0x2], $0x10, s14, s15, $0xb8;
	[tilespmem:$0x1C800] =	vst v63  }
0x73: {  	_ = 	snop  }
0x74: {  	[tilespmem:s19], [sflag:$0x1] =	stream.indirect.gather [spmem:s3], $0x10, s18, s15, $0xb8;
	[tilespmem:$0x1C800] =	vst v63  }
0x75: {  	_ =	swait.ge [sflag:s17], $0x8000  }
0x76: {  	[sflag:s17] =	ssyncset.done $0x0  }
0x77: {  	[sflag:s17] =	ssyncadd.s32 $0xFFFF8000  }
0x78: {  	_ =	swait.ge [sflag:s20], $0x8000  }
0x79: {  	[sflag:s20] =	ssyncset.done $0x0  }
0x7a: {  	[sflag:s20] =	ssyncadd.s32 $0xFFFF8000  }
0x7b: {  	[spmem:s1] =	stream.indirect.scatter.add.f32 [tilespmem:s19], [sflag:$0x2], $0x10, s21, s15, $0xb8;
	[tilespmem:$0x1C800] =	vst v63  }
0x7c: {  	_ = 	snop  }
0x7d: {  	[tilespmem:s16], [sflag:$0x1] =	stream.indirect.gather [spmem:s3], $0x10, s22, s15, $0xb8;
	[tilespmem:$0x1C800] =	vst v63  }
0x7e: {  	_ =	swait.ge [sflag:s17], $0x8000  }
0x7f: {  	[sflag:s17] =	ssyncset.done $0x0  }
0x80: {  	[sflag:s17] =	ssyncadd.s32 $0xFFFF8000  }
0x81: {  	_ =	swait.ge [sflag:s20], $0x8000  }
0x82: {  	[sflag:s20] =	ssyncset.done $0x0  }
0x83: {  	[sflag:s20] =	ssyncadd.s32 $0xFFFF8000  }
0x84: {  	[spmem:s1] =	stream.indirect.scatter.add.f32 [tilespmem:s16], [sflag:$0x2], $0x10, s23, s15, $0xb8;
	[tilespmem:$0x1C800] =	vst v63  }
0x85: {  	_ = 	snop  }
0x86: {  	[tilespmem:s19], [sflag:$0x1] =	stream.indirect.gather [spmem:s3], $0x10, s24, s15, $0xb8;
	[tilespmem:$0x1C800] =	vst v63  }
0x87: {  	_ =	swait.ge [sflag:s17], $0x8000  }
0x88: {  	[sflag:s17] =	ssyncset.done $0x0  }
0x89: {  	[sflag:s17] =	ssyncadd.s32 $0xFFFF8000  }
0x8a: {  	_ =	swait.ge [sflag:s20], $0x8000  }
0x8b: {  	[sflag:s20] =	ssyncset.done $0x0  }
0x8c: {  	[sflag:s20] =	ssyncadd.s32 $0xFFFF8000  }
0x8d: {  	[spmem:s1] =	stream.indirect.scatter.add.f32 [tilespmem:s19], [sflag:$0x2], $0x10, s25, s15, $0xb8;
	[tilespmem:$0x1C800] =	vst v63  }
0x8e: {  	_ = 	snop  }
0x8f: {  	[tilespmem:s16], [sflag:$0x1] =	stream.indirect.gather [spmem:s3], $0x10, s26, s15, $0xb8;
	[tilespmem:$0x1C800] =	vst v63  }
0x90: {  	_ =	swait.ge [sflag:s17], $0x8000  }
0x91: {  	[sflag:s17] =	ssyncset.done $0x0  }
0x92: {  	[sflag:s17] =	ssyncadd.s32 $0xFFFF8000  }
0x93: {  	_ =	swait.ge [sflag:s20], $0x8000  }
0x94: {  	[sflag:s20] =	ssyncset.done $0x0  }
0x95: {  	[sflag:s20] =	ssyncadd.s32 $0xFFFF8000  }
0x96: {  	[spmem:s1] =	stream.indirect.scatter.add.f32 [tilespmem:s16], [sflag:$0x2], $0x10, s28, s15, $0xb8;
	[tilespmem:$0x1C800] =	vst v63  }
0x97: {  	_ =	swait.ge [sflag:s20], $0x8000  }
0x98: {  	[sflag:s20] =	ssyncset.done $0x0  }
0x99: {  	[sflag:s20] =	ssyncadd.s32 $0xFFFF8000  }
0x9a: {  	[bflag:$0x0] =	sbarrier.arrive $0xFFFF  }
0x9b: {  	[tilespmem:s7], [sflag:$0x3] =	stream.linear.gather [spmem:s8], $0x2800, $0x38;
	[tilespmem:$0x1C800] =	vst v63  }
0x9c: {  	_ =	swait.ge [sflag:s6], $0x2800  }
.Ltmp1:
0x9d: {  	[sflag:s6] =	ssyncset.done $0x0;
	(pc) =	sbr.rel @p0 .LBB2_1-.Ltmp1, $4  }
0x9e: {  	[sflag:s6] =	ssyncadd.s32 $0xFFFFD800  }
0x9f: {  	[hbm4b:s29+s4] =	stream.linear.scatter [tilespmem:s7], [sflag:$0x3], $0x2800, $0x38;
	[tilespmem:$0x1C800] =	vst v63  }
0xa0: {  	_ =	swait.ge [sflag:s6], $0x2800  }
0xa1: {  	[sflag:s6] =	ssyncset.done $0x0  }
.LBB2_2:
0xa2: {  	[sflag:s6] =	ssyncadd.s32 $0xFFFFD800  }
0xa3: {  	_ =	sfence.sel $0x180000  }
0xa4: {  	[bflag:$0x0] =	sbarrier.arrive $0xFFFF  }
0xa5: {  	_ =	strace $0x90000050  }
0xa6: {  	[bflag:$0x2] =	sbarrier.arrive $0xFFFF  }
0xa7: {  	p0 =	sne.s32 s2, $0x0;
	s0 =	rddreg [dreg:$0x4]  }
0xa8: {  	s0 =	sadd.s32 @!p0 $0x100000, s0  }
0xa9: {  	[sflag:s0] =	ssyncadd.tile.s32 @!p0 $0x1;
	_ =	shalt  }
.Lfunc_end2:
_tile_overlayer_lowered:
.L_overlay_start_2:
0xaa: {  	(tag) =	ssettag $0x2  }
0xab: {  	s0 =	rddreg [dreg:$0x0];
	s2 =	stileid.u32  }
0xac: {  	s1 =	rddreg [dreg:$0x1];
	p0 =	sne.s32 s2, $0x0  }
0xad: {  	s3 =	rddreg [dreg:$0x2];
	[bflag:$0x3] =	sbarrier.arrive $0xFFFF;
	s2 =	simm.s32 @!p0 $0x1C03  }
0xae: {  	[timem:s3], [sflag:s2] =	dma.local @!p0 [hbm:s0], s1  }
0xaf: {  	s0 =	simm.s32 @!p0 $0x3  }
0xb0: {  	_ =	swait.ge @!p0 [sflag:s0], s1  }
0xb1: {  	s1 =	ssub.s32 @!p0 $0x0, s1;
	[sflag:s0] =	ssyncset.done @!p0 $0x0  }
0xb2: {  	[sflag:s0] =	ssyncadd.s32 @!p0 s1  }
0xb3: {  	[bflag:$0x3] =	sbarrier.arrive $0xFFFF  }
0xb4: {  	_ =	shalt  }

// kernel: kernel.28.cloned.1.call-start
scs
__scs_entry_jumppad:
0x0: {  	(pc) =	sbr.rel $0x88, $3  }
0x1: {  	(tag) =	ssettag $0x0;
	lr =	simm.s32 $0x1  }
0x2: {  	[smem:$0x3F91] =	sst lr;
	_ =	strace $0xD0000000  }
0x3: {  	_ = 	snop  }
0x4: {  	_ = 	snop  }
0x5: {  	_ = 	snop  }
0x6: {  	_ = 	snop  }
0x7: {  	_ = 	snop  }
__scs_overlays_trampoline_lowered:
0x8: {  	[smem:$0x3FA0] =	sst s0  }
0x9: {  	[smem:$0x3FA1] =	sst s1  }
0xa: {  	[smem:$0x3FA2] =	sst s2  }
0xb: {  	[smem:$0x3FA3] =	sst s3  }
0xc: {  	[smem:$0x3FA4] =	sst s4  }
0xd: {  	[smem:$0x3FA5] =	sst s5  }
0xe: {  	[smem:$0x3FA6] =	sst s6  }
0xf: {  	[smem:$0x3FA7] =	sst s7  }
0x10: {  	[smem:$0x3FA8] =	sst s8  }
0x11: {  	[smem:$0x3FA9] =	sst s9;
	s0 =	simm.s32 @!p0 $0x0  }
0x12: {  	s1 =	sld [smem:$0x3F8F];
	s0 =	simm.s32 @p0 $0x1  }
0x13: {  	[smem:$0x3FAA] =	sst s0;
	s0 =	simm.s32 @!p1 $0x0  }
0x14: {  	s2 =	sld [smem:$0x3F8E];
	s0 =	simm.s32 @p1 $0x1  }
0x15: {  	[smem:$0x3FAB] =	sst s0;
	s0 =	simm.s32 @!p2 $0x0  }
0x16: {  	s3 =	sld [smem:$0x3FDB];
	s0 =	simm.s32 @p2 $0x1  }
0x17: {  	s4 =	simm.s32 $0x1BF5;
	[smem:$0x3FAD] =	sst s0  }
0x18: {  	s0 =	sld [smem:$0x3F90];
	_ =	swait.ge [sflag:s4], $0x0  }
0x19: {  	s7 =	sld [smem:$0x3F91]  }
0x1a: {  	s8 =	sadd.s32 $0xFFFFE003, lr  }
0x1b: {  	s9 =	sadd.s32 $0xFFFFFEF7, lr;
	s5 =	simm.s32 $0xFFFFFFFF;
	p2 =	slt.u32 s8, $0xFFFFF086  }
0x1c: {  	p1 =	slt.u32 s9, $0xF7A;
	s5 =	simm.s32 @!p2 $0x0  }
0x1d: {  	s5 =	simm.s32 @p1 $0x1;
	p0 =	seq.s32 s7, s2  }
0x1e: {  	s7 =	smul.u32 @!p0 $0xF7A, s2;
	p2 =	seq.s32 @!p0 s5, $0x0  }
0x1f: {  	s9 =	smul.u32 $0xF7A, s1;
	s8 =	simm.s32 @!p0 $0x1BF5;
	p2 =	por !p2, p0  }
0x20: {  	[sflag:s8] =	ssyncset.s32 @!p0 $0xFFFFF086;
	s6 =	sadd.s32 @!p0 s3, s7;
	s7 =	simm.s32 @!p0 $0x108  }
0x21: {  	s3 =	sadd.s32 s3, s9;
	s6 =	sadd.s32 @!p0 $0x88, s6;
	s7 =	simm.s32 @p2 $0x1082  }
0x22: {  	[simem:s7], [sflag:s8] =	dma.local @!p0 [hbm:s6], $0xF7A  }
0x23: {  	s9 =	sor.u32 $0xD0000000, s2;
	s6 =	simm.s32 $0x108;
	_ =	swait.ge @!p0 [sflag:s8], $0x0  }
0x24: {  	s3 =	sadd.s32 $0x88, s3;
	s6 =	simm.s32 @!p1 $0x1082;
	[sflag:s4] =	ssyncset.s32 $0xFFFFF086  }
0x25: {  	[simem:s6], [sflag:s4] =	dma.local [hbm:s3], $0xF7A  }
0x26: {  	[smem:$0x3F91] =	sst s1;
	(tag) =	ssettag s2;
	_ =	strace s9  }
0x27: {  	s1 =	sld [smem:$0x3FA1]  }
0x28: {  	s2 =	sld [smem:$0x3FA2]  }
0x29: {  	s4 =	sld [smem:$0x3FA4]  }
0x2a: {  	p0 =	seq.s32 s5, $0x0;
	s5 =	sld [smem:$0x3FA5]  }
0x2b: {  	s6 =	sld [smem:$0x3FA6]  }
0x2c: {  	s7 =	sld [smem:$0x3FA7]  }
0x2d: {  	s3 =	simm.s32 $0x108;
	s8 =	sld [smem:$0x3FA8]  }
0x2e: {  	s3 =	simm.s32 @!p0 $0x1082;
	s9 =	sld [smem:$0x3FA9]  }
0x2f: {  	lr =	sadd.s32 s0, s3;
	s0 =	sld [smem:$0x3FA0]  }
0x30: {  	s3 =	sld [smem:$0x3FA3]  }
0x31: {  	[smem:$0x3FAC] =	sst s10  }
0x32: {  	s10 =	sld [smem:$0x3FAA];
	_ =	sdelay $0x3  }
0x33: {  	p0 =	seq.s32 s10, $0x1;
	s10 =	sld [smem:$0x3FAC];
	_ =	sdelay $0x3  }
0x34: {  	[smem:$0x3FAC] =	sst s10  }
0x35: {  	s10 =	sld [smem:$0x3FAB];
	_ =	sdelay $0x3  }
0x36: {  	p1 =	seq.s32 s10, $0x1;
	s10 =	sld [smem:$0x3FAC];
	_ =	sdelay $0x3  }
0x37: {  	[smem:$0x3FAC] =	sst s10  }
0x38: {  	s10 =	sld [smem:$0x3FAD]  }
0x39: {  	_ = 	snop;
	(pc) =	sbr.ind lr, $3  }
0x3a: {  	_ = 	snop  }
0x3b: {  	_ = 	snop  }
0x3c: {  	p2 =	seq.s32 s10, $0x1;
	s10 =	sld [smem:$0x3FAC]  }
0x3d: {  	_ =	shalt  }
0x3e: {  	_ =	shalt  }
0x3f: {  	_ =	shalt  }
0x40: {  	_ =	shalt  }
0x41: {  	_ =	shalt  }
0x42: {  	_ =	shalt  }
0x43: {  	_ =	shalt  }
0x44: {  	_ =	shalt  }
0x45: {  	_ =	shalt  }
0x46: {  	_ =	shalt  }
0x47: {  	_ =	shalt  }
0x48: {  	_ =	shalt  }
0x49: {  	_ =	shalt  }
0x4a: {  	_ =	shalt  }
0x4b: {  	_ =	shalt  }
0x4c: {  	_ =	shalt  }
0x4d: {  	_ =	shalt  }
0x4e: {  	_ =	shalt  }
0x4f: {  	_ =	shalt  }
0x50: {  	_ =	shalt  }
0x51: {  	_ =	shalt  }
0x52: {  	_ =	shalt  }
0x53: {  	_ =	shalt  }
0x54: {  	_ =	shalt  }
0x55: {  	_ =	shalt  }
0x56: {  	_ =	shalt  }
0x57: {  	_ =	shalt  }
0x58: {  	_ =	shalt  }
0x59: {  	_ =	shalt  }
0x5a: {  	_ =	shalt  }
0x5b: {  	_ =	shalt  }
0x5c: {  	_ =	shalt  }
0x5d: {  	_ =	shalt  }
0x5e: {  	_ =	shalt  }
0x5f: {  	_ =	shalt  }
0x60: {  	_ =	shalt  }
0x61: {  	_ =	shalt  }
0x62: {  	_ =	shalt  }
0x63: {  	_ =	shalt  }
0x64: {  	_ =	shalt  }
0x65: {  	_ =	shalt  }
0x66: {  	_ =	shalt  }
0x67: {  	_ =	shalt  }
0x68: {  	_ =	shalt  }
0x69: {  	_ =	shalt  }
0x6a: {  	_ =	shalt  }
0x6b: {  	_ =	shalt  }
0x6c: {  	_ =	shalt  }
0x6d: {  	_ =	shalt  }
0x6e: {  	_ =	shalt  }
0x6f: {  	_ =	shalt  }
0x70: {  	_ =	shalt  }
0x71: {  	_ =	shalt  }
0x72: {  	_ =	shalt  }
0x73: {  	_ =	shalt  }
0x74: {  	_ =	shalt  }
0x75: {  	_ =	shalt  }
0x76: {  	_ =	shalt  }
0x77: {  	_ =	shalt  }
0x78: {  	_ =	shalt  }
0x79: {  	_ =	shalt  }
0x7a: {  	_ =	shalt  }
0x7b: {  	_ =	shalt  }
0x7c: {  	_ =	shalt  }
0x7d: {  	_ =	shalt  }
0x7e: {  	_ =	shalt  }
0x7f: {  	_ =	shalt  }
0x80: {  	_ =	shalt  }
0x81: {  	_ =	shalt  }
0x82: {  	_ =	shalt  }
0x83: {  	_ =	shalt  }
0x84: {  	_ =	shalt  }
0x85: {  	_ =	shalt  }
0x86: {  	_ =	shalt  }
0x87: {  	_ =	shalt  }
.Lfunc_end0:
.L_simem_size_0:
called_computation.4_lowered:
.L_overlay_start_0:
0x88: {  	s2 =	sld [smem:$0x3FD9]  }
0x89: {  	s3 =	sld [smem:$0x3FFE];
	_ =	sdelay $0x1  }
0x8a: {  	s1 =	srdreg.scid  }
0x8b: {  	s0 =	sand.u32 $0x1, s1  }
0x8c: {  	s17 =	sshll.u32 s0, $0xA;
	s2 =	sadd.s32 s3, s2  }
0x8d: {  	s2 =	sadd.s32 s2, s17  }
0x8e: {  	[smem:$0x3FB8] =	sst s2  }
0x8f: {  	_ = 	snop  }
0x90: {  	s2 =	sld [smem:$0x3FD0];
	(tm) =	ssettm $0x1  }
0x91: {  	s18 =	sld [smem:$0x3FFB];
	_ =	sdelay $0x3  }
0x92: {  	_ =	strace s18  }
0x93: {  	s3 =	sld [smem:$0x3FFC];
	_ =	sdelay $0x3  }
0x94: {  	_ =	strace s3  }
0x95: {  	s3 =	sld [smem:$0x3FFD];
	_ =	sdelay $0x3  }
0x96: {  	_ =	strace s3  }
0x97: {  	_ =	strace $0x8FFFFFFF  }
0x98: {  	s19 =	sld [smem:$0x3FDB];
	_ =	sdelay $0x1  }
0x99: {  	s4 =	simm.s32 $_scs_section_size  }
0x9a: {  	s5 =	simm.s32 $_size__tile_overlayer_lowered;
	s6 =	simm.s32 $_tile_overlayer_lowered  }
0x9b: {  	s22 =	simm.s32 $0x1BFF;
	s21 =	sshll.u32 s6, $0x1;
	s3 =	sadd.s32 s4, s19  }
0x9c: {  	s7 =	simm.s32 $0x0;
	s20 =	sshll.u32 s5, $0x1;
	s5 =	sadd.s32 s21, s3  }
0x9d: {  	[timem:s7], [sflag:s22] =	dma.local [hbm:s5], s20  }
0x9e: {  	_ =	swait.ge [sflag:s22], s20  }
0x9f: {  	s4 =	ssub.s32 $0x0, s20;
	[sflag:s22] =	ssyncset.done $0x0  }
0xa0: {  	[sflag:s22] =	ssyncadd.s32 s4;
	_ =	sdelay $0x1  }
0xa1: {  	s23 =	simm.s32 $0x1B8B  }
0xa2: {  	_ =	swait.ge [sflag:s23], $0x1  }
0xa3: {  	[sflag:s23] =	ssyncset.done $0x0  }
0xa4: {  	s25 =	simm.s32 $0x1B8E;
	s24 =	sld [smem:$0x3FFE];
	[sflag:s23] =	ssyncadd.s32 $0xFFFFFFFF  }
0xa5: {  	s26 =	simm.s32 $execute0_lowered;
	[smem:$0x3FD2] =	sst s25  }
0xa6: {  	s5 =	sshll.u32 s26, $0x1;
	_ =	strace $0x80000052;
	[dreg:$0x1] =	wrdreg $0xFFFFFFFF  }
0xa7: {  	s28 =	simm.s32 $_size_execute0_lowered;
	s3 =	sadd.s32 s3, s5;
	[dreg:$0x0] =	wrdreg $0x0  }
0xa8: {  	s5 =	sshll.u32 s28, $0x1;
	[dreg:$0x2] =	wrdreg s3  }
0xa9: {  	[dreg:$0x3] =	wrdreg s5  }
0xaa: {  	[dreg:$0x4] =	wrdreg $0xC0  }
0xab: {  	_ =	task [dreg:s7], $0x5FFFF  }
0xac: {  	[dreg:$0x1] =	wrdreg $0xFFFFFFFF  }
0xad: {  	[dreg:$0x0] =	wrdreg $0x60  }
0xae: {  	[dreg:$0x2] =	wrdreg s24  }
0xaf: {  	[dreg:$0x3] =	wrdreg s2  }
0xb0: {  	[dreg:$0x4] =	wrdreg $0x0  }
0xb1: {  	[dreg:$0x5] =	wrdreg $0x28000  }
0xb2: {  	[dreg:$0x6] =	wrdreg $0x9  }
0xb3: {  	_ =	task.clear_ibuf [dreg:s7], $0x7FFFF;
	_ =	strace $0x90000052  }
0xb4: {  	s29 =	simm.s32 $0x9;
	_ =	strace $0x80000054  }
0xb5: {  	_ =	swait.ge [sflag:s29], $0x1  }
0xb6: {  	[sflag:s29] =	ssyncadd.s32 $0xFFFFFFFF  }
0xb7: {  	_ =	strace $0x90000054  }
0xb8: {  	_ =	sfence  }
0xb9: {  	s30 =	sld [smem:$0x0];
	_ =	sdelay $0x2  }
0xba: {  	s31 =	sshll.u32 s1, $0xD;
	s1 =	sshrl.u32 s1, $0x2  }
0xbb: {  	s3 =	sand.u32 $0x4000, s31;
	s1 =	sadd.s32 s1, s30  }
0xbc: {  	s0 =	sor.u32 s3, s0;
	s1 =	sshll.u32 s1, $0x11  }
0xbd: {  	s0 =	sor.u32 s1, s0  }
0xbe: {  	s0 =	sadd.s32 $0x8F2B, s0  }
0xbf: {  	[sflag:s0] =	ssyncadd.remote.s32 $0x1  }
0xc0: {  	_ =	sfence.sel $0xFFFF  }
0xc1: {  	[dreg:$0x0] =	wrdreg $0xFFFFFFFF;
	(pc) =	sbr.abs _section_cstart, $3  }
0xc2: {  	[dreg:$0x1] =	wrdreg $0xFFFFFFFF  }
0xc3: {  	_ =	task.clear_ibuf [dreg:s7], $0x2FFFF;
	_ =	strace $0x9FFFFFFF  }
0xc4: {  	(tm) =	ssettm $0x7FFFFFFF  }
0xc5: {  	_ =	shalt  }
tec
execute0_lowered:
.L_overlay_start_1:
0x0: {  	(tag) =	ssettag $0x1  }
0x1: {  	s29 =	rddreg [dreg:$0x0]  }
0x2: {  	s11 =	rddreg [dreg:$0x1]  }
0x3: {  	s1 =	rddreg [dreg:$0x2]  }
0x4: {  	s3 =	rddreg [dreg:$0x3];
	s4 =	simm.s32 $0x0  }
0x5: {  	s2 =	stileid.u32;
	s7 =	simm.s32 $0x1A000;
	[smem:$0x7FF] =	sst s4  }
0x6: {  	s6 =	simm.s32 $0x3;
	s5 =	sadd.s32 $0x13E00, s29;
	_ =	strace $0x80000053  }
0x7: {  	[tilespmem:s7], [sflag:$0x3] =	stream.linear.gather [hbm4b:s5+s4], $0x2800, $0x38;
	[tilespmem:$0x1C800] =	vst v63  }
0x8: {  	s30 =	smul.u32 $0x2800, s2;
	_ =	swait.ge [sflag:s6], $0x2800  }
0x9: {  	[sflag:s6] =	ssyncset.done $0x0  }
0xa: {  	s8 =	sadd.s32 s30, s1;
	[sflag:s6] =	ssyncadd.s32 $0xFFFFD800  }
0xb: {  	[spmem:s8] =	stream.linear.scatter [tilespmem:s7], [sflag:$0x3], $0x2800, $0x38;
	[tilespmem:$0x1C800] =	vst v63  }
0xc: {  	s9 =	sshrl.u32 s30, $0x3;
	_ =	swait.ge [sflag:s6], $0x2800  }
0xd: {  	s9 =	sadd.s32 s9, s29;
	[sflag:s6] =	ssyncset.done $0x0  }
0xe: {  	s10 =	srdreg.scid;
	s9 =	sadd.s32 $0xEE00, s9;
	[sflag:s6] =	ssyncadd.s32 $0xFFFFD800  }
0xf: {  	[tilespmem:s7], [sflag:$0x3] =	stream.linear.gather [hbm4b:s9+s4], $0x2800, $0x38;
	[tilespmem:$0x1C800] =	vst v63  }
0x10: {  	s31 =	sand.u32 $0x1, s10;
	_ =	swait.ge [sflag:s6], $0x2800  }
0x11: {  	s10 =	sshll.u32 s31, $0x4;
	[sflag:s6] =	ssyncset.done $0x0  }
0x12: {  	s12 =	sor.u32 s2, s10;
	s10 =	sadd.s32 s30, s3;
	[sflag:s6] =	ssyncadd.s32 $0xFFFFD800  }
0x13: {  	[spmem:s10] =	stream.linear.scatter [tilespmem:s7], [sflag:$0x3], $0x2800, $0x38;
	[tilespmem:$0x1C800] =	vst v63  }
0x14: {  	s13 =	smul.u32 $0x500, s12;
	_ =	swait.ge [sflag:s6], $0x2800  }
0x15: {  	[sflag:s6] =	ssyncset.done $0x0  }
0x16: {  	s12 =	simm.s32 $0x5000;
	s11 =	sadd.s32 s11, s13;
	[sflag:s6] =	ssyncadd.s32 $0xFFFFD800  }
0x17: {  	[tilespmem:s12], [sflag:$0x3] =	stream.linear.gather [hbm4b:s11+s4], $0x2800, $0x38;
	[tilespmem:$0x1C800] =	vst v63  }
0x18: {  	_ =	swait.ge [sflag:s6], $0x2800  }
0x19: {  	s13 =	sadd.s32 s13, s29;
	[sflag:s6] =	ssyncset.done $0x0  }
0x1a: {  	s14 =	simm.s32 $0x7800;
	s13 =	sadd.s32 $0x4E00, s13;
	[sflag:s6] =	ssyncadd.s32 $0xFFFFD800  }
0x1b: {  	[tilespmem:s14], [sflag:$0x3] =	stream.linear.gather [hbm4b:s13+s4], $0x2800, $0x38;
	[tilespmem:$0x1C800] =	vst v63  }
0x1c: {  	_ =	swait.ge [sflag:s6], $0x2800  }
0x1d: {  	[sflag:s6] =	ssyncset.done $0x0  }
0x1e: {  	s15 =	simm.s32 $0x800;
	[sflag:s6] =	ssyncadd.s32 $0xFFFFD800  }
0x1f: {  	s16 =	simm.s32 $0xA000;
	s17 =	simm.s32 $0x1;
	[bflag:$0x0] =	sbarrier.arrive $0xFFFF  }
0x20: {  	[tilespmem:s16], [sflag:$0x1] =	stream.indirect.gather [spmem:s3], $0x10, s12, s15, $0xb8;
	[tilespmem:$0x1C800] =	vst v63  }
0x21: {  	_ =	swait.ge [sflag:s17], $0x8000  }
0x22: {  	[sflag:s17] =	ssyncset.done $0x0  }
0x23: {  	[sflag:s17] =	ssyncadd.s32 $0xFFFF8000  }
0x24: {  	[spmem:s1] =	stream.indirect.scatter.add.f32 [tilespmem:s16], [sflag:$0x2], $0x10, s14, s15, $0xb8;
	[tilespmem:$0x1C800] =	vst v63  }
0x25: {  	s18 =	simm.s32 $0x5800;
	s19 =	simm.s32 $0x12000  }
0x26: {  	[tilespmem:s19], [sflag:$0x1] =	stream.indirect.gather [spmem:s3], $0x10, s18, s15, $0xb8;
	[tilespmem:$0x1C800] =	vst v63  }
0x27: {  	_ =	swait.ge [sflag:s17], $0x8000  }
0x28: {  	[sflag:s17] =	ssyncset.done $0x0  }
0x29: {  	s20 =	simm.s32 $0x2;
	[sflag:s17] =	ssyncadd.s32 $0xFFFF8000  }
0x2a: {  	_ =	swait.ge [sflag:s20], $0x8000  }
0x2b: {  	[sflag:s20] =	ssyncset.done $0x0  }
0x2c: {  	s21 =	simm.s32 $0x8000;
	[sflag:s20] =	ssyncadd.s32 $0xFFFF8000  }
0x2d: {  	[spmem:s1] =	stream.indirect.scatter.add.f32 [tilespmem:s19], [sflag:$0x2], $0x10, s21, s15, $0xb8;
	[tilespmem:$0x1C800] =	vst v63  }
0x2e: {  	s22 =	simm.s32 $0x6000  }
0x2f: {  	[tilespmem:s16], [sflag:$0x1] =	stream.indirect.gather [spmem:s3], $0x10, s22, s15, $0xb8;
	[tilespmem:$0x1C800] =	vst v63  }
0x30: {  	_ =	swait.ge [sflag:s17], $0x8000  }
0x31: {  	[sflag:s17] =	ssyncset.done $0x0  }
0x32: {  	[sflag:s17] =	ssyncadd.s32 $0xFFFF8000  }
0x33: {  	_ =	swait.ge [sflag:s20], $0x8000  }
0x34: {  	[sflag:s20] =	ssyncset.done $0x0  }
0x35: {  	s23 =	simm.s32 $0x8800;
	[sflag:s20] =	ssyncadd.s32 $0xFFFF8000  }
0x36: {  	[spmem:s1] =	stream.indirect.scatter.add.f32 [tilespmem:s16], [sflag:$0x2], $0x10, s23, s15, $0xb8;
	[tilespmem:$0x1C800] =	vst v63  }
0x37: {  	s24 =	simm.s32 $0x6800  }
0x38: {  	[tilespmem:s19], [sflag:$0x1] =	stream.indirect.gather [spmem:s3], $0x10, s24, s15, $0xb8;
	[tilespmem:$0x1C800] =	vst v63  }
0x39: {  	_ =	swait.ge [sflag:s17], $0x8000  }
0x3a: {  	[sflag:s17] =	ssyncset.done $0x0  }
0x3b: {  	[sflag:s17] =	ssyncadd.s32 $0xFFFF8000  }
0x3c: {  	_ =	swait.ge [sflag:s20], $0x8000  }
0x3d: {  	[sflag:s20] =	ssyncset.done $0x0  }
0x3e: {  	s25 =	simm.s32 $0x9000;
	[sflag:s20] =	ssyncadd.s32 $0xFFFF8000  }
0x3f: {  	[spmem:s1] =	stream.indirect.scatter.add.f32 [tilespmem:s19], [sflag:$0x2], $0x10, s25, s15, $0xb8;
	[tilespmem:$0x1C800] =	vst v63  }
0x40: {  	s26 =	simm.s32 $0x7000  }
0x41: {  	[tilespmem:s16], [sflag:$0x1] =	stream.indirect.gather [spmem:s3], $0x10, s26, s15, $0xb8;
	[tilespmem:$0x1C800] =	vst v63  }
0x42: {  	_ =	swait.ge [sflag:s17], $0x8000  }
0x43: {  	[sflag:s17] =	ssyncset.done $0x0  }
0x44: {  	[sflag:s17] =	ssyncadd.s32 $0xFFFF8000  }
0x45: {  	_ =	swait.ge [sflag:s20], $0x8000  }
0x46: {  	[sflag:s20] =	ssyncset.done $0x0  }
0x47: {  	s28 =	simm.s32 $0x9800;
	s0 =	smul.u32 $0x28000, s31;
	[sflag:s20] =	ssyncadd.s32 $0xFFFF8000  }
0x48: {  	[spmem:s1] =	stream.indirect.scatter.add.f32 [tilespmem:s16], [sflag:$0x2], $0x10, s28, s15, $0xb8;
	[tilespmem:$0x1C800] =	vst v63  }
0x49: {  	s0 =	sadd.s32 s30, s0;
	s30 =	ssub.s32 $0x2, s31;
	_ =	swait.ge [sflag:s20], $0x8000  }
0x4a: {  	s31 =	sshrl.u32 s30, $0x1;
	[sflag:s20] =	ssyncset.done $0x0  }
0x4b: {  	s30 =	ssub.s32 s30, s31;
	[sflag:s20] =	ssyncadd.s32 $0xFFFF8000  }
0x4c: {  	s31 =	smax.u32 s30, $0x1;
	[bflag:$0x0] =	sbarrier.arrive $0xFFFF  }
0x4d: {  	[tilespmem:s7], [sflag:$0x3] =	stream.linear.gather [spmem:s8], $0x2800, $0x38;
	[tilespmem:$0x1C800] =	vst v63  }
0x4e: {  	s0 =	sshrl.u32 s0, $0x3;
	p0 =	sne.s32 s31, $0x1;
	_ =	swait.ge [sflag:s6], $0x2800  }
.Ltmp0:
0x4f: {  	s0 =	sadd.s32 s0, s29;
	[sflag:s6] =	ssyncset.done $0x0;
	(pc) =	sbr.rel @!p0 .LBB2_2-.Ltmp0, $4  }
0x50: {  	s29 =	sadd.s32 $0x3C400, s0;
	[sflag:s6] =	ssyncadd.s32 $0xFFFFD800  }
0x51: {  	[hbm4b:s29+s4] =	stream.linear.scatter [tilespmem:s7], [sflag:$0x3], $0x2800, $0x38;
	[tilespmem:$0x1C800] =	vst v63  }
0x52: {  	_ =	swait.ge [sflag:s6], $0x2800  }
0x53: {  	s30 =	sadd.s32 $0xFFFFFFFF, s31;
	[sflag:s6] =	ssyncset.done $0x0  }
.LBB2_1:
0x54: {  	p0 =	sne.s32 s30, $0x1;
	s30 =	sadd.s32 $0xFFFFFFFF, s30;
	[sflag:s6] =	ssyncadd.s32 $0xFFFFD800  }
0x55: {  	[tilespmem:s7], [sflag:$0x3] =	stream.linear.gather [hbm4b:s5+s4], $0x2800, $0x38;
	[tilespmem:$0x1C800] =	vst v63  }
0x56: {  	_ =	swait.ge [sflag:s6], $0x2800  }
0x57: {  	[sflag:s6] =	ssyncset.done $0x0  }
0x58: {  	[sflag:s6] =	ssyncadd.s32 $0xFFFFD800  }
0x59: {  	[spmem:s8] =	stream.linear.scatter [tilespmem:s7], [sflag:$0x3], $0x2800, $0x38;
	[tilespmem:$0x1C800] =	vst v63  }
0x5a: {  	_ =	swait.ge [sflag:s6], $0x2800  }
0x5b: {  	[sflag:s6] =	ssyncset.done $0x0  }
0x5c: {  	[sflag:s6] =	ssyncadd.s32 $0xFFFFD800  }
0x5d: {  	[tilespmem:s7], [sflag:$0x3] =	stream.linear.gather [hbm4b:s9+s4], $0x2800, $0x38;
	[tilespmem:$0x1C800] =	vst v63  }
0x5e: {  	_ =	swait.ge [sflag:s6], $0x2800  }
0x5f: {  	[sflag:s6] =	ssyncset.done $0x0  }
0x60: {  	[sflag:s6] =	ssyncadd.s32 $0xFFFFD800  }
0x61: {  	[spmem:s10] =	stream.linear.scatter [tilespmem:s7], [sflag:$0x3], $0x2800, $0x38;
	[tilespmem:$0x1C800] =	vst v63  }
0x62: {  	_ =	swait.ge [sflag:s6], $0x2800  }
0x63: {  	[sflag:s6] =	ssyncset.done $0x0  }
0x64: {  	[sflag:s6] =	ssyncadd.s32 $0xFFFFD800  }
0x65: {  	[tilespmem:s12], [sflag:$0x3] =	stream.linear.gather [hbm4b:s11+s4], $0x2800, $0x38;
	[tilespmem:$0x1C800] =	vst v63  }
0x66: {  	_ =	swait.ge [sflag:s6], $0x2800  }
0x67: {  	[sflag:s6] =	ssyncset.done $0x0  }
0x68: {  	[sflag:s6] =	ssyncadd.s32 $0xFFFFD800  }
0x69: {  	[tilespmem:s14], [sflag:$0x3] =	stream.linear.gather [hbm4b:s13+s4], $0x2800, $0x38;
	[tilespmem:$0x1C800] =	vst v63  }
0x6a: {  	_ =	swait.ge [sflag:s6], $0x2800  }
0x6b: {  	[sflag:s6] =	ssyncset.done $0x0  }
0x6c: {  	[sflag:s6] =	ssyncadd.s32 $0xFFFFD800  }
0x6d: {  	[bflag:$0x0] =	sbarrier.arrive $0xFFFF  }
0x6e: {  	[tilespmem:s16], [sflag:$0x1] =	stream.indirect.gather [spmem:s3], $0x10, s12, s15, $0xb8;
	[tilespmem:$0x1C800] =	vst v63  }
0x6f: {  	_ =	swait.ge [sflag:s17], $0x8000  }
0x70: {  	[sflag:s17] =	ssyncset.done $0x0  }
0x71: {  	[sflag:s17] =	ssyncadd.s32 $0xFFFF8000  }
0x72: {  	[spmem:s1] =	stream.indirect.scatter.add.f32 [tilespmem:s16], [sflag:$0x2], $0x10, s14, s15, $0xb8;
	[tilespmem:$0x1C800] =	vst v63  }
0x73: {  	_ = 	snop  }
0x74: {  	[tilespmem:s19], [sflag:$0x1] =	stream.indirect.gather [spmem:s3], $0x10, s18, s15, $0xb8;
	[tilespmem:$0x1C800] =	vst v63  }
0x75: {  	_ =	swait.ge [sflag:s17], $0x8000  }
0x76: {  	[sflag:s17] =	ssyncset.done $0x0  }
0x77: {  	[sflag:s17] =	ssyncadd.s32 $0xFFFF8000  }
0x78: {  	_ =	swait.ge [sflag:s20], $0x8000  }
0x79: {  	[sflag:s20] =	ssyncset.done $0x0  }
0x7a: {  	[sflag:s20] =	ssyncadd.s32 $0xFFFF8000  }
0x7b: {  	[spmem:s1] =	stream.indirect.scatter.add.f32 [tilespmem:s19], [sflag:$0x2], $0x10, s21, s15, $0xb8;
	[tilespmem:$0x1C800] =	vst v63  }
0x7c: {  	_ = 	snop  }
0x7d: {  	[tilespmem:s16], [sflag:$0x1] =	stream.indirect.gather [spmem:s3], $0x10, s22, s15, $0xb8;
	[tilespmem:$0x1C800] =	vst v63  }
0x7e: {  	_ =	swait.ge [sflag:s17], $0x8000  }
0x7f: {  	[sflag:s17] =	ssyncset.done $0x0  }
0x80: {  	[sflag:s17] =	ssyncadd.s32 $0xFFFF8000  }
0x81: {  	_ =	swait.ge [sflag:s20], $0x8000  }
0x82: {  	[sflag:s20] =	ssyncset.done $0x0  }
0x83: {  	[sflag:s20] =	ssyncadd.s32 $0xFFFF8000  }
0x84: {  	[spmem:s1] =	stream.indirect.scatter.add.f32 [tilespmem:s16], [sflag:$0x2], $0x10, s23, s15, $0xb8;
	[tilespmem:$0x1C800] =	vst v63  }
0x85: {  	_ = 	snop  }
0x86: {  	[tilespmem:s19], [sflag:$0x1] =	stream.indirect.gather [spmem:s3], $0x10, s24, s15, $0xb8;
	[tilespmem:$0x1C800] =	vst v63  }
0x87: {  	_ =	swait.ge [sflag:s17], $0x8000  }
0x88: {  	[sflag:s17] =	ssyncset.done $0x0  }
0x89: {  	[sflag:s17] =	ssyncadd.s32 $0xFFFF8000  }
0x8a: {  	_ =	swait.ge [sflag:s20], $0x8000  }
0x8b: {  	[sflag:s20] =	ssyncset.done $0x0  }
0x8c: {  	[sflag:s20] =	ssyncadd.s32 $0xFFFF8000  }
0x8d: {  	[spmem:s1] =	stream.indirect.scatter.add.f32 [tilespmem:s19], [sflag:$0x2], $0x10, s25, s15, $0xb8;
	[tilespmem:$0x1C800] =	vst v63  }
0x8e: {  	_ = 	snop  }
0x8f: {  	[tilespmem:s16], [sflag:$0x1] =	stream.indirect.gather [spmem:s3], $0x10, s26, s15, $0xb8;
	[tilespmem:$0x1C800] =	vst v63  }
0x90: {  	_ =	swait.ge [sflag:s17], $0x8000  }
0x91: {  	[sflag:s17] =	ssyncset.done $0x0  }
0x92: {  	[sflag:s17] =	ssyncadd.s32 $0xFFFF8000  }
0x93: {  	_ =	swait.ge [sflag:s20], $0x8000  }
0x94: {  	[sflag:s20] =	ssyncset.done $0x0  }
0x95: {  	[sflag:s20] =	ssyncadd.s32 $0xFFFF8000  }
0x96: {  	[spmem:s1] =	stream.indirect.scatter.add.f32 [tilespmem:s16], [sflag:$0x2], $0x10, s28, s15, $0xb8;
	[tilespmem:$0x1C800] =	vst v63  }
0x97: {  	_ =	swait.ge [sflag:s20], $0x8000  }
0x98: {  	[sflag:s20] =	ssyncset.done $0x0  }
0x99: {  	[sflag:s20] =	ssyncadd.s32 $0xFFFF8000  }
0x9a: {  	[bflag:$0x0] =	sbarrier.arrive $0xFFFF  }
0x9b: {  	[tilespmem:s7], [sflag:$0x3] =	stream.linear.gather [spmem:s8], $0x2800, $0x38;
	[tilespmem:$0x1C800] =	vst v63  }
0x9c: {  	_ =	swait.ge [sflag:s6], $0x2800  }
.Ltmp1:
0x9d: {  	[sflag:s6] =	ssyncset.done $0x0;
	(pc) =	sbr.rel @p0 .LBB2_1-.Ltmp1, $4  }
0x9e: {  	[sflag:s6] =	ssyncadd.s32 $0xFFFFD800  }
0x9f: {  	[hbm4b:s29+s4] =	stream.linear.scatter [tilespmem:s7], [sflag:$0x3], $0x2800, $0x38;
	[tilespmem:$0x1C800] =	vst v63  }
0xa0: {  	_ =	swait.ge [sflag:s6], $0x2800  }
0xa1: {  	[sflag:s6] =	ssyncset.done $0x0  }
.LBB2_2:
0xa2: {  	[sflag:s6] =	ssyncadd.s32 $0xFFFFD800  }
0xa3: {  	_ =	sfence.sel $0x180000  }
0xa4: {  	[bflag:$0x0] =	sbarrier.arrive $0xFFFF  }
0xa5: {  	_ =	strace $0x90000053  }
0xa6: {  	[bflag:$0x2] =	sbarrier.arrive $0xFFFF  }
0xa7: {  	p0 =	sne.s32 s2, $0x0;
	s0 =	rddreg [dreg:$0x4]  }
0xa8: {  	s0 =	sadd.s32 @!p0 $0x100000, s0  }
0xa9: {  	[sflag:s0] =	ssyncadd.tile.s32 @!p0 $0x1;
	_ =	shalt  }
.Lfunc_end2:
_tile_overlayer_lowered:
.L_overlay_start_2:
0xaa: {  	(tag) =	ssettag $0x2  }
0xab: {  	s0 =	rddreg [dreg:$0x0];
	s2 =	stileid.u32  }
0xac: {  	s1 =	rddreg [dreg:$0x1];
	p0 =	sne.s32 s2, $0x0  }
0xad: {  	s3 =	rddreg [dreg:$0x2];
	[bflag:$0x3] =	sbarrier.arrive $0xFFFF;
	s2 =	simm.s32 @!p0 $0x1C03  }
0xae: {  	[timem:s3], [sflag:s2] =	dma.local @!p0 [hbm:s0], s1  }
0xaf: {  	s0 =	simm.s32 @!p0 $0x3  }
0xb0: {  	_ =	swait.ge @!p0 [sflag:s0], s1  }
0xb1: {  	s1 =	ssub.s32 @!p0 $0x0, s1;
	[sflag:s0] =	ssyncset.done @!p0 $0x0  }
0xb2: {  	[sflag:s0] =	ssyncadd.s32 @!p0 s1  }
0xb3: {  	[bflag:$0x3] =	sbarrier.arrive $0xFFFF  }
0xb4: {  	_ =	shalt  }

// kernel: kernel.31.cloned.1.call-start
scs
__scs_entry_jumppad:
0x0: {  	(pc) =	sbr.rel $0x88, $3  }
0x1: {  	(tag) =	ssettag $0x0;
	lr =	simm.s32 $0x1  }
0x2: {  	[smem:$0x3F91] =	sst lr;
	_ =	strace $0xD0000000  }
0x3: {  	_ = 	snop  }
0x4: {  	_ = 	snop  }
0x5: {  	_ = 	snop  }
0x6: {  	_ = 	snop  }
0x7: {  	_ = 	snop  }
__scs_overlays_trampoline_lowered:
0x8: {  	[smem:$0x3FA0] =	sst s0  }
0x9: {  	[smem:$0x3FA1] =	sst s1  }
0xa: {  	[smem:$0x3FA2] =	sst s2  }
0xb: {  	[smem:$0x3FA3] =	sst s3  }
0xc: {  	[smem:$0x3FA4] =	sst s4  }
0xd: {  	[smem:$0x3FA5] =	sst s5  }
0xe: {  	[smem:$0x3FA6] =	sst s6  }
0xf: {  	[smem:$0x3FA7] =	sst s7  }
0x10: {  	[smem:$0x3FA8] =	sst s8  }
0x11: {  	[smem:$0x3FA9] =	sst s9;
	s0 =	simm.s32 @!p0 $0x0  }
0x12: {  	s1 =	sld [smem:$0x3F8F];
	s0 =	simm.s32 @p0 $0x1  }
0x13: {  	[smem:$0x3FAA] =	sst s0;
	s0 =	simm.s32 @!p1 $0x0  }
0x14: {  	s2 =	sld [smem:$0x3F8E];
	s0 =	simm.s32 @p1 $0x1  }
0x15: {  	[smem:$0x3FAB] =	sst s0;
	s0 =	simm.s32 @!p2 $0x0  }
0x16: {  	s3 =	sld [smem:$0x3FDB];
	s0 =	simm.s32 @p2 $0x1  }
0x17: {  	s4 =	simm.s32 $0x1BF5;
	[smem:$0x3FAD] =	sst s0  }
0x18: {  	s0 =	sld [smem:$0x3F90];
	_ =	swait.ge [sflag:s4], $0x0  }
0x19: {  	s7 =	sld [smem:$0x3F91]  }
0x1a: {  	s8 =	sadd.s32 $0xFFFFE003, lr  }
0x1b: {  	s9 =	sadd.s32 $0xFFFFFEF7, lr;
	s5 =	simm.s32 $0xFFFFFFFF;
	p2 =	slt.u32 s8, $0xFFFFF086  }
0x1c: {  	p1 =	slt.u32 s9, $0xF7A;
	s5 =	simm.s32 @!p2 $0x0  }
0x1d: {  	s5 =	simm.s32 @p1 $0x1;
	p0 =	seq.s32 s7, s2  }
0x1e: {  	s7 =	smul.u32 @!p0 $0xF7A, s2;
	p2 =	seq.s32 @!p0 s5, $0x0  }
0x1f: {  	s9 =	smul.u32 $0xF7A, s1;
	s8 =	simm.s32 @!p0 $0x1BF5;
	p2 =	por !p2, p0  }
0x20: {  	[sflag:s8] =	ssyncset.s32 @!p0 $0xFFFFF086;
	s6 =	sadd.s32 @!p0 s3, s7;
	s7 =	simm.s32 @!p0 $0x108  }
0x21: {  	s3 =	sadd.s32 s3, s9;
	s6 =	sadd.s32 @!p0 $0x88, s6;
	s7 =	simm.s32 @p2 $0x1082  }
0x22: {  	[simem:s7], [sflag:s8] =	dma.local @!p0 [hbm:s6], $0xF7A  }
0x23: {  	s9 =	sor.u32 $0xD0000000, s2;
	s6 =	simm.s32 $0x108;
	_ =	swait.ge @!p0 [sflag:s8], $0x0  }
0x24: {  	s3 =	sadd.s32 $0x88, s3;
	s6 =	simm.s32 @!p1 $0x1082;
	[sflag:s4] =	ssyncset.s32 $0xFFFFF086  }
0x25: {  	[simem:s6], [sflag:s4] =	dma.local [hbm:s3], $0xF7A  }
0x26: {  	[smem:$0x3F91] =	sst s1;
	(tag) =	ssettag s2;
	_ =	strace s9  }
0x27: {  	s1 =	sld [smem:$0x3FA1]  }
0x28: {  	s2 =	sld [smem:$0x3FA2]  }
0x29: {  	s4 =	sld [smem:$0x3FA4]  }
0x2a: {  	p0 =	seq.s32 s5, $0x0;
	s5 =	sld [smem:$0x3FA5]  }
0x2b: {  	s6 =	sld [smem:$0x3FA6]  }
0x2c: {  	s7 =	sld [smem:$0x3FA7]  }
0x2d: {  	s3 =	simm.s32 $0x108;
	s8 =	sld [smem:$0x3FA8]  }
0x2e: {  	s3 =	simm.s32 @!p0 $0x1082;
	s9 =	sld [smem:$0x3FA9]  }
0x2f: {  	lr =	sadd.s32 s0, s3;
	s0 =	sld [smem:$0x3FA0]  }
0x30: {  	s3 =	sld [smem:$0x3FA3]  }
0x31: {  	[smem:$0x3FAC] =	sst s10  }
0x32: {  	s10 =	sld [smem:$0x3FAA];
	_ =	sdelay $0x3  }
0x33: {  	p0 =	seq.s32 s10, $0x1;
	s10 =	sld [smem:$0x3FAC];
	_ =	sdelay $0x3  }
0x34: {  	[smem:$0x3FAC] =	sst s10  }
0x35: {  	s10 =	sld [smem:$0x3FAB];
	_ =	sdelay $0x3  }
0x36: {  	p1 =	seq.s32 s10, $0x1;
	s10 =	sld [smem:$0x3FAC];
	_ =	sdelay $0x3  }
0x37: {  	[smem:$0x3FAC] =	sst s10  }
0x38: {  	s10 =	sld [smem:$0x3FAD]  }
0x39: {  	_ = 	snop;
	(pc) =	sbr.ind lr, $3  }
0x3a: {  	_ = 	snop  }
0x3b: {  	_ = 	snop  }
0x3c: {  	p2 =	seq.s32 s10, $0x1;
	s10 =	sld [smem:$0x3FAC]  }
0x3d: {  	_ =	shalt  }
0x3e: {  	_ =	shalt  }
0x3f: {  	_ =	shalt  }
0x40: {  	_ =	shalt  }
0x41: {  	_ =	shalt  }
0x42: {  	_ =	shalt  }
0x43: {  	_ =	shalt  }
0x44: {  	_ =	shalt  }
0x45: {  	_ =	shalt  }
0x46: {  	_ =	shalt  }
0x47: {  	_ =	shalt  }
0x48: {  	_ =	shalt  }
0x49: {  	_ =	shalt  }
0x4a: {  	_ =	shalt  }
0x4b: {  	_ =	shalt  }
0x4c: {  	_ =	shalt  }
0x4d: {  	_ =	shalt  }
0x4e: {  	_ =	shalt  }
0x4f: {  	_ =	shalt  }
0x50: {  	_ =	shalt  }
0x51: {  	_ =	shalt  }
0x52: {  	_ =	shalt  }
0x53: {  	_ =	shalt  }
0x54: {  	_ =	shalt  }
0x55: {  	_ =	shalt  }
0x56: {  	_ =	shalt  }
0x57: {  	_ =	shalt  }
0x58: {  	_ =	shalt  }
0x59: {  	_ =	shalt  }
0x5a: {  	_ =	shalt  }
0x5b: {  	_ =	shalt  }
0x5c: {  	_ =	shalt  }
0x5d: {  	_ =	shalt  }
0x5e: {  	_ =	shalt  }
0x5f: {  	_ =	shalt  }
0x60: {  	_ =	shalt  }
0x61: {  	_ =	shalt  }
0x62: {  	_ =	shalt  }
0x63: {  	_ =	shalt  }
0x64: {  	_ =	shalt  }
0x65: {  	_ =	shalt  }
0x66: {  	_ =	shalt  }
0x67: {  	_ =	shalt  }
0x68: {  	_ =	shalt  }
0x69: {  	_ =	shalt  }
0x6a: {  	_ =	shalt  }
0x6b: {  	_ =	shalt  }
0x6c: {  	_ =	shalt  }
0x6d: {  	_ =	shalt  }
0x6e: {  	_ =	shalt  }
0x6f: {  	_ =	shalt  }
0x70: {  	_ =	shalt  }
0x71: {  	_ =	shalt  }
0x72: {  	_ =	shalt  }
0x73: {  	_ =	shalt  }
0x74: {  	_ =	shalt  }
0x75: {  	_ =	shalt  }
0x76: {  	_ =	shalt  }
0x77: {  	_ =	shalt  }
0x78: {  	_ =	shalt  }
0x79: {  	_ =	shalt  }
0x7a: {  	_ =	shalt  }
0x7b: {  	_ =	shalt  }
0x7c: {  	_ =	shalt  }
0x7d: {  	_ =	shalt  }
0x7e: {  	_ =	shalt  }
0x7f: {  	_ =	shalt  }
0x80: {  	_ =	shalt  }
0x81: {  	_ =	shalt  }
0x82: {  	_ =	shalt  }
0x83: {  	_ =	shalt  }
0x84: {  	_ =	shalt  }
0x85: {  	_ =	shalt  }
0x86: {  	_ =	shalt  }
0x87: {  	_ =	shalt  }
.Lfunc_end0:
.L_simem_size_0:
called_computation.5_lowered:
.L_overlay_start_0:
0x88: {  	s2 =	sld [smem:$0x3FD9]  }
0x89: {  	s3 =	sld [smem:$0x3FFE];
	_ =	sdelay $0x1  }
0x8a: {  	s1 =	srdreg.scid  }
0x8b: {  	s0 =	sand.u32 $0x1, s1  }
0x8c: {  	s17 =	sshll.u32 s0, $0xA;
	s2 =	sadd.s32 s3, s2  }
0x8d: {  	s2 =	sadd.s32 s2, s17  }
0x8e: {  	[smem:$0x3FB8] =	sst s2  }
0x8f: {  	_ = 	snop  }
0x90: {  	s2 =	sld [smem:$0x3FD0];
	(tm) =	ssettm $0x1  }
0x91: {  	s18 =	sld [smem:$0x3FFB];
	_ =	sdelay $0x3  }
0x92: {  	_ =	strace s18  }
0x93: {  	s3 =	sld [smem:$0x3FFC];
	_ =	sdelay $0x3  }
0x94: {  	_ =	strace s3  }
0x95: {  	s3 =	sld [smem:$0x3FFD];
	_ =	sdelay $0x3  }
0x96: {  	_ =	strace s3  }
0x97: {  	_ =	strace $0x8FFFFFFF  }
0x98: {  	s19 =	sld [smem:$0x3FDB];
	_ =	sdelay $0x1  }
0x99: {  	s4 =	simm.s32 $_scs_section_size  }
0x9a: {  	s5 =	simm.s32 $_size__tile_overlayer_lowered;
	s6 =	simm.s32 $_tile_overlayer_lowered  }
0x9b: {  	s22 =	simm.s32 $0x1BFF;
	s21 =	sshll.u32 s6, $0x1;
	s3 =	sadd.s32 s4, s19  }
0x9c: {  	s7 =	simm.s32 $0x0;
	s20 =	sshll.u32 s5, $0x1;
	s5 =	sadd.s32 s21, s3  }
0x9d: {  	[timem:s7], [sflag:s22] =	dma.local [hbm:s5], s20  }
0x9e: {  	_ =	swait.ge [sflag:s22], s20  }
0x9f: {  	s4 =	ssub.s32 $0x0, s20;
	[sflag:s22] =	ssyncset.done $0x0  }
0xa0: {  	[sflag:s22] =	ssyncadd.s32 s4;
	_ =	sdelay $0x1  }
0xa1: {  	s23 =	simm.s32 $0x1B8B  }
0xa2: {  	_ =	swait.ge [sflag:s23], $0x1  }
0xa3: {  	[sflag:s23] =	ssyncset.done $0x0  }
0xa4: {  	s25 =	simm.s32 $0x1B8E;
	s24 =	sld [smem:$0x3FFE];
	[sflag:s23] =	ssyncadd.s32 $0xFFFFFFFF  }
0xa5: {  	s26 =	simm.s32 $execute0_lowered;
	[smem:$0x3FD2] =	sst s25  }
0xa6: {  	s5 =	sshll.u32 s26, $0x1;
	_ =	strace $0x80000055;
	[dreg:$0x1] =	wrdreg $0xFFFFFFFF  }
0xa7: {  	s28 =	simm.s32 $_size_execute0_lowered;
	s3 =	sadd.s32 s3, s5;
	[dreg:$0x0] =	wrdreg $0x0  }
0xa8: {  	s5 =	sshll.u32 s28, $0x1;
	[dreg:$0x2] =	wrdreg s3  }
0xa9: {  	[dreg:$0x3] =	wrdreg s5  }
0xaa: {  	[dreg:$0x4] =	wrdreg $0xC0  }
0xab: {  	_ =	task [dreg:s7], $0x5FFFF  }
0xac: {  	[dreg:$0x1] =	wrdreg $0xFFFFFFFF  }
0xad: {  	[dreg:$0x0] =	wrdreg $0x60  }
0xae: {  	[dreg:$0x2] =	wrdreg s24  }
0xaf: {  	[dreg:$0x3] =	wrdreg s2  }
0xb0: {  	[dreg:$0x4] =	wrdreg $0x0  }
0xb1: {  	[dreg:$0x5] =	wrdreg $0x28000  }
0xb2: {  	[dreg:$0x6] =	wrdreg $0x9  }
0xb3: {  	_ =	task.clear_ibuf [dreg:s7], $0x7FFFF;
	_ =	strace $0x90000055  }
0xb4: {  	s29 =	simm.s32 $0x9;
	_ =	strace $0x80000057  }
0xb5: {  	_ =	swait.ge [sflag:s29], $0x1  }
0xb6: {  	[sflag:s29] =	ssyncadd.s32 $0xFFFFFFFF  }
0xb7: {  	_ =	strace $0x90000057  }
0xb8: {  	_ =	sfence  }
0xb9: {  	s30 =	sld [smem:$0x0];
	_ =	sdelay $0x2  }
0xba: {  	s31 =	sshll.u32 s1, $0xD;
	s1 =	sshrl.u32 s1, $0x2  }
0xbb: {  	s3 =	sand.u32 $0x4000, s31;
	s1 =	sadd.s32 s1, s30  }
0xbc: {  	s0 =	sor.u32 s3, s0;
	s1 =	sshll.u32 s1, $0x11  }
0xbd: {  	s0 =	sor.u32 s1, s0  }
0xbe: {  	s0 =	sadd.s32 $0x8F2B, s0  }
0xbf: {  	[sflag:s0] =	ssyncadd.remote.s32 $0x1  }
0xc0: {  	_ =	sfence.sel $0xFFFF  }
0xc1: {  	[dreg:$0x0] =	wrdreg $0xFFFFFFFF;
	(pc) =	sbr.abs _section_cstart, $3  }
0xc2: {  	[dreg:$0x1] =	wrdreg $0xFFFFFFFF  }
0xc3: {  	_ =	task.clear_ibuf [dreg:s7], $0x2FFFF;
	_ =	strace $0x9FFFFFFF  }
0xc4: {  	(tm) =	ssettm $0x7FFFFFFF  }
0xc5: {  	_ =	shalt  }
tec
execute0_lowered:
.L_overlay_start_1:
0x0: {  	(tag) =	ssettag $0x1  }
0x1: {  	s29 =	rddreg [dreg:$0x0]  }
0x2: {  	s11 =	rddreg [dreg:$0x1]  }
0x3: {  	s1 =	rddreg [dreg:$0x2]  }
0x4: {  	s3 =	rddreg [dreg:$0x3];
	s4 =	simm.s32 $0x0  }
0x5: {  	s2 =	stileid.u32;
	s7 =	simm.s32 $0x1A000;
	[smem:$0x7FF] =	sst s4  }
0x6: {  	s6 =	simm.s32 $0x3;
	s5 =	sadd.s32 $0x13E00, s29;
	_ =	strace $0x80000056  }
0x7: {  	[tilespmem:s7], [sflag:$0x3] =	stream.linear.gather [hbm4b:s5+s4], $0x2800, $0x38;
	[tilespmem:$0x1C800] =	vst v63  }
0x8: {  	s30 =	smul.u32 $0x2800, s2;
	_ =	swait.ge [sflag:s6], $0x2800  }
0x9: {  	[sflag:s6] =	ssyncset.done $0x0  }
0xa: {  	s8 =	sadd.s32 s30, s1;
	[sflag:s6] =	ssyncadd.s32 $0xFFFFD800  }
0xb: {  	[spmem:s8] =	stream.linear.scatter [tilespmem:s7], [sflag:$0x3], $0x2800, $0x38;
	[tilespmem:$0x1C800] =	vst v63  }
0xc: {  	s9 =	sshrl.u32 s30, $0x3;
	_ =	swait.ge [sflag:s6], $0x2800  }
0xd: {  	s9 =	sadd.s32 s9, s29;
	[sflag:s6] =	ssyncset.done $0x0  }
0xe: {  	s10 =	srdreg.scid;
	s9 =	sadd.s32 $0xEE00, s9;
	[sflag:s6] =	ssyncadd.s32 $0xFFFFD800  }
0xf: {  	[tilespmem:s7], [sflag:$0x3] =	stream.linear.gather [hbm4b:s9+s4], $0x2800, $0x38;
	[tilespmem:$0x1C800] =	vst v63  }
0x10: {  	s31 =	sand.u32 $0x1, s10;
	_ =	swait.ge [sflag:s6], $0x2800  }
0x11: {  	s10 =	sshll.u32 s31, $0x4;
	[sflag:s6] =	ssyncset.done $0x0  }
0x12: {  	s12 =	sor.u32 s2, s10;
	s10 =	sadd.s32 s30, s3;
	[sflag:s6] =	ssyncadd.s32 $0xFFFFD800  }
0x13: {  	[spmem:s10] =	stream.linear.scatter [tilespmem:s7], [sflag:$0x3], $0x2800, $0x38;
	[tilespmem:$0x1C800] =	vst v63  }
0x14: {  	s13 =	smul.u32 $0x500, s12;
	_ =	swait.ge [sflag:s6], $0x2800  }
0x15: {  	[sflag:s6] =	ssyncset.done $0x0  }
0x16: {  	s12 =	simm.s32 $0x5000;
	s11 =	sadd.s32 s11, s13;
	[sflag:s6] =	ssyncadd.s32 $0xFFFFD800  }
0x17: {  	[tilespmem:s12], [sflag:$0x3] =	stream.linear.gather [hbm4b:s11+s4], $0x2800, $0x38;
	[tilespmem:$0x1C800] =	vst v63  }
0x18: {  	_ =	swait.ge [sflag:s6], $0x2800  }
0x19: {  	s13 =	sadd.s32 s13, s29;
	[sflag:s6] =	ssyncset.done $0x0  }
0x1a: {  	s14 =	simm.s32 $0x7800;
	s13 =	sadd.s32 $0x4E00, s13;
	[sflag:s6] =	ssyncadd.s32 $0xFFFFD800  }
0x1b: {  	[tilespmem:s14], [sflag:$0x3] =	stream.linear.gather [hbm4b:s13+s4], $0x2800, $0x38;
	[tilespmem:$0x1C800] =	vst v63  }
0x1c: {  	_ =	swait.ge [sflag:s6], $0x2800  }
0x1d: {  	[sflag:s6] =	ssyncset.done $0x0  }
0x1e: {  	s15 =	simm.s32 $0x800;
	[sflag:s6] =	ssyncadd.s32 $0xFFFFD800  }
0x1f: {  	s16 =	simm.s32 $0xA000;
	s17 =	simm.s32 $0x1;
	[bflag:$0x0] =	sbarrier.arrive $0xFFFF  }
0x20: {  	[tilespmem:s16], [sflag:$0x1] =	stream.indirect.gather [spmem:s3], $0x10, s12, s15, $0xb8;
	[tilespmem:$0x1C800] =	vst v63  }
0x21: {  	_ =	swait.ge [sflag:s17], $0x8000  }
0x22: {  	[sflag:s17] =	ssyncset.done $0x0  }
0x23: {  	[sflag:s17] =	ssyncadd.s32 $0xFFFF8000  }
0x24: {  	[spmem:s1] =	stream.indirect.scatter.add.f32 [tilespmem:s16], [sflag:$0x2], $0x10, s14, s15, $0xb8;
	[tilespmem:$0x1C800] =	vst v63  }
0x25: {  	s18 =	simm.s32 $0x5800;
	s19 =	simm.s32 $0x12000  }
0x26: {  	[tilespmem:s19], [sflag:$0x1] =	stream.indirect.gather [spmem:s3], $0x10, s18, s15, $0xb8;
	[tilespmem:$0x1C800] =	vst v63  }
0x27: {  	_ =	swait.ge [sflag:s17], $0x8000  }
0x28: {  	[sflag:s17] =	ssyncset.done $0x0  }
0x29: {  	s20 =	simm.s32 $0x2;
	[sflag:s17] =	ssyncadd.s32 $0xFFFF8000  }
0x2a: {  	_ =	swait.ge [sflag:s20], $0x8000  }
0x2b: {  	[sflag:s20] =	ssyncset.done $0x0  }
0x2c: {  	s21 =	simm.s32 $0x8000;
	[sflag:s20] =	ssyncadd.s32 $0xFFFF8000  }
0x2d: {  	[spmem:s1] =	stream.indirect.scatter.add.f32 [tilespmem:s19], [sflag:$0x2], $0x10, s21, s15, $0xb8;
	[tilespmem:$0x1C800] =	vst v63  }
0x2e: {  	s22 =	simm.s32 $0x6000  }
0x2f: {  	[tilespmem:s16], [sflag:$0x1] =	stream.indirect.gather [spmem:s3], $0x10, s22, s15, $0xb8;
	[tilespmem:$0x1C800] =	vst v63  }
0x30: {  	_ =	swait.ge [sflag:s17], $0x8000  }
0x31: {  	[sflag:s17] =	ssyncset.done $0x0  }
0x32: {  	[sflag:s17] =	ssyncadd.s32 $0xFFFF8000  }
0x33: {  	_ =	swait.ge [sflag:s20], $0x8000  }
0x34: {  	[sflag:s20] =	ssyncset.done $0x0  }
0x35: {  	s23 =	simm.s32 $0x8800;
	[sflag:s20] =	ssyncadd.s32 $0xFFFF8000  }
0x36: {  	[spmem:s1] =	stream.indirect.scatter.add.f32 [tilespmem:s16], [sflag:$0x2], $0x10, s23, s15, $0xb8;
	[tilespmem:$0x1C800] =	vst v63  }
0x37: {  	s24 =	simm.s32 $0x6800  }
0x38: {  	[tilespmem:s19], [sflag:$0x1] =	stream.indirect.gather [spmem:s3], $0x10, s24, s15, $0xb8;
	[tilespmem:$0x1C800] =	vst v63  }
0x39: {  	_ =	swait.ge [sflag:s17], $0x8000  }
0x3a: {  	[sflag:s17] =	ssyncset.done $0x0  }
0x3b: {  	[sflag:s17] =	ssyncadd.s32 $0xFFFF8000  }
0x3c: {  	_ =	swait.ge [sflag:s20], $0x8000  }
0x3d: {  	[sflag:s20] =	ssyncset.done $0x0  }
0x3e: {  	s25 =	simm.s32 $0x9000;
	[sflag:s20] =	ssyncadd.s32 $0xFFFF8000  }
0x3f: {  	[spmem:s1] =	stream.indirect.scatter.add.f32 [tilespmem:s19], [sflag:$0x2], $0x10, s25, s15, $0xb8;
	[tilespmem:$0x1C800] =	vst v63  }
0x40: {  	s26 =	simm.s32 $0x7000  }
0x41: {  	[tilespmem:s16], [sflag:$0x1] =	stream.indirect.gather [spmem:s3], $0x10, s26, s15, $0xb8;
	[tilespmem:$0x1C800] =	vst v63  }
0x42: {  	_ =	swait.ge [sflag:s17], $0x8000  }
0x43: {  	[sflag:s17] =	ssyncset.done $0x0  }
0x44: {  	[sflag:s17] =	ssyncadd.s32 $0xFFFF8000  }
0x45: {  	_ =	swait.ge [sflag:s20], $0x8000  }
0x46: {  	[sflag:s20] =	ssyncset.done $0x0  }
0x47: {  	s28 =	simm.s32 $0x9800;
	s0 =	smul.u32 $0x28000, s31;
	[sflag:s20] =	ssyncadd.s32 $0xFFFF8000  }
0x48: {  	[spmem:s1] =	stream.indirect.scatter.add.f32 [tilespmem:s16], [sflag:$0x2], $0x10, s28, s15, $0xb8;
	[tilespmem:$0x1C800] =	vst v63  }
0x49: {  	s0 =	sadd.s32 s30, s0;
	s30 =	ssub.s32 $0x2, s31;
	_ =	swait.ge [sflag:s20], $0x8000  }
0x4a: {  	s31 =	sshrl.u32 s30, $0x1;
	[sflag:s20] =	ssyncset.done $0x0  }
0x4b: {  	s30 =	ssub.s32 s30, s31;
	[sflag:s20] =	ssyncadd.s32 $0xFFFF8000  }
0x4c: {  	s31 =	smax.u32 s30, $0x1;
	[bflag:$0x0] =	sbarrier.arrive $0xFFFF  }
0x4d: {  	[tilespmem:s7], [sflag:$0x3] =	stream.linear.gather [spmem:s8], $0x2800, $0x38;
	[tilespmem:$0x1C800] =	vst v63  }
0x4e: {  	s0 =	sshrl.u32 s0, $0x3;
	p0 =	sne.s32 s31, $0x1;
	_ =	swait.ge [sflag:s6], $0x2800  }
.Ltmp0:
0x4f: {  	s0 =	sadd.s32 s0, s29;
	[sflag:s6] =	ssyncset.done $0x0;
	(pc) =	sbr.rel @!p0 .LBB2_2-.Ltmp0, $4  }
0x50: {  	s29 =	sadd.s32 $0x3C400, s0;
	[sflag:s6] =	ssyncadd.s32 $0xFFFFD800  }
0x51: {  	[hbm4b:s29+s4] =	stream.linear.scatter [tilespmem:s7], [sflag:$0x3], $0x2800, $0x38;
	[tilespmem:$0x1C800] =	vst v63  }
0x52: {  	_ =	swait.ge [sflag:s6], $0x2800  }
0x53: {  	s30 =	sadd.s32 $0xFFFFFFFF, s31;
	[sflag:s6] =	ssyncset.done $0x0  }
.LBB2_1:
0x54: {  	p0 =	sne.s32 s30, $0x1;
	s30 =	sadd.s32 $0xFFFFFFFF, s30;
	[sflag:s6] =	ssyncadd.s32 $0xFFFFD800  }
0x55: {  	[tilespmem:s7], [sflag:$0x3] =	stream.linear.gather [hbm4b:s5+s4], $0x2800, $0x38;
	[tilespmem:$0x1C800] =	vst v63  }
0x56: {  	_ =	swait.ge [sflag:s6], $0x2800  }
0x57: {  	[sflag:s6] =	ssyncset.done $0x0  }
0x58: {  	[sflag:s6] =	ssyncadd.s32 $0xFFFFD800  }
0x59: {  	[spmem:s8] =	stream.linear.scatter [tilespmem:s7], [sflag:$0x3], $0x2800, $0x38;
	[tilespmem:$0x1C800] =	vst v63  }
0x5a: {  	_ =	swait.ge [sflag:s6], $0x2800  }
0x5b: {  	[sflag:s6] =	ssyncset.done $0x0  }
0x5c: {  	[sflag:s6] =	ssyncadd.s32 $0xFFFFD800  }
0x5d: {  	[tilespmem:s7], [sflag:$0x3] =	stream.linear.gather [hbm4b:s9+s4], $0x2800, $0x38;
	[tilespmem:$0x1C800] =	vst v63  }
0x5e: {  	_ =	swait.ge [sflag:s6], $0x2800  }
0x5f: {  	[sflag:s6] =	ssyncset.done $0x0  }
0x60: {  	[sflag:s6] =	ssyncadd.s32 $0xFFFFD800  }
0x61: {  	[spmem:s10] =	stream.linear.scatter [tilespmem:s7], [sflag:$0x3], $0x2800, $0x38;
	[tilespmem:$0x1C800] =	vst v63  }
0x62: {  	_ =	swait.ge [sflag:s6], $0x2800  }
0x63: {  	[sflag:s6] =	ssyncset.done $0x0  }
0x64: {  	[sflag:s6] =	ssyncadd.s32 $0xFFFFD800  }
0x65: {  	[tilespmem:s12], [sflag:$0x3] =	stream.linear.gather [hbm4b:s11+s4], $0x2800, $0x38;
	[tilespmem:$0x1C800] =	vst v63  }
0x66: {  	_ =	swait.ge [sflag:s6], $0x2800  }
0x67: {  	[sflag:s6] =	ssyncset.done $0x0  }
0x68: {  	[sflag:s6] =	ssyncadd.s32 $0xFFFFD800  }
0x69: {  	[tilespmem:s14], [sflag:$0x3] =	stream.linear.gather [hbm4b:s13+s4], $0x2800, $0x38;
	[tilespmem:$0x1C800] =	vst v63  }
0x6a: {  	_ =	swait.ge [sflag:s6], $0x2800  }
0x6b: {  	[sflag:s6] =	ssyncset.done $0x0  }
0x6c: {  	[sflag:s6] =	ssyncadd.s32 $0xFFFFD800  }
0x6d: {  	[bflag:$0x0] =	sbarrier.arrive $0xFFFF  }
0x6e: {  	[tilespmem:s16], [sflag:$0x1] =	stream.indirect.gather [spmem:s3], $0x10, s12, s15, $0xb8;
	[tilespmem:$0x1C800] =	vst v63  }
0x6f: {  	_ =	swait.ge [sflag:s17], $0x8000  }
0x70: {  	[sflag:s17] =	ssyncset.done $0x0  }
0x71: {  	[sflag:s17] =	ssyncadd.s32 $0xFFFF8000  }
0x72: {  	[spmem:s1] =	stream.indirect.scatter.add.f32 [tilespmem:s16], [sflag:$0x2], $0x10, s14, s15, $0xb8;
	[tilespmem:$0x1C800] =	vst v63  }
0x73: {  	_ = 	snop  }
0x74: {  	[tilespmem:s19], [sflag:$0x1] =	stream.indirect.gather [spmem:s3], $0x10, s18, s15, $0xb8;
	[tilespmem:$0x1C800] =	vst v63  }
0x75: {  	_ =	swait.ge [sflag:s17], $0x8000  }
0x76: {  	[sflag:s17] =	ssyncset.done $0x0  }
0x77: {  	[sflag:s17] =	ssyncadd.s32 $0xFFFF8000  }
0x78: {  	_ =	swait.ge [sflag:s20], $0x8000  }
0x79: {  	[sflag:s20] =	ssyncset.done $0x0  }
0x7a: {  	[sflag:s20] =	ssyncadd.s32 $0xFFFF8000  }
0x7b: {  	[spmem:s1] =	stream.indirect.scatter.add.f32 [tilespmem:s19], [sflag:$0x2], $0x10, s21, s15, $0xb8;
	[tilespmem:$0x1C800] =	vst v63  }
0x7c: {  	_ = 	snop  }
0x7d: {  	[tilespmem:s16], [sflag:$0x1] =	stream.indirect.gather [spmem:s3], $0x10, s22, s15, $0xb8;
	[tilespmem:$0x1C800] =	vst v63  }
0x7e: {  	_ =	swait.ge [sflag:s17], $0x8000  }
0x7f: {  	[sflag:s17] =	ssyncset.done $0x0  }
0x80: {  	[sflag:s17] =	ssyncadd.s32 $0xFFFF8000  }
0x81: {  	_ =	swait.ge [sflag:s20], $0x8000  }
0x82: {  	[sflag:s20] =	ssyncset.done $0x0  }
0x83: {  	[sflag:s20] =	ssyncadd.s32 $0xFFFF8000  }
0x84: {  	[spmem:s1] =	stream.indirect.scatter.add.f32 [tilespmem:s16], [sflag:$0x2], $0x10, s23, s15, $0xb8;
	[tilespmem:$0x1C800] =	vst v63  }
0x85: {  	_ = 	snop  }
0x86: {  	[tilespmem:s19], [sflag:$0x1] =	stream.indirect.gather [spmem:s3], $0x10, s24, s15, $0xb8;
	[tilespmem:$0x1C800] =	vst v63  }
0x87: {  	_ =	swait.ge [sflag:s17], $0x8000  }
0x88: {  	[sflag:s17] =	ssyncset.done $0x0  }
0x89: {  	[sflag:s17] =	ssyncadd.s32 $0xFFFF8000  }
0x8a: {  	_ =	swait.ge [sflag:s20], $0x8000  }
0x8b: {  	[sflag:s20] =	ssyncset.done $0x0  }
0x8c: {  	[sflag:s20] =	ssyncadd.s32 $0xFFFF8000  }
0x8d: {  	[spmem:s1] =	stream.indirect.scatter.add.f32 [tilespmem:s19], [sflag:$0x2], $0x10, s25, s15, $0xb8;
	[tilespmem:$0x1C800] =	vst v63  }
0x8e: {  	_ = 	snop  }
0x8f: {  	[tilespmem:s16], [sflag:$0x1] =	stream.indirect.gather [spmem:s3], $0x10, s26, s15, $0xb8;
	[tilespmem:$0x1C800] =	vst v63  }
0x90: {  	_ =	swait.ge [sflag:s17], $0x8000  }
0x91: {  	[sflag:s17] =	ssyncset.done $0x0  }
0x92: {  	[sflag:s17] =	ssyncadd.s32 $0xFFFF8000  }
0x93: {  	_ =	swait.ge [sflag:s20], $0x8000  }
0x94: {  	[sflag:s20] =	ssyncset.done $0x0  }
0x95: {  	[sflag:s20] =	ssyncadd.s32 $0xFFFF8000  }
0x96: {  	[spmem:s1] =	stream.indirect.scatter.add.f32 [tilespmem:s16], [sflag:$0x2], $0x10, s28, s15, $0xb8;
	[tilespmem:$0x1C800] =	vst v63  }
0x97: {  	_ =	swait.ge [sflag:s20], $0x8000  }
0x98: {  	[sflag:s20] =	ssyncset.done $0x0  }
0x99: {  	[sflag:s20] =	ssyncadd.s32 $0xFFFF8000  }
0x9a: {  	[bflag:$0x0] =	sbarrier.arrive $0xFFFF  }
0x9b: {  	[tilespmem:s7], [sflag:$0x3] =	stream.linear.gather [spmem:s8], $0x2800, $0x38;
	[tilespmem:$0x1C800] =	vst v63  }
0x9c: {  	_ =	swait.ge [sflag:s6], $0x2800  }
.Ltmp1:
0x9d: {  	[sflag:s6] =	ssyncset.done $0x0;
	(pc) =	sbr.rel @p0 .LBB2_1-.Ltmp1, $4  }
0x9e: {  	[sflag:s6] =	ssyncadd.s32 $0xFFFFD800  }
0x9f: {  	[hbm4b:s29+s4] =	stream.linear.scatter [tilespmem:s7], [sflag:$0x3], $0x2800, $0x38;
	[tilespmem:$0x1C800] =	vst v63  }
0xa0: {  	_ =	swait.ge [sflag:s6], $0x2800  }
0xa1: {  	[sflag:s6] =	ssyncset.done $0x0  }
.LBB2_2:
0xa2: {  	[sflag:s6] =	ssyncadd.s32 $0xFFFFD800  }
0xa3: {  	_ =	sfence.sel $0x180000  }
0xa4: {  	[bflag:$0x0] =	sbarrier.arrive $0xFFFF  }
0xa5: {  	_ =	strace $0x90000056  }
0xa6: {  	[bflag:$0x2] =	sbarrier.arrive $0xFFFF  }
0xa7: {  	p0 =	sne.s32 s2, $0x0;
	s0 =	rddreg [dreg:$0x4]  }
0xa8: {  	s0 =	sadd.s32 @!p0 $0x100000, s0  }
0xa9: {  	[sflag:s0] =	ssyncadd.tile.s32 @!p0 $0x1;
	_ =	shalt  }
.Lfunc_end2:
_tile_overlayer_lowered:
.L_overlay_start_2:
0xaa: {  	(tag) =	ssettag $0x2  }
0xab: {  	s0 =	rddreg [dreg:$0x0];
	s2 =	stileid.u32  }
0xac: {  	s1 =	rddreg [dreg:$0x1];
	p0 =	sne.s32 s2, $0x0  }
0xad: {  	s3 =	rddreg [dreg:$0x2];
	[bflag:$0x3] =	sbarrier.arrive $0xFFFF;
	s2 =	simm.s32 @!p0 $0x1C03  }
0xae: {  	[timem:s3], [sflag:s2] =	dma.local @!p0 [hbm:s0], s1  }
0xaf: {  	s0 =	simm.s32 @!p0 $0x3  }
0xb0: {  	_ =	swait.ge @!p0 [sflag:s0], s1  }
0xb1: {  	s1 =	ssub.s32 @!p0 $0x0, s1;
	[sflag:s0] =	ssyncset.done @!p0 $0x0  }
0xb2: {  	[sflag:s0] =	ssyncadd.s32 @!p0 s1  }
0xb3: {  	[bflag:$0x3] =	sbarrier.arrive $0xFFFF  }
0xb4: {  	_ =	shalt  }

// kernel: kernel.34.cloned.1.call-start
scs
__scs_entry_jumppad:
0x0: {  	(pc) =	sbr.rel $0x88, $3  }
0x1: {  	(tag) =	ssettag $0x0;
	lr =	simm.s32 $0x1  }
0x2: {  	[smem:$0x3F91] =	sst lr;
	_ =	strace $0xD0000000  }
0x3: {  	_ = 	snop  }
0x4: {  	_ = 	snop  }
0x5: {  	_ = 	snop  }
0x6: {  	_ = 	snop  }
0x7: {  	_ = 	snop  }
__scs_overlays_trampoline_lowered:
0x8: {  	[smem:$0x3FA0] =	sst s0  }
0x9: {  	[smem:$0x3FA1] =	sst s1  }
0xa: {  	[smem:$0x3FA2] =	sst s2  }
0xb: {  	[smem:$0x3FA3] =	sst s3  }
0xc: {  	[smem:$0x3FA4] =	sst s4  }
0xd: {  	[smem:$0x3FA5] =	sst s5  }
0xe: {  	[smem:$0x3FA6] =	sst s6  }
0xf: {  	[smem:$0x3FA7] =	sst s7  }
0x10: {  	[smem:$0x3FA8] =	sst s8  }
0x11: {  	[smem:$0x3FA9] =	sst s9;
	s0 =	simm.s32 @!p0 $0x0  }
0x12: {  	s1 =	sld [smem:$0x3F8F];
	s0 =	simm.s32 @p0 $0x1  }
0x13: {  	[smem:$0x3FAA] =	sst s0;
	s0 =	simm.s32 @!p1 $0x0  }
0x14: {  	s2 =	sld [smem:$0x3F8E];
	s0 =	simm.s32 @p1 $0x1  }
0x15: {  	[smem:$0x3FAB] =	sst s0;
	s0 =	simm.s32 @!p2 $0x0  }
0x16: {  	s3 =	sld [smem:$0x3FDB];
	s0 =	simm.s32 @p2 $0x1  }
0x17: {  	s4 =	simm.s32 $0x1BF5;
	[smem:$0x3FAD] =	sst s0  }
0x18: {  	s0 =	sld [smem:$0x3F90];
	_ =	swait.ge [sflag:s4], $0x0  }
0x19: {  	s7 =	sld [smem:$0x3F91]  }
0x1a: {  	s8 =	sadd.s32 $0xFFFFE003, lr  }
0x1b: {  	s9 =	sadd.s32 $0xFFFFFEF7, lr;
	s5 =	simm.s32 $0xFFFFFFFF;
	p2 =	slt.u32 s8, $0xFFFFF086  }
0x1c: {  	p1 =	slt.u32 s9, $0xF7A;
	s5 =	simm.s32 @!p2 $0x0  }
0x1d: {  	s5 =	simm.s32 @p1 $0x1;
	p0 =	seq.s32 s7, s2  }
0x1e: {  	s7 =	smul.u32 @!p0 $0xF7A, s2;
	p2 =	seq.s32 @!p0 s5, $0x0  }
0x1f: {  	s9 =	smul.u32 $0xF7A, s1;
	s8 =	simm.s32 @!p0 $0x1BF5;
	p2 =	por !p2, p0  }
0x20: {  	[sflag:s8] =	ssyncset.s32 @!p0 $0xFFFFF086;
	s6 =	sadd.s32 @!p0 s3, s7;
	s7 =	simm.s32 @!p0 $0x108  }
0x21: {  	s3 =	sadd.s32 s3, s9;
	s6 =	sadd.s32 @!p0 $0x88, s6;
	s7 =	simm.s32 @p2 $0x1082  }
0x22: {  	[simem:s7], [sflag:s8] =	dma.local @!p0 [hbm:s6], $0xF7A  }
0x23: {  	s9 =	sor.u32 $0xD0000000, s2;
	s6 =	simm.s32 $0x108;
	_ =	swait.ge @!p0 [sflag:s8], $0x0  }
0x24: {  	s3 =	sadd.s32 $0x88, s3;
	s6 =	simm.s32 @!p1 $0x1082;
	[sflag:s4] =	ssyncset.s32 $0xFFFFF086  }
0x25: {  	[simem:s6], [sflag:s4] =	dma.local [hbm:s3], $0xF7A  }
0x26: {  	[smem:$0x3F91] =	sst s1;
	(tag) =	ssettag s2;
	_ =	strace s9  }
0x27: {  	s1 =	sld [smem:$0x3FA1]  }
0x28: {  	s2 =	sld [smem:$0x3FA2]  }
0x29: {  	s4 =	sld [smem:$0x3FA4]  }
0x2a: {  	p0 =	seq.s32 s5, $0x0;
	s5 =	sld [smem:$0x3FA5]  }
0x2b: {  	s6 =	sld [smem:$0x3FA6]  }
0x2c: {  	s7 =	sld [smem:$0x3FA7]  }
0x2d: {  	s3 =	simm.s32 $0x108;
	s8 =	sld [smem:$0x3FA8]  }
0x2e: {  	s3 =	simm.s32 @!p0 $0x1082;
	s9 =	sld [smem:$0x3FA9]  }
0x2f: {  	lr =	sadd.s32 s0, s3;
	s0 =	sld [smem:$0x3FA0]  }
0x30: {  	s3 =	sld [smem:$0x3FA3]  }
0x31: {  	[smem:$0x3FAC] =	sst s10  }
0x32: {  	s10 =	sld [smem:$0x3FAA];
	_ =	sdelay $0x3  }
0x33: {  	p0 =	seq.s32 s10, $0x1;
	s10 =	sld [smem:$0x3FAC];
	_ =	sdelay $0x3  }
0x34: {  	[smem:$0x3FAC] =	sst s10  }
0x35: {  	s10 =	sld [smem:$0x3FAB];
	_ =	sdelay $0x3  }
0x36: {  	p1 =	seq.s32 s10, $0x1;
	s10 =	sld [smem:$0x3FAC];
	_ =	sdelay $0x3  }
0x37: {  	[smem:$0x3FAC] =	sst s10  }
0x38: {  	s10 =	sld [smem:$0x3FAD]  }
0x39: {  	_ = 	snop;
	(pc) =	sbr.ind lr, $3  }
0x3a: {  	_ = 	snop  }
0x3b: {  	_ = 	snop  }
0x3c: {  	p2 =	seq.s32 s10, $0x1;
	s10 =	sld [smem:$0x3FAC]  }
0x3d: {  	_ =	shalt  }
0x3e: {  	_ =	shalt  }
0x3f: {  	_ =	shalt  }
0x40: {  	_ =	shalt  }
0x41: {  	_ =	shalt  }
0x42: {  	_ =	shalt  }
0x43: {  	_ =	shalt  }
0x44: {  	_ =	shalt  }
0x45: {  	_ =	shalt  }
0x46: {  	_ =	shalt  }
0x47: {  	_ =	shalt  }
0x48: {  	_ =	shalt  }
0x49: {  	_ =	shalt  }
0x4a: {  	_ =	shalt  }
0x4b: {  	_ =	shalt  }
0x4c: {  	_ =	shalt  }
0x4d: {  	_ =	shalt  }
0x4e: {  	_ =	shalt  }
0x4f: {  	_ =	shalt  }
0x50: {  	_ =	shalt  }
0x51: {  	_ =	shalt  }
0x52: {  	_ =	shalt  }
0x53: {  	_ =	shalt  }
0x54: {  	_ =	shalt  }
0x55: {  	_ =	shalt  }
0x56: {  	_ =	shalt  }
0x57: {  	_ =	shalt  }
0x58: {  	_ =	shalt  }
0x59: {  	_ =	shalt  }
0x5a: {  	_ =	shalt  }
0x5b: {  	_ =	shalt  }
0x5c: {  	_ =	shalt  }
0x5d: {  	_ =	shalt  }
0x5e: {  	_ =	shalt  }
0x5f: {  	_ =	shalt  }
0x60: {  	_ =	shalt  }
0x61: {  	_ =	shalt  }
0x62: {  	_ =	shalt  }
0x63: {  	_ =	shalt  }
0x64: {  	_ =	shalt  }
0x65: {  	_ =	shalt  }
0x66: {  	_ =	shalt  }
0x67: {  	_ =	shalt  }
0x68: {  	_ =	shalt  }
0x69: {  	_ =	shalt  }
0x6a: {  	_ =	shalt  }
0x6b: {  	_ =	shalt  }
0x6c: {  	_ =	shalt  }
0x6d: {  	_ =	shalt  }
0x6e: {  	_ =	shalt  }
0x6f: {  	_ =	shalt  }
0x70: {  	_ =	shalt  }
0x71: {  	_ =	shalt  }
0x72: {  	_ =	shalt  }
0x73: {  	_ =	shalt  }
0x74: {  	_ =	shalt  }
0x75: {  	_ =	shalt  }
0x76: {  	_ =	shalt  }
0x77: {  	_ =	shalt  }
0x78: {  	_ =	shalt  }
0x79: {  	_ =	shalt  }
0x7a: {  	_ =	shalt  }
0x7b: {  	_ =	shalt  }
0x7c: {  	_ =	shalt  }
0x7d: {  	_ =	shalt  }
0x7e: {  	_ =	shalt  }
0x7f: {  	_ =	shalt  }
0x80: {  	_ =	shalt  }
0x81: {  	_ =	shalt  }
0x82: {  	_ =	shalt  }
0x83: {  	_ =	shalt  }
0x84: {  	_ =	shalt  }
0x85: {  	_ =	shalt  }
0x86: {  	_ =	shalt  }
0x87: {  	_ =	shalt  }
.Lfunc_end0:
.L_simem_size_0:
called_computation.6_lowered:
.L_overlay_start_0:
0x88: {  	s2 =	sld [smem:$0x3FD9]  }
0x89: {  	s3 =	sld [smem:$0x3FFE];
	_ =	sdelay $0x1  }
0x8a: {  	s1 =	srdreg.scid  }
0x8b: {  	s0 =	sand.u32 $0x1, s1  }
0x8c: {  	s17 =	sshll.u32 s0, $0xA;
	s2 =	sadd.s32 s3, s2  }
0x8d: {  	s2 =	sadd.s32 s2, s17  }
0x8e: {  	[smem:$0x3FB8] =	sst s2  }
0x8f: {  	_ = 	snop  }
0x90: {  	s2 =	sld [smem:$0x3FD0];
	(tm) =	ssettm $0x1  }
0x91: {  	s18 =	sld [smem:$0x3FFB];
	_ =	sdelay $0x3  }
0x92: {  	_ =	strace s18  }
0x93: {  	s3 =	sld [smem:$0x3FFC];
	_ =	sdelay $0x3  }
0x94: {  	_ =	strace s3  }
0x95: {  	s3 =	sld [smem:$0x3FFD];
	_ =	sdelay $0x3  }
0x96: {  	_ =	strace s3  }
0x97: {  	_ =	strace $0x8FFFFFFF  }
0x98: {  	s19 =	sld [smem:$0x3FDB];
	_ =	sdelay $0x1  }
0x99: {  	s4 =	simm.s32 $_scs_section_size  }
0x9a: {  	s5 =	simm.s32 $_size__tile_overlayer_lowered;
	s6 =	simm.s32 $_tile_overlayer_lowered  }
0x9b: {  	s22 =	simm.s32 $0x1BFF;
	s21 =	sshll.u32 s6, $0x1;
	s3 =	sadd.s32 s4, s19  }
0x9c: {  	s7 =	simm.s32 $0x0;
	s20 =	sshll.u32 s5, $0x1;
	s5 =	sadd.s32 s21, s3  }
0x9d: {  	[timem:s7], [sflag:s22] =	dma.local [hbm:s5], s20  }
0x9e: {  	_ =	swait.ge [sflag:s22], s20  }
0x9f: {  	s4 =	ssub.s32 $0x0, s20;
	[sflag:s22] =	ssyncset.done $0x0  }
0xa0: {  	[sflag:s22] =	ssyncadd.s32 s4;
	_ =	sdelay $0x1  }
0xa1: {  	s23 =	simm.s32 $0x1B8B  }
0xa2: {  	_ =	swait.ge [sflag:s23], $0x1  }
0xa3: {  	[sflag:s23] =	ssyncset.done $0x0  }
0xa4: {  	s25 =	simm.s32 $0x1B8E;
	s24 =	sld [smem:$0x3FFE];
	[sflag:s23] =	ssyncadd.s32 $0xFFFFFFFF  }
0xa5: {  	s26 =	simm.s32 $execute0_lowered;
	[smem:$0x3FD2] =	sst s25  }
0xa6: {  	s5 =	sshll.u32 s26, $0x1;
	_ =	strace $0x80000058;
	[dreg:$0x1] =	wrdreg $0xFFFFFFFF  }
0xa7: {  	s28 =	simm.s32 $_size_execute0_lowered;
	s3 =	sadd.s32 s3, s5;
	[dreg:$0x0] =	wrdreg $0x0  }
0xa8: {  	s5 =	sshll.u32 s28, $0x1;
	[dreg:$0x2] =	wrdreg s3  }
0xa9: {  	[dreg:$0x3] =	wrdreg s5  }
0xaa: {  	[dreg:$0x4] =	wrdreg $0xC0  }
0xab: {  	_ =	task [dreg:s7], $0x5FFFF  }
0xac: {  	[dreg:$0x1] =	wrdreg $0xFFFFFFFF  }
0xad: {  	[dreg:$0x0] =	wrdreg $0x60  }
0xae: {  	[dreg:$0x2] =	wrdreg s24  }
0xaf: {  	[dreg:$0x3] =	wrdreg s2  }
0xb0: {  	[dreg:$0x4] =	wrdreg $0x0  }
0xb1: {  	[dreg:$0x5] =	wrdreg $0x28000  }
0xb2: {  	[dreg:$0x6] =	wrdreg $0x9  }
0xb3: {  	_ =	task.clear_ibuf [dreg:s7], $0x7FFFF;
	_ =	strace $0x90000058  }
0xb4: {  	s29 =	simm.s32 $0x9;
	_ =	strace $0x8000005A  }
0xb5: {  	_ =	swait.ge [sflag:s29], $0x1  }
0xb6: {  	[sflag:s29] =	ssyncadd.s32 $0xFFFFFFFF  }
0xb7: {  	_ =	strace $0x9000005A  }
0xb8: {  	_ =	sfence  }
0xb9: {  	s30 =	sld [smem:$0x0];
	_ =	sdelay $0x2  }
0xba: {  	s31 =	sshll.u32 s1, $0xD;
	s1 =	sshrl.u32 s1, $0x2  }
0xbb: {  	s3 =	sand.u32 $0x4000, s31;
	s1 =	sadd.s32 s1, s30  }
0xbc: {  	s0 =	sor.u32 s3, s0;
	s1 =	sshll.u32 s1, $0x11  }
0xbd: {  	s0 =	sor.u32 s1, s0  }
0xbe: {  	s0 =	sadd.s32 $0x8F2B, s0  }
0xbf: {  	[sflag:s0] =	ssyncadd.remote.s32 $0x1  }
0xc0: {  	_ =	sfence.sel $0xFFFF  }
0xc1: {  	[dreg:$0x0] =	wrdreg $0xFFFFFFFF;
	(pc) =	sbr.abs _section_cstart, $3  }
0xc2: {  	[dreg:$0x1] =	wrdreg $0xFFFFFFFF  }
0xc3: {  	_ =	task.clear_ibuf [dreg:s7], $0x2FFFF;
	_ =	strace $0x9FFFFFFF  }
0xc4: {  	(tm) =	ssettm $0x7FFFFFFF  }
0xc5: {  	_ =	shalt  }
tec
execute0_lowered:
.L_overlay_start_1:
0x0: {  	(tag) =	ssettag $0x1  }
0x1: {  	s29 =	rddreg [dreg:$0x0]  }
0x2: {  	s11 =	rddreg [dreg:$0x1]  }
0x3: {  	s1 =	rddreg [dreg:$0x2]  }
0x4: {  	s3 =	rddreg [dreg:$0x3];
	s4 =	simm.s32 $0x0  }
0x5: {  	s2 =	stileid.u32;
	s7 =	simm.s32 $0x1A000;
	[smem:$0x7FF] =	sst s4  }
0x6: {  	s6 =	simm.s32 $0x3;
	s5 =	sadd.s32 $0x13E00, s29;
	_ =	strace $0x80000059  }
0x7: {  	[tilespmem:s7], [sflag:$0x3] =	stream.linear.gather [hbm4b:s5+s4], $0x2800, $0x38;
	[tilespmem:$0x1C800] =	vst v63  }
0x8: {  	s30 =	smul.u32 $0x2800, s2;
	_ =	swait.ge [sflag:s6], $0x2800  }
0x9: {  	[sflag:s6] =	ssyncset.done $0x0  }
0xa: {  	s8 =	sadd.s32 s30, s1;
	[sflag:s6] =	ssyncadd.s32 $0xFFFFD800  }
0xb: {  	[spmem:s8] =	stream.linear.scatter [tilespmem:s7], [sflag:$0x3], $0x2800, $0x38;
	[tilespmem:$0x1C800] =	vst v63  }
0xc: {  	s9 =	sshrl.u32 s30, $0x3;
	_ =	swait.ge [sflag:s6], $0x2800  }
0xd: {  	s9 =	sadd.s32 s9, s29;
	[sflag:s6] =	ssyncset.done $0x0  }
0xe: {  	s10 =	srdreg.scid;
	s9 =	sadd.s32 $0xEE00, s9;
	[sflag:s6] =	ssyncadd.s32 $0xFFFFD800  }
0xf: {  	[tilespmem:s7], [sflag:$0x3] =	stream.linear.gather [hbm4b:s9+s4], $0x2800, $0x38;
	[tilespmem:$0x1C800] =	vst v63  }
0x10: {  	s31 =	sand.u32 $0x1, s10;
	_ =	swait.ge [sflag:s6], $0x2800  }
0x11: {  	s10 =	sshll.u32 s31, $0x4;
	[sflag:s6] =	ssyncset.done $0x0  }
0x12: {  	s12 =	sor.u32 s2, s10;
	s10 =	sadd.s32 s30, s3;
	[sflag:s6] =	ssyncadd.s32 $0xFFFFD800  }
0x13: {  	[spmem:s10] =	stream.linear.scatter [tilespmem:s7], [sflag:$0x3], $0x2800, $0x38;
	[tilespmem:$0x1C800] =	vst v63  }
0x14: {  	s13 =	smul.u32 $0x500, s12;
	_ =	swait.ge [sflag:s6], $0x2800  }
0x15: {  	[sflag:s6] =	ssyncset.done $0x0  }
0x16: {  	s12 =	simm.s32 $0x5000;
	s11 =	sadd.s32 s11, s13;
	[sflag:s6] =	ssyncadd.s32 $0xFFFFD800  }
0x17: {  	[tilespmem:s12], [sflag:$0x3] =	stream.linear.gather [hbm4b:s11+s4], $0x2800, $0x38;
	[tilespmem:$0x1C800] =	vst v63  }
0x18: {  	_ =	swait.ge [sflag:s6], $0x2800  }
0x19: {  	s13 =	sadd.s32 s13, s29;
	[sflag:s6] =	ssyncset.done $0x0  }
0x1a: {  	s14 =	simm.s32 $0x7800;
	s13 =	sadd.s32 $0x4E00, s13;
	[sflag:s6] =	ssyncadd.s32 $0xFFFFD800  }
0x1b: {  	[tilespmem:s14], [sflag:$0x3] =	stream.linear.gather [hbm4b:s13+s4], $0x2800, $0x38;
	[tilespmem:$0x1C800] =	vst v63  }
0x1c: {  	_ =	swait.ge [sflag:s6], $0x2800  }
0x1d: {  	[sflag:s6] =	ssyncset.done $0x0  }
0x1e: {  	s15 =	simm.s32 $0x800;
	[sflag:s6] =	ssyncadd.s32 $0xFFFFD800  }
0x1f: {  	s16 =	simm.s32 $0xA000;
	s17 =	simm.s32 $0x1;
	[bflag:$0x0] =	sbarrier.arrive $0xFFFF  }
0x20: {  	[tilespmem:s16], [sflag:$0x1] =	stream.indirect.gather [spmem:s3], $0x10, s12, s15, $0xb8;
	[tilespmem:$0x1C800] =	vst v63  }
0x21: {  	_ =	swait.ge [sflag:s17], $0x8000  }
0x22: {  	[sflag:s17] =	ssyncset.done $0x0  }
0x23: {  	[sflag:s17] =	ssyncadd.s32 $0xFFFF8000  }
0x24: {  	[spmem:s1] =	stream.indirect.scatter.add.f32 [tilespmem:s16], [sflag:$0x2], $0x10, s14, s15, $0xb8;
	[tilespmem:$0x1C800] =	vst v63  }
0x25: {  	s18 =	simm.s32 $0x5800;
	s19 =	simm.s32 $0x12000  }
0x26: {  	[tilespmem:s19], [sflag:$0x1] =	stream.indirect.gather [spmem:s3], $0x10, s18, s15, $0xb8;
	[tilespmem:$0x1C800] =	vst v63  }
0x27: {  	_ =	swait.ge [sflag:s17], $0x8000  }
0x28: {  	[sflag:s17] =	ssyncset.done $0x0  }
0x29: {  	s20 =	simm.s32 $0x2;
	[sflag:s17] =	ssyncadd.s32 $0xFFFF8000  }
0x2a: {  	_ =	swait.ge [sflag:s20], $0x8000  }
0x2b: {  	[sflag:s20] =	ssyncset.done $0x0  }
0x2c: {  	s21 =	simm.s32 $0x8000;
	[sflag:s20] =	ssyncadd.s32 $0xFFFF8000  }
0x2d: {  	[spmem:s1] =	stream.indirect.scatter.add.f32 [tilespmem:s19], [sflag:$0x2], $0x10, s21, s15, $0xb8;
	[tilespmem:$0x1C800] =	vst v63  }
0x2e: {  	s22 =	simm.s32 $0x6000  }
0x2f: {  	[tilespmem:s16], [sflag:$0x1] =	stream.indirect.gather [spmem:s3], $0x10, s22, s15, $0xb8;
	[tilespmem:$0x1C800] =	vst v63  }
0x30: {  	_ =	swait.ge [sflag:s17], $0x8000  }
0x31: {  	[sflag:s17] =	ssyncset.done $0x0  }
0x32: {  	[sflag:s17] =	ssyncadd.s32 $0xFFFF8000  }
0x33: {  	_ =	swait.ge [sflag:s20], $0x8000  }
0x34: {  	[sflag:s20] =	ssyncset.done $0x0  }
0x35: {  	s23 =	simm.s32 $0x8800;
	[sflag:s20] =	ssyncadd.s32 $0xFFFF8000  }
0x36: {  	[spmem:s1] =	stream.indirect.scatter.add.f32 [tilespmem:s16], [sflag:$0x2], $0x10, s23, s15, $0xb8;
	[tilespmem:$0x1C800] =	vst v63  }
0x37: {  	s24 =	simm.s32 $0x6800  }
0x38: {  	[tilespmem:s19], [sflag:$0x1] =	stream.indirect.gather [spmem:s3], $0x10, s24, s15, $0xb8;
	[tilespmem:$0x1C800] =	vst v63  }
0x39: {  	_ =	swait.ge [sflag:s17], $0x8000  }
0x3a: {  	[sflag:s17] =	ssyncset.done $0x0  }
0x3b: {  	[sflag:s17] =	ssyncadd.s32 $0xFFFF8000  }
0x3c: {  	_ =	swait.ge [sflag:s20], $0x8000  }
0x3d: {  	[sflag:s20] =	ssyncset.done $0x0  }
0x3e: {  	s25 =	simm.s32 $0x9000;
	[sflag:s20] =	ssyncadd.s32 $0xFFFF8000  }
0x3f: {  	[spmem:s1] =	stream.indirect.scatter.add.f32 [tilespmem:s19], [sflag:$0x2], $0x10, s25, s15, $0xb8;
	[tilespmem:$0x1C800] =	vst v63  }
0x40: {  	s26 =	simm.s32 $0x7000  }
0x41: {  	[tilespmem:s16], [sflag:$0x1] =	stream.indirect.gather [spmem:s3], $0x10, s26, s15, $0xb8;
	[tilespmem:$0x1C800] =	vst v63  }
0x42: {  	_ =	swait.ge [sflag:s17], $0x8000  }
0x43: {  	[sflag:s17] =	ssyncset.done $0x0  }
0x44: {  	[sflag:s17] =	ssyncadd.s32 $0xFFFF8000  }
0x45: {  	_ =	swait.ge [sflag:s20], $0x8000  }
0x46: {  	[sflag:s20] =	ssyncset.done $0x0  }
0x47: {  	s28 =	simm.s32 $0x9800;
	s0 =	smul.u32 $0x28000, s31;
	[sflag:s20] =	ssyncadd.s32 $0xFFFF8000  }
0x48: {  	[spmem:s1] =	stream.indirect.scatter.add.f32 [tilespmem:s16], [sflag:$0x2], $0x10, s28, s15, $0xb8;
	[tilespmem:$0x1C800] =	vst v63  }
0x49: {  	s0 =	sadd.s32 s30, s0;
	s30 =	ssub.s32 $0x2, s31;
	_ =	swait.ge [sflag:s20], $0x8000  }
0x4a: {  	s31 =	sshrl.u32 s30, $0x1;
	[sflag:s20] =	ssyncset.done $0x0  }
0x4b: {  	s30 =	ssub.s32 s30, s31;
	[sflag:s20] =	ssyncadd.s32 $0xFFFF8000  }
0x4c: {  	s31 =	smax.u32 s30, $0x1;
	[bflag:$0x0] =	sbarrier.arrive $0xFFFF  }
0x4d: {  	[tilespmem:s7], [sflag:$0x3] =	stream.linear.gather [spmem:s8], $0x2800, $0x38;
	[tilespmem:$0x1C800] =	vst v63  }
0x4e: {  	s0 =	sshrl.u32 s0, $0x3;
	p0 =	sne.s32 s31, $0x1;
	_ =	swait.ge [sflag:s6], $0x2800  }
.Ltmp0:
0x4f: {  	s0 =	sadd.s32 s0, s29;
	[sflag:s6] =	ssyncset.done $0x0;
	(pc) =	sbr.rel @!p0 .LBB2_2-.Ltmp0, $4  }
0x50: {  	s29 =	sadd.s32 $0x14400, s0;
	[sflag:s6] =	ssyncadd.s32 $0xFFFFD800  }
0x51: {  	[hbm4b:s29+s4] =	stream.linear.scatter [tilespmem:s7], [sflag:$0x3], $0x2800, $0x38;
	[tilespmem:$0x1C800] =	vst v63  }
0x52: {  	_ =	swait.ge [sflag:s6], $0x2800  }
0x53: {  	s30 =	sadd.s32 $0xFFFFFFFF, s31;
	[sflag:s6] =	ssyncset.done $0x0  }
.LBB2_1:
0x54: {  	p0 =	sne.s32 s30, $0x1;
	s30 =	sadd.s32 $0xFFFFFFFF, s30;
	[sflag:s6] =	ssyncadd.s32 $0xFFFFD800  }
0x55: {  	[tilespmem:s7], [sflag:$0x3] =	stream.linear.gather [hbm4b:s5+s4], $0x2800, $0x38;
	[tilespmem:$0x1C800] =	vst v63  }
0x56: {  	_ =	swait.ge [sflag:s6], $0x2800  }
0x57: {  	[sflag:s6] =	ssyncset.done $0x0  }
0x58: {  	[sflag:s6] =	ssyncadd.s32 $0xFFFFD800  }
0x59: {  	[spmem:s8] =	stream.linear.scatter [tilespmem:s7], [sflag:$0x3], $0x2800, $0x38;
	[tilespmem:$0x1C800] =	vst v63  }
0x5a: {  	_ =	swait.ge [sflag:s6], $0x2800  }
0x5b: {  	[sflag:s6] =	ssyncset.done $0x0  }
0x5c: {  	[sflag:s6] =	ssyncadd.s32 $0xFFFFD800  }
0x5d: {  	[tilespmem:s7], [sflag:$0x3] =	stream.linear.gather [hbm4b:s9+s4], $0x2800, $0x38;
	[tilespmem:$0x1C800] =	vst v63  }
0x5e: {  	_ =	swait.ge [sflag:s6], $0x2800  }
0x5f: {  	[sflag:s6] =	ssyncset.done $0x0  }
0x60: {  	[sflag:s6] =	ssyncadd.s32 $0xFFFFD800  }
0x61: {  	[spmem:s10] =	stream.linear.scatter [tilespmem:s7], [sflag:$0x3], $0x2800, $0x38;
	[tilespmem:$0x1C800] =	vst v63  }
0x62: {  	_ =	swait.ge [sflag:s6], $0x2800  }
0x63: {  	[sflag:s6] =	ssyncset.done $0x0  }
0x64: {  	[sflag:s6] =	ssyncadd.s32 $0xFFFFD800  }
0x65: {  	[tilespmem:s12], [sflag:$0x3] =	stream.linear.gather [hbm4b:s11+s4], $0x2800, $0x38;
	[tilespmem:$0x1C800] =	vst v63  }
0x66: {  	_ =	swait.ge [sflag:s6], $0x2800  }
0x67: {  	[sflag:s6] =	ssyncset.done $0x0  }
0x68: {  	[sflag:s6] =	ssyncadd.s32 $0xFFFFD800  }
0x69: {  	[tilespmem:s14], [sflag:$0x3] =	stream.linear.gather [hbm4b:s13+s4], $0x2800, $0x38;
	[tilespmem:$0x1C800] =	vst v63  }
0x6a: {  	_ =	swait.ge [sflag:s6], $0x2800  }
0x6b: {  	[sflag:s6] =	ssyncset.done $0x0  }
0x6c: {  	[sflag:s6] =	ssyncadd.s32 $0xFFFFD800  }
0x6d: {  	[bflag:$0x0] =	sbarrier.arrive $0xFFFF  }
0x6e: {  	[tilespmem:s16], [sflag:$0x1] =	stream.indirect.gather [spmem:s3], $0x10, s12, s15, $0xb8;
	[tilespmem:$0x1C800] =	vst v63  }
0x6f: {  	_ =	swait.ge [sflag:s17], $0x8000  }
0x70: {  	[sflag:s17] =	ssyncset.done $0x0  }
0x71: {  	[sflag:s17] =	ssyncadd.s32 $0xFFFF8000  }
0x72: {  	[spmem:s1] =	stream.indirect.scatter.add.f32 [tilespmem:s16], [sflag:$0x2], $0x10, s14, s15, $0xb8;
	[tilespmem:$0x1C800] =	vst v63  }
0x73: {  	_ = 	snop  }
0x74: {  	[tilespmem:s19], [sflag:$0x1] =	stream.indirect.gather [spmem:s3], $0x10, s18, s15, $0xb8;
	[tilespmem:$0x1C800] =	vst v63  }
0x75: {  	_ =	swait.ge [sflag:s17], $0x8000  }
0x76: {  	[sflag:s17] =	ssyncset.done $0x0  }
0x77: {  	[sflag:s17] =	ssyncadd.s32 $0xFFFF8000  }
0x78: {  	_ =	swait.ge [sflag:s20], $0x8000  }
0x79: {  	[sflag:s20] =	ssyncset.done $0x0  }
0x7a: {  	[sflag:s20] =	ssyncadd.s32 $0xFFFF8000  }
0x7b: {  	[spmem:s1] =	stream.indirect.scatter.add.f32 [tilespmem:s19], [sflag:$0x2], $0x10, s21, s15, $0xb8;
	[tilespmem:$0x1C800] =	vst v63  }
0x7c: {  	_ = 	snop  }
0x7d: {  	[tilespmem:s16], [sflag:$0x1] =	stream.indirect.gather [spmem:s3], $0x10, s22, s15, $0xb8;
	[tilespmem:$0x1C800] =	vst v63  }
0x7e: {  	_ =	swait.ge [sflag:s17], $0x8000  }
0x7f: {  	[sflag:s17] =	ssyncset.done $0x0  }
0x80: {  	[sflag:s17] =	ssyncadd.s32 $0xFFFF8000  }
0x81: {  	_ =	swait.ge [sflag:s20], $0x8000  }
0x82: {  	[sflag:s20] =	ssyncset.done $0x0  }
0x83: {  	[sflag:s20] =	ssyncadd.s32 $0xFFFF8000  }
0x84: {  	[spmem:s1] =	stream.indirect.scatter.add.f32 [tilespmem:s16], [sflag:$0x2], $0x10, s23, s15, $0xb8;
	[tilespmem:$0x1C800] =	vst v63  }
0x85: {  	_ = 	snop  }
0x86: {  	[tilespmem:s19], [sflag:$0x1] =	stream.indirect.gather [spmem:s3], $0x10, s24, s15, $0xb8;
	[tilespmem:$0x1C800] =	vst v63  }
0x87: {  	_ =	swait.ge [sflag:s17], $0x8000  }
0x88: {  	[sflag:s17] =	ssyncset.done $0x0  }
0x89: {  	[sflag:s17] =	ssyncadd.s32 $0xFFFF8000  }
0x8a: {  	_ =	swait.ge [sflag:s20], $0x8000  }
0x8b: {  	[sflag:s20] =	ssyncset.done $0x0  }
0x8c: {  	[sflag:s20] =	ssyncadd.s32 $0xFFFF8000  }
0x8d: {  	[spmem:s1] =	stream.indirect.scatter.add.f32 [tilespmem:s19], [sflag:$0x2], $0x10, s25, s15, $0xb8;
	[tilespmem:$0x1C800] =	vst v63  }
0x8e: {  	_ = 	snop  }
0x8f: {  	[tilespmem:s16], [sflag:$0x1] =	stream.indirect.gather [spmem:s3], $0x10, s26, s15, $0xb8;
	[tilespmem:$0x1C800] =	vst v63  }
0x90: {  	_ =	swait.ge [sflag:s17], $0x8000  }
0x91: {  	[sflag:s17] =	ssyncset.done $0x0  }
0x92: {  	[sflag:s17] =	ssyncadd.s32 $0xFFFF8000  }
0x93: {  	_ =	swait.ge [sflag:s20], $0x8000  }
0x94: {  	[sflag:s20] =	ssyncset.done $0x0  }
0x95: {  	[sflag:s20] =	ssyncadd.s32 $0xFFFF8000  }
0x96: {  	[spmem:s1] =	stream.indirect.scatter.add.f32 [tilespmem:s16], [sflag:$0x2], $0x10, s28, s15, $0xb8;
	[tilespmem:$0x1C800] =	vst v63  }
0x97: {  	_ =	swait.ge [sflag:s20], $0x8000  }
0x98: {  	[sflag:s20] =	ssyncset.done $0x0  }
0x99: {  	[sflag:s20] =	ssyncadd.s32 $0xFFFF8000  }
0x9a: {  	[bflag:$0x0] =	sbarrier.arrive $0xFFFF  }
0x9b: {  	[tilespmem:s7], [sflag:$0x3] =	stream.linear.gather [spmem:s8], $0x2800, $0x38;
	[tilespmem:$0x1C800] =	vst v63  }
0x9c: {  	_ =	swait.ge [sflag:s6], $0x2800  }
.Ltmp1:
0x9d: {  	[sflag:s6] =	ssyncset.done $0x0;
	(pc) =	sbr.rel @p0 .LBB2_1-.Ltmp1, $4  }
0x9e: {  	[sflag:s6] =	ssyncadd.s32 $0xFFFFD800  }
0x9f: {  	[hbm4b:s29+s4] =	stream.linear.scatter [tilespmem:s7], [sflag:$0x3], $0x2800, $0x38;
	[tilespmem:$0x1C800] =	vst v63  }
0xa0: {  	_ =	swait.ge [sflag:s6], $0x2800  }
0xa1: {  	[sflag:s6] =	ssyncset.done $0x0  }
.LBB2_2:
0xa2: {  	[sflag:s6] =	ssyncadd.s32 $0xFFFFD800  }
0xa3: {  	_ =	sfence.sel $0x180000  }
0xa4: {  	[bflag:$0x0] =	sbarrier.arrive $0xFFFF  }
0xa5: {  	_ =	strace $0x90000059  }
0xa6: {  	[bflag:$0x2] =	sbarrier.arrive $0xFFFF  }
0xa7: {  	p0 =	sne.s32 s2, $0x0;
	s0 =	rddreg [dreg:$0x4]  }
0xa8: {  	s0 =	sadd.s32 @!p0 $0x100000, s0  }
0xa9: {  	[sflag:s0] =	ssyncadd.tile.s32 @!p0 $0x1;
	_ =	shalt  }
.Lfunc_end2:
_tile_overlayer_lowered:
.L_overlay_start_2:
0xaa: {  	(tag) =	ssettag $0x2  }
0xab: {  	s0 =	rddreg [dreg:$0x0];
	s2 =	stileid.u32  }
0xac: {  	s1 =	rddreg [dreg:$0x1];
	p0 =	sne.s32 s2, $0x0  }
0xad: {  	s3 =	rddreg [dreg:$0x2];
	[bflag:$0x3] =	sbarrier.arrive $0xFFFF;
	s2 =	simm.s32 @!p0 $0x1C03  }
0xae: {  	[timem:s3], [sflag:s2] =	dma.local @!p0 [hbm:s0], s1  }
0xaf: {  	s0 =	simm.s32 @!p0 $0x3  }
0xb0: {  	_ =	swait.ge @!p0 [sflag:s0], s1  }
0xb1: {  	s1 =	ssub.s32 @!p0 $0x0, s1;
	[sflag:s0] =	ssyncset.done @!p0 $0x0  }
0xb2: {  	[sflag:s0] =	ssyncadd.s32 @!p0 s1  }
0xb3: {  	[bflag:$0x3] =	sbarrier.arrive $0xFFFF  }
0xb4: {  	_ =	shalt  }

</sc_bundles>
